<compile_context>
chip_gen: v7x
topology: tpu7x:2x2x1
jax: 0.10.2.dev20260603
libtpu: 0.0.44.dev20260713+nightly
codegen_flags: <defaults>
</compile_context>

<pallas_src>
import dataclasses
import functools

import jax
import jax.numpy as jnp
from jax import lax
from jax.experimental import pallas as pl
from jax.experimental.pallas import tpu as pltpu
from jax.experimental.pallas import tpu_sc as plsc

N = 10000
E = 320000
D = 128

NC = 2
NS = 16
NW = NC * NS
EPW = E // NW
NBUF = 8
CH = 24
NCHUNK = EPW // CH
TAIL = EPW - NCHUNK * CH
assert NCHUNK % NBUF == 0
NROW = 640
RBASE = 624
RSPAN = 640

_MESH = plsc.VectorSubcoreMesh(core_axis_name="c", subcore_axis_name="s")

_SC_PARAMS = pltpu.CompilerParams()
if "needs_layout_passes" in pltpu.CompilerParams.__dataclass_fields__:
    _SC_PARAMS = dataclasses.replace(_SC_PARAMS, needs_layout_passes=False)
_SC_FLAT = dataclasses.replace(_SC_PARAMS, use_tc_tiling_on_sc=False)


@functools.partial(
    pl.kernel,
    out_type=jax.ShapeDtypeStruct((NC, NROW, 16), jnp.float32),
    mesh=_MESH,
    scratch_types=[
        pltpu.VMEM((EPW // 16, 16), jnp.int32),
        pltpu.VMEM((NROW, 16), jnp.float32),
        pltpu.VMEM((NROW // 128, 128), jnp.int32),
        pltpu.VMEM_SHARED((NROW, 16), jnp.float32),
    ],
    compiler_params=_SC_FLAT,
)
def _deg_kernel(dst_hbm, out_hbm, dstbuf, partial, idrows, acc):
    c = lax.axis_index("c")
    s = lax.axis_index("s")
    wid = c * NS + s
    pltpu.sync_copy(dst_hbm.at[wid], dstbuf)

    zeros16 = jnp.zeros((16,), jnp.float32)

    @pl.loop(0, NROW)
    def _zero(r):
        partial[r, :] = zeros16

    iota16 = lax.broadcasted_iota(jnp.int32, (16,), 0)
    for k in range(NROW // 128):
        for j in range(8):
            idrows[k, pl.ds(j * 16, 16)] = iota16 + (k * 128 + j * 16)

    rows_per = NROW // NS
    pltpu.sync_copy(partial.at[pl.ds(s * rows_per, rows_per)],
                    acc.at[pl.ds(s * rows_per, rows_per)])
    plsc.subcore_barrier()

    @pl.loop(0, EPW // 16)
    def _count(i):
        n = dstbuf[i, :]
        row = jnp.right_shift(n, 4)
        col = jnp.bitwise_and(n, 15)
        cnt, last = plsc.scan_count(n)
        plsc.addupdate_scatter(partial, [row, col], cnt.astype(jnp.float32),
                               mask=last)

    for k in range(NROW // 128):
        pltpu.sync_copy(partial.at[pl.ds(k * 128, 128)],
                        acc.at[idrows.at[k]], add=True)
    plsc.subcore_barrier()

    @pl.when(s == 0)
    def _writeback():
        pltpu.sync_copy(acc, out_hbm.at[c])


@functools.partial(
    pl.kernel,
    out_type=jax.ShapeDtypeStruct((NC, N, D), jnp.float32),
    mesh=_MESH,
    scratch_types=(
        [
            pltpu.VMEM((NCHUNK, CH), jnp.int32),
            pltpu.VMEM((NCHUNK, CH), jnp.int32),
            pltpu.VMEM((1, TAIL), jnp.int32),
            pltpu.VMEM((1, TAIL), jnp.int32),
            pltpu.VMEM_SHARED((N, D), jnp.float32),
        ]
        + [pltpu.VMEM((CH, D), jnp.float32) for _ in range(NBUF)]
        + [pltpu.SemaphoreType.DMA for _ in range(NBUF)]
    ),
    compiler_params=_SC_FLAT,
)
def _agg_kernel(h_hbm, src_hbm, dst_hbm, stail_hbm, dtail_hbm, out_hbm,
                sidx, didx, stail, dtail, acc, *bufs_and_sems):
    rbufs = bufs_and_sems[:NBUF]
    gsems = bufs_and_sems[NBUF:]
    c = lax.axis_index("c")
    s = lax.axis_index("s")
    wid = c * NS + s
    pltpu.sync_copy(src_hbm.at[wid], sidx)
    pltpu.sync_copy(dst_hbm.at[wid], didx)
    pltpu.sync_copy(stail_hbm.at[wid], stail)
    pltpu.sync_copy(dtail_hbm.at[wid], dtail)

    for j in range(NBUF - 1):
        pltpu.async_copy(h_hbm.at[sidx.at[j]], rbufs[j], gsems[j])

    zeros16 = jnp.zeros((16,), jnp.float32)
    zb = rbufs[NBUF - 1]

    @pl.loop(0, CH)
    def _zero(r):
        for j in range(D // 16):
            zb[r, pl.ds(j * 16, 16)] = zeros16

    base = s * RBASE
    for k in range(RSPAN // CH):
        pltpu.sync_copy(zb, acc.at[pl.ds(base + k * CH, CH)])
    if RSPAN % CH:
        pltpu.sync_copy(zb.at[pl.ds(0, RSPAN % CH)],
                        acc.at[pl.ds(base + (RSPAN // CH) * CH, RSPAN % CH)])
    pltpu.async_copy(h_hbm.at[sidx.at[NBUF - 1]], zb, gsems[NBUF - 1])
    plsc.subcore_barrier()

    @pl.loop(0, NCHUNK // NBUF - 1)
    def _edges(k):
        i0 = k * NBUF
        for j in range(NBUF):
            pltpu.make_async_copy(h_hbm.at[sidx.at[i0 + j]],
                                  rbufs[j], gsems[j]).wait()
            pltpu.sync_copy(rbufs[j], acc.at[didx.at[i0 + j]], add=True)
            pltpu.async_copy(h_hbm.at[sidx.at[i0 + NBUF + j]], rbufs[j],
                             gsems[j])

    i0 = NCHUNK - NBUF
    pltpu.make_async_copy(h_hbm.at[sidx.at[i0]], rbufs[0], gsems[0]).wait()
    pltpu.sync_copy(rbufs[0], acc.at[didx.at[i0]], add=True)
    pltpu.async_copy(h_hbm.at[stail.at[0]], rbufs[0].at[pl.ds(0, TAIL)],
                     gsems[0])
    for j in range(1, NBUF):
        pltpu.make_async_copy(h_hbm.at[sidx.at[i0 + j]],
                              rbufs[j], gsems[j]).wait()
        pltpu.sync_copy(rbufs[j], acc.at[didx.at[i0 + j]], add=True)
    pltpu.make_async_copy(h_hbm.at[stail.at[0]],
                          rbufs[0].at[pl.ds(0, TAIL)], gsems[0]).wait()
    pltpu.sync_copy(rbufs[0].at[pl.ds(0, TAIL)], acc.at[dtail.at[0]],
                    add=True)

    plsc.subcore_barrier()
    pltpu.sync_copy(acc.at[pl.ds(base, RSPAN)],
                    out_hbm.at[c].at[pl.ds(base, RSPAN)])


def _mm_scale_body(x_ref, w_ref, deg_ref, hs_ref, dis_ref):
    dis = lax.rsqrt(deg_ref[...] + 1.0)
    dis_ref[...] = dis
    h = jnp.dot(x_ref[...].astype(jnp.bfloat16),
                w_ref[...].astype(jnp.bfloat16),
                preferred_element_type=jnp.float32)
    hs_ref[...] = h * dis


def _comb_body(p_ref, hs_ref, dis_ref, b_ref, g_ref, be_ref, w_ref,
               o_ref):
    t = (p_ref[0] + p_ref[1] + hs_ref[...]) * dis_ref[...] + b_ref[...]
    mean = jnp.mean(t, axis=0, keepdims=True)
    var = jnp.mean((t - mean) ** 2, axis=0, keepdims=True)
    bn = (t - mean) * lax.rsqrt(var + 1e-5) * g_ref[...] + be_ref[...]
    r = jnp.maximum(bn, 0.0)
    h2 = jnp.dot(r.astype(jnp.bfloat16), w_ref[...].astype(jnp.bfloat16),
                 preferred_element_type=jnp.float32)
    o_ref[...] = h2 * dis_ref[...]


def _fin_body(p_ref, hs_ref, dis_ref, b_ref, o_ref):
    o_ref[...] = ((p_ref[0] + p_ref[1] + hs_ref[...]) * dis_ref[...]
                  + b_ref[...])


_f32 = jnp.float32
_GB = 10
_BR = N // _GB
_mm_scale = pl.pallas_call(
    _mm_scale_body,
    grid=(_GB,),
    in_specs=[pl.BlockSpec((_BR, D), lambda i: (i, 0)),
              pl.BlockSpec((D, D), lambda i: (0, 0)),
              pl.BlockSpec((_BR, 1), lambda i: (i, 0))],
    out_specs=(pl.BlockSpec((_BR, D), lambda i: (i, 0)),
               pl.BlockSpec((_BR, 1), lambda i: (i, 0))),
    out_shape=(jax.ShapeDtypeStruct((N, D), _f32),
               jax.ShapeDtypeStruct((N, 1), _f32)))
_comb = pl.pallas_call(_comb_body, out_shape=jax.ShapeDtypeStruct((N, D), _f32))
_fin = pl.pallas_call(
    _fin_body,
    grid=(_GB,),
    in_specs=[pl.BlockSpec((2, _BR, D), lambda i: (0, i, 0)),
              pl.BlockSpec((_BR, D), lambda i: (i, 0)),
              pl.BlockSpec((_BR, 1), lambda i: (i, 0)),
              pl.BlockSpec((1, D), lambda i: (0, 0))],
    out_specs=pl.BlockSpec((_BR, D), lambda i: (i, 0)),
    out_shape=jax.ShapeDtypeStruct((N, D), _f32))


def kernel(x, edge_index, W1, b1, gamma1, beta1, W2, b2):
    src_w = edge_index[0].reshape(NW, EPW)
    dst_w2 = edge_index[1].reshape(NW, EPW)
    src_c = src_w[:, :NCHUNK * CH].reshape(NW, NCHUNK, CH)
    dst_c = dst_w2[:, :NCHUNK * CH].reshape(NW, NCHUNK, CH)
    src_t = src_w[:, NCHUNK * CH:].reshape(NW, 1, TAIL)
    dst_t = dst_w2[:, NCHUNK * CH:].reshape(NW, 1, TAIL)
    dst_w = edge_index[1].reshape(NW, EPW // 16, 16)

    degp = _deg_kernel(dst_w)
    deg2 = (degp[0] + degp[1]).reshape(-1)[:N].reshape(N, 1)

    h1s, dis = _mm_scale(x, W1, deg2)
    p = _agg_kernel(h1s, src_c, dst_c, src_t, dst_t)
    h2s = _comb(p, h1s, dis, b1.reshape(1, D), gamma1.reshape(1, D),
                beta1.reshape(1, D), W2)
    p2 = _agg_kernel(h2s, src_c, dst_c, src_t, dst_t)
    return _fin(p2, h2s, dis, b2.reshape(1, D))

# --- scband reference (transcript-rebuilt; emitter-appended) ---
"""Pipeline reference for scband-gcn-68341519613980 (READ-ONLY COPY).

The authoritative reference and input builder live on the scoring server;
editing this copy changes nothing except your own understanding.
"""

import jax, jax.numpy as jnp
import numpy as np

N = 10000
E = 320000
D_IN = 128
D_H = 128
D_OUT = 128


def setup_inputs(seed: int = 0) -> dict:
    key = jax.random.key(seed)
    ks = jax.random.split(key, 9)
    x = jax.random.normal(ks[0], (N, D_IN), dtype=jnp.float32)
    edge_index = jax.random.randint(ks[1], (2, E), 0, N, dtype=jnp.int32)
    s1 = 1.0 / np.sqrt(D_IN)
    s2 = 1.0 / np.sqrt(D_H)
    W1 = jax.random.uniform(ks[2], (D_IN, D_H), dtype=jnp.float32, minval=-s1, maxval=s1)
    b1 = jnp.zeros((D_H,), dtype=jnp.float32)
    gamma1 = jnp.ones((D_H,), dtype=jnp.float32)
    beta1 = jnp.zeros((D_H,), dtype=jnp.float32)
    W2 = jax.random.uniform(ks[3], (D_H, D_OUT), dtype=jnp.float32, minval=-s2, maxval=s2)
    b2 = jnp.zeros((D_OUT,), dtype=jnp.float32)
    return {"x": x, "edge_index": edge_index, "W1": W1, "b1": b1,
            "gamma1": gamma1, "beta1": beta1, "W2": W2, "b2": b2}


def _gcn_conv(x, edge_index, W, b):
    # GCNConv: add self-loops, symmetric normalization D^-1/2 A D^-1/2,
    # linear transform, then scatter-add aggregation, then bias.
    n = x.shape[0]
    loop = jnp.arange(n, dtype=edge_index.dtype)
    src = jnp.concatenate([edge_index[0], loop])
    dst = jnp.concatenate([edge_index[1], loop])
    ones = jnp.ones(src.shape[0], dtype=x.dtype)
    deg = jnp.zeros((n,), dtype=x.dtype).at[dst].add(ones)
    deg_inv_sqrt = jnp.where(deg > 0, 1.0 / jnp.sqrt(deg), 0.0)
    norm = deg_inv_sqrt[src] * deg_inv_sqrt[dst]
    h = x @ W
    msg = h[src] * norm[:, None]
    out = jnp.zeros((n, h.shape[1]), dtype=x.dtype).at[dst].add(msg)
    return out + b


def _batch_norm(h, gamma, beta, eps=1e-5):
    mean = jnp.mean(h, axis=0)
    var = jnp.var(h, axis=0)
    return (h - mean) / jnp.sqrt(var + eps) * gamma + beta


def reference(x, edge_index, W1, b1, gamma1, beta1, W2, b2):
    h = _gcn_conv(x, edge_index, W1, b1)
    h = _batch_norm(h, gamma1, beta1)
    h = jax.nn.relu(h)
    # dropout is identity in eval mode
    out = _gcn_conv(h, edge_index, W2, b2)
    return out

if __name__ == "__main__":
    import jax
    _d = setup_inputs()
    print(jax.jit(kernel)(*tuple(_d.values())))

</pallas_src>

<mosaic_0001>
#map = affine_map<(d0, d1) -> (0, 0)>
#map1 = affine_map<(d0, d1) -> (0, 0, 0)>
module attributes {stable_mosaic.version = 14 : i64} {
  func.func @_agg_kernel(%arg0: i32, %arg1: i32, %arg2: memref<10000x128xf32, #tpu.memory_space<hbm>>, %arg3: memref<32x416x24xi32, #tpu.memory_space<hbm>>, %arg4: memref<32x416x24xi32, #tpu.memory_space<hbm>>, %arg5: memref<32x1x16xi32, #tpu.memory_space<hbm>>, %arg6: memref<32x1x16xi32, #tpu.memory_space<hbm>>, %arg7: memref<2x10000x128xf32, #tpu.memory_space<hbm>>, %arg8: memref<416x24xi32, #tpu.memory_space<vmem>>, %arg9: memref<416x24xi32, #tpu.memory_space<vmem>>, %arg10: memref<1x16xi32, #tpu.memory_space<vmem>>, %arg11: memref<1x16xi32, #tpu.memory_space<vmem>>, %arg12: memref<10000x128xf32, #tpu.memory_space<vmem_shared>>, %arg13: memref<24x128xf32, #tpu.memory_space<vmem>>, %arg14: memref<24x128xf32, #tpu.memory_space<vmem>>, %arg15: memref<24x128xf32, #tpu.memory_space<vmem>>, %arg16: memref<24x128xf32, #tpu.memory_space<vmem>>, %arg17: memref<24x128xf32, #tpu.memory_space<vmem>>, %arg18: memref<24x128xf32, #tpu.memory_space<vmem>>, %arg19: memref<24x128xf32, #tpu.memory_space<vmem>>, %arg20: memref<24x128xf32, #tpu.memory_space<vmem>>, %arg21: memref<!tpu.dma_semaphore, #tpu.memory_space<semaphore_mem>>, %arg22: memref<!tpu.dma_semaphore, #tpu.memory_space<semaphore_mem>>, %arg23: memref<!tpu.dma_semaphore, #tpu.memory_space<semaphore_mem>>, %arg24: memref<!tpu.dma_semaphore, #tpu.memory_space<semaphore_mem>>, %arg25: memref<!tpu.dma_semaphore, #tpu.memory_space<semaphore_mem>>, %arg26: memref<!tpu.dma_semaphore, #tpu.memory_space<semaphore_mem>>, %arg27: memref<!tpu.dma_semaphore, #tpu.memory_space<semaphore_mem>>, %arg28: memref<!tpu.dma_semaphore, #tpu.memory_space<semaphore_mem>>) attributes {dimension_semantics = [#tpu.dimension_semantics<core_parallel>, #tpu.dimension_semantics<subcore_parallel>], iteration_bounds = array<i64: 2, 16>, scalar_prefetch = 0 : i64, scratch_operands = 21 : i64, tpu.core_type = #tpu.core_type<sc_vector_subcore>, window_params = [{transform_indices = #map}, {transform_indices = #map1}, {transform_indices = #map1}, {transform_indices = #map1}, {transform_indices = #map1}, {transform_indices = #map1}]} {
    %mul3A = arith.constant 16 : i32
    %mul3A_0 = arith.muli %arg0, %mul3A : i32
    %add3A = arith.addi %mul3A_0, %arg1 : i32
    "tpu.region"() ({
      %run_scoped3A_206 = tpu.sem_alloc : memref<!tpu.dma_semaphore, #tpu.memory_space<semaphore_mem>>
      %dma_start3A_207 = arith.constant 0 : i32
      %dma_start3A_208 = arith.constant 0 : i32
      %dma_start3A_209 = tpu.memref_slice %arg3[%add3A, %dma_start3A_207, %dma_start3A_208] : memref<32x416x24xi32, #tpu.memory_space<hbm>> -> memref<1x416x24xi32, #tpu.memory_space<hbm>>
      %dma_start3A_210 = tpu.memref_squeeze %dma_start3A_209 : memref<1x416x24xi32, #tpu.memory_space<hbm>> -> memref<416x24xi32, #tpu.memory_space<hbm>>
      %dma_start3A_211 = arith.constant 0 : i32
      %dma_start3A_212 = arith.constant 0 : i32
      %dma_start3A_213 = tpu.memref_slice %arg3[%add3A, %dma_start3A_211, %dma_start3A_212] : memref<32x416x24xi32, #tpu.memory_space<hbm>> -> memref<1x416x24xi32, #tpu.memory_space<hbm>>
      %dma_start3A_214 = tpu.memref_squeeze %dma_start3A_213 : memref<1x416x24xi32, #tpu.memory_space<hbm>> -> memref<416x24xi32, #tpu.memory_space<hbm>>
      tpu.enqueue_dma source(%dma_start3A_214 : memref<416x24xi32, #tpu.memory_space<hbm>>) target(%arg8 : memref<416x24xi32, #tpu.memory_space<vmem>>) target_semaphore(%run_scoped3A_206 : memref<!tpu.dma_semaphore, #tpu.memory_space<semaphore_mem>>)
      %dma_wait3A_215 = arith.constant 0 : i32
      %dma_wait3A_216 = arith.constant 0 : i32
      %dma_wait3A_217 = tpu.memref_slice %arg3[%add3A, %dma_wait3A_215, %dma_wait3A_216] : memref<32x416x24xi32, #tpu.memory_space<hbm>> -> memref<1x416x24xi32, #tpu.memory_space<hbm>>
      %dma_wait3A_218 = tpu.memref_squeeze %dma_wait3A_217 : memref<1x416x24xi32, #tpu.memory_space<hbm>> -> memref<416x24xi32, #tpu.memory_space<hbm>>
      %dma_wait3A_219 = arith.constant 0 : i32
      %dma_wait3A_220 = arith.constant 0 : i32
      %dma_wait3A_221 = tpu.memref_slice %arg3[%add3A, %dma_wait3A_219, %dma_wait3A_220] : memref<32x416x24xi32, #tpu.memory_space<hbm>> -> memref<1x416x24xi32, #tpu.memory_space<hbm>>
      %dma_wait3A_222 = tpu.memref_squeeze %dma_wait3A_221 : memref<1x416x24xi32, #tpu.memory_space<hbm>> -> memref<416x24xi32, #tpu.memory_space<hbm>>
      tpu.wait_dma2 semaphore(%run_scoped3A_206 : memref<!tpu.dma_semaphore, #tpu.memory_space<semaphore_mem>>) src(%dma_wait3A_222 : memref<416x24xi32, #tpu.memory_space<hbm>>) dst(%arg8 : memref<416x24xi32, #tpu.memory_space<vmem>>)
      tpu.yield
    }) : () -> ()
    "tpu.region"() ({
      %run_scoped3A_206 = tpu.sem_alloc : memref<!tpu.dma_semaphore, #tpu.memory_space<semaphore_mem>>
      %dma_start3A_207 = arith.constant 0 : i32
      %dma_start3A_208 = arith.constant 0 : i32
      %dma_start3A_209 = tpu.memref_slice %arg4[%add3A, %dma_start3A_207, %dma_start3A_208] : memref<32x416x24xi32, #tpu.memory_space<hbm>> -> memref<1x416x24xi32, #tpu.memory_space<hbm>>
      %dma_start3A_210 = tpu.memref_squeeze %dma_start3A_209 : memref<1x416x24xi32, #tpu.memory_space<hbm>> -> memref<416x24xi32, #tpu.memory_space<hbm>>
      %dma_start3A_211 = arith.constant 0 : i32
      %dma_start3A_212 = arith.constant 0 : i32
      %dma_start3A_213 = tpu.memref_slice %arg4[%add3A, %dma_start3A_211, %dma_start3A_212] : memref<32x416x24xi32, #tpu.memory_space<hbm>> -> memref<1x416x24xi32, #tpu.memory_space<hbm>>
      %dma_start3A_214 = tpu.memref_squeeze %dma_start3A_213 : memref<1x416x24xi32, #tpu.memory_space<hbm>> -> memref<416x24xi32, #tpu.memory_space<hbm>>
      tpu.enqueue_dma source(%dma_start3A_214 : memref<416x24xi32, #tpu.memory_space<hbm>>) target(%arg9 : memref<416x24xi32, #tpu.memory_space<vmem>>) target_semaphore(%run_scoped3A_206 : memref<!tpu.dma_semaphore, #tpu.memory_space<semaphore_mem>>)
      %dma_wait3A_215 = arith.constant 0 : i32
      %dma_wait3A_216 = arith.constant 0 : i32
      %dma_wait3A_217 = tpu.memref_slice %arg4[%add3A, %dma_wait3A_215, %dma_wait3A_216] : memref<32x416x24xi32, #tpu.memory_space<hbm>> -> memref<1x416x24xi32, #tpu.memory_space<hbm>>
      %dma_wait3A_218 = tpu.memref_squeeze %dma_wait3A_217 : memref<1x416x24xi32, #tpu.memory_space<hbm>> -> memref<416x24xi32, #tpu.memory_space<hbm>>
      %dma_wait3A_219 = arith.constant 0 : i32
      %dma_wait3A_220 = arith.constant 0 : i32
      %dma_wait3A_221 = tpu.memref_slice %arg4[%add3A, %dma_wait3A_219, %dma_wait3A_220] : memref<32x416x24xi32, #tpu.memory_space<hbm>> -> memref<1x416x24xi32, #tpu.memory_space<hbm>>
      %dma_wait3A_222 = tpu.memref_squeeze %dma_wait3A_221 : memref<1x416x24xi32, #tpu.memory_space<hbm>> -> memref<416x24xi32, #tpu.memory_space<hbm>>
      tpu.wait_dma2 semaphore(%run_scoped3A_206 : memref<!tpu.dma_semaphore, #tpu.memory_space<semaphore_mem>>) src(%dma_wait3A_222 : memref<416x24xi32, #tpu.memory_space<hbm>>) dst(%arg9 : memref<416x24xi32, #tpu.memory_space<vmem>>)
      tpu.yield
    }) : () -> ()
    "tpu.region"() ({
      %run_scoped3A_206 = tpu.sem_alloc : memref<!tpu.dma_semaphore, #tpu.memory_space<semaphore_mem>>
      %dma_start3A_207 = arith.constant 0 : i32
      %dma_start3A_208 = arith.constant 0 : i32
      %dma_start3A_209 = tpu.memref_slice %arg5[%add3A, %dma_start3A_207, %dma_start3A_208] : memref<32x1x16xi32, #tpu.memory_space<hbm>> -> memref<1x1x16xi32, #tpu.memory_space<hbm>>
      %dma_start3A_210 = tpu.memref_squeeze %dma_start3A_209 : memref<1x1x16xi32, #tpu.memory_space<hbm>> -> memref<1x16xi32, #tpu.memory_space<hbm>>
      %dma_start3A_211 = arith.constant 0 : i32
      %dma_start3A_212 = arith.constant 0 : i32
      %dma_start3A_213 = tpu.memref_slice %arg5[%add3A, %dma_start3A_211, %dma_start3A_212] : memref<32x1x16xi32, #tpu.memory_space<hbm>> -> memref<1x1x16xi32, #tpu.memory_space<hbm>>
      %dma_start3A_214 = tpu.memref_squeeze %dma_start3A_213 : memref<1x1x16xi32, #tpu.memory_space<hbm>> -> memref<1x16xi32, #tpu.memory_space<hbm>>
      tpu.enqueue_dma source(%dma_start3A_214 : memref<1x16xi32, #tpu.memory_space<hbm>>) target(%arg10 : memref<1x16xi32, #tpu.memory_space<vmem>>) target_semaphore(%run_scoped3A_206 : memref<!tpu.dma_semaphore, #tpu.memory_space<semaphore_mem>>)
      %dma_wait3A_215 = arith.constant 0 : i32
      %dma_wait3A_216 = arith.constant 0 : i32
      %dma_wait3A_217 = tpu.memref_slice %arg5[%add3A, %dma_wait3A_215, %dma_wait3A_216] : memref<32x1x16xi32, #tpu.memory_space<hbm>> -> memref<1x1x16xi32, #tpu.memory_space<hbm>>
      %dma_wait3A_218 = tpu.memref_squeeze %dma_wait3A_217 : memref<1x1x16xi32, #tpu.memory_space<hbm>> -> memref<1x16xi32, #tpu.memory_space<hbm>>
      %dma_wait3A_219 = arith.constant 0 : i32
      %dma_wait3A_220 = arith.constant 0 : i32
      %dma_wait3A_221 = tpu.memref_slice %arg5[%add3A, %dma_wait3A_219, %dma_wait3A_220] : memref<32x1x16xi32, #tpu.memory_space<hbm>> -> memref<1x1x16xi32, #tpu.memory_space<hbm>>
      %dma_wait3A_222 = tpu.memref_squeeze %dma_wait3A_221 : memref<1x1x16xi32, #tpu.memory_space<hbm>> -> memref<1x16xi32, #tpu.memory_space<hbm>>
      tpu.wait_dma2 semaphore(%run_scoped3A_206 : memref<!tpu.dma_semaphore, #tpu.memory_space<semaphore_mem>>) src(%dma_wait3A_222 : memref<1x16xi32, #tpu.memory_space<hbm>>) dst(%arg10 : memref<1x16xi32, #tpu.memory_space<vmem>>)
      tpu.yield
    }) : () -> ()
    "tpu.region"() ({
      %run_scoped3A_206 = tpu.sem_alloc : memref<!tpu.dma_semaphore, #tpu.memory_space<semaphore_mem>>
      %dma_start3A_207 = arith.constant 0 : i32
      %dma_start3A_208 = arith.constant 0 : i32
      %dma_start3A_209 = tpu.memref_slice %arg6[%add3A, %dma_start3A_207, %dma_start3A_208] : memref<32x1x16xi32, #tpu.memory_space<hbm>> -> memref<1x1x16xi32, #tpu.memory_space<hbm>>
      %dma_start3A_210 = tpu.memref_squeeze %dma_start3A_209 : memref<1x1x16xi32, #tpu.memory_space<hbm>> -> memref<1x16xi32, #tpu.memory_space<hbm>>
      %dma_start3A_211 = arith.constant 0 : i32
      %dma_start3A_212 = arith.constant 0 : i32
      %dma_start3A_213 = tpu.memref_slice %arg6[%add3A, %dma_start3A_211, %dma_start3A_212] : memref<32x1x16xi32, #tpu.memory_space<hbm>> -> memref<1x1x16xi32, #tpu.memory_space<hbm>>
      %dma_start3A_214 = tpu.memref_squeeze %dma_start3A_213 : memref<1x1x16xi32, #tpu.memory_space<hbm>> -> memref<1x16xi32, #tpu.memory_space<hbm>>
      tpu.enqueue_dma source(%dma_start3A_214 : memref<1x16xi32, #tpu.memory_space<hbm>>) target(%arg11 : memref<1x16xi32, #tpu.memory_space<vmem>>) target_semaphore(%run_scoped3A_206 : memref<!tpu.dma_semaphore, #tpu.memory_space<semaphore_mem>>)
      %dma_wait3A_215 = arith.constant 0 : i32
      %dma_wait3A_216 = arith.constant 0 : i32
      %dma_wait3A_217 = tpu.memref_slice %arg6[%add3A, %dma_wait3A_215, %dma_wait3A_216] : memref<32x1x16xi32, #tpu.memory_space<hbm>> -> memref<1x1x16xi32, #tpu.memory_space<hbm>>
      %dma_wait3A_218 = tpu.memref_squeeze %dma_wait3A_217 : memref<1x1x16xi32, #tpu.memory_space<hbm>> -> memref<1x16xi32, #tpu.memory_space<hbm>>
      %dma_wait3A_219 = arith.constant 0 : i32
      %dma_wait3A_220 = arith.constant 0 : i32
      %dma_wait3A_221 = tpu.memref_slice %arg6[%add3A, %dma_wait3A_219, %dma_wait3A_220] : memref<32x1x16xi32, #tpu.memory_space<hbm>> -> memref<1x1x16xi32, #tpu.memory_space<hbm>>
      %dma_wait3A_222 = tpu.memref_squeeze %dma_wait3A_221 : memref<1x1x16xi32, #tpu.memory_space<hbm>> -> memref<1x16xi32, #tpu.memory_space<hbm>>
      tpu.wait_dma2 semaphore(%run_scoped3A_206 : memref<!tpu.dma_semaphore, #tpu.memory_space<semaphore_mem>>) src(%dma_wait3A_222 : memref<1x16xi32, #tpu.memory_space<hbm>>) dst(%arg11 : memref<1x16xi32, #tpu.memory_space<vmem>>)
      tpu.yield
    }) : () -> ()
    %dma_start3A = arith.constant 0 : i32
    %dma_start3A_1 = arith.constant 0 : i32
    %dma_start3A_2 = tpu.memref_slice %arg8[%dma_start3A, %dma_start3A_1] : memref<416x24xi32, #tpu.memory_space<vmem>> -> memref<1x24xi32, #tpu.memory_space<vmem>>
    %dma_start3A_3 = tpu.memref_squeeze %dma_start3A_2 : memref<1x24xi32, #tpu.memory_space<vmem>> -> memref<24xi32, #tpu.memory_space<vmem>>
    %dma_start3A_4 = arith.constant 0 : i32
    %dma_start3A_5 = arith.constant 0 : i32
    %dma_start3A_6 = tpu.memref_slice %arg2[%dma_start3A_4, %dma_start3A_5] : memref<10000x128xf32, #tpu.memory_space<hbm>> -> memref<10000x128xf32, #tpu.memory_space<hbm>>
    tpu.enqueue_indirect_dma source(%dma_start3A_6 : memref<10000x128xf32, #tpu.memory_space<hbm>>) target(%arg13 : memref<24x128xf32, #tpu.memory_space<vmem>>) offsets(%dma_start3A_3 : memref<24xi32, #tpu.memory_space<vmem>>) semaphore(%arg21 : memref<!tpu.dma_semaphore, #tpu.memory_space<semaphore_mem>>)
    %dma_start3A_7 = arith.constant 1 : i32
    %dma_start3A_8 = arith.constant 0 : i32
    %dma_start3A_9 = tpu.memref_slice %arg8[%dma_start3A_7, %dma_start3A_8] : memref<416x24xi32, #tpu.memory_space<vmem>> -> memref<1x24xi32, #tpu.memory_space<vmem>>
    %dma_start3A_10 = tpu.memref_squeeze %dma_start3A_9 : memref<1x24xi32, #tpu.memory_space<vmem>> -> memref<24xi32, #tpu.memory_space<vmem>>
    %dma_start3A_11 = arith.constant 0 : i32
    %dma_start3A_12 = arith.constant 0 : i32
    %dma_start3A_13 = tpu.memref_slice %arg2[%dma_start3A_11, %dma_start3A_12] : memref<10000x128xf32, #tpu.memory_space<hbm>> -> memref<10000x128xf32, #tpu.memory_space<hbm>>
    tpu.enqueue_indirect_dma source(%dma_start3A_13 : memref<10000x128xf32, #tpu.memory_space<hbm>>) target(%arg14 : memref<24x128xf32, #tpu.memory_space<vmem>>) offsets(%dma_start3A_10 : memref<24xi32, #tpu.memory_space<vmem>>) semaphore(%arg22 : memref<!tpu.dma_semaphore, #tpu.memory_space<semaphore_mem>>)
    %dma_start3A_14 = arith.constant 2 : i32
    %dma_start3A_15 = arith.constant 0 : i32
    %dma_start3A_16 = tpu.memref_slice %arg8[%dma_start3A_14, %dma_start3A_15] : memref<416x24xi32, #tpu.memory_space<vmem>> -> memref<1x24xi32, #tpu.memory_space<vmem>>
    %dma_start3A_17 = tpu.memref_squeeze %dma_start3A_16 : memref<1x24xi32, #tpu.memory_space<vmem>> -> memref<24xi32, #tpu.memory_space<vmem>>
    %dma_start3A_18 = arith.constant 0 : i32
    %dma_start3A_19 = arith.constant 0 : i32
    %dma_start3A_20 = tpu.memref_slice %arg2[%dma_start3A_18, %dma_start3A_19] : memref<10000x128xf32, #tpu.memory_space<hbm>> -> memref<10000x128xf32, #tpu.memory_space<hbm>>
    tpu.enqueue_indirect_dma source(%dma_start3A_20 : memref<10000x128xf32, #tpu.memory_space<hbm>>) target(%arg15 : memref<24x128xf32, #tpu.memory_space<vmem>>) offsets(%dma_start3A_17 : memref<24xi32, #tpu.memory_space<vmem>>) semaphore(%arg23 : memref<!tpu.dma_semaphore, #tpu.memory_space<semaphore_mem>>)
    %dma_start3A_21 = arith.constant 3 : i32
    %dma_start3A_22 = arith.constant 0 : i32
    %dma_start3A_23 = tpu.memref_slice %arg8[%dma_start3A_21, %dma_start3A_22] : memref<416x24xi32, #tpu.memory_space<vmem>> -> memref<1x24xi32, #tpu.memory_space<vmem>>
    %dma_start3A_24 = tpu.memref_squeeze %dma_start3A_23 : memref<1x24xi32, #tpu.memory_space<vmem>> -> memref<24xi32, #tpu.memory_space<vmem>>
    %dma_start3A_25 = arith.constant 0 : i32
    %dma_start3A_26 = arith.constant 0 : i32
    %dma_start3A_27 = tpu.memref_slice %arg2[%dma_start3A_25, %dma_start3A_26] : memref<10000x128xf32, #tpu.memory_space<hbm>> -> memref<10000x128xf32, #tpu.memory_space<hbm>>
    tpu.enqueue_indirect_dma source(%dma_start3A_27 : memref<10000x128xf32, #tpu.memory_space<hbm>>) target(%arg16 : memref<24x128xf32, #tpu.memory_space<vmem>>) offsets(%dma_start3A_24 : memref<24xi32, #tpu.memory_space<vmem>>) semaphore(%arg24 : memref<!tpu.dma_semaphore, #tpu.memory_space<semaphore_mem>>)
    %dma_start3A_28 = arith.constant 4 : i32
    %dma_start3A_29 = arith.constant 0 : i32
    %dma_start3A_30 = tpu.memref_slice %arg8[%dma_start3A_28, %dma_start3A_29] : memref<416x24xi32, #tpu.memory_space<vmem>> -> memref<1x24xi32, #tpu.memory_space<vmem>>
    %dma_start3A_31 = tpu.memref_squeeze %dma_start3A_30 : memref<1x24xi32, #tpu.memory_space<vmem>> -> memref<24xi32, #tpu.memory_space<vmem>>
    %dma_start3A_32 = arith.constant 0 : i32
    %dma_start3A_33 = arith.constant 0 : i32
    %dma_start3A_34 = tpu.memref_slice %arg2[%dma_start3A_32, %dma_start3A_33] : memref<10000x128xf32, #tpu.memory_space<hbm>> -> memref<10000x128xf32, #tpu.memory_space<hbm>>
    tpu.enqueue_indirect_dma source(%dma_start3A_34 : memref<10000x128xf32, #tpu.memory_space<hbm>>) target(%arg17 : memref<24x128xf32, #tpu.memory_space<vmem>>) offsets(%dma_start3A_31 : memref<24xi32, #tpu.memory_space<vmem>>) semaphore(%arg25 : memref<!tpu.dma_semaphore, #tpu.memory_space<semaphore_mem>>)
    %dma_start3A_35 = arith.constant 5 : i32
    %dma_start3A_36 = arith.constant 0 : i32
    %dma_start3A_37 = tpu.memref_slice %arg8[%dma_start3A_35, %dma_start3A_36] : memref<416x24xi32, #tpu.memory_space<vmem>> -> memref<1x24xi32, #tpu.memory_space<vmem>>
    %dma_start3A_38 = tpu.memref_squeeze %dma_start3A_37 : memref<1x24xi32, #tpu.memory_space<vmem>> -> memref<24xi32, #tpu.memory_space<vmem>>
    %dma_start3A_39 = arith.constant 0 : i32
    %dma_start3A_40 = arith.constant 0 : i32
    %dma_start3A_41 = tpu.memref_slice %arg2[%dma_start3A_39, %dma_start3A_40] : memref<10000x128xf32, #tpu.memory_space<hbm>> -> memref<10000x128xf32, #tpu.memory_space<hbm>>
    tpu.enqueue_indirect_dma source(%dma_start3A_41 : memref<10000x128xf32, #tpu.memory_space<hbm>>) target(%arg18 : memref<24x128xf32, #tpu.memory_space<vmem>>) offsets(%dma_start3A_38 : memref<24xi32, #tpu.memory_space<vmem>>) semaphore(%arg26 : memref<!tpu.dma_semaphore, #tpu.memory_space<semaphore_mem>>)
    %dma_start3A_42 = arith.constant 6 : i32
    %dma_start3A_43 = arith.constant 0 : i32
    %dma_start3A_44 = tpu.memref_slice %arg8[%dma_start3A_42, %dma_start3A_43] : memref<416x24xi32, #tpu.memory_space<vmem>> -> memref<1x24xi32, #tpu.memory_space<vmem>>
    %dma_start3A_45 = tpu.memref_squeeze %dma_start3A_44 : memref<1x24xi32, #tpu.memory_space<vmem>> -> memref<24xi32, #tpu.memory_space<vmem>>
    %dma_start3A_46 = arith.constant 0 : i32
    %dma_start3A_47 = arith.constant 0 : i32
    %dma_start3A_48 = tpu.memref_slice %arg2[%dma_start3A_46, %dma_start3A_47] : memref<10000x128xf32, #tpu.memory_space<hbm>> -> memref<10000x128xf32, #tpu.memory_space<hbm>>
    tpu.enqueue_indirect_dma source(%dma_start3A_48 : memref<10000x128xf32, #tpu.memory_space<hbm>>) target(%arg19 : memref<24x128xf32, #tpu.memory_space<vmem>>) offsets(%dma_start3A_45 : memref<24xi32, #tpu.memory_space<vmem>>) semaphore(%arg27 : memref<!tpu.dma_semaphore, #tpu.memory_space<semaphore_mem>>)
    %broadcast_in_dim3A = arith.constant 0.000000e+00 : f32
    %broadcast_in_dim3A_49 = vector.broadcast %broadcast_in_dim3A : f32 to vector<16xf32>
    %scan3A = arith.constant 0 : i32
    %scan3A_50 = arith.constant 24 : i32
    %scan3A_51 = arith.addi %scan3A, %scan3A_50 : i32
    %scan3A_52 = arith.constant 1 : i32
    scf.for %scan3A_206 = %scan3A to %scan3A_51 step %scan3A_52  : i32 {
      %mul3A_207 = arith.constant 1 : i32
      %mul3A_208 = arith.muli %scan3A_206, %mul3A_207 : i32
      %add3A_209 = arith.constant 0 : i32
      %add3A_210 = arith.addi %add3A_209, %mul3A_208 : i32
      %swap3A = arith.index_cast %add3A_210 : i32 to index
      %swap3A_211 = arith.constant 0 : index
      %swap3A_212 = tpu.vector_load %arg20[%swap3A, %swap3A_211] {strides = array<i32>} : memref<24x128xf32, #tpu.memory_space<vmem>>, vector<16xf32>,
      tpu.vector_store %arg20[%swap3A, %swap3A_211], %broadcast_in_dim3A_49 {strides = array<i32>} : memref<24x128xf32, #tpu.memory_space<vmem>>, vector<16xf32>,
      %swap3A_213 = arith.index_cast %add3A_210 : i32 to index
      %swap3A_214 = arith.constant 16 : index
      %swap3A_215 = tpu.vector_load %arg20[%swap3A_213, %swap3A_214] {strides = array<i32>} : memref<24x128xf32, #tpu.memory_space<vmem>>, vector<16xf32>,
      tpu.vector_store %arg20[%swap3A_213, %swap3A_214], %broadcast_in_dim3A_49 {strides = array<i32>} : memref<24x128xf32, #tpu.memory_space<vmem>>, vector<16xf32>,
      %swap3A_216 = arith.index_cast %add3A_210 : i32 to index
      %swap3A_217 = arith.constant 32 : index
      %swap3A_218 = tpu.vector_load %arg20[%swap3A_216, %swap3A_217] {strides = array<i32>} : memref<24x128xf32, #tpu.memory_space<vmem>>, vector<16xf32>,
      tpu.vector_store %arg20[%swap3A_216, %swap3A_217], %broadcast_in_dim3A_49 {strides = array<i32>} : memref<24x128xf32, #tpu.memory_space<vmem>>, vector<16xf32>,
      %swap3A_219 = arith.index_cast %add3A_210 : i32 to index
      %swap3A_220 = arith.constant 48 : index
      %swap3A_221 = tpu.vector_load %arg20[%swap3A_219, %swap3A_220] {strides = array<i32>} : memref<24x128xf32, #tpu.memory_space<vmem>>, vector<16xf32>,
      tpu.vector_store %arg20[%swap3A_219, %swap3A_220], %broadcast_in_dim3A_49 {strides = array<i32>} : memref<24x128xf32, #tpu.memory_space<vmem>>, vector<16xf32>,
      %swap3A_222 = arith.index_cast %add3A_210 : i32 to index
      %swap3A_223 = arith.constant 64 : index
      %swap3A_224 = tpu.vector_load %arg20[%swap3A_222, %swap3A_223] {strides = array<i32>} : memref<24x128xf32, #tpu.memory_space<vmem>>, vector<16xf32>,
      tpu.vector_store %arg20[%swap3A_222, %swap3A_223], %broadcast_in_dim3A_49 {strides = array<i32>} : memref<24x128xf32, #tpu.memory_space<vmem>>, vector<16xf32>,
      %swap3A_225 = arith.index_cast %add3A_210 : i32 to index
      %swap3A_226 = arith.constant 80 : index
      %swap3A_227 = tpu.vector_load %arg20[%swap3A_225, %swap3A_226] {strides = array<i32>} : memref<24x128xf32, #tpu.memory_space<vmem>>, vector<16xf32>,
      tpu.vector_store %arg20[%swap3A_225, %swap3A_226], %broadcast_in_dim3A_49 {strides = array<i32>} : memref<24x128xf32, #tpu.memory_space<vmem>>, vector<16xf32>,
      %swap3A_228 = arith.index_cast %add3A_210 : i32 to index
      %swap3A_229 = arith.constant 96 : index
      %swap3A_230 = tpu.vector_load %arg20[%swap3A_228, %swap3A_229] {strides = array<i32>} : memref<24x128xf32, #tpu.memory_space<vmem>>, vector<16xf32>,
      tpu.vector_store %arg20[%swap3A_228, %swap3A_229], %broadcast_in_dim3A_49 {strides = array<i32>} : memref<24x128xf32, #tpu.memory_space<vmem>>, vector<16xf32>,
      %swap3A_231 = arith.index_cast %add3A_210 : i32 to index
      %swap3A_232 = arith.constant 112 : index
      %swap3A_233 = tpu.vector_load %arg20[%swap3A_231, %swap3A_232] {strides = array<i32>} : memref<24x128xf32, #tpu.memory_space<vmem>>, vector<16xf32>,
      tpu.vector_store %arg20[%swap3A_231, %swap3A_232], %broadcast_in_dim3A_49 {strides = array<i32>} : memref<24x128xf32, #tpu.memory_space<vmem>>, vector<16xf32>,
    }
    %scan3A_53 = arith.constant 24 : i32
    %mul3A_54 = arith.constant 624 : i32
    %mul3A_55 = arith.muli %arg1, %mul3A_54 : i32
    %add3A_56 = arith.constant 0 : i32
    %add3A_57 = arith.addi %mul3A_55, %add3A_56 : i32
    "tpu.region"() ({
      %run_scoped3A_206 = tpu.sem_alloc : memref<!tpu.dma_semaphore, #tpu.memory_space<semaphore_mem>>
      %dma_start3A_207 = arith.constant 0 : i32
      %dma_start3A_208 = tpu.memref_slice %arg12[%add3A_57, %dma_start3A_207] : memref<10000x128xf32, #tpu.memory_space<vmem_shared>> -> memref<24x128xf32, #tpu.memory_space<vmem_shared>>
      %dma_start3A_209 = arith.constant 0 : i32
      %dma_start3A_210 = tpu.memref_slice %arg12[%add3A_57, %dma_start3A_209] : memref<10000x128xf32, #tpu.memory_space<vmem_shared>> -> memref<24x128xf32, #tpu.memory_space<vmem_shared>>
      tpu.enqueue_dma source(%arg20 : memref<24x128xf32, #tpu.memory_space<vmem>>) target(%dma_start3A_210 : memref<24x128xf32, #tpu.memory_space<vmem_shared>>) target_semaphore(%run_scoped3A_206 : memref<!tpu.dma_semaphore, #tpu.memory_space<semaphore_mem>>)
      %dma_wait3A_211 = arith.constant 0 : i32
      %dma_wait3A_212 = tpu.memref_slice %arg12[%add3A_57, %dma_wait3A_211] : memref<10000x128xf32, #tpu.memory_space<vmem_shared>> -> memref<24x128xf32, #tpu.memory_space<vmem_shared>>
      %dma_wait3A_213 = arith.constant 0 : i32
      %dma_wait3A_214 = tpu.memref_slice %arg12[%add3A_57, %dma_wait3A_213] : memref<10000x128xf32, #tpu.memory_space<vmem_shared>> -> memref<24x128xf32, #tpu.memory_space<vmem_shared>>
      tpu.wait_dma2 semaphore(%run_scoped3A_206 : memref<!tpu.dma_semaphore, #tpu.memory_space<semaphore_mem>>) src(%arg20 : memref<24x128xf32, #tpu.memory_space<vmem>>) dst(%dma_wait3A_214 : memref<24x128xf32, #tpu.memory_space<vmem_shared>>)
      tpu.yield
    }) : () -> ()
    %add3A_58 = arith.constant 24 : i32
    %add3A_59 = arith.addi %mul3A_55, %add3A_58 : i32
    "tpu.region"() ({
      %run_scoped3A_206 = tpu.sem_alloc : memref<!tpu.dma_semaphore, #tpu.memory_space<semaphore_mem>>
      %dma_start3A_207 = arith.constant 0 : i32
      %dma_start3A_208 = tpu.memref_slice %arg12[%add3A_59, %dma_start3A_207] : memref<10000x128xf32, #tpu.memory_space<vmem_shared>> -> memref<24x128xf32, #tpu.memory_space<vmem_shared>>
      %dma_start3A_209 = arith.constant 0 : i32
      %dma_start3A_210 = tpu.memref_slice %arg12[%add3A_59, %dma_start3A_209] : memref<10000x128xf32, #tpu.memory_space<vmem_shared>> -> memref<24x128xf32, #tpu.memory_space<vmem_shared>>
      tpu.enqueue_dma source(%arg20 : memref<24x128xf32, #tpu.memory_space<vmem>>) target(%dma_start3A_210 : memref<24x128xf32, #tpu.memory_space<vmem_shared>>) target_semaphore(%run_scoped3A_206 : memref<!tpu.dma_semaphore, #tpu.memory_space<semaphore_mem>>)
      %dma_wait3A_211 = arith.constant 0 : i32
      %dma_wait3A_212 = tpu.memref_slice %arg12[%add3A_59, %dma_wait3A_211] : memref<10000x128xf32, #tpu.memory_space<vmem_shared>> -> memref<24x128xf32, #tpu.memory_space<vmem_shared>>
      %dma_wait3A_213 = arith.constant 0 : i32
      %dma_wait3A_214 = tpu.memref_slice %arg12[%add3A_59, %dma_wait3A_213] : memref<10000x128xf32, #tpu.memory_space<vmem_shared>> -> memref<24x128xf32, #tpu.memory_space<vmem_shared>>
      tpu.wait_dma2 semaphore(%run_scoped3A_206 : memref<!tpu.dma_semaphore, #tpu.memory_space<semaphore_mem>>) src(%arg20 : memref<24x128xf32, #tpu.memory_space<vmem>>) dst(%dma_wait3A_214 : memref<24x128xf32, #tpu.memory_space<vmem_shared>>)
      tpu.yield
    }) : () -> ()
    %add3A_60 = arith.constant 48 : i32
    %add3A_61 = arith.addi %mul3A_55, %add3A_60 : i32
    "tpu.region"() ({
      %run_scoped3A_206 = tpu.sem_alloc : memref<!tpu.dma_semaphore, #tpu.memory_space<semaphore_mem>>
      %dma_start3A_207 = arith.constant 0 : i32
      %dma_start3A_208 = tpu.memref_slice %arg12[%add3A_61, %dma_start3A_207] : memref<10000x128xf32, #tpu.memory_space<vmem_shared>> -> memref<24x128xf32, #tpu.memory_space<vmem_shared>>
      %dma_start3A_209 = arith.constant 0 : i32
      %dma_start3A_210 = tpu.memref_slice %arg12[%add3A_61, %dma_start3A_209] : memref<10000x128xf32, #tpu.memory_space<vmem_shared>> -> memref<24x128xf32, #tpu.memory_space<vmem_shared>>
      tpu.enqueue_dma source(%arg20 : memref<24x128xf32, #tpu.memory_space<vmem>>) target(%dma_start3A_210 : memref<24x128xf32, #tpu.memory_space<vmem_shared>>) target_semaphore(%run_scoped3A_206 : memref<!tpu.dma_semaphore, #tpu.memory_space<semaphore_mem>>)
      %dma_wait3A_211 = arith.constant 0 : i32
      %dma_wait3A_212 = tpu.memref_slice %arg12[%add3A_61, %dma_wait3A_211] : memref<10000x128xf32, #tpu.memory_space<vmem_shared>> -> memref<24x128xf32, #tpu.memory_space<vmem_shared>>
      %dma_wait3A_213 = arith.constant 0 : i32
      %dma_wait3A_214 = tpu.memref_slice %arg12[%add3A_61, %dma_wait3A_213] : memref<10000x128xf32, #tpu.memory_space<vmem_shared>> -> memref<24x128xf32, #tpu.memory_space<vmem_shared>>
      tpu.wait_dma2 semaphore(%run_scoped3A_206 : memref<!tpu.dma_semaphore, #tpu.memory_space<semaphore_mem>>) src(%arg20 : memref<24x128xf32, #tpu.memory_space<vmem>>) dst(%dma_wait3A_214 : memref<24x128xf32, #tpu.memory_space<vmem_shared>>)
      tpu.yield
    }) : () -> ()
    %add3A_62 = arith.constant 72 : i32
    %add3A_63 = arith.addi %mul3A_55, %add3A_62 : i32
    "tpu.region"() ({
      %run_scoped3A_206 = tpu.sem_alloc : memref<!tpu.dma_semaphore, #tpu.memory_space<semaphore_mem>>
      %dma_start3A_207 = arith.constant 0 : i32
      %dma_start3A_208 = tpu.memref_slice %arg12[%add3A_63, %dma_start3A_207] : memref<10000x128xf32, #tpu.memory_space<vmem_shared>> -> memref<24x128xf32, #tpu.memory_space<vmem_shared>>
      %dma_start3A_209 = arith.constant 0 : i32
      %dma_start3A_210 = tpu.memref_slice %arg12[%add3A_63, %dma_start3A_209] : memref<10000x128xf32, #tpu.memory_space<vmem_shared>> -> memref<24x128xf32, #tpu.memory_space<vmem_shared>>
      tpu.enqueue_dma source(%arg20 : memref<24x128xf32, #tpu.memory_space<vmem>>) target(%dma_start3A_210 : memref<24x128xf32, #tpu.memory_space<vmem_shared>>) target_semaphore(%run_scoped3A_206 : memref<!tpu.dma_semaphore, #tpu.memory_space<semaphore_mem>>)
      %dma_wait3A_211 = arith.constant 0 : i32
      %dma_wait3A_212 = tpu.memref_slice %arg12[%add3A_63, %dma_wait3A_211] : memref<10000x128xf32, #tpu.memory_space<vmem_shared>> -> memref<24x128xf32, #tpu.memory_space<vmem_shared>>
      %dma_wait3A_213 = arith.constant 0 : i32
      %dma_wait3A_214 = tpu.memref_slice %arg12[%add3A_63, %dma_wait3A_213] : memref<10000x128xf32, #tpu.memory_space<vmem_shared>> -> memref<24x128xf32, #tpu.memory_space<vmem_shared>>
      tpu.wait_dma2 semaphore(%run_scoped3A_206 : memref<!tpu.dma_semaphore, #tpu.memory_space<semaphore_mem>>) src(%arg20 : memref<24x128xf32, #tpu.memory_space<vmem>>) dst(%dma_wait3A_214 : memref<24x128xf32, #tpu.memory_space<vmem_shared>>)
      tpu.yield
    }) : () -> ()
    %add3A_64 = arith.constant 96 : i32
    %add3A_65 = arith.addi %mul3A_55, %add3A_64 : i32
    "tpu.region"() ({
      %run_scoped3A_206 = tpu.sem_alloc : memref<!tpu.dma_semaphore, #tpu.memory_space<semaphore_mem>>
      %dma_start3A_207 = arith.constant 0 : i32
      %dma_start3A_208 = tpu.memref_slice %arg12[%add3A_65, %dma_start3A_207] : memref<10000x128xf32, #tpu.memory_space<vmem_shared>> -> memref<24x128xf32, #tpu.memory_space<vmem_shared>>
      %dma_start3A_209 = arith.constant 0 : i32
      %dma_start3A_210 = tpu.memref_slice %arg12[%add3A_65, %dma_start3A_209] : memref<10000x128xf32, #tpu.memory_space<vmem_shared>> -> memref<24x128xf32, #tpu.memory_space<vmem_shared>>
      tpu.enqueue_dma source(%arg20 : memref<24x128xf32, #tpu.memory_space<vmem>>) target(%dma_start3A_210 : memref<24x128xf32, #tpu.memory_space<vmem_shared>>) target_semaphore(%run_scoped3A_206 : memref<!tpu.dma_semaphore, #tpu.memory_space<semaphore_mem>>)
      %dma_wait3A_211 = arith.constant 0 : i32
      %dma_wait3A_212 = tpu.memref_slice %arg12[%add3A_65, %dma_wait3A_211] : memref<10000x128xf32, #tpu.memory_space<vmem_shared>> -> memref<24x128xf32, #tpu.memory_space<vmem_shared>>
      %dma_wait3A_213 = arith.constant 0 : i32
      %dma_wait3A_214 = tpu.memref_slice %arg12[%add3A_65, %dma_wait3A_213] : memref<10000x128xf32, #tpu.memory_space<vmem_shared>> -> memref<24x128xf32, #tpu.memory_space<vmem_shared>>
      tpu.wait_dma2 semaphore(%run_scoped3A_206 : memref<!tpu.dma_semaphore, #tpu.memory_space<semaphore_mem>>) src(%arg20 : memref<24x128xf32, #tpu.memory_space<vmem>>) dst(%dma_wait3A_214 : memref<24x128xf32, #tpu.memory_space<vmem_shared>>)
      tpu.yield
    }) : () -> ()
    %add3A_66 = arith.constant 120 : i32
    %add3A_67 = arith.addi %mul3A_55, %add3A_66 : i32
    "tpu.region"() ({
      %run_scoped3A_206 = tpu.sem_alloc : memref<!tpu.dma_semaphore, #tpu.memory_space<semaphore_mem>>
      %dma_start3A_207 = arith.constant 0 : i32
      %dma_start3A_208 = tpu.memref_slice %arg12[%add3A_67, %dma_start3A_207] : memref<10000x128xf32, #tpu.memory_space<vmem_shared>> -> memref<24x128xf32, #tpu.memory_space<vmem_shared>>
      %dma_start3A_209 = arith.constant 0 : i32
      %dma_start3A_210 = tpu.memref_slice %arg12[%add3A_67, %dma_start3A_209] : memref<10000x128xf32, #tpu.memory_space<vmem_shared>> -> memref<24x128xf32, #tpu.memory_space<vmem_shared>>
      tpu.enqueue_dma source(%arg20 : memref<24x128xf32, #tpu.memory_space<vmem>>) target(%dma_start3A_210 : memref<24x128xf32, #tpu.memory_space<vmem_shared>>) target_semaphore(%run_scoped3A_206 : memref<!tpu.dma_semaphore, #tpu.memory_space<semaphore_mem>>)
      %dma_wait3A_211 = arith.constant 0 : i32
      %dma_wait3A_212 = tpu.memref_slice %arg12[%add3A_67, %dma_wait3A_211] : memref<10000x128xf32, #tpu.memory_space<vmem_shared>> -> memref<24x128xf32, #tpu.memory_space<vmem_shared>>
      %dma_wait3A_213 = arith.constant 0 : i32
      %dma_wait3A_214 = tpu.memref_slice %arg12[%add3A_67, %dma_wait3A_213] : memref<10000x128xf32, #tpu.memory_space<vmem_shared>> -> memref<24x128xf32, #tpu.memory_space<vmem_shared>>
      tpu.wait_dma2 semaphore(%run_scoped3A_206 : memref<!tpu.dma_semaphore, #tpu.memory_space<semaphore_mem>>) src(%arg20 : memref<24x128xf32, #tpu.memory_space<vmem>>) dst(%dma_wait3A_214 : memref<24x128xf32, #tpu.memory_space<vmem_shared>>)
      tpu.yield
    }) : () -> ()
    %add3A_68 = arith.constant 144 : i32
    %add3A_69 = arith.addi %mul3A_55, %add3A_68 : i32
    "tpu.region"() ({
      %run_scoped3A_206 = tpu.sem_alloc : memref<!tpu.dma_semaphore, #tpu.memory_space<semaphore_mem>>
      %dma_start3A_207 = arith.constant 0 : i32
      %dma_start3A_208 = tpu.memref_slice %arg12[%add3A_69, %dma_start3A_207] : memref<10000x128xf32, #tpu.memory_space<vmem_shared>> -> memref<24x128xf32, #tpu.memory_space<vmem_shared>>
      %dma_start3A_209 = arith.constant 0 : i32
      %dma_start3A_210 = tpu.memref_slice %arg12[%add3A_69, %dma_start3A_209] : memref<10000x128xf32, #tpu.memory_space<vmem_shared>> -> memref<24x128xf32, #tpu.memory_space<vmem_shared>>
      tpu.enqueue_dma source(%arg20 : memref<24x128xf32, #tpu.memory_space<vmem>>) target(%dma_start3A_210 : memref<24x128xf32, #tpu.memory_space<vmem_shared>>) target_semaphore(%run_scoped3A_206 : memref<!tpu.dma_semaphore, #tpu.memory_space<semaphore_mem>>)
      %dma_wait3A_211 = arith.constant 0 : i32
      %dma_wait3A_212 = tpu.memref_slice %arg12[%add3A_69, %dma_wait3A_211] : memref<10000x128xf32, #tpu.memory_space<vmem_shared>> -> memref<24x128xf32, #tpu.memory_space<vmem_shared>>
      %dma_wait3A_213 = arith.constant 0 : i32
      %dma_wait3A_214 = tpu.memref_slice %arg12[%add3A_69, %dma_wait3A_213] : memref<10000x128xf32, #tpu.memory_space<vmem_shared>> -> memref<24x128xf32, #tpu.memory_space<vmem_shared>>
      tpu.wait_dma2 semaphore(%run_scoped3A_206 : memref<!tpu.dma_semaphore, #tpu.memory_space<semaphore_mem>>) src(%arg20 : memref<24x128xf32, #tpu.memory_space<vmem>>) dst(%dma_wait3A_214 : memref<24x128xf32, #tpu.memory_space<vmem_shared>>)
      tpu.yield
    }) : () -> ()
    %add3A_70 = arith.constant 168 : i32
    %add3A_71 = arith.addi %mul3A_55, %add3A_70 : i32
    "tpu.region"() ({
      %run_scoped3A_206 = tpu.sem_alloc : memref<!tpu.dma_semaphore, #tpu.memory_space<semaphore_mem>>
      %dma_start3A_207 = arith.constant 0 : i32
      %dma_start3A_208 = tpu.memref_slice %arg12[%add3A_71, %dma_start3A_207] : memref<10000x128xf32, #tpu.memory_space<vmem_shared>> -> memref<24x128xf32, #tpu.memory_space<vmem_shared>>
      %dma_start3A_209 = arith.constant 0 : i32
      %dma_start3A_210 = tpu.memref_slice %arg12[%add3A_71, %dma_start3A_209] : memref<10000x128xf32, #tpu.memory_space<vmem_shared>> -> memref<24x128xf32, #tpu.memory_space<vmem_shared>>
      tpu.enqueue_dma source(%arg20 : memref<24x128xf32, #tpu.memory_space<vmem>>) target(%dma_start3A_210 : memref<24x128xf32, #tpu.memory_space<vmem_shared>>) target_semaphore(%run_scoped3A_206 : memref<!tpu.dma_semaphore, #tpu.memory_space<semaphore_mem>>)
      %dma_wait3A_211 = arith.constant 0 : i32
      %dma_wait3A_212 = tpu.memref_slice %arg12[%add3A_71, %dma_wait3A_211] : memref<10000x128xf32, #tpu.memory_space<vmem_shared>> -> memref<24x128xf32, #tpu.memory_space<vmem_shared>>
      %dma_wait3A_213 = arith.constant 0 : i32
      %dma_wait3A_214 = tpu.memref_slice %arg12[%add3A_71, %dma_wait3A_213] : memref<10000x128xf32, #tpu.memory_space<vmem_shared>> -> memref<24x128xf32, #tpu.memory_space<vmem_shared>>
      tpu.wait_dma2 semaphore(%run_scoped3A_206 : memref<!tpu.dma_semaphore, #tpu.memory_space<semaphore_mem>>) src(%arg20 : memref<24x128xf32, #tpu.memory_space<vmem>>) dst(%dma_wait3A_214 : memref<24x128xf32, #tpu.memory_space<vmem_shared>>)
      tpu.yield
    }) : () -> ()
    %add3A_72 = arith.constant 192 : i32
    %add3A_73 = arith.addi %mul3A_55, %add3A_72 : i32
    "tpu.region"() ({
      %run_scoped3A_206 = tpu.sem_alloc : memref<!tpu.dma_semaphore, #tpu.memory_space<semaphore_mem>>
      %dma_start3A_207 = arith.constant 0 : i32
      %dma_start3A_208 = tpu.memref_slice %arg12[%add3A_73, %dma_start3A_207] : memref<10000x128xf32, #tpu.memory_space<vmem_shared>> -> memref<24x128xf32, #tpu.memory_space<vmem_shared>>
      %dma_start3A_209 = arith.constant 0 : i32
      %dma_start3A_210 = tpu.memref_slice %arg12[%add3A_73, %dma_start3A_209] : memref<10000x128xf32, #tpu.memory_space<vmem_shared>> -> memref<24x128xf32, #tpu.memory_space<vmem_shared>>
      tpu.enqueue_dma source(%arg20 : memref<24x128xf32, #tpu.memory_space<vmem>>) target(%dma_start3A_210 : memref<24x128xf32, #tpu.memory_space<vmem_shared>>) target_semaphore(%run_scoped3A_206 : memref<!tpu.dma_semaphore, #tpu.memory_space<semaphore_mem>>)
      %dma_wait3A_211 = arith.constant 0 : i32
      %dma_wait3A_212 = tpu.memref_slice %arg12[%add3A_73, %dma_wait3A_211] : memref<10000x128xf32, #tpu.memory_space<vmem_shared>> -> memref<24x128xf32, #tpu.memory_space<vmem_shared>>
      %dma_wait3A_213 = arith.constant 0 : i32
      %dma_wait3A_214 = tpu.memref_slice %arg12[%add3A_73, %dma_wait3A_213] : memref<10000x128xf32, #tpu.memory_space<vmem_shared>> -> memref<24x128xf32, #tpu.memory_space<vmem_shared>>
      tpu.wait_dma2 semaphore(%run_scoped3A_206 : memref<!tpu.dma_semaphore, #tpu.memory_space<semaphore_mem>>) src(%arg20 : memref<24x128xf32, #tpu.memory_space<vmem>>) dst(%dma_wait3A_214 : memref<24x128xf32, #tpu.memory_space<vmem_shared>>)
      tpu.yield
    }) : () -> ()
    %add3A_74 = arith.constant 216 : i32
    %add3A_75 = arith.addi %mul3A_55, %add3A_74 : i32
    "tpu.region"() ({
      %run_scoped3A_206 = tpu.sem_alloc : memref<!tpu.dma_semaphore, #tpu.memory_space<semaphore_mem>>
      %dma_start3A_207 = arith.constant 0 : i32
      %dma_start3A_208 = tpu.memref_slice %arg12[%add3A_75, %dma_start3A_207] : memref<10000x128xf32, #tpu.memory_space<vmem_shared>> -> memref<24x128xf32, #tpu.memory_space<vmem_shared>>
      %dma_start3A_209 = arith.constant 0 : i32
      %dma_start3A_210 = tpu.memref_slice %arg12[%add3A_75, %dma_start3A_209] : memref<10000x128xf32, #tpu.memory_space<vmem_shared>> -> memref<24x128xf32, #tpu.memory_space<vmem_shared>>
      tpu.enqueue_dma source(%arg20 : memref<24x128xf32, #tpu.memory_space<vmem>>) target(%dma_start3A_210 : memref<24x128xf32, #tpu.memory_space<vmem_shared>>) target_semaphore(%run_scoped3A_206 : memref<!tpu.dma_semaphore, #tpu.memory_space<semaphore_mem>>)
      %dma_wait3A_211 = arith.constant 0 : i32
      %dma_wait3A_212 = tpu.memref_slice %arg12[%add3A_75, %dma_wait3A_211] : memref<10000x128xf32, #tpu.memory_space<vmem_shared>> -> memref<24x128xf32, #tpu.memory_space<vmem_shared>>
      %dma_wait3A_213 = arith.constant 0 : i32
      %dma_wait3A_214 = tpu.memref_slice %arg12[%add3A_75, %dma_wait3A_213] : memref<10000x128xf32, #tpu.memory_space<vmem_shared>> -> memref<24x128xf32, #tpu.memory_space<vmem_shared>>
      tpu.wait_dma2 semaphore(%run_scoped3A_206 : memref<!tpu.dma_semaphore, #tpu.memory_space<semaphore_mem>>) src(%arg20 : memref<24x128xf32, #tpu.memory_space<vmem>>) dst(%dma_wait3A_214 : memref<24x128xf32, #tpu.memory_space<vmem_shared>>)
      tpu.yield
    }) : () -> ()
    %add3A_76 = arith.constant 240 : i32
    %add3A_77 = arith.addi %mul3A_55, %add3A_76 : i32
    "tpu.region"() ({
      %run_scoped3A_206 = tpu.sem_alloc : memref<!tpu.dma_semaphore, #tpu.memory_space<semaphore_mem>>
      %dma_start3A_207 = arith.constant 0 : i32
      %dma_start3A_208 = tpu.memref_slice %arg12[%add3A_77, %dma_start3A_207] : memref<10000x128xf32, #tpu.memory_space<vmem_shared>> -> memref<24x128xf32, #tpu.memory_space<vmem_shared>>
      %dma_start3A_209 = arith.constant 0 : i32
      %dma_start3A_210 = tpu.memref_slice %arg12[%add3A_77, %dma_start3A_209] : memref<10000x128xf32, #tpu.memory_space<vmem_shared>> -> memref<24x128xf32, #tpu.memory_space<vmem_shared>>
      tpu.enqueue_dma source(%arg20 : memref<24x128xf32, #tpu.memory_space<vmem>>) target(%dma_start3A_210 : memref<24x128xf32, #tpu.memory_space<vmem_shared>>) target_semaphore(%run_scoped3A_206 : memref<!tpu.dma_semaphore, #tpu.memory_space<semaphore_mem>>)
      %dma_wait3A_211 = arith.constant 0 : i32
      %dma_wait3A_212 = tpu.memref_slice %arg12[%add3A_77, %dma_wait3A_211] : memref<10000x128xf32, #tpu.memory_space<vmem_shared>> -> memref<24x128xf32, #tpu.memory_space<vmem_shared>>
      %dma_wait3A_213 = arith.constant 0 : i32
      %dma_wait3A_214 = tpu.memref_slice %arg12[%add3A_77, %dma_wait3A_213] : memref<10000x128xf32, #tpu.memory_space<vmem_shared>> -> memref<24x128xf32, #tpu.memory_space<vmem_shared>>
      tpu.wait_dma2 semaphore(%run_scoped3A_206 : memref<!tpu.dma_semaphore, #tpu.memory_space<semaphore_mem>>) src(%arg20 : memref<24x128xf32, #tpu.memory_space<vmem>>) dst(%dma_wait3A_214 : memref<24x128xf32, #tpu.memory_space<vmem_shared>>)
      tpu.yield
    }) : () -> ()
    %add3A_78 = arith.constant 264 : i32
    %add3A_79 = arith.addi %mul3A_55, %add3A_78 : i32
    "tpu.region"() ({
      %run_scoped3A_206 = tpu.sem_alloc : memref<!tpu.dma_semaphore, #tpu.memory_space<semaphore_mem>>
      %dma_start3A_207 = arith.constant 0 : i32
      %dma_start3A_208 = tpu.memref_slice %arg12[%add3A_79, %dma_start3A_207] : memref<10000x128xf32, #tpu.memory_space<vmem_shared>> -> memref<24x128xf32, #tpu.memory_space<vmem_shared>>
      %dma_start3A_209 = arith.constant 0 : i32
      %dma_start3A_210 = tpu.memref_slice %arg12[%add3A_79, %dma_start3A_209] : memref<10000x128xf32, #tpu.memory_space<vmem_shared>> -> memref<24x128xf32, #tpu.memory_space<vmem_shared>>
      tpu.enqueue_dma source(%arg20 : memref<24x128xf32, #tpu.memory_space<vmem>>) target(%dma_start3A_210 : memref<24x128xf32, #tpu.memory_space<vmem_shared>>) target_semaphore(%run_scoped3A_206 : memref<!tpu.dma_semaphore, #tpu.memory_space<semaphore_mem>>)
      %dma_wait3A_211 = arith.constant 0 : i32
      %dma_wait3A_212 = tpu.memref_slice %arg12[%add3A_79, %dma_wait3A_211] : memref<10000x128xf32, #tpu.memory_space<vmem_shared>> -> memref<24x128xf32, #tpu.memory_space<vmem_shared>>
      %dma_wait3A_213 = arith.constant 0 : i32
      %dma_wait3A_214 = tpu.memref_slice %arg12[%add3A_79, %dma_wait3A_213] : memref<10000x128xf32, #tpu.memory_space<vmem_shared>> -> memref<24x128xf32, #tpu.memory_space<vmem_shared>>
      tpu.wait_dma2 semaphore(%run_scoped3A_206 : memref<!tpu.dma_semaphore, #tpu.memory_space<semaphore_mem>>) src(%arg20 : memref<24x128xf32, #tpu.memory_space<vmem>>) dst(%dma_wait3A_214 : memref<24x128xf32, #tpu.memory_space<vmem_shared>>)
      tpu.yield
    }) : () -> ()
    %add3A_80 = arith.constant 288 : i32
    %add3A_81 = arith.addi %mul3A_55, %add3A_80 : i32
    "tpu.region"() ({
      %run_scoped3A_206 = tpu.sem_alloc : memref<!tpu.dma_semaphore, #tpu.memory_space<semaphore_mem>>
      %dma_start3A_207 = arith.constant 0 : i32
      %dma_start3A_208 = tpu.memref_slice %arg12[%add3A_81, %dma_start3A_207] : memref<10000x128xf32, #tpu.memory_space<vmem_shared>> -> memref<24x128xf32, #tpu.memory_space<vmem_shared>>
      %dma_start3A_209 = arith.constant 0 : i32
      %dma_start3A_210 = tpu.memref_slice %arg12[%add3A_81, %dma_start3A_209] : memref<10000x128xf32, #tpu.memory_space<vmem_shared>> -> memref<24x128xf32, #tpu.memory_space<vmem_shared>>
      tpu.enqueue_dma source(%arg20 : memref<24x128xf32, #tpu.memory_space<vmem>>) target(%dma_start3A_210 : memref<24x128xf32, #tpu.memory_space<vmem_shared>>) target_semaphore(%run_scoped3A_206 : memref<!tpu.dma_semaphore, #tpu.memory_space<semaphore_mem>>)
      %dma_wait3A_211 = arith.constant 0 : i32
      %dma_wait3A_212 = tpu.memref_slice %arg12[%add3A_81, %dma_wait3A_211] : memref<10000x128xf32, #tpu.memory_space<vmem_shared>> -> memref<24x128xf32, #tpu.memory_space<vmem_shared>>
      %dma_wait3A_213 = arith.constant 0 : i32
      %dma_wait3A_214 = tpu.memref_slice %arg12[%add3A_81, %dma_wait3A_213] : memref<10000x128xf32, #tpu.memory_space<vmem_shared>> -> memref<24x128xf32, #tpu.memory_space<vmem_shared>>
      tpu.wait_dma2 semaphore(%run_scoped3A_206 : memref<!tpu.dma_semaphore, #tpu.memory_space<semaphore_mem>>) src(%arg20 : memref<24x128xf32, #tpu.memory_space<vmem>>) dst(%dma_wait3A_214 : memref<24x128xf32, #tpu.memory_space<vmem_shared>>)
      tpu.yield
    }) : () -> ()
    %add3A_82 = arith.constant 312 : i32
    %add3A_83 = arith.addi %mul3A_55, %add3A_82 : i32
    "tpu.region"() ({
      %run_scoped3A_206 = tpu.sem_alloc : memref<!tpu.dma_semaphore, #tpu.memory_space<semaphore_mem>>
      %dma_start3A_207 = arith.constant 0 : i32
      %dma_start3A_208 = tpu.memref_slice %arg12[%add3A_83, %dma_start3A_207] : memref<10000x128xf32, #tpu.memory_space<vmem_shared>> -> memref<24x128xf32, #tpu.memory_space<vmem_shared>>
      %dma_start3A_209 = arith.constant 0 : i32
      %dma_start3A_210 = tpu.memref_slice %arg12[%add3A_83, %dma_start3A_209] : memref<10000x128xf32, #tpu.memory_space<vmem_shared>> -> memref<24x128xf32, #tpu.memory_space<vmem_shared>>
      tpu.enqueue_dma source(%arg20 : memref<24x128xf32, #tpu.memory_space<vmem>>) target(%dma_start3A_210 : memref<24x128xf32, #tpu.memory_space<vmem_shared>>) target_semaphore(%run_scoped3A_206 : memref<!tpu.dma_semaphore, #tpu.memory_space<semaphore_mem>>)
      %dma_wait3A_211 = arith.constant 0 : i32
      %dma_wait3A_212 = tpu.memref_slice %arg12[%add3A_83, %dma_wait3A_211] : memref<10000x128xf32, #tpu.memory_space<vmem_shared>> -> memref<24x128xf32, #tpu.memory_space<vmem_shared>>
      %dma_wait3A_213 = arith.constant 0 : i32
      %dma_wait3A_214 = tpu.memref_slice %arg12[%add3A_83, %dma_wait3A_213] : memref<10000x128xf32, #tpu.memory_space<vmem_shared>> -> memref<24x128xf32, #tpu.memory_space<vmem_shared>>
      tpu.wait_dma2 semaphore(%run_scoped3A_206 : memref<!tpu.dma_semaphore, #tpu.memory_space<semaphore_mem>>) src(%arg20 : memref<24x128xf32, #tpu.memory_space<vmem>>) dst(%dma_wait3A_214 : memref<24x128xf32, #tpu.memory_space<vmem_shared>>)
      tpu.yield
    }) : () -> ()
    %add3A_84 = arith.constant 336 : i32
    %add3A_85 = arith.addi %mul3A_55, %add3A_84 : i32
    "tpu.region"() ({
      %run_scoped3A_206 = tpu.sem_alloc : memref<!tpu.dma_semaphore, #tpu.memory_space<semaphore_mem>>
      %dma_start3A_207 = arith.constant 0 : i32
      %dma_start3A_208 = tpu.memref_slice %arg12[%add3A_85, %dma_start3A_207] : memref<10000x128xf32, #tpu.memory_space<vmem_shared>> -> memref<24x128xf32, #tpu.memory_space<vmem_shared>>
      %dma_start3A_209 = arith.constant 0 : i32
      %dma_start3A_210 = tpu.memref_slice %arg12[%add3A_85, %dma_start3A_209] : memref<10000x128xf32, #tpu.memory_space<vmem_shared>> -> memref<24x128xf32, #tpu.memory_space<vmem_shared>>
      tpu.enqueue_dma source(%arg20 : memref<24x128xf32, #tpu.memory_space<vmem>>) target(%dma_start3A_210 : memref<24x128xf32, #tpu.memory_space<vmem_shared>>) target_semaphore(%run_scoped3A_206 : memref<!tpu.dma_semaphore, #tpu.memory_space<semaphore_mem>>)
      %dma_wait3A_211 = arith.constant 0 : i32
      %dma_wait3A_212 = tpu.memref_slice %arg12[%add3A_85, %dma_wait3A_211] : memref<10000x128xf32, #tpu.memory_space<vmem_shared>> -> memref<24x128xf32, #tpu.memory_space<vmem_shared>>
      %dma_wait3A_213 = arith.constant 0 : i32
      %dma_wait3A_214 = tpu.memref_slice %arg12[%add3A_85, %dma_wait3A_213] : memref<10000x128xf32, #tpu.memory_space<vmem_shared>> -> memref<24x128xf32, #tpu.memory_space<vmem_shared>>
      tpu.wait_dma2 semaphore(%run_scoped3A_206 : memref<!tpu.dma_semaphore, #tpu.memory_space<semaphore_mem>>) src(%arg20 : memref<24x128xf32, #tpu.memory_space<vmem>>) dst(%dma_wait3A_214 : memref<24x128xf32, #tpu.memory_space<vmem_shared>>)
      tpu.yield
    }) : () -> ()
    %add3A_86 = arith.constant 360 : i32
    %add3A_87 = arith.addi %mul3A_55, %add3A_86 : i32
    "tpu.region"() ({
      %run_scoped3A_206 = tpu.sem_alloc : memref<!tpu.dma_semaphore, #tpu.memory_space<semaphore_mem>>
      %dma_start3A_207 = arith.constant 0 : i32
      %dma_start3A_208 = tpu.memref_slice %arg12[%add3A_87, %dma_start3A_207] : memref<10000x128xf32, #tpu.memory_space<vmem_shared>> -> memref<24x128xf32, #tpu.memory_space<vmem_shared>>
      %dma_start3A_209 = arith.constant 0 : i32
      %dma_start3A_210 = tpu.memref_slice %arg12[%add3A_87, %dma_start3A_209] : memref<10000x128xf32, #tpu.memory_space<vmem_shared>> -> memref<24x128xf32, #tpu.memory_space<vmem_shared>>
      tpu.enqueue_dma source(%arg20 : memref<24x128xf32, #tpu.memory_space<vmem>>) target(%dma_start3A_210 : memref<24x128xf32, #tpu.memory_space<vmem_shared>>) target_semaphore(%run_scoped3A_206 : memref<!tpu.dma_semaphore, #tpu.memory_space<semaphore_mem>>)
      %dma_wait3A_211 = arith.constant 0 : i32
      %dma_wait3A_212 = tpu.memref_slice %arg12[%add3A_87, %dma_wait3A_211] : memref<10000x128xf32, #tpu.memory_space<vmem_shared>> -> memref<24x128xf32, #tpu.memory_space<vmem_shared>>
      %dma_wait3A_213 = arith.constant 0 : i32
      %dma_wait3A_214 = tpu.memref_slice %arg12[%add3A_87, %dma_wait3A_213] : memref<10000x128xf32, #tpu.memory_space<vmem_shared>> -> memref<24x128xf32, #tpu.memory_space<vmem_shared>>
      tpu.wait_dma2 semaphore(%run_scoped3A_206 : memref<!tpu.dma_semaphore, #tpu.memory_space<semaphore_mem>>) src(%arg20 : memref<24x128xf32, #tpu.memory_space<vmem>>) dst(%dma_wait3A_214 : memref<24x128xf32, #tpu.memory_space<vmem_shared>>)
      tpu.yield
    }) : () -> ()
    %add3A_88 = arith.constant 384 : i32
    %add3A_89 = arith.addi %mul3A_55, %add3A_88 : i32
    "tpu.region"() ({
      %run_scoped3A_206 = tpu.sem_alloc : memref<!tpu.dma_semaphore, #tpu.memory_space<semaphore_mem>>
      %dma_start3A_207 = arith.constant 0 : i32
      %dma_start3A_208 = tpu.memref_slice %arg12[%add3A_89, %dma_start3A_207] : memref<10000x128xf32, #tpu.memory_space<vmem_shared>> -> memref<24x128xf32, #tpu.memory_space<vmem_shared>>
      %dma_start3A_209 = arith.constant 0 : i32
      %dma_start3A_210 = tpu.memref_slice %arg12[%add3A_89, %dma_start3A_209] : memref<10000x128xf32, #tpu.memory_space<vmem_shared>> -> memref<24x128xf32, #tpu.memory_space<vmem_shared>>
      tpu.enqueue_dma source(%arg20 : memref<24x128xf32, #tpu.memory_space<vmem>>) target(%dma_start3A_210 : memref<24x128xf32, #tpu.memory_space<vmem_shared>>) target_semaphore(%run_scoped3A_206 : memref<!tpu.dma_semaphore, #tpu.memory_space<semaphore_mem>>)
      %dma_wait3A_211 = arith.constant 0 : i32
      %dma_wait3A_212 = tpu.memref_slice %arg12[%add3A_89, %dma_wait3A_211] : memref<10000x128xf32, #tpu.memory_space<vmem_shared>> -> memref<24x128xf32, #tpu.memory_space<vmem_shared>>
      %dma_wait3A_213 = arith.constant 0 : i32
      %dma_wait3A_214 = tpu.memref_slice %arg12[%add3A_89, %dma_wait3A_213] : memref<10000x128xf32, #tpu.memory_space<vmem_shared>> -> memref<24x128xf32, #tpu.memory_space<vmem_shared>>
      tpu.wait_dma2 semaphore(%run_scoped3A_206 : memref<!tpu.dma_semaphore, #tpu.memory_space<semaphore_mem>>) src(%arg20 : memref<24x128xf32, #tpu.memory_space<vmem>>) dst(%dma_wait3A_214 : memref<24x128xf32, #tpu.memory_space<vmem_shared>>)
      tpu.yield
    }) : () -> ()
    %add3A_90 = arith.constant 408 : i32
    %add3A_91 = arith.addi %mul3A_55, %add3A_90 : i32
    "tpu.region"() ({
      %run_scoped3A_206 = tpu.sem_alloc : memref<!tpu.dma_semaphore, #tpu.memory_space<semaphore_mem>>
      %dma_start3A_207 = arith.constant 0 : i32
      %dma_start3A_208 = tpu.memref_slice %arg12[%add3A_91, %dma_start3A_207] : memref<10000x128xf32, #tpu.memory_space<vmem_shared>> -> memref<24x128xf32, #tpu.memory_space<vmem_shared>>
      %dma_start3A_209 = arith.constant 0 : i32
      %dma_start3A_210 = tpu.memref_slice %arg12[%add3A_91, %dma_start3A_209] : memref<10000x128xf32, #tpu.memory_space<vmem_shared>> -> memref<24x128xf32, #tpu.memory_space<vmem_shared>>
      tpu.enqueue_dma source(%arg20 : memref<24x128xf32, #tpu.memory_space<vmem>>) target(%dma_start3A_210 : memref<24x128xf32, #tpu.memory_space<vmem_shared>>) target_semaphore(%run_scoped3A_206 : memref<!tpu.dma_semaphore, #tpu.memory_space<semaphore_mem>>)
      %dma_wait3A_211 = arith.constant 0 : i32
      %dma_wait3A_212 = tpu.memref_slice %arg12[%add3A_91, %dma_wait3A_211] : memref<10000x128xf32, #tpu.memory_space<vmem_shared>> -> memref<24x128xf32, #tpu.memory_space<vmem_shared>>
      %dma_wait3A_213 = arith.constant 0 : i32
      %dma_wait3A_214 = tpu.memref_slice %arg12[%add3A_91, %dma_wait3A_213] : memref<10000x128xf32, #tpu.memory_space<vmem_shared>> -> memref<24x128xf32, #tpu.memory_space<vmem_shared>>
      tpu.wait_dma2 semaphore(%run_scoped3A_206 : memref<!tpu.dma_semaphore, #tpu.memory_space<semaphore_mem>>) src(%arg20 : memref<24x128xf32, #tpu.memory_space<vmem>>) dst(%dma_wait3A_214 : memref<24x128xf32, #tpu.memory_space<vmem_shared>>)
      tpu.yield
    }) : () -> ()
    %add3A_92 = arith.constant 432 : i32
    %add3A_93 = arith.addi %mul3A_55, %add3A_92 : i32
    "tpu.region"() ({
      %run_scoped3A_206 = tpu.sem_alloc : memref<!tpu.dma_semaphore, #tpu.memory_space<semaphore_mem>>
      %dma_start3A_207 = arith.constant 0 : i32
      %dma_start3A_208 = tpu.memref_slice %arg12[%add3A_93, %dma_start3A_207] : memref<10000x128xf32, #tpu.memory_space<vmem_shared>> -> memref<24x128xf32, #tpu.memory_space<vmem_shared>>
      %dma_start3A_209 = arith.constant 0 : i32
      %dma_start3A_210 = tpu.memref_slice %arg12[%add3A_93, %dma_start3A_209] : memref<10000x128xf32, #tpu.memory_space<vmem_shared>> -> memref<24x128xf32, #tpu.memory_space<vmem_shared>>
      tpu.enqueue_dma source(%arg20 : memref<24x128xf32, #tpu.memory_space<vmem>>) target(%dma_start3A_210 : memref<24x128xf32, #tpu.memory_space<vmem_shared>>) target_semaphore(%run_scoped3A_206 : memref<!tpu.dma_semaphore, #tpu.memory_space<semaphore_mem>>)
      %dma_wait3A_211 = arith.constant 0 : i32
      %dma_wait3A_212 = tpu.memref_slice %arg12[%add3A_93, %dma_wait3A_211] : memref<10000x128xf32, #tpu.memory_space<vmem_shared>> -> memref<24x128xf32, #tpu.memory_space<vmem_shared>>
      %dma_wait3A_213 = arith.constant 0 : i32
      %dma_wait3A_214 = tpu.memref_slice %arg12[%add3A_93, %dma_wait3A_213] : memref<10000x128xf32, #tpu.memory_space<vmem_shared>> -> memref<24x128xf32, #tpu.memory_space<vmem_shared>>
      tpu.wait_dma2 semaphore(%run_scoped3A_206 : memref<!tpu.dma_semaphore, #tpu.memory_space<semaphore_mem>>) src(%arg20 : memref<24x128xf32, #tpu.memory_space<vmem>>) dst(%dma_wait3A_214 : memref<24x128xf32, #tpu.memory_space<vmem_shared>>)
      tpu.yield
    }) : () -> ()
    %add3A_94 = arith.constant 456 : i32
    %add3A_95 = arith.addi %mul3A_55, %add3A_94 : i32
    "tpu.region"() ({
      %run_scoped3A_206 = tpu.sem_alloc : memref<!tpu.dma_semaphore, #tpu.memory_space<semaphore_mem>>
      %dma_start3A_207 = arith.constant 0 : i32
      %dma_start3A_208 = tpu.memref_slice %arg12[%add3A_95, %dma_start3A_207] : memref<10000x128xf32, #tpu.memory_space<vmem_shared>> -> memref<24x128xf32, #tpu.memory_space<vmem_shared>>
      %dma_start3A_209 = arith.constant 0 : i32
      %dma_start3A_210 = tpu.memref_slice %arg12[%add3A_95, %dma_start3A_209] : memref<10000x128xf32, #tpu.memory_space<vmem_shared>> -> memref<24x128xf32, #tpu.memory_space<vmem_shared>>
      tpu.enqueue_dma source(%arg20 : memref<24x128xf32, #tpu.memory_space<vmem>>) target(%dma_start3A_210 : memref<24x128xf32, #tpu.memory_space<vmem_shared>>) target_semaphore(%run_scoped3A_206 : memref<!tpu.dma_semaphore, #tpu.memory_space<semaphore_mem>>)
      %dma_wait3A_211 = arith.constant 0 : i32
      %dma_wait3A_212 = tpu.memref_slice %arg12[%add3A_95, %dma_wait3A_211] : memref<10000x128xf32, #tpu.memory_space<vmem_shared>> -> memref<24x128xf32, #tpu.memory_space<vmem_shared>>
      %dma_wait3A_213 = arith.constant 0 : i32
      %dma_wait3A_214 = tpu.memref_slice %arg12[%add3A_95, %dma_wait3A_213] : memref<10000x128xf32, #tpu.memory_space<vmem_shared>> -> memref<24x128xf32, #tpu.memory_space<vmem_shared>>
      tpu.wait_dma2 semaphore(%run_scoped3A_206 : memref<!tpu.dma_semaphore, #tpu.memory_space<semaphore_mem>>) src(%arg20 : memref<24x128xf32, #tpu.memory_space<vmem>>) dst(%dma_wait3A_214 : memref<24x128xf32, #tpu.memory_space<vmem_shared>>)
      tpu.yield
    }) : () -> ()
    %add3A_96 = arith.constant 480 : i32
    %add3A_97 = arith.addi %mul3A_55, %add3A_96 : i32
    "tpu.region"() ({
      %run_scoped3A_206 = tpu.sem_alloc : memref<!tpu.dma_semaphore, #tpu.memory_space<semaphore_mem>>
      %dma_start3A_207 = arith.constant 0 : i32
      %dma_start3A_208 = tpu.memref_slice %arg12[%add3A_97, %dma_start3A_207] : memref<10000x128xf32, #tpu.memory_space<vmem_shared>> -> memref<24x128xf32, #tpu.memory_space<vmem_shared>>
      %dma_start3A_209 = arith.constant 0 : i32
      %dma_start3A_210 = tpu.memref_slice %arg12[%add3A_97, %dma_start3A_209] : memref<10000x128xf32, #tpu.memory_space<vmem_shared>> -> memref<24x128xf32, #tpu.memory_space<vmem_shared>>
      tpu.enqueue_dma source(%arg20 : memref<24x128xf32, #tpu.memory_space<vmem>>) target(%dma_start3A_210 : memref<24x128xf32, #tpu.memory_space<vmem_shared>>) target_semaphore(%run_scoped3A_206 : memref<!tpu.dma_semaphore, #tpu.memory_space<semaphore_mem>>)
      %dma_wait3A_211 = arith.constant 0 : i32
      %dma_wait3A_212 = tpu.memref_slice %arg12[%add3A_97, %dma_wait3A_211] : memref<10000x128xf32, #tpu.memory_space<vmem_shared>> -> memref<24x128xf32, #tpu.memory_space<vmem_shared>>
      %dma_wait3A_213 = arith.constant 0 : i32
      %dma_wait3A_214 = tpu.memref_slice %arg12[%add3A_97, %dma_wait3A_213] : memref<10000x128xf32, #tpu.memory_space<vmem_shared>> -> memref<24x128xf32, #tpu.memory_space<vmem_shared>>
      tpu.wait_dma2 semaphore(%run_scoped3A_206 : memref<!tpu.dma_semaphore, #tpu.memory_space<semaphore_mem>>) src(%arg20 : memref<24x128xf32, #tpu.memory_space<vmem>>) dst(%dma_wait3A_214 : memref<24x128xf32, #tpu.memory_space<vmem_shared>>)
      tpu.yield
    }) : () -> ()
    %add3A_98 = arith.constant 504 : i32
    %add3A_99 = arith.addi %mul3A_55, %add3A_98 : i32
    "tpu.region"() ({
      %run_scoped3A_206 = tpu.sem_alloc : memref<!tpu.dma_semaphore, #tpu.memory_space<semaphore_mem>>
      %dma_start3A_207 = arith.constant 0 : i32
      %dma_start3A_208 = tpu.memref_slice %arg12[%add3A_99, %dma_start3A_207] : memref<10000x128xf32, #tpu.memory_space<vmem_shared>> -> memref<24x128xf32, #tpu.memory_space<vmem_shared>>
      %dma_start3A_209 = arith.constant 0 : i32
      %dma_start3A_210 = tpu.memref_slice %arg12[%add3A_99, %dma_start3A_209] : memref<10000x128xf32, #tpu.memory_space<vmem_shared>> -> memref<24x128xf32, #tpu.memory_space<vmem_shared>>
      tpu.enqueue_dma source(%arg20 : memref<24x128xf32, #tpu.memory_space<vmem>>) target(%dma_start3A_210 : memref<24x128xf32, #tpu.memory_space<vmem_shared>>) target_semaphore(%run_scoped3A_206 : memref<!tpu.dma_semaphore, #tpu.memory_space<semaphore_mem>>)
      %dma_wait3A_211 = arith.constant 0 : i32
      %dma_wait3A_212 = tpu.memref_slice %arg12[%add3A_99, %dma_wait3A_211] : memref<10000x128xf32, #tpu.memory_space<vmem_shared>> -> memref<24x128xf32, #tpu.memory_space<vmem_shared>>
      %dma_wait3A_213 = arith.constant 0 : i32
      %dma_wait3A_214 = tpu.memref_slice %arg12[%add3A_99, %dma_wait3A_213] : memref<10000x128xf32, #tpu.memory_space<vmem_shared>> -> memref<24x128xf32, #tpu.memory_space<vmem_shared>>
      tpu.wait_dma2 semaphore(%run_scoped3A_206 : memref<!tpu.dma_semaphore, #tpu.memory_space<semaphore_mem>>) src(%arg20 : memref<24x128xf32, #tpu.memory_space<vmem>>) dst(%dma_wait3A_214 : memref<24x128xf32, #tpu.memory_space<vmem_shared>>)
      tpu.yield
    }) : () -> ()
    %add3A_100 = arith.constant 528 : i32
    %add3A_101 = arith.addi %mul3A_55, %add3A_100 : i32
    "tpu.region"() ({
      %run_scoped3A_206 = tpu.sem_alloc : memref<!tpu.dma_semaphore, #tpu.memory_space<semaphore_mem>>
      %dma_start3A_207 = arith.constant 0 : i32
      %dma_start3A_208 = tpu.memref_slice %arg12[%add3A_101, %dma_start3A_207] : memref<10000x128xf32, #tpu.memory_space<vmem_shared>> -> memref<24x128xf32, #tpu.memory_space<vmem_shared>>
      %dma_start3A_209 = arith.constant 0 : i32
      %dma_start3A_210 = tpu.memref_slice %arg12[%add3A_101, %dma_start3A_209] : memref<10000x128xf32, #tpu.memory_space<vmem_shared>> -> memref<24x128xf32, #tpu.memory_space<vmem_shared>>
      tpu.enqueue_dma source(%arg20 : memref<24x128xf32, #tpu.memory_space<vmem>>) target(%dma_start3A_210 : memref<24x128xf32, #tpu.memory_space<vmem_shared>>) target_semaphore(%run_scoped3A_206 : memref<!tpu.dma_semaphore, #tpu.memory_space<semaphore_mem>>)
      %dma_wait3A_211 = arith.constant 0 : i32
      %dma_wait3A_212 = tpu.memref_slice %arg12[%add3A_101, %dma_wait3A_211] : memref<10000x128xf32, #tpu.memory_space<vmem_shared>> -> memref<24x128xf32, #tpu.memory_space<vmem_shared>>
      %dma_wait3A_213 = arith.constant 0 : i32
      %dma_wait3A_214 = tpu.memref_slice %arg12[%add3A_101, %dma_wait3A_213] : memref<10000x128xf32, #tpu.memory_space<vmem_shared>> -> memref<24x128xf32, #tpu.memory_space<vmem_shared>>
      tpu.wait_dma2 semaphore(%run_scoped3A_206 : memref<!tpu.dma_semaphore, #tpu.memory_space<semaphore_mem>>) src(%arg20 : memref<24x128xf32, #tpu.memory_space<vmem>>) dst(%dma_wait3A_214 : memref<24x128xf32, #tpu.memory_space<vmem_shared>>)
      tpu.yield
    }) : () -> ()
    %add3A_102 = arith.constant 552 : i32
    %add3A_103 = arith.addi %mul3A_55, %add3A_102 : i32
    "tpu.region"() ({
      %run_scoped3A_206 = tpu.sem_alloc : memref<!tpu.dma_semaphore, #tpu.memory_space<semaphore_mem>>
      %dma_start3A_207 = arith.constant 0 : i32
      %dma_start3A_208 = tpu.memref_slice %arg12[%add3A_103, %dma_start3A_207] : memref<10000x128xf32, #tpu.memory_space<vmem_shared>> -> memref<24x128xf32, #tpu.memory_space<vmem_shared>>
      %dma_start3A_209 = arith.constant 0 : i32
      %dma_start3A_210 = tpu.memref_slice %arg12[%add3A_103, %dma_start3A_209] : memref<10000x128xf32, #tpu.memory_space<vmem_shared>> -> memref<24x128xf32, #tpu.memory_space<vmem_shared>>
      tpu.enqueue_dma source(%arg20 : memref<24x128xf32, #tpu.memory_space<vmem>>) target(%dma_start3A_210 : memref<24x128xf32, #tpu.memory_space<vmem_shared>>) target_semaphore(%run_scoped3A_206 : memref<!tpu.dma_semaphore, #tpu.memory_space<semaphore_mem>>)
      %dma_wait3A_211 = arith.constant 0 : i32
      %dma_wait3A_212 = tpu.memref_slice %arg12[%add3A_103, %dma_wait3A_211] : memref<10000x128xf32, #tpu.memory_space<vmem_shared>> -> memref<24x128xf32, #tpu.memory_space<vmem_shared>>
      %dma_wait3A_213 = arith.constant 0 : i32
      %dma_wait3A_214 = tpu.memref_slice %arg12[%add3A_103, %dma_wait3A_213] : memref<10000x128xf32, #tpu.memory_space<vmem_shared>> -> memref<24x128xf32, #tpu.memory_space<vmem_shared>>
      tpu.wait_dma2 semaphore(%run_scoped3A_206 : memref<!tpu.dma_semaphore, #tpu.memory_space<semaphore_mem>>) src(%arg20 : memref<24x128xf32, #tpu.memory_space<vmem>>) dst(%dma_wait3A_214 : memref<24x128xf32, #tpu.memory_space<vmem_shared>>)
      tpu.yield
    }) : () -> ()
    %add3A_104 = arith.constant 576 : i32
    %add3A_105 = arith.addi %mul3A_55, %add3A_104 : i32
    "tpu.region"() ({
      %run_scoped3A_206 = tpu.sem_alloc : memref<!tpu.dma_semaphore, #tpu.memory_space<semaphore_mem>>
      %dma_start3A_207 = arith.constant 0 : i32
      %dma_start3A_208 = tpu.memref_slice %arg12[%add3A_105, %dma_start3A_207] : memref<10000x128xf32, #tpu.memory_space<vmem_shared>> -> memref<24x128xf32, #tpu.memory_space<vmem_shared>>
      %dma_start3A_209 = arith.constant 0 : i32
      %dma_start3A_210 = tpu.memref_slice %arg12[%add3A_105, %dma_start3A_209] : memref<10000x128xf32, #tpu.memory_space<vmem_shared>> -> memref<24x128xf32, #tpu.memory_space<vmem_shared>>
      tpu.enqueue_dma source(%arg20 : memref<24x128xf32, #tpu.memory_space<vmem>>) target(%dma_start3A_210 : memref<24x128xf32, #tpu.memory_space<vmem_shared>>) target_semaphore(%run_scoped3A_206 : memref<!tpu.dma_semaphore, #tpu.memory_space<semaphore_mem>>)
      %dma_wait3A_211 = arith.constant 0 : i32
      %dma_wait3A_212 = tpu.memref_slice %arg12[%add3A_105, %dma_wait3A_211] : memref<10000x128xf32, #tpu.memory_space<vmem_shared>> -> memref<24x128xf32, #tpu.memory_space<vmem_shared>>
      %dma_wait3A_213 = arith.constant 0 : i32
      %dma_wait3A_214 = tpu.memref_slice %arg12[%add3A_105, %dma_wait3A_213] : memref<10000x128xf32, #tpu.memory_space<vmem_shared>> -> memref<24x128xf32, #tpu.memory_space<vmem_shared>>
      tpu.wait_dma2 semaphore(%run_scoped3A_206 : memref<!tpu.dma_semaphore, #tpu.memory_space<semaphore_mem>>) src(%arg20 : memref<24x128xf32, #tpu.memory_space<vmem>>) dst(%dma_wait3A_214 : memref<24x128xf32, #tpu.memory_space<vmem_shared>>)
      tpu.yield
    }) : () -> ()
    %add3A_106 = arith.constant 600 : i32
    %add3A_107 = arith.addi %mul3A_55, %add3A_106 : i32
    "tpu.region"() ({
      %run_scoped3A_206 = tpu.sem_alloc : memref<!tpu.dma_semaphore, #tpu.memory_space<semaphore_mem>>
      %dma_start3A_207 = arith.constant 0 : i32
      %dma_start3A_208 = tpu.memref_slice %arg12[%add3A_107, %dma_start3A_207] : memref<10000x128xf32, #tpu.memory_space<vmem_shared>> -> memref<24x128xf32, #tpu.memory_space<vmem_shared>>
      %dma_start3A_209 = arith.constant 0 : i32
      %dma_start3A_210 = tpu.memref_slice %arg12[%add3A_107, %dma_start3A_209] : memref<10000x128xf32, #tpu.memory_space<vmem_shared>> -> memref<24x128xf32, #tpu.memory_space<vmem_shared>>
      tpu.enqueue_dma source(%arg20 : memref<24x128xf32, #tpu.memory_space<vmem>>) target(%dma_start3A_210 : memref<24x128xf32, #tpu.memory_space<vmem_shared>>) target_semaphore(%run_scoped3A_206 : memref<!tpu.dma_semaphore, #tpu.memory_space<semaphore_mem>>)
      %dma_wait3A_211 = arith.constant 0 : i32
      %dma_wait3A_212 = tpu.memref_slice %arg12[%add3A_107, %dma_wait3A_211] : memref<10000x128xf32, #tpu.memory_space<vmem_shared>> -> memref<24x128xf32, #tpu.memory_space<vmem_shared>>
      %dma_wait3A_213 = arith.constant 0 : i32
      %dma_wait3A_214 = tpu.memref_slice %arg12[%add3A_107, %dma_wait3A_213] : memref<10000x128xf32, #tpu.memory_space<vmem_shared>> -> memref<24x128xf32, #tpu.memory_space<vmem_shared>>
      tpu.wait_dma2 semaphore(%run_scoped3A_206 : memref<!tpu.dma_semaphore, #tpu.memory_space<semaphore_mem>>) src(%arg20 : memref<24x128xf32, #tpu.memory_space<vmem>>) dst(%dma_wait3A_214 : memref<24x128xf32, #tpu.memory_space<vmem_shared>>)
      tpu.yield
    }) : () -> ()
    %add3A_108 = arith.constant 624 : i32
    %add3A_109 = arith.addi %mul3A_55, %add3A_108 : i32
    "tpu.region"() ({
      %run_scoped3A_206 = tpu.sem_alloc : memref<!tpu.dma_semaphore, #tpu.memory_space<semaphore_mem>>
      %dma_start3A_207 = arith.constant 0 : i32
      %dma_start3A_208 = arith.constant 0 : i32
      %dma_start3A_209 = tpu.memref_slice %arg20[%dma_start3A_207, %dma_start3A_208] : memref<24x128xf32, #tpu.memory_space<vmem>> -> memref<16x128xf32, #tpu.memory_space<vmem>>
      %dma_start3A_210 = arith.constant 0 : i32
      %dma_start3A_211 = tpu.memref_slice %arg12[%add3A_109, %dma_start3A_210] : memref<10000x128xf32, #tpu.memory_space<vmem_shared>> -> memref<16x128xf32, #tpu.memory_space<vmem_shared>>
      %dma_start3A_212 = arith.constant 0 : i32
      %dma_start3A_213 = tpu.memref_slice %arg12[%add3A_109, %dma_start3A_212] : memref<10000x128xf32, #tpu.memory_space<vmem_shared>> -> memref<16x128xf32, #tpu.memory_space<vmem_shared>>
      %dma_start3A_214 = arith.constant 0 : i32
      %dma_start3A_215 = arith.constant 0 : i32
      %dma_start3A_216 = tpu.memref_slice %arg20[%dma_start3A_214, %dma_start3A_215] : memref<24x128xf32, #tpu.memory_space<vmem>> -> memref<16x128xf32, #tpu.memory_space<vmem>>
      tpu.enqueue_dma source(%dma_start3A_216 : memref<16x128xf32, #tpu.memory_space<vmem>>) target(%dma_start3A_213 : memref<16x128xf32, #tpu.memory_space<vmem_shared>>) target_semaphore(%run_scoped3A_206 : memref<!tpu.dma_semaphore, #tpu.memory_space<semaphore_mem>>)
      %dma_wait3A_217 = arith.constant 0 : i32
      %dma_wait3A_218 = arith.constant 0 : i32
      %dma_wait3A_219 = tpu.memref_slice %arg20[%dma_wait3A_217, %dma_wait3A_218] : memref<24x128xf32, #tpu.memory_space<vmem>> -> memref<16x128xf32, #tpu.memory_space<vmem>>
      %dma_wait3A_220 = arith.constant 0 : i32
      %dma_wait3A_221 = tpu.memref_slice %arg12[%add3A_109, %dma_wait3A_220] : memref<10000x128xf32, #tpu.memory_space<vmem_shared>> -> memref<16x128xf32, #tpu.memory_space<vmem_shared>>
      %dma_wait3A_222 = arith.constant 0 : i32
      %dma_wait3A_223 = tpu.memref_slice %arg12[%add3A_109, %dma_wait3A_222] : memref<10000x128xf32, #tpu.memory_space<vmem_shared>> -> memref<16x128xf32, #tpu.memory_space<vmem_shared>>
      %dma_wait3A_224 = arith.constant 0 : i32
      %dma_wait3A_225 = arith.constant 0 : i32
      %dma_wait3A_226 = tpu.memref_slice %arg20[%dma_wait3A_224, %dma_wait3A_225] : memref<24x128xf32, #tpu.memory_space<vmem>> -> memref<16x128xf32, #tpu.memory_space<vmem>>
      tpu.wait_dma2 semaphore(%run_scoped3A_206 : memref<!tpu.dma_semaphore, #tpu.memory_space<semaphore_mem>>) src(%dma_wait3A_226 : memref<16x128xf32, #tpu.memory_space<vmem>>) dst(%dma_wait3A_223 : memref<16x128xf32, #tpu.memory_space<vmem_shared>>)
      tpu.yield
    }) : () -> ()
    %dma_start3A_110 = arith.constant 7 : i32
    %dma_start3A_111 = arith.constant 0 : i32
    %dma_start3A_112 = tpu.memref_slice %arg8[%dma_start3A_110, %dma_start3A_111] : memref<416x24xi32, #tpu.memory_space<vmem>> -> memref<1x24xi32, #tpu.memory_space<vmem>>
    %dma_start3A_113 = tpu.memref_squeeze %dma_start3A_112 : memref<1x24xi32, #tpu.memory_space<vmem>> -> memref<24xi32, #tpu.memory_space<vmem>>
    %dma_start3A_114 = arith.constant 0 : i32
    %dma_start3A_115 = arith.constant 0 : i32
    %dma_start3A_116 = tpu.memref_slice %arg2[%dma_start3A_114, %dma_start3A_115] : memref<10000x128xf32, #tpu.memory_space<hbm>> -> memref<10000x128xf32, #tpu.memory_space<hbm>>
    tpu.enqueue_indirect_dma source(%dma_start3A_116 : memref<10000x128xf32, #tpu.memory_space<hbm>>) target(%arg20 : memref<24x128xf32, #tpu.memory_space<vmem>>) offsets(%dma_start3A_113 : memref<24xi32, #tpu.memory_space<vmem>>) semaphore(%arg28 : memref<!tpu.dma_semaphore, #tpu.memory_space<semaphore_mem>>)
    %barrier3A = arith.constant 0 : index
    tpu.barrier barrier_id(%barrier3A)
    %scan3A_117 = arith.constant 0 : i32
    %scan3A_118 = arith.constant 51 : i32
    %scan3A_119 = arith.addi %scan3A_117, %scan3A_118 : i32
    %scan3A_120 = arith.constant 1 : i32
    scf.for %scan3A_206 = %scan3A_117 to %scan3A_119 step %scan3A_120  : i32 {
      %mul3A_207 = arith.constant 1 : i32
      %mul3A_208 = arith.muli %scan3A_206, %mul3A_207 : i32
      %add3A_209 = arith.constant 0 : i32
      %add3A_210 = arith.addi %add3A_209, %mul3A_208 : i32
      %mul3A_211 = arith.constant 8 : i32
      %mul3A_212 = arith.muli %add3A_210, %mul3A_211 : i32
      %add3A_213 = arith.constant 0 : i32
      %add3A_214 = arith.addi %mul3A_212, %add3A_213 : i32
      %dma_wait3A_215 = arith.constant 0 : i32
      %dma_wait3A_216 = tpu.memref_slice %arg8[%add3A_214, %dma_wait3A_215] : memref<416x24xi32, #tpu.memory_space<vmem>> -> memref<1x24xi32, #tpu.memory_space<vmem>>
      %dma_wait3A_217 = tpu.memref_squeeze %dma_wait3A_216 : memref<1x24xi32, #tpu.memory_space<vmem>> -> memref<24xi32, #tpu.memory_space<vmem>>
      %dma_wait3A_218 = arith.constant 0 : i32
      %dma_wait3A_219 = arith.constant 0 : i32
      %dma_wait3A_220 = tpu.memref_slice %arg2[%dma_wait3A_218, %dma_wait3A_219] : memref<10000x128xf32, #tpu.memory_space<hbm>> -> memref<10000x128xf32, #tpu.memory_space<hbm>>
      tpu.wait_indirect_dma semaphore(%arg21 : memref<!tpu.dma_semaphore, #tpu.memory_space<semaphore_mem>>) src(%dma_wait3A_220 : memref<10000x128xf32, #tpu.memory_space<hbm>>) dst(%arg13 : memref<24x128xf32, #tpu.memory_space<vmem>>)
      %add3A_221 = arith.constant 0 : i32
      %add3A_222 = arith.addi %mul3A_212, %add3A_221 : i32
      "tpu.region"() ({
        %run_scoped3A_373 = tpu.sem_alloc : memref<!tpu.dma_semaphore, #tpu.memory_space<semaphore_mem>>
        %dma_start3A_374 = arith.constant 0 : i32
        %dma_start3A_375 = tpu.memref_slice %arg9[%add3A_222, %dma_start3A_374] : memref<416x24xi32, #tpu.memory_space<vmem>> -> memref<1x24xi32, #tpu.memory_space<vmem>>
        %dma_start3A_376 = tpu.memref_squeeze %dma_start3A_375 : memref<1x24xi32, #tpu.memory_space<vmem>> -> memref<24xi32, #tpu.memory_space<vmem>>
        %dma_start3A_377 = arith.constant 0 : i32
        %dma_start3A_378 = arith.constant 0 : i32
        %dma_start3A_379 = tpu.memref_slice %arg12[%dma_start3A_377, %dma_start3A_378] : memref<10000x128xf32, #tpu.memory_space<vmem_shared>> -> memref<10000x128xf32, #tpu.memory_space<vmem_shared>>
        tpu.enqueue_indirect_dma source(%arg13 : memref<24x128xf32, #tpu.memory_space<vmem>>) target(%dma_start3A_379 : memref<10000x128xf32, #tpu.memory_space<vmem_shared>>) offsets(%dma_start3A_376 : memref<24xi32, #tpu.memory_space<vmem>>) semaphore(%run_scoped3A_373 : memref<!tpu.dma_semaphore, #tpu.memory_space<semaphore_mem>>) {add = true}
        %dma_wait3A_380 = arith.constant 0 : i32
        %dma_wait3A_381 = tpu.memref_slice %arg9[%add3A_222, %dma_wait3A_380] : memref<416x24xi32, #tpu.memory_space<vmem>> -> memref<1x24xi32, #tpu.memory_space<vmem>>
        %dma_wait3A_382 = tpu.memref_squeeze %dma_wait3A_381 : memref<1x24xi32, #tpu.memory_space<vmem>> -> memref<24xi32, #tpu.memory_space<vmem>>
        %dma_wait3A_383 = arith.constant 0 : i32
        %dma_wait3A_384 = arith.constant 0 : i32
        %dma_wait3A_385 = tpu.memref_slice %arg12[%dma_wait3A_383, %dma_wait3A_384] : memref<10000x128xf32, #tpu.memory_space<vmem_shared>> -> memref<10000x128xf32, #tpu.memory_space<vmem_shared>>
        tpu.wait_indirect_dma semaphore(%run_scoped3A_373 : memref<!tpu.dma_semaphore, #tpu.memory_space<semaphore_mem>>) src(%arg13 : memref<24x128xf32, #tpu.memory_space<vmem>>) dst(%dma_wait3A_385 : memref<10000x128xf32, #tpu.memory_space<vmem_shared>>)
        tpu.yield
      }) : () -> ()
      %add3A_223 = arith.constant 8 : i32
      %add3A_224 = arith.addi %mul3A_212, %add3A_223 : i32
      %add3A_225 = arith.constant 0 : i32
      %add3A_226 = arith.addi %add3A_224, %add3A_225 : i32
      %dma_start3A_227 = arith.constant 0 : i32
      %dma_start3A_228 = tpu.memref_slice %arg8[%add3A_226, %dma_start3A_227] : memref<416x24xi32, #tpu.memory_space<vmem>> -> memref<1x24xi32, #tpu.memory_space<vmem>>
      %dma_start3A_229 = tpu.memref_squeeze %dma_start3A_228 : memref<1x24xi32, #tpu.memory_space<vmem>> -> memref<24xi32, #tpu.memory_space<vmem>>
      %dma_start3A_230 = arith.constant 0 : i32
      %dma_start3A_231 = arith.constant 0 : i32
      %dma_start3A_232 = tpu.memref_slice %arg2[%dma_start3A_230, %dma_start3A_231] : memref<10000x128xf32, #tpu.memory_space<hbm>> -> memref<10000x128xf32, #tpu.memory_space<hbm>>
      tpu.enqueue_indirect_dma source(%dma_start3A_232 : memref<10000x128xf32, #tpu.memory_space<hbm>>) target(%arg13 : memref<24x128xf32, #tpu.memory_space<vmem>>) offsets(%dma_start3A_229 : memref<24xi32, #tpu.memory_space<vmem>>) semaphore(%arg21 : memref<!tpu.dma_semaphore, #tpu.memory_space<semaphore_mem>>)
      %add3A_233 = arith.constant 1 : i32
      %add3A_234 = arith.addi %mul3A_212, %add3A_233 : i32
      %dma_wait3A_235 = arith.constant 0 : i32
      %dma_wait3A_236 = tpu.memref_slice %arg8[%add3A_234, %dma_wait3A_235] : memref<416x24xi32, #tpu.memory_space<vmem>> -> memref<1x24xi32, #tpu.memory_space<vmem>>
      %dma_wait3A_237 = tpu.memref_squeeze %dma_wait3A_236 : memref<1x24xi32, #tpu.memory_space<vmem>> -> memref<24xi32, #tpu.memory_space<vmem>>
      %dma_wait3A_238 = arith.constant 0 : i32
      %dma_wait3A_239 = arith.constant 0 : i32
      %dma_wait3A_240 = tpu.memref_slice %arg2[%dma_wait3A_238, %dma_wait3A_239] : memref<10000x128xf32, #tpu.memory_space<hbm>> -> memref<10000x128xf32, #tpu.memory_space<hbm>>
      tpu.wait_indirect_dma semaphore(%arg22 : memref<!tpu.dma_semaphore, #tpu.memory_space<semaphore_mem>>) src(%dma_wait3A_240 : memref<10000x128xf32, #tpu.memory_space<hbm>>) dst(%arg14 : memref<24x128xf32, #tpu.memory_space<vmem>>)
      %add3A_241 = arith.constant 1 : i32
      %add3A_242 = arith.addi %mul3A_212, %add3A_241 : i32
      "tpu.region"() ({
        %run_scoped3A_373 = tpu.sem_alloc : memref<!tpu.dma_semaphore, #tpu.memory_space<semaphore_mem>>
        %dma_start3A_374 = arith.constant 0 : i32
        %dma_start3A_375 = tpu.memref_slice %arg9[%add3A_242, %dma_start3A_374] : memref<416x24xi32, #tpu.memory_space<vmem>> -> memref<1x24xi32, #tpu.memory_space<vmem>>
        %dma_start3A_376 = tpu.memref_squeeze %dma_start3A_375 : memref<1x24xi32, #tpu.memory_space<vmem>> -> memref<24xi32, #tpu.memory_space<vmem>>
        %dma_start3A_377 = arith.constant 0 : i32
        %dma_start3A_378 = arith.constant 0 : i32
        %dma_start3A_379 = tpu.memref_slice %arg12[%dma_start3A_377, %dma_start3A_378] : memref<10000x128xf32, #tpu.memory_space<vmem_shared>> -> memref<10000x128xf32, #tpu.memory_space<vmem_shared>>
        tpu.enqueue_indirect_dma source(%arg14 : memref<24x128xf32, #tpu.memory_space<vmem>>) target(%dma_start3A_379 : memref<10000x128xf32, #tpu.memory_space<vmem_shared>>) offsets(%dma_start3A_376 : memref<24xi32, #tpu.memory_space<vmem>>) semaphore(%run_scoped3A_373 : memref<!tpu.dma_semaphore, #tpu.memory_space<semaphore_mem>>) {add = true}
        %dma_wait3A_380 = arith.constant 0 : i32
        %dma_wait3A_381 = tpu.memref_slice %arg9[%add3A_242, %dma_wait3A_380] : memref<416x24xi32, #tpu.memory_space<vmem>> -> memref<1x24xi32, #tpu.memory_space<vmem>>
        %dma_wait3A_382 = tpu.memref_squeeze %dma_wait3A_381 : memref<1x24xi32, #tpu.memory_space<vmem>> -> memref<24xi32, #tpu.memory_space<vmem>>
        %dma_wait3A_383 = arith.constant 0 : i32
        %dma_wait3A_384 = arith.constant 0 : i32
        %dma_wait3A_385 = tpu.memref_slice %arg12[%dma_wait3A_383, %dma_wait3A_384] : memref<10000x128xf32, #tpu.memory_space<vmem_shared>> -> memref<10000x128xf32, #tpu.memory_space<vmem_shared>>
        tpu.wait_indirect_dma semaphore(%run_scoped3A_373 : memref<!tpu.dma_semaphore, #tpu.memory_space<semaphore_mem>>) src(%arg14 : memref<24x128xf32, #tpu.memory_space<vmem>>) dst(%dma_wait3A_385 : memref<10000x128xf32, #tpu.memory_space<vmem_shared>>)
        tpu.yield
      }) : () -> ()
      %add3A_243 = arith.constant 8 : i32
      %add3A_244 = arith.addi %mul3A_212, %add3A_243 : i32
      %add3A_245 = arith.constant 1 : i32
      %add3A_246 = arith.addi %add3A_244, %add3A_245 : i32
      %dma_start3A_247 = arith.constant 0 : i32
      %dma_start3A_248 = tpu.memref_slice %arg8[%add3A_246, %dma_start3A_247] : memref<416x24xi32, #tpu.memory_space<vmem>> -> memref<1x24xi32, #tpu.memory_space<vmem>>
      %dma_start3A_249 = tpu.memref_squeeze %dma_start3A_248 : memref<1x24xi32, #tpu.memory_space<vmem>> -> memref<24xi32, #tpu.memory_space<vmem>>
      %dma_start3A_250 = arith.constant 0 : i32
      %dma_start3A_251 = arith.constant 0 : i32
      %dma_start3A_252 = tpu.memref_slice %arg2[%dma_start3A_250, %dma_start3A_251] : memref<10000x128xf32, #tpu.memory_space<hbm>> -> memref<10000x128xf32, #tpu.memory_space<hbm>>
      tpu.enqueue_indirect_dma source(%dma_start3A_252 : memref<10000x128xf32, #tpu.memory_space<hbm>>) target(%arg14 : memref<24x128xf32, #tpu.memory_space<vmem>>) offsets(%dma_start3A_249 : memref<24xi32, #tpu.memory_space<vmem>>) semaphore(%arg22 : memref<!tpu.dma_semaphore, #tpu.memory_space<semaphore_mem>>)
      %add3A_253 = arith.constant 2 : i32
      %add3A_254 = arith.addi %mul3A_212, %add3A_253 : i32
      %dma_wait3A_255 = arith.constant 0 : i32
      %dma_wait3A_256 = tpu.memref_slice %arg8[%add3A_254, %dma_wait3A_255] : memref<416x24xi32, #tpu.memory_space<vmem>> -> memref<1x24xi32, #tpu.memory_space<vmem>>
      %dma_wait3A_257 = tpu.memref_squeeze %dma_wait3A_256 : memref<1x24xi32, #tpu.memory_space<vmem>> -> memref<24xi32, #tpu.memory_space<vmem>>
      %dma_wait3A_258 = arith.constant 0 : i32
      %dma_wait3A_259 = arith.constant 0 : i32
      %dma_wait3A_260 = tpu.memref_slice %arg2[%dma_wait3A_258, %dma_wait3A_259] : memref<10000x128xf32, #tpu.memory_space<hbm>> -> memref<10000x128xf32, #tpu.memory_space<hbm>>
      tpu.wait_indirect_dma semaphore(%arg23 : memref<!tpu.dma_semaphore, #tpu.memory_space<semaphore_mem>>) src(%dma_wait3A_260 : memref<10000x128xf32, #tpu.memory_space<hbm>>) dst(%arg15 : memref<24x128xf32, #tpu.memory_space<vmem>>)
      %add3A_261 = arith.constant 2 : i32
      %add3A_262 = arith.addi %mul3A_212, %add3A_261 : i32
      "tpu.region"() ({
        %run_scoped3A_373 = tpu.sem_alloc : memref<!tpu.dma_semaphore, #tpu.memory_space<semaphore_mem>>
        %dma_start3A_374 = arith.constant 0 : i32
        %dma_start3A_375 = tpu.memref_slice %arg9[%add3A_262, %dma_start3A_374] : memref<416x24xi32, #tpu.memory_space<vmem>> -> memref<1x24xi32, #tpu.memory_space<vmem>>
        %dma_start3A_376 = tpu.memref_squeeze %dma_start3A_375 : memref<1x24xi32, #tpu.memory_space<vmem>> -> memref<24xi32, #tpu.memory_space<vmem>>
        %dma_start3A_377 = arith.constant 0 : i32
        %dma_start3A_378 = arith.constant 0 : i32
        %dma_start3A_379 = tpu.memref_slice %arg12[%dma_start3A_377, %dma_start3A_378] : memref<10000x128xf32, #tpu.memory_space<vmem_shared>> -> memref<10000x128xf32, #tpu.memory_space<vmem_shared>>
        tpu.enqueue_indirect_dma source(%arg15 : memref<24x128xf32, #tpu.memory_space<vmem>>) target(%dma_start3A_379 : memref<10000x128xf32, #tpu.memory_space<vmem_shared>>) offsets(%dma_start3A_376 : memref<24xi32, #tpu.memory_space<vmem>>) semaphore(%run_scoped3A_373 : memref<!tpu.dma_semaphore, #tpu.memory_space<semaphore_mem>>) {add = true}
        %dma_wait3A_380 = arith.constant 0 : i32
        %dma_wait3A_381 = tpu.memref_slice %arg9[%add3A_262, %dma_wait3A_380] : memref<416x24xi32, #tpu.memory_space<vmem>> -> memref<1x24xi32, #tpu.memory_space<vmem>>
        %dma_wait3A_382 = tpu.memref_squeeze %dma_wait3A_381 : memref<1x24xi32, #tpu.memory_space<vmem>> -> memref<24xi32, #tpu.memory_space<vmem>>
        %dma_wait3A_383 = arith.constant 0 : i32
        %dma_wait3A_384 = arith.constant 0 : i32
        %dma_wait3A_385 = tpu.memref_slice %arg12[%dma_wait3A_383, %dma_wait3A_384] : memref<10000x128xf32, #tpu.memory_space<vmem_shared>> -> memref<10000x128xf32, #tpu.memory_space<vmem_shared>>
        tpu.wait_indirect_dma semaphore(%run_scoped3A_373 : memref<!tpu.dma_semaphore, #tpu.memory_space<semaphore_mem>>) src(%arg15 : memref<24x128xf32, #tpu.memory_space<vmem>>) dst(%dma_wait3A_385 : memref<10000x128xf32, #tpu.memory_space<vmem_shared>>)
        tpu.yield
      }) : () -> ()
      %add3A_263 = arith.constant 8 : i32
      %add3A_264 = arith.addi %mul3A_212, %add3A_263 : i32
      %add3A_265 = arith.constant 2 : i32
      %add3A_266 = arith.addi %add3A_264, %add3A_265 : i32
      %dma_start3A_267 = arith.constant 0 : i32
      %dma_start3A_268 = tpu.memref_slice %arg8[%add3A_266, %dma_start3A_267] : memref<416x24xi32, #tpu.memory_space<vmem>> -> memref<1x24xi32, #tpu.memory_space<vmem>>
      %dma_start3A_269 = tpu.memref_squeeze %dma_start3A_268 : memref<1x24xi32, #tpu.memory_space<vmem>> -> memref<24xi32, #tpu.memory_space<vmem>>
      %dma_start3A_270 = arith.constant 0 : i32
      %dma_start3A_271 = arith.constant 0 : i32
      %dma_start3A_272 = tpu.memref_slice %arg2[%dma_start3A_270, %dma_start3A_271] : memref<10000x128xf32, #tpu.memory_space<hbm>> -> memref<10000x128xf32, #tpu.memory_space<hbm>>
      tpu.enqueue_indirect_dma source(%dma_start3A_272 : memref<10000x128xf32, #tpu.memory_space<hbm>>) target(%arg15 : memref<24x128xf32, #tpu.memory_space<vmem>>) offsets(%dma_start3A_269 : memref<24xi32, #tpu.memory_space<vmem>>) semaphore(%arg23 : memref<!tpu.dma_semaphore, #tpu.memory_space<semaphore_mem>>)
      %add3A_273 = arith.constant 3 : i32
      %add3A_274 = arith.addi %mul3A_212, %add3A_273 : i32
      %dma_wait3A_275 = arith.constant 0 : i32
      %dma_wait3A_276 = tpu.memref_slice %arg8[%add3A_274, %dma_wait3A_275] : memref<416x24xi32, #tpu.memory_space<vmem>> -> memref<1x24xi32, #tpu.memory_space<vmem>>
      %dma_wait3A_277 = tpu.memref_squeeze %dma_wait3A_276 : memref<1x24xi32, #tpu.memory_space<vmem>> -> memref<24xi32, #tpu.memory_space<vmem>>
      %dma_wait3A_278 = arith.constant 0 : i32
      %dma_wait3A_279 = arith.constant 0 : i32
      %dma_wait3A_280 = tpu.memref_slice %arg2[%dma_wait3A_278, %dma_wait3A_279] : memref<10000x128xf32, #tpu.memory_space<hbm>> -> memref<10000x128xf32, #tpu.memory_space<hbm>>
      tpu.wait_indirect_dma semaphore(%arg24 : memref<!tpu.dma_semaphore, #tpu.memory_space<semaphore_mem>>) src(%dma_wait3A_280 : memref<10000x128xf32, #tpu.memory_space<hbm>>) dst(%arg16 : memref<24x128xf32, #tpu.memory_space<vmem>>)
      %add3A_281 = arith.constant 3 : i32
      %add3A_282 = arith.addi %mul3A_212, %add3A_281 : i32
      "tpu.region"() ({
        %run_scoped3A_373 = tpu.sem_alloc : memref<!tpu.dma_semaphore, #tpu.memory_space<semaphore_mem>>
        %dma_start3A_374 = arith.constant 0 : i32
        %dma_start3A_375 = tpu.memref_slice %arg9[%add3A_282, %dma_start3A_374] : memref<416x24xi32, #tpu.memory_space<vmem>> -> memref<1x24xi32, #tpu.memory_space<vmem>>
        %dma_start3A_376 = tpu.memref_squeeze %dma_start3A_375 : memref<1x24xi32, #tpu.memory_space<vmem>> -> memref<24xi32, #tpu.memory_space<vmem>>
        %dma_start3A_377 = arith.constant 0 : i32
        %dma_start3A_378 = arith.constant 0 : i32
        %dma_start3A_379 = tpu.memref_slice %arg12[%dma_start3A_377, %dma_start3A_378] : memref<10000x128xf32, #tpu.memory_space<vmem_shared>> -> memref<10000x128xf32, #tpu.memory_space<vmem_shared>>
        tpu.enqueue_indirect_dma source(%arg16 : memref<24x128xf32, #tpu.memory_space<vmem>>) target(%dma_start3A_379 : memref<10000x128xf32, #tpu.memory_space<vmem_shared>>) offsets(%dma_start3A_376 : memref<24xi32, #tpu.memory_space<vmem>>) semaphore(%run_scoped3A_373 : memref<!tpu.dma_semaphore, #tpu.memory_space<semaphore_mem>>) {add = true}
        %dma_wait3A_380 = arith.constant 0 : i32
        %dma_wait3A_381 = tpu.memref_slice %arg9[%add3A_282, %dma_wait3A_380] : memref<416x24xi32, #tpu.memory_space<vmem>> -> memref<1x24xi32, #tpu.memory_space<vmem>>
        %dma_wait3A_382 = tpu.memref_squeeze %dma_wait3A_381 : memref<1x24xi32, #tpu.memory_space<vmem>> -> memref<24xi32, #tpu.memory_space<vmem>>
        %dma_wait3A_383 = arith.constant 0 : i32
        %dma_wait3A_384 = arith.constant 0 : i32
        %dma_wait3A_385 = tpu.memref_slice %arg12[%dma_wait3A_383, %dma_wait3A_384] : memref<10000x128xf32, #tpu.memory_space<vmem_shared>> -> memref<10000x128xf32, #tpu.memory_space<vmem_shared>>
        tpu.wait_indirect_dma semaphore(%run_scoped3A_373 : memref<!tpu.dma_semaphore, #tpu.memory_space<semaphore_mem>>) src(%arg16 : memref<24x128xf32, #tpu.memory_space<vmem>>) dst(%dma_wait3A_385 : memref<10000x128xf32, #tpu.memory_space<vmem_shared>>)
        tpu.yield
      }) : () -> ()
      %add3A_283 = arith.constant 8 : i32
      %add3A_284 = arith.addi %mul3A_212, %add3A_283 : i32
      %add3A_285 = arith.constant 3 : i32
      %add3A_286 = arith.addi %add3A_284, %add3A_285 : i32
      %dma_start3A_287 = arith.constant 0 : i32
      %dma_start3A_288 = tpu.memref_slice %arg8[%add3A_286, %dma_start3A_287] : memref<416x24xi32, #tpu.memory_space<vmem>> -> memref<1x24xi32, #tpu.memory_space<vmem>>
      %dma_start3A_289 = tpu.memref_squeeze %dma_start3A_288 : memref<1x24xi32, #tpu.memory_space<vmem>> -> memref<24xi32, #tpu.memory_space<vmem>>
      %dma_start3A_290 = arith.constant 0 : i32
      %dma_start3A_291 = arith.constant 0 : i32
      %dma_start3A_292 = tpu.memref_slice %arg2[%dma_start3A_290, %dma_start3A_291] : memref<10000x128xf32, #tpu.memory_space<hbm>> -> memref<10000x128xf32, #tpu.memory_space<hbm>>
      tpu.enqueue_indirect_dma source(%dma_start3A_292 : memref<10000x128xf32, #tpu.memory_space<hbm>>) target(%arg16 : memref<24x128xf32, #tpu.memory_space<vmem>>) offsets(%dma_start3A_289 : memref<24xi32, #tpu.memory_space<vmem>>) semaphore(%arg24 : memref<!tpu.dma_semaphore, #tpu.memory_space<semaphore_mem>>)
      %add3A_293 = arith.constant 4 : i32
      %add3A_294 = arith.addi %mul3A_212, %add3A_293 : i32
      %dma_wait3A_295 = arith.constant 0 : i32
      %dma_wait3A_296 = tpu.memref_slice %arg8[%add3A_294, %dma_wait3A_295] : memref<416x24xi32, #tpu.memory_space<vmem>> -> memref<1x24xi32, #tpu.memory_space<vmem>>
      %dma_wait3A_297 = tpu.memref_squeeze %dma_wait3A_296 : memref<1x24xi32, #tpu.memory_space<vmem>> -> memref<24xi32, #tpu.memory_space<vmem>>
      %dma_wait3A_298 = arith.constant 0 : i32
      %dma_wait3A_299 = arith.constant 0 : i32
      %dma_wait3A_300 = tpu.memref_slice %arg2[%dma_wait3A_298, %dma_wait3A_299] : memref<10000x128xf32, #tpu.memory_space<hbm>> -> memref<10000x128xf32, #tpu.memory_space<hbm>>
      tpu.wait_indirect_dma semaphore(%arg25 : memref<!tpu.dma_semaphore, #tpu.memory_space<semaphore_mem>>) src(%dma_wait3A_300 : memref<10000x128xf32, #tpu.memory_space<hbm>>) dst(%arg17 : memref<24x128xf32, #tpu.memory_space<vmem>>)
      %add3A_301 = arith.constant 4 : i32
      %add3A_302 = arith.addi %mul3A_212, %add3A_301 : i32
      "tpu.region"() ({
        %run_scoped3A_373 = tpu.sem_alloc : memref<!tpu.dma_semaphore, #tpu.memory_space<semaphore_mem>>
        %dma_start3A_374 = arith.constant 0 : i32
        %dma_start3A_375 = tpu.memref_slice %arg9[%add3A_302, %dma_start3A_374] : memref<416x24xi32, #tpu.memory_space<vmem>> -> memref<1x24xi32, #tpu.memory_space<vmem>>
        %dma_start3A_376 = tpu.memref_squeeze %dma_start3A_375 : memref<1x24xi32, #tpu.memory_space<vmem>> -> memref<24xi32, #tpu.memory_space<vmem>>
        %dma_start3A_377 = arith.constant 0 : i32
        %dma_start3A_378 = arith.constant 0 : i32
        %dma_start3A_379 = tpu.memref_slice %arg12[%dma_start3A_377, %dma_start3A_378] : memref<10000x128xf32, #tpu.memory_space<vmem_shared>> -> memref<10000x128xf32, #tpu.memory_space<vmem_shared>>
        tpu.enqueue_indirect_dma source(%arg17 : memref<24x128xf32, #tpu.memory_space<vmem>>) target(%dma_start3A_379 : memref<10000x128xf32, #tpu.memory_space<vmem_shared>>) offsets(%dma_start3A_376 : memref<24xi32, #tpu.memory_space<vmem>>) semaphore(%run_scoped3A_373 : memref<!tpu.dma_semaphore, #tpu.memory_space<semaphore_mem>>) {add = true}
        %dma_wait3A_380 = arith.constant 0 : i32
        %dma_wait3A_381 = tpu.memref_slice %arg9[%add3A_302, %dma_wait3A_380] : memref<416x24xi32, #tpu.memory_space<vmem>> -> memref<1x24xi32, #tpu.memory_space<vmem>>
        %dma_wait3A_382 = tpu.memref_squeeze %dma_wait3A_381 : memref<1x24xi32, #tpu.memory_space<vmem>> -> memref<24xi32, #tpu.memory_space<vmem>>
        %dma_wait3A_383 = arith.constant 0 : i32
        %dma_wait3A_384 = arith.constant 0 : i32
        %dma_wait3A_385 = tpu.memref_slice %arg12[%dma_wait3A_383, %dma_wait3A_384] : memref<10000x128xf32, #tpu.memory_space<vmem_shared>> -> memref<10000x128xf32, #tpu.memory_space<vmem_shared>>
        tpu.wait_indirect_dma semaphore(%run_scoped3A_373 : memref<!tpu.dma_semaphore, #tpu.memory_space<semaphore_mem>>) src(%arg17 : memref<24x128xf32, #tpu.memory_space<vmem>>) dst(%dma_wait3A_385 : memref<10000x128xf32, #tpu.memory_space<vmem_shared>>)
        tpu.yield
      }) : () -> ()
      %add3A_303 = arith.constant 8 : i32
      %add3A_304 = arith.addi %mul3A_212, %add3A_303 : i32
      %add3A_305 = arith.constant 4 : i32
      %add3A_306 = arith.addi %add3A_304, %add3A_305 : i32
      %dma_start3A_307 = arith.constant 0 : i32
      %dma_start3A_308 = tpu.memref_slice %arg8[%add3A_306, %dma_start3A_307] : memref<416x24xi32, #tpu.memory_space<vmem>> -> memref<1x24xi32, #tpu.memory_space<vmem>>
      %dma_start3A_309 = tpu.memref_squeeze %dma_start3A_308 : memref<1x24xi32, #tpu.memory_space<vmem>> -> memref<24xi32, #tpu.memory_space<vmem>>
      %dma_start3A_310 = arith.constant 0 : i32
      %dma_start3A_311 = arith.constant 0 : i32
      %dma_start3A_312 = tpu.memref_slice %arg2[%dma_start3A_310, %dma_start3A_311] : memref<10000x128xf32, #tpu.memory_space<hbm>> -> memref<10000x128xf32, #tpu.memory_space<hbm>>
      tpu.enqueue_indirect_dma source(%dma_start3A_312 : memref<10000x128xf32, #tpu.memory_space<hbm>>) target(%arg17 : memref<24x128xf32, #tpu.memory_space<vmem>>) offsets(%dma_start3A_309 : memref<24xi32, #tpu.memory_space<vmem>>) semaphore(%arg25 : memref<!tpu.dma_semaphore, #tpu.memory_space<semaphore_mem>>)
      %add3A_313 = arith.constant 5 : i32
      %add3A_314 = arith.addi %mul3A_212, %add3A_313 : i32
      %dma_wait3A_315 = arith.constant 0 : i32
      %dma_wait3A_316 = tpu.memref_slice %arg8[%add3A_314, %dma_wait3A_315] : memref<416x24xi32, #tpu.memory_space<vmem>> -> memref<1x24xi32, #tpu.memory_space<vmem>>
      %dma_wait3A_317 = tpu.memref_squeeze %dma_wait3A_316 : memref<1x24xi32, #tpu.memory_space<vmem>> -> memref<24xi32, #tpu.memory_space<vmem>>
      %dma_wait3A_318 = arith.constant 0 : i32
      %dma_wait3A_319 = arith.constant 0 : i32
      %dma_wait3A_320 = tpu.memref_slice %arg2[%dma_wait3A_318, %dma_wait3A_319] : memref<10000x128xf32, #tpu.memory_space<hbm>> -> memref<10000x128xf32, #tpu.memory_space<hbm>>
      tpu.wait_indirect_dma semaphore(%arg26 : memref<!tpu.dma_semaphore, #tpu.memory_space<semaphore_mem>>) src(%dma_wait3A_320 : memref<10000x128xf32, #tpu.memory_space<hbm>>) dst(%arg18 : memref<24x128xf32, #tpu.memory_space<vmem>>)
      %add3A_321 = arith.constant 5 : i32
      %add3A_322 = arith.addi %mul3A_212, %add3A_321 : i32
      "tpu.region"() ({
        %run_scoped3A_373 = tpu.sem_alloc : memref<!tpu.dma_semaphore, #tpu.memory_space<semaphore_mem>>
        %dma_start3A_374 = arith.constant 0 : i32
        %dma_start3A_375 = tpu.memref_slice %arg9[%add3A_322, %dma_start3A_374] : memref<416x24xi32, #tpu.memory_space<vmem>> -> memref<1x24xi32, #tpu.memory_space<vmem>>
        %dma_start3A_376 = tpu.memref_squeeze %dma_start3A_375 : memref<1x24xi32, #tpu.memory_space<vmem>> -> memref<24xi32, #tpu.memory_space<vmem>>
        %dma_start3A_377 = arith.constant 0 : i32
        %dma_start3A_378 = arith.constant 0 : i32
        %dma_start3A_379 = tpu.memref_slice %arg12[%dma_start3A_377, %dma_start3A_378] : memref<10000x128xf32, #tpu.memory_space<vmem_shared>> -> memref<10000x128xf32, #tpu.memory_space<vmem_shared>>
        tpu.enqueue_indirect_dma source(%arg18 : memref<24x128xf32, #tpu.memory_space<vmem>>) target(%dma_start3A_379 : memref<10000x128xf32, #tpu.memory_space<vmem_shared>>) offsets(%dma_start3A_376 : memref<24xi32, #tpu.memory_space<vmem>>) semaphore(%run_scoped3A_373 : memref<!tpu.dma_semaphore, #tpu.memory_space<semaphore_mem>>) {add = true}
        %dma_wait3A_380 = arith.constant 0 : i32
        %dma_wait3A_381 = tpu.memref_slice %arg9[%add3A_322, %dma_wait3A_380] : memref<416x24xi32, #tpu.memory_space<vmem>> -> memref<1x24xi32, #tpu.memory_space<vmem>>
        %dma_wait3A_382 = tpu.memref_squeeze %dma_wait3A_381 : memref<1x24xi32, #tpu.memory_space<vmem>> -> memref<24xi32, #tpu.memory_space<vmem>>
        %dma_wait3A_383 = arith.constant 0 : i32
        %dma_wait3A_384 = arith.constant 0 : i32
        %dma_wait3A_385 = tpu.memref_slice %arg12[%dma_wait3A_383, %dma_wait3A_384] : memref<10000x128xf32, #tpu.memory_space<vmem_shared>> -> memref<10000x128xf32, #tpu.memory_space<vmem_shared>>
        tpu.wait_indirect_dma semaphore(%run_scoped3A_373 : memref<!tpu.dma_semaphore, #tpu.memory_space<semaphore_mem>>) src(%arg18 : memref<24x128xf32, #tpu.memory_space<vmem>>) dst(%dma_wait3A_385 : memref<10000x128xf32, #tpu.memory_space<vmem_shared>>)
        tpu.yield
      }) : () -> ()
      %add3A_323 = arith.constant 8 : i32
      %add3A_324 = arith.addi %mul3A_212, %add3A_323 : i32
      %add3A_325 = arith.constant 5 : i32
      %add3A_326 = arith.addi %add3A_324, %add3A_325 : i32
      %dma_start3A_327 = arith.constant 0 : i32
      %dma_start3A_328 = tpu.memref_slice %arg8[%add3A_326, %dma_start3A_327] : memref<416x24xi32, #tpu.memory_space<vmem>> -> memref<1x24xi32, #tpu.memory_space<vmem>>
      %dma_start3A_329 = tpu.memref_squeeze %dma_start3A_328 : memref<1x24xi32, #tpu.memory_space<vmem>> -> memref<24xi32, #tpu.memory_space<vmem>>
      %dma_start3A_330 = arith.constant 0 : i32
      %dma_start3A_331 = arith.constant 0 : i32
      %dma_start3A_332 = tpu.memref_slice %arg2[%dma_start3A_330, %dma_start3A_331] : memref<10000x128xf32, #tpu.memory_space<hbm>> -> memref<10000x128xf32, #tpu.memory_space<hbm>>
      tpu.enqueue_indirect_dma source(%dma_start3A_332 : memref<10000x128xf32, #tpu.memory_space<hbm>>) target(%arg18 : memref<24x128xf32, #tpu.memory_space<vmem>>) offsets(%dma_start3A_329 : memref<24xi32, #tpu.memory_space<vmem>>) semaphore(%arg26 : memref<!tpu.dma_semaphore, #tpu.memory_space<semaphore_mem>>)
      %add3A_333 = arith.constant 6 : i32
      %add3A_334 = arith.addi %mul3A_212, %add3A_333 : i32
      %dma_wait3A_335 = arith.constant 0 : i32
      %dma_wait3A_336 = tpu.memref_slice %arg8[%add3A_334, %dma_wait3A_335] : memref<416x24xi32, #tpu.memory_space<vmem>> -> memref<1x24xi32, #tpu.memory_space<vmem>>
      %dma_wait3A_337 = tpu.memref_squeeze %dma_wait3A_336 : memref<1x24xi32, #tpu.memory_space<vmem>> -> memref<24xi32, #tpu.memory_space<vmem>>
      %dma_wait3A_338 = arith.constant 0 : i32
      %dma_wait3A_339 = arith.constant 0 : i32
      %dma_wait3A_340 = tpu.memref_slice %arg2[%dma_wait3A_338, %dma_wait3A_339] : memref<10000x128xf32, #tpu.memory_space<hbm>> -> memref<10000x128xf32, #tpu.memory_space<hbm>>
      tpu.wait_indirect_dma semaphore(%arg27 : memref<!tpu.dma_semaphore, #tpu.memory_space<semaphore_mem>>) src(%dma_wait3A_340 : memref<10000x128xf32, #tpu.memory_space<hbm>>) dst(%arg19 : memref<24x128xf32, #tpu.memory_space<vmem>>)
      %add3A_341 = arith.constant 6 : i32
      %add3A_342 = arith.addi %mul3A_212, %add3A_341 : i32
      "tpu.region"() ({
        %run_scoped3A_373 = tpu.sem_alloc : memref<!tpu.dma_semaphore, #tpu.memory_space<semaphore_mem>>
        %dma_start3A_374 = arith.constant 0 : i32
        %dma_start3A_375 = tpu.memref_slice %arg9[%add3A_342, %dma_start3A_374] : memref<416x24xi32, #tpu.memory_space<vmem>> -> memref<1x24xi32, #tpu.memory_space<vmem>>
        %dma_start3A_376 = tpu.memref_squeeze %dma_start3A_375 : memref<1x24xi32, #tpu.memory_space<vmem>> -> memref<24xi32, #tpu.memory_space<vmem>>
        %dma_start3A_377 = arith.constant 0 : i32
        %dma_start3A_378 = arith.constant 0 : i32
        %dma_start3A_379 = tpu.memref_slice %arg12[%dma_start3A_377, %dma_start3A_378] : memref<10000x128xf32, #tpu.memory_space<vmem_shared>> -> memref<10000x128xf32, #tpu.memory_space<vmem_shared>>
        tpu.enqueue_indirect_dma source(%arg19 : memref<24x128xf32, #tpu.memory_space<vmem>>) target(%dma_start3A_379 : memref<10000x128xf32, #tpu.memory_space<vmem_shared>>) offsets(%dma_start3A_376 : memref<24xi32, #tpu.memory_space<vmem>>) semaphore(%run_scoped3A_373 : memref<!tpu.dma_semaphore, #tpu.memory_space<semaphore_mem>>) {add = true}
        %dma_wait3A_380 = arith.constant 0 : i32
        %dma_wait3A_381 = tpu.memref_slice %arg9[%add3A_342, %dma_wait3A_380] : memref<416x24xi32, #tpu.memory_space<vmem>> -> memref<1x24xi32, #tpu.memory_space<vmem>>
        %dma_wait3A_382 = tpu.memref_squeeze %dma_wait3A_381 : memref<1x24xi32, #tpu.memory_space<vmem>> -> memref<24xi32, #tpu.memory_space<vmem>>
        %dma_wait3A_383 = arith.constant 0 : i32
        %dma_wait3A_384 = arith.constant 0 : i32
        %dma_wait3A_385 = tpu.memref_slice %arg12[%dma_wait3A_383, %dma_wait3A_384] : memref<10000x128xf32, #tpu.memory_space<vmem_shared>> -> memref<10000x128xf32, #tpu.memory_space<vmem_shared>>
        tpu.wait_indirect_dma semaphore(%run_scoped3A_373 : memref<!tpu.dma_semaphore, #tpu.memory_space<semaphore_mem>>) src(%arg19 : memref<24x128xf32, #tpu.memory_space<vmem>>) dst(%dma_wait3A_385 : memref<10000x128xf32, #tpu.memory_space<vmem_shared>>)
        tpu.yield
      }) : () -> ()
      %add3A_343 = arith.constant 8 : i32
      %add3A_344 = arith.addi %mul3A_212, %add3A_343 : i32
      %add3A_345 = arith.constant 6 : i32
      %add3A_346 = arith.addi %add3A_344, %add3A_345 : i32
      %dma_start3A_347 = arith.constant 0 : i32
      %dma_start3A_348 = tpu.memref_slice %arg8[%add3A_346, %dma_start3A_347] : memref<416x24xi32, #tpu.memory_space<vmem>> -> memref<1x24xi32, #tpu.memory_space<vmem>>
      %dma_start3A_349 = tpu.memref_squeeze %dma_start3A_348 : memref<1x24xi32, #tpu.memory_space<vmem>> -> memref<24xi32, #tpu.memory_space<vmem>>
      %dma_start3A_350 = arith.constant 0 : i32
      %dma_start3A_351 = arith.constant 0 : i32
      %dma_start3A_352 = tpu.memref_slice %arg2[%dma_start3A_350, %dma_start3A_351] : memref<10000x128xf32, #tpu.memory_space<hbm>> -> memref<10000x128xf32, #tpu.memory_space<hbm>>
      tpu.enqueue_indirect_dma source(%dma_start3A_352 : memref<10000x128xf32, #tpu.memory_space<hbm>>) target(%arg19 : memref<24x128xf32, #tpu.memory_space<vmem>>) offsets(%dma_start3A_349 : memref<24xi32, #tpu.memory_space<vmem>>) semaphore(%arg27 : memref<!tpu.dma_semaphore, #tpu.memory_space<semaphore_mem>>)
      %add3A_353 = arith.constant 7 : i32
      %add3A_354 = arith.addi %mul3A_212, %add3A_353 : i32
      %dma_wait3A_355 = arith.constant 0 : i32
      %dma_wait3A_356 = tpu.memref_slice %arg8[%add3A_354, %dma_wait3A_355] : memref<416x24xi32, #tpu.memory_space<vmem>> -> memref<1x24xi32, #tpu.memory_space<vmem>>
      %dma_wait3A_357 = tpu.memref_squeeze %dma_wait3A_356 : memref<1x24xi32, #tpu.memory_space<vmem>> -> memref<24xi32, #tpu.memory_space<vmem>>
      %dma_wait3A_358 = arith.constant 0 : i32
      %dma_wait3A_359 = arith.constant 0 : i32
      %dma_wait3A_360 = tpu.memref_slice %arg2[%dma_wait3A_358, %dma_wait3A_359] : memref<10000x128xf32, #tpu.memory_space<hbm>> -> memref<10000x128xf32, #tpu.memory_space<hbm>>
      tpu.wait_indirect_dma semaphore(%arg28 : memref<!tpu.dma_semaphore, #tpu.memory_space<semaphore_mem>>) src(%dma_wait3A_360 : memref<10000x128xf32, #tpu.memory_space<hbm>>) dst(%arg20 : memref<24x128xf32, #tpu.memory_space<vmem>>)
      %add3A_361 = arith.constant 7 : i32
      %add3A_362 = arith.addi %mul3A_212, %add3A_361 : i32
      "tpu.region"() ({
        %run_scoped3A_373 = tpu.sem_alloc : memref<!tpu.dma_semaphore, #tpu.memory_space<semaphore_mem>>
        %dma_start3A_374 = arith.constant 0 : i32
        %dma_start3A_375 = tpu.memref_slice %arg9[%add3A_362, %dma_start3A_374] : memref<416x24xi32, #tpu.memory_space<vmem>> -> memref<1x24xi32, #tpu.memory_space<vmem>>
        %dma_start3A_376 = tpu.memref_squeeze %dma_start3A_375 : memref<1x24xi32, #tpu.memory_space<vmem>> -> memref<24xi32, #tpu.memory_space<vmem>>
        %dma_start3A_377 = arith.constant 0 : i32
        %dma_start3A_378 = arith.constant 0 : i32
        %dma_start3A_379 = tpu.memref_slice %arg12[%dma_start3A_377, %dma_start3A_378] : memref<10000x128xf32, #tpu.memory_space<vmem_shared>> -> memref<10000x128xf32, #tpu.memory_space<vmem_shared>>
        tpu.enqueue_indirect_dma source(%arg20 : memref<24x128xf32, #tpu.memory_space<vmem>>) target(%dma_start3A_379 : memref<10000x128xf32, #tpu.memory_space<vmem_shared>>) offsets(%dma_start3A_376 : memref<24xi32, #tpu.memory_space<vmem>>) semaphore(%run_scoped3A_373 : memref<!tpu.dma_semaphore, #tpu.memory_space<semaphore_mem>>) {add = true}
        %dma_wait3A_380 = arith.constant 0 : i32
        %dma_wait3A_381 = tpu.memref_slice %arg9[%add3A_362, %dma_wait3A_380] : memref<416x24xi32, #tpu.memory_space<vmem>> -> memref<1x24xi32, #tpu.memory_space<vmem>>
        %dma_wait3A_382 = tpu.memref_squeeze %dma_wait3A_381 : memref<1x24xi32, #tpu.memory_space<vmem>> -> memref<24xi32, #tpu.memory_space<vmem>>
        %dma_wait3A_383 = arith.constant 0 : i32
        %dma_wait3A_384 = arith.constant 0 : i32
        %dma_wait3A_385 = tpu.memref_slice %arg12[%dma_wait3A_383, %dma_wait3A_384] : memref<10000x128xf32, #tpu.memory_space<vmem_shared>> -> memref<10000x128xf32, #tpu.memory_space<vmem_shared>>
        tpu.wait_indirect_dma semaphore(%run_scoped3A_373 : memref<!tpu.dma_semaphore, #tpu.memory_space<semaphore_mem>>) src(%arg20 : memref<24x128xf32, #tpu.memory_space<vmem>>) dst(%dma_wait3A_385 : memref<10000x128xf32, #tpu.memory_space<vmem_shared>>)
        tpu.yield
      }) : () -> ()
      %add3A_363 = arith.constant 8 : i32
      %add3A_364 = arith.addi %mul3A_212, %add3A_363 : i32
      %add3A_365 = arith.constant 7 : i32
      %add3A_366 = arith.addi %add3A_364, %add3A_365 : i32
      %dma_start3A_367 = arith.constant 0 : i32
      %dma_start3A_368 = tpu.memref_slice %arg8[%add3A_366, %dma_start3A_367] : memref<416x24xi32, #tpu.memory_space<vmem>> -> memref<1x24xi32, #tpu.memory_space<vmem>>
      %dma_start3A_369 = tpu.memref_squeeze %dma_start3A_368 : memref<1x24xi32, #tpu.memory_space<vmem>> -> memref<24xi32, #tpu.memory_space<vmem>>
      %dma_start3A_370 = arith.constant 0 : i32
      %dma_start3A_371 = arith.constant 0 : i32
      %dma_start3A_372 = tpu.memref_slice %arg2[%dma_start3A_370, %dma_start3A_371] : memref<10000x128xf32, #tpu.memory_space<hbm>> -> memref<10000x128xf32, #tpu.memory_space<hbm>>
      tpu.enqueue_indirect_dma source(%dma_start3A_372 : memref<10000x128xf32, #tpu.memory_space<hbm>>) target(%arg20 : memref<24x128xf32, #tpu.memory_space<vmem>>) offsets(%dma_start3A_369 : memref<24xi32, #tpu.memory_space<vmem>>) semaphore(%arg28 : memref<!tpu.dma_semaphore, #tpu.memory_space<semaphore_mem>>)
    }
    %scan3A_121 = arith.constant 51 : i32
    %dma_wait3A = arith.constant 408 : i32
    %dma_wait3A_122 = arith.constant 0 : i32
    %dma_wait3A_123 = tpu.memref_slice %arg8[%dma_wait3A, %dma_wait3A_122] : memref<416x24xi32, #tpu.memory_space<vmem>> -> memref<1x24xi32, #tpu.memory_space<vmem>>
    %dma_wait3A_124 = tpu.memref_squeeze %dma_wait3A_123 : memref<1x24xi32, #tpu.memory_space<vmem>> -> memref<24xi32, #tpu.memory_space<vmem>>
    %dma_wait3A_125 = arith.constant 0 : i32
    %dma_wait3A_126 = arith.constant 0 : i32
    %dma_wait3A_127 = tpu.memref_slice %arg2[%dma_wait3A_125, %dma_wait3A_126] : memref<10000x128xf32, #tpu.memory_space<hbm>> -> memref<10000x128xf32, #tpu.memory_space<hbm>>
    tpu.wait_indirect_dma semaphore(%arg21 : memref<!tpu.dma_semaphore, #tpu.memory_space<semaphore_mem>>) src(%dma_wait3A_127 : memref<10000x128xf32, #tpu.memory_space<hbm>>) dst(%arg13 : memref<24x128xf32, #tpu.memory_space<vmem>>)
    %run_scoped3A = arith.constant 408 : i32
    "tpu.region"() ({
      %run_scoped3A_206 = tpu.sem_alloc : memref<!tpu.dma_semaphore, #tpu.memory_space<semaphore_mem>>
      %dma_start3A_207 = arith.constant 0 : i32
      %dma_start3A_208 = tpu.memref_slice %arg9[%run_scoped3A, %dma_start3A_207] : memref<416x24xi32, #tpu.memory_space<vmem>> -> memref<1x24xi32, #tpu.memory_space<vmem>>
      %dma_start3A_209 = tpu.memref_squeeze %dma_start3A_208 : memref<1x24xi32, #tpu.memory_space<vmem>> -> memref<24xi32, #tpu.memory_space<vmem>>
      %dma_start3A_210 = arith.constant 0 : i32
      %dma_start3A_211 = arith.constant 0 : i32
      %dma_start3A_212 = tpu.memref_slice %arg12[%dma_start3A_210, %dma_start3A_211] : memref<10000x128xf32, #tpu.memory_space<vmem_shared>> -> memref<10000x128xf32, #tpu.memory_space<vmem_shared>>
      tpu.enqueue_indirect_dma source(%arg13 : memref<24x128xf32, #tpu.memory_space<vmem>>) target(%dma_start3A_212 : memref<10000x128xf32, #tpu.memory_space<vmem_shared>>) offsets(%dma_start3A_209 : memref<24xi32, #tpu.memory_space<vmem>>) semaphore(%run_scoped3A_206 : memref<!tpu.dma_semaphore, #tpu.memory_space<semaphore_mem>>) {add = true}
      %dma_wait3A_213 = arith.constant 0 : i32
      %dma_wait3A_214 = tpu.memref_slice %arg9[%run_scoped3A, %dma_wait3A_213] : memref<416x24xi32, #tpu.memory_space<vmem>> -> memref<1x24xi32, #tpu.memory_space<vmem>>
      %dma_wait3A_215 = tpu.memref_squeeze %dma_wait3A_214 : memref<1x24xi32, #tpu.memory_space<vmem>> -> memref<24xi32, #tpu.memory_space<vmem>>
      %dma_wait3A_216 = arith.constant 0 : i32
      %dma_wait3A_217 = arith.constant 0 : i32
      %dma_wait3A_218 = tpu.memref_slice %arg12[%dma_wait3A_216, %dma_wait3A_217] : memref<10000x128xf32, #tpu.memory_space<vmem_shared>> -> memref<10000x128xf32, #tpu.memory_space<vmem_shared>>
      tpu.wait_indirect_dma semaphore(%run_scoped3A_206 : memref<!tpu.dma_semaphore, #tpu.memory_space<semaphore_mem>>) src(%arg13 : memref<24x128xf32, #tpu.memory_space<vmem>>) dst(%dma_wait3A_218 : memref<10000x128xf32, #tpu.memory_space<vmem_shared>>)
      tpu.yield
    }) : () -> ()
    %dma_start3A_128 = arith.constant 0 : i32
    %dma_start3A_129 = arith.constant 0 : i32
    %dma_start3A_130 = arith.constant 0 : i32
    %dma_start3A_131 = tpu.memref_slice %arg13[%dma_start3A_129, %dma_start3A_130] : memref<24x128xf32, #tpu.memory_space<vmem>> -> memref<16x128xf32, #tpu.memory_space<vmem>>
    %dma_start3A_132 = arith.constant 0 : i32
    %dma_start3A_133 = tpu.memref_slice %arg10[%dma_start3A_128, %dma_start3A_132] : memref<1x16xi32, #tpu.memory_space<vmem>> -> memref<1x16xi32, #tpu.memory_space<vmem>>
    %dma_start3A_134 = tpu.memref_squeeze %dma_start3A_133 : memref<1x16xi32, #tpu.memory_space<vmem>> -> memref<16xi32, #tpu.memory_space<vmem>>
    %dma_start3A_135 = arith.constant 0 : i32
    %dma_start3A_136 = arith.constant 0 : i32
    %dma_start3A_137 = tpu.memref_slice %arg2[%dma_start3A_135, %dma_start3A_136] : memref<10000x128xf32, #tpu.memory_space<hbm>> -> memref<10000x128xf32, #tpu.memory_space<hbm>>
    tpu.enqueue_indirect_dma source(%dma_start3A_137 : memref<10000x128xf32, #tpu.memory_space<hbm>>) target(%dma_start3A_131 : memref<16x128xf32, #tpu.memory_space<vmem>>) offsets(%dma_start3A_134 : memref<16xi32, #tpu.memory_space<vmem>>) semaphore(%arg21 : memref<!tpu.dma_semaphore, #tpu.memory_space<semaphore_mem>>)
    %dma_wait3A_138 = arith.constant 409 : i32
    %dma_wait3A_139 = arith.constant 0 : i32
    %dma_wait3A_140 = tpu.memref_slice %arg8[%dma_wait3A_138, %dma_wait3A_139] : memref<416x24xi32, #tpu.memory_space<vmem>> -> memref<1x24xi32, #tpu.memory_space<vmem>>
    %dma_wait3A_141 = tpu.memref_squeeze %dma_wait3A_140 : memref<1x24xi32, #tpu.memory_space<vmem>> -> memref<24xi32, #tpu.memory_space<vmem>>
    %dma_wait3A_142 = arith.constant 0 : i32
    %dma_wait3A_143 = arith.constant 0 : i32
    %dma_wait3A_144 = tpu.memref_slice %arg2[%dma_wait3A_142, %dma_wait3A_143] : memref<10000x128xf32, #tpu.memory_space<hbm>> -> memref<10000x128xf32, #tpu.memory_space<hbm>>
    tpu.wait_indirect_dma semaphore(%arg22 : memref<!tpu.dma_semaphore, #tpu.memory_space<semaphore_mem>>) src(%dma_wait3A_144 : memref<10000x128xf32, #tpu.memory_space<hbm>>) dst(%arg14 : memref<24x128xf32, #tpu.memory_space<vmem>>)
    %run_scoped3A_145 = arith.constant 409 : i32
    "tpu.region"() ({
      %run_scoped3A_206 = tpu.sem_alloc : memref<!tpu.dma_semaphore, #tpu.memory_space<semaphore_mem>>
      %dma_start3A_207 = arith.constant 0 : i32
      %dma_start3A_208 = tpu.memref_slice %arg9[%run_scoped3A_145, %dma_start3A_207] : memref<416x24xi32, #tpu.memory_space<vmem>> -> memref<1x24xi32, #tpu.memory_space<vmem>>
      %dma_start3A_209 = tpu.memref_squeeze %dma_start3A_208 : memref<1x24xi32, #tpu.memory_space<vmem>> -> memref<24xi32, #tpu.memory_space<vmem>>
      %dma_start3A_210 = arith.constant 0 : i32
      %dma_start3A_211 = arith.constant 0 : i32
      %dma_start3A_212 = tpu.memref_slice %arg12[%dma_start3A_210, %dma_start3A_211] : memref<10000x128xf32, #tpu.memory_space<vmem_shared>> -> memref<10000x128xf32, #tpu.memory_space<vmem_shared>>
      tpu.enqueue_indirect_dma source(%arg14 : memref<24x128xf32, #tpu.memory_space<vmem>>) target(%dma_start3A_212 : memref<10000x128xf32, #tpu.memory_space<vmem_shared>>) offsets(%dma_start3A_209 : memref<24xi32, #tpu.memory_space<vmem>>) semaphore(%run_scoped3A_206 : memref<!tpu.dma_semaphore, #tpu.memory_space<semaphore_mem>>) {add = true}
      %dma_wait3A_213 = arith.constant 0 : i32
      %dma_wait3A_214 = tpu.memref_slice %arg9[%run_scoped3A_145, %dma_wait3A_213] : memref<416x24xi32, #tpu.memory_space<vmem>> -> memref<1x24xi32, #tpu.memory_space<vmem>>
      %dma_wait3A_215 = tpu.memref_squeeze %dma_wait3A_214 : memref<1x24xi32, #tpu.memory_space<vmem>> -> memref<24xi32, #tpu.memory_space<vmem>>
      %dma_wait3A_216 = arith.constant 0 : i32
      %dma_wait3A_217 = arith.constant 0 : i32
      %dma_wait3A_218 = tpu.memref_slice %arg12[%dma_wait3A_216, %dma_wait3A_217] : memref<10000x128xf32, #tpu.memory_space<vmem_shared>> -> memref<10000x128xf32, #tpu.memory_space<vmem_shared>>
      tpu.wait_indirect_dma semaphore(%run_scoped3A_206 : memref<!tpu.dma_semaphore, #tpu.memory_space<semaphore_mem>>) src(%arg14 : memref<24x128xf32, #tpu.memory_space<vmem>>) dst(%dma_wait3A_218 : memref<10000x128xf32, #tpu.memory_space<vmem_shared>>)
      tpu.yield
    }) : () -> ()
    %dma_wait3A_146 = arith.constant 410 : i32
    %dma_wait3A_147 = arith.constant 0 : i32
    %dma_wait3A_148 = tpu.memref_slice %arg8[%dma_wait3A_146, %dma_wait3A_147] : memref<416x24xi32, #tpu.memory_space<vmem>> -> memref<1x24xi32, #tpu.memory_space<vmem>>
    %dma_wait3A_149 = tpu.memref_squeeze %dma_wait3A_148 : memref<1x24xi32, #tpu.memory_space<vmem>> -> memref<24xi32, #tpu.memory_space<vmem>>
    %dma_wait3A_150 = arith.constant 0 : i32
    %dma_wait3A_151 = arith.constant 0 : i32
    %dma_wait3A_152 = tpu.memref_slice %arg2[%dma_wait3A_150, %dma_wait3A_151] : memref<10000x128xf32, #tpu.memory_space<hbm>> -> memref<10000x128xf32, #tpu.memory_space<hbm>>
    tpu.wait_indirect_dma semaphore(%arg23 : memref<!tpu.dma_semaphore, #tpu.memory_space<semaphore_mem>>) src(%dma_wait3A_152 : memref<10000x128xf32, #tpu.memory_space<hbm>>) dst(%arg15 : memref<24x128xf32, #tpu.memory_space<vmem>>)
    %run_scoped3A_153 = arith.constant 410 : i32
    "tpu.region"() ({
      %run_scoped3A_206 = tpu.sem_alloc : memref<!tpu.dma_semaphore, #tpu.memory_space<semaphore_mem>>
      %dma_start3A_207 = arith.constant 0 : i32
      %dma_start3A_208 = tpu.memref_slice %arg9[%run_scoped3A_153, %dma_start3A_207] : memref<416x24xi32, #tpu.memory_space<vmem>> -> memref<1x24xi32, #tpu.memory_space<vmem>>
      %dma_start3A_209 = tpu.memref_squeeze %dma_start3A_208 : memref<1x24xi32, #tpu.memory_space<vmem>> -> memref<24xi32, #tpu.memory_space<vmem>>
      %dma_start3A_210 = arith.constant 0 : i32
      %dma_start3A_211 = arith.constant 0 : i32
      %dma_start3A_212 = tpu.memref_slice %arg12[%dma_start3A_210, %dma_start3A_211] : memref<10000x128xf32, #tpu.memory_space<vmem_shared>> -> memref<10000x128xf32, #tpu.memory_space<vmem_shared>>
      tpu.enqueue_indirect_dma source(%arg15 : memref<24x128xf32, #tpu.memory_space<vmem>>) target(%dma_start3A_212 : memref<10000x128xf32, #tpu.memory_space<vmem_shared>>) offsets(%dma_start3A_209 : memref<24xi32, #tpu.memory_space<vmem>>) semaphore(%run_scoped3A_206 : memref<!tpu.dma_semaphore, #tpu.memory_space<semaphore_mem>>) {add = true}
      %dma_wait3A_213 = arith.constant 0 : i32
      %dma_wait3A_214 = tpu.memref_slice %arg9[%run_scoped3A_153, %dma_wait3A_213] : memref<416x24xi32, #tpu.memory_space<vmem>> -> memref<1x24xi32, #tpu.memory_space<vmem>>
      %dma_wait3A_215 = tpu.memref_squeeze %dma_wait3A_214 : memref<1x24xi32, #tpu.memory_space<vmem>> -> memref<24xi32, #tpu.memory_space<vmem>>
      %dma_wait3A_216 = arith.constant 0 : i32
      %dma_wait3A_217 = arith.constant 0 : i32
      %dma_wait3A_218 = tpu.memref_slice %arg12[%dma_wait3A_216, %dma_wait3A_217] : memref<10000x128xf32, #tpu.memory_space<vmem_shared>> -> memref<10000x128xf32, #tpu.memory_space<vmem_shared>>
      tpu.wait_indirect_dma semaphore(%run_scoped3A_206 : memref<!tpu.dma_semaphore, #tpu.memory_space<semaphore_mem>>) src(%arg15 : memref<24x128xf32, #tpu.memory_space<vmem>>) dst(%dma_wait3A_218 : memref<10000x128xf32, #tpu.memory_space<vmem_shared>>)
      tpu.yield
    }) : () -> ()
    %dma_wait3A_154 = arith.constant 411 : i32
    %dma_wait3A_155 = arith.constant 0 : i32
    %dma_wait3A_156 = tpu.memref_slice %arg8[%dma_wait3A_154, %dma_wait3A_155] : memref<416x24xi32, #tpu.memory_space<vmem>> -> memref<1x24xi32, #tpu.memory_space<vmem>>
    %dma_wait3A_157 = tpu.memref_squeeze %dma_wait3A_156 : memref<1x24xi32, #tpu.memory_space<vmem>> -> memref<24xi32, #tpu.memory_space<vmem>>
    %dma_wait3A_158 = arith.constant 0 : i32
    %dma_wait3A_159 = arith.constant 0 : i32
    %dma_wait3A_160 = tpu.memref_slice %arg2[%dma_wait3A_158, %dma_wait3A_159] : memref<10000x128xf32, #tpu.memory_space<hbm>> -> memref<10000x128xf32, #tpu.memory_space<hbm>>
    tpu.wait_indirect_dma semaphore(%arg24 : memref<!tpu.dma_semaphore, #tpu.memory_space<semaphore_mem>>) src(%dma_wait3A_160 : memref<10000x128xf32, #tpu.memory_space<hbm>>) dst(%arg16 : memref<24x128xf32, #tpu.memory_space<vmem>>)
    %run_scoped3A_161 = arith.constant 411 : i32
    "tpu.region"() ({
      %run_scoped3A_206 = tpu.sem_alloc : memref<!tpu.dma_semaphore, #tpu.memory_space<semaphore_mem>>
      %dma_start3A_207 = arith.constant 0 : i32
      %dma_start3A_208 = tpu.memref_slice %arg9[%run_scoped3A_161, %dma_start3A_207] : memref<416x24xi32, #tpu.memory_space<vmem>> -> memref<1x24xi32, #tpu.memory_space<vmem>>
      %dma_start3A_209 = tpu.memref_squeeze %dma_start3A_208 : memref<1x24xi32, #tpu.memory_space<vmem>> -> memref<24xi32, #tpu.memory_space<vmem>>
      %dma_start3A_210 = arith.constant 0 : i32
      %dma_start3A_211 = arith.constant 0 : i32
      %dma_start3A_212 = tpu.memref_slice %arg12[%dma_start3A_210, %dma_start3A_211] : memref<10000x128xf32, #tpu.memory_space<vmem_shared>> -> memref<10000x128xf32, #tpu.memory_space<vmem_shared>>
      tpu.enqueue_indirect_dma source(%arg16 : memref<24x128xf32, #tpu.memory_space<vmem>>) target(%dma_start3A_212 : memref<10000x128xf32, #tpu.memory_space<vmem_shared>>) offsets(%dma_start3A_209 : memref<24xi32, #tpu.memory_space<vmem>>) semaphore(%run_scoped3A_206 : memref<!tpu.dma_semaphore, #tpu.memory_space<semaphore_mem>>) {add = true}
      %dma_wait3A_213 = arith.constant 0 : i32
      %dma_wait3A_214 = tpu.memref_slice %arg9[%run_scoped3A_161, %dma_wait3A_213] : memref<416x24xi32, #tpu.memory_space<vmem>> -> memref<1x24xi32, #tpu.memory_space<vmem>>
      %dma_wait3A_215 = tpu.memref_squeeze %dma_wait3A_214 : memref<1x24xi32, #tpu.memory_space<vmem>> -> memref<24xi32, #tpu.memory_space<vmem>>
      %dma_wait3A_216 = arith.constant 0 : i32
      %dma_wait3A_217 = arith.constant 0 : i32
      %dma_wait3A_218 = tpu.memref_slice %arg12[%dma_wait3A_216, %dma_wait3A_217] : memref<10000x128xf32, #tpu.memory_space<vmem_shared>> -> memref<10000x128xf32, #tpu.memory_space<vmem_shared>>
      tpu.wait_indirect_dma semaphore(%run_scoped3A_206 : memref<!tpu.dma_semaphore, #tpu.memory_space<semaphore_mem>>) src(%arg16 : memref<24x128xf32, #tpu.memory_space<vmem>>) dst(%dma_wait3A_218 : memref<10000x128xf32, #tpu.memory_space<vmem_shared>>)
      tpu.yield
    }) : () -> ()
    %dma_wait3A_162 = arith.constant 412 : i32
    %dma_wait3A_163 = arith.constant 0 : i32
    %dma_wait3A_164 = tpu.memref_slice %arg8[%dma_wait3A_162, %dma_wait3A_163] : memref<416x24xi32, #tpu.memory_space<vmem>> -> memref<1x24xi32, #tpu.memory_space<vmem>>
    %dma_wait3A_165 = tpu.memref_squeeze %dma_wait3A_164 : memref<1x24xi32, #tpu.memory_space<vmem>> -> memref<24xi32, #tpu.memory_space<vmem>>
    %dma_wait3A_166 = arith.constant 0 : i32
    %dma_wait3A_167 = arith.constant 0 : i32
    %dma_wait3A_168 = tpu.memref_slice %arg2[%dma_wait3A_166, %dma_wait3A_167] : memref<10000x128xf32, #tpu.memory_space<hbm>> -> memref<10000x128xf32, #tpu.memory_space<hbm>>
    tpu.wait_indirect_dma semaphore(%arg25 : memref<!tpu.dma_semaphore, #tpu.memory_space<semaphore_mem>>) src(%dma_wait3A_168 : memref<10000x128xf32, #tpu.memory_space<hbm>>) dst(%arg17 : memref<24x128xf32, #tpu.memory_space<vmem>>)
    %run_scoped3A_169 = arith.constant 412 : i32
    "tpu.region"() ({
      %run_scoped3A_206 = tpu.sem_alloc : memref<!tpu.dma_semaphore, #tpu.memory_space<semaphore_mem>>
      %dma_start3A_207 = arith.constant 0 : i32
      %dma_start3A_208 = tpu.memref_slice %arg9[%run_scoped3A_169, %dma_start3A_207] : memref<416x24xi32, #tpu.memory_space<vmem>> -> memref<1x24xi32, #tpu.memory_space<vmem>>
      %dma_start3A_209 = tpu.memref_squeeze %dma_start3A_208 : memref<1x24xi32, #tpu.memory_space<vmem>> -> memref<24xi32, #tpu.memory_space<vmem>>
      %dma_start3A_210 = arith.constant 0 : i32
      %dma_start3A_211 = arith.constant 0 : i32
      %dma_start3A_212 = tpu.memref_slice %arg12[%dma_start3A_210, %dma_start3A_211] : memref<10000x128xf32, #tpu.memory_space<vmem_shared>> -> memref<10000x128xf32, #tpu.memory_space<vmem_shared>>
      tpu.enqueue_indirect_dma source(%arg17 : memref<24x128xf32, #tpu.memory_space<vmem>>) target(%dma_start3A_212 : memref<10000x128xf32, #tpu.memory_space<vmem_shared>>) offsets(%dma_start3A_209 : memref<24xi32, #tpu.memory_space<vmem>>) semaphore(%run_scoped3A_206 : memref<!tpu.dma_semaphore, #tpu.memory_space<semaphore_mem>>) {add = true}
      %dma_wait3A_213 = arith.constant 0 : i32
      %dma_wait3A_214 = tpu.memref_slice %arg9[%run_scoped3A_169, %dma_wait3A_213] : memref<416x24xi32, #tpu.memory_space<vmem>> -> memref<1x24xi32, #tpu.memory_space<vmem>>
      %dma_wait3A_215 = tpu.memref_squeeze %dma_wait3A_214 : memref<1x24xi32, #tpu.memory_space<vmem>> -> memref<24xi32, #tpu.memory_space<vmem>>
      %dma_wait3A_216 = arith.constant 0 : i32
      %dma_wait3A_217 = arith.constant 0 : i32
      %dma_wait3A_218 = tpu.memref_slice %arg12[%dma_wait3A_216, %dma_wait3A_217] : memref<10000x128xf32, #tpu.memory_space<vmem_shared>> -> memref<10000x128xf32, #tpu.memory_space<vmem_shared>>
      tpu.wait_indirect_dma semaphore(%run_scoped3A_206 : memref<!tpu.dma_semaphore, #tpu.memory_space<semaphore_mem>>) src(%arg17 : memref<24x128xf32, #tpu.memory_space<vmem>>) dst(%dma_wait3A_218 : memref<10000x128xf32, #tpu.memory_space<vmem_shared>>)
      tpu.yield
    }) : () -> ()
    %dma_wait3A_170 = arith.constant 413 : i32
    %dma_wait3A_171 = arith.constant 0 : i32
    %dma_wait3A_172 = tpu.memref_slice %arg8[%dma_wait3A_170, %dma_wait3A_171] : memref<416x24xi32, #tpu.memory_space<vmem>> -> memref<1x24xi32, #tpu.memory_space<vmem>>
    %dma_wait3A_173 = tpu.memref_squeeze %dma_wait3A_172 : memref<1x24xi32, #tpu.memory_space<vmem>> -> memref<24xi32, #tpu.memory_space<vmem>>
    %dma_wait3A_174 = arith.constant 0 : i32
    %dma_wait3A_175 = arith.constant 0 : i32
    %dma_wait3A_176 = tpu.memref_slice %arg2[%dma_wait3A_174, %dma_wait3A_175] : memref<10000x128xf32, #tpu.memory_space<hbm>> -> memref<10000x128xf32, #tpu.memory_space<hbm>>
    tpu.wait_indirect_dma semaphore(%arg26 : memref<!tpu.dma_semaphore, #tpu.memory_space<semaphore_mem>>) src(%dma_wait3A_176 : memref<10000x128xf32, #tpu.memory_space<hbm>>) dst(%arg18 : memref<24x128xf32, #tpu.memory_space<vmem>>)
    %run_scoped3A_177 = arith.constant 413 : i32
    "tpu.region"() ({
      %run_scoped3A_206 = tpu.sem_alloc : memref<!tpu.dma_semaphore, #tpu.memory_space<semaphore_mem>>
      %dma_start3A_207 = arith.constant 0 : i32
      %dma_start3A_208 = tpu.memref_slice %arg9[%run_scoped3A_177, %dma_start3A_207] : memref<416x24xi32, #tpu.memory_space<vmem>> -> memref<1x24xi32, #tpu.memory_space<vmem>>
      %dma_start3A_209 = tpu.memref_squeeze %dma_start3A_208 : memref<1x24xi32, #tpu.memory_space<vmem>> -> memref<24xi32, #tpu.memory_space<vmem>>
      %dma_start3A_210 = arith.constant 0 : i32
      %dma_start3A_211 = arith.constant 0 : i32
      %dma_start3A_212 = tpu.memref_slice %arg12[%dma_start3A_210, %dma_start3A_211] : memref<10000x128xf32, #tpu.memory_space<vmem_shared>> -> memref<10000x128xf32, #tpu.memory_space<vmem_shared>>
      tpu.enqueue_indirect_dma source(%arg18 : memref<24x128xf32, #tpu.memory_space<vmem>>) target(%dma_start3A_212 : memref<10000x128xf32, #tpu.memory_space<vmem_shared>>) offsets(%dma_start3A_209 : memref<24xi32, #tpu.memory_space<vmem>>) semaphore(%run_scoped3A_206 : memref<!tpu.dma_semaphore, #tpu.memory_space<semaphore_mem>>) {add = true}
      %dma_wait3A_213 = arith.constant 0 : i32
      %dma_wait3A_214 = tpu.memref_slice %arg9[%run_scoped3A_177, %dma_wait3A_213] : memref<416x24xi32, #tpu.memory_space<vmem>> -> memref<1x24xi32, #tpu.memory_space<vmem>>
      %dma_wait3A_215 = tpu.memref_squeeze %dma_wait3A_214 : memref<1x24xi32, #tpu.memory_space<vmem>> -> memref<24xi32, #tpu.memory_space<vmem>>
      %dma_wait3A_216 = arith.constant 0 : i32
      %dma_wait3A_217 = arith.constant 0 : i32
      %dma_wait3A_218 = tpu.memref_slice %arg12[%dma_wait3A_216, %dma_wait3A_217] : memref<10000x128xf32, #tpu.memory_space<vmem_shared>> -> memref<10000x128xf32, #tpu.memory_space<vmem_shared>>
      tpu.wait_indirect_dma semaphore(%run_scoped3A_206 : memref<!tpu.dma_semaphore, #tpu.memory_space<semaphore_mem>>) src(%arg18 : memref<24x128xf32, #tpu.memory_space<vmem>>) dst(%dma_wait3A_218 : memref<10000x128xf32, #tpu.memory_space<vmem_shared>>)
      tpu.yield
    }) : () -> ()
    %dma_wait3A_178 = arith.constant 414 : i32
    %dma_wait3A_179 = arith.constant 0 : i32
    %dma_wait3A_180 = tpu.memref_slice %arg8[%dma_wait3A_178, %dma_wait3A_179] : memref<416x24xi32, #tpu.memory_space<vmem>> -> memref<1x24xi32, #tpu.memory_space<vmem>>
    %dma_wait3A_181 = tpu.memref_squeeze %dma_wait3A_180 : memref<1x24xi32, #tpu.memory_space<vmem>> -> memref<24xi32, #tpu.memory_space<vmem>>
    %dma_wait3A_182 = arith.constant 0 : i32
    %dma_wait3A_183 = arith.constant 0 : i32
    %dma_wait3A_184 = tpu.memref_slice %arg2[%dma_wait3A_182, %dma_wait3A_183] : memref<10000x128xf32, #tpu.memory_space<hbm>> -> memref<10000x128xf32, #tpu.memory_space<hbm>>
    tpu.wait_indirect_dma semaphore(%arg27 : memref<!tpu.dma_semaphore, #tpu.memory_space<semaphore_mem>>) src(%dma_wait3A_184 : memref<10000x128xf32, #tpu.memory_space<hbm>>) dst(%arg19 : memref<24x128xf32, #tpu.memory_space<vmem>>)
    %run_scoped3A_185 = arith.constant 414 : i32
    "tpu.region"() ({
      %run_scoped3A_206 = tpu.sem_alloc : memref<!tpu.dma_semaphore, #tpu.memory_space<semaphore_mem>>
      %dma_start3A_207 = arith.constant 0 : i32
      %dma_start3A_208 = tpu.memref_slice %arg9[%run_scoped3A_185, %dma_start3A_207] : memref<416x24xi32, #tpu.memory_space<vmem>> -> memref<1x24xi32, #tpu.memory_space<vmem>>
      %dma_start3A_209 = tpu.memref_squeeze %dma_start3A_208 : memref<1x24xi32, #tpu.memory_space<vmem>> -> memref<24xi32, #tpu.memory_space<vmem>>
      %dma_start3A_210 = arith.constant 0 : i32
      %dma_start3A_211 = arith.constant 0 : i32
      %dma_start3A_212 = tpu.memref_slice %arg12[%dma_start3A_210, %dma_start3A_211] : memref<10000x128xf32, #tpu.memory_space<vmem_shared>> -> memref<10000x128xf32, #tpu.memory_space<vmem_shared>>
      tpu.enqueue_indirect_dma source(%arg19 : memref<24x128xf32, #tpu.memory_space<vmem>>) target(%dma_start3A_212 : memref<10000x128xf32, #tpu.memory_space<vmem_shared>>) offsets(%dma_start3A_209 : memref<24xi32, #tpu.memory_space<vmem>>) semaphore(%run_scoped3A_206 : memref<!tpu.dma_semaphore, #tpu.memory_space<semaphore_mem>>) {add = true}
      %dma_wait3A_213 = arith.constant 0 : i32
      %dma_wait3A_214 = tpu.memref_slice %arg9[%run_scoped3A_185, %dma_wait3A_213] : memref<416x24xi32, #tpu.memory_space<vmem>> -> memref<1x24xi32, #tpu.memory_space<vmem>>
      %dma_wait3A_215 = tpu.memref_squeeze %dma_wait3A_214 : memref<1x24xi32, #tpu.memory_space<vmem>> -> memref<24xi32, #tpu.memory_space<vmem>>
      %dma_wait3A_216 = arith.constant 0 : i32
      %dma_wait3A_217 = arith.constant 0 : i32
      %dma_wait3A_218 = tpu.memref_slice %arg12[%dma_wait3A_216, %dma_wait3A_217] : memref<10000x128xf32, #tpu.memory_space<vmem_shared>> -> memref<10000x128xf32, #tpu.memory_space<vmem_shared>>
      tpu.wait_indirect_dma semaphore(%run_scoped3A_206 : memref<!tpu.dma_semaphore, #tpu.memory_space<semaphore_mem>>) src(%arg19 : memref<24x128xf32, #tpu.memory_space<vmem>>) dst(%dma_wait3A_218 : memref<10000x128xf32, #tpu.memory_space<vmem_shared>>)
      tpu.yield
    }) : () -> ()
    %dma_wait3A_186 = arith.constant 415 : i32
    %dma_wait3A_187 = arith.constant 0 : i32
    %dma_wait3A_188 = tpu.memref_slice %arg8[%dma_wait3A_186, %dma_wait3A_187] : memref<416x24xi32, #tpu.memory_space<vmem>> -> memref<1x24xi32, #tpu.memory_space<vmem>>
    %dma_wait3A_189 = tpu.memref_squeeze %dma_wait3A_188 : memref<1x24xi32, #tpu.memory_space<vmem>> -> memref<24xi32, #tpu.memory_space<vmem>>
    %dma_wait3A_190 = arith.constant 0 : i32
    %dma_wait3A_191 = arith.constant 0 : i32
    %dma_wait3A_192 = tpu.memref_slice %arg2[%dma_wait3A_190, %dma_wait3A_191] : memref<10000x128xf32, #tpu.memory_space<hbm>> -> memref<10000x128xf32, #tpu.memory_space<hbm>>
    tpu.wait_indirect_dma semaphore(%arg28 : memref<!tpu.dma_semaphore, #tpu.memory_space<semaphore_mem>>) src(%dma_wait3A_192 : memref<10000x128xf32, #tpu.memory_space<hbm>>) dst(%arg20 : memref<24x128xf32, #tpu.memory_space<vmem>>)
    %run_scoped3A_193 = arith.constant 415 : i32
    "tpu.region"() ({
      %run_scoped3A_206 = tpu.sem_alloc : memref<!tpu.dma_semaphore, #tpu.memory_space<semaphore_mem>>
      %dma_start3A_207 = arith.constant 0 : i32
      %dma_start3A_208 = tpu.memref_slice %arg9[%run_scoped3A_193, %dma_start3A_207] : memref<416x24xi32, #tpu.memory_space<vmem>> -> memref<1x24xi32, #tpu.memory_space<vmem>>
      %dma_start3A_209 = tpu.memref_squeeze %dma_start3A_208 : memref<1x24xi32, #tpu.memory_space<vmem>> -> memref<24xi32, #tpu.memory_space<vmem>>
      %dma_start3A_210 = arith.constant 0 : i32
      %dma_start3A_211 = arith.constant 0 : i32
      %dma_start3A_212 = tpu.memref_slice %arg12[%dma_start3A_210, %dma_start3A_211] : memref<10000x128xf32, #tpu.memory_space<vmem_shared>> -> memref<10000x128xf32, #tpu.memory_space<vmem_shared>>
      tpu.enqueue_indirect_dma source(%arg20 : memref<24x128xf32, #tpu.memory_space<vmem>>) target(%dma_start3A_212 : memref<10000x128xf32, #tpu.memory_space<vmem_shared>>) offsets(%dma_start3A_209 : memref<24xi32, #tpu.memory_space<vmem>>) semaphore(%run_scoped3A_206 : memref<!tpu.dma_semaphore, #tpu.memory_space<semaphore_mem>>) {add = true}
      %dma_wait3A_213 = arith.constant 0 : i32
      %dma_wait3A_214 = tpu.memref_slice %arg9[%run_scoped3A_193, %dma_wait3A_213] : memref<416x24xi32, #tpu.memory_space<vmem>> -> memref<1x24xi32, #tpu.memory_space<vmem>>
      %dma_wait3A_215 = tpu.memref_squeeze %dma_wait3A_214 : memref<1x24xi32, #tpu.memory_space<vmem>> -> memref<24xi32, #tpu.memory_space<vmem>>
      %dma_wait3A_216 = arith.constant 0 : i32
      %dma_wait3A_217 = arith.constant 0 : i32
      %dma_wait3A_218 = tpu.memref_slice %arg12[%dma_wait3A_216, %dma_wait3A_217] : memref<10000x128xf32, #tpu.memory_space<vmem_shared>> -> memref<10000x128xf32, #tpu.memory_space<vmem_shared>>
      tpu.wait_indirect_dma semaphore(%run_scoped3A_206 : memref<!tpu.dma_semaphore, #tpu.memory_space<semaphore_mem>>) src(%arg20 : memref<24x128xf32, #tpu.memory_space<vmem>>) dst(%dma_wait3A_218 : memref<10000x128xf32, #tpu.memory_space<vmem_shared>>)
      tpu.yield
    }) : () -> ()
    %dma_wait3A_194 = arith.constant 0 : i32
    %dma_wait3A_195 = arith.constant 0 : i32
    %dma_wait3A_196 = arith.constant 0 : i32
    %dma_wait3A_197 = tpu.memref_slice %arg13[%dma_wait3A_195, %dma_wait3A_196] : memref<24x128xf32, #tpu.memory_space<vmem>> -> memref<16x128xf32, #tpu.memory_space<vmem>>
    %dma_wait3A_198 = arith.constant 0 : i32
    %dma_wait3A_199 = tpu.memref_slice %arg10[%dma_wait3A_194, %dma_wait3A_198] : memref<1x16xi32, #tpu.memory_space<vmem>> -> memref<1x16xi32, #tpu.memory_space<vmem>>
    %dma_wait3A_200 = tpu.memref_squeeze %dma_wait3A_199 : memref<1x16xi32, #tpu.memory_space<vmem>> -> memref<16xi32, #tpu.memory_space<vmem>>
    %dma_wait3A_201 = arith.constant 0 : i32
    %dma_wait3A_202 = arith.constant 0 : i32
    %dma_wait3A_203 = tpu.memref_slice %arg2[%dma_wait3A_201, %dma_wait3A_202] : memref<10000x128xf32, #tpu.memory_space<hbm>> -> memref<10000x128xf32, #tpu.memory_space<hbm>>
    tpu.wait_indirect_dma semaphore(%arg21 : memref<!tpu.dma_semaphore, #tpu.memory_space<semaphore_mem>>) src(%dma_wait3A_203 : memref<10000x128xf32, #tpu.memory_space<hbm>>) dst(%dma_wait3A_197 : memref<16x128xf32, #tpu.memory_space<vmem>>)
    %run_scoped3A_204 = arith.constant 0 : i32
    "tpu.region"() ({
      %run_scoped3A_206 = tpu.sem_alloc : memref<!tpu.dma_semaphore, #tpu.memory_space<semaphore_mem>>
      %dma_start3A_207 = arith.constant 0 : i32
      %dma_start3A_208 = arith.constant 0 : i32
      %dma_start3A_209 = tpu.memref_slice %arg13[%dma_start3A_207, %dma_start3A_208] : memref<24x128xf32, #tpu.memory_space<vmem>> -> memref<16x128xf32, #tpu.memory_space<vmem>>
      %dma_start3A_210 = arith.constant 0 : i32
      %dma_start3A_211 = tpu.memref_slice %arg11[%run_scoped3A_204, %dma_start3A_210] : memref<1x16xi32, #tpu.memory_space<vmem>> -> memref<1x16xi32, #tpu.memory_space<vmem>>
      %dma_start3A_212 = tpu.memref_squeeze %dma_start3A_211 : memref<1x16xi32, #tpu.memory_space<vmem>> -> memref<16xi32, #tpu.memory_space<vmem>>
      %dma_start3A_213 = arith.constant 0 : i32
      %dma_start3A_214 = arith.constant 0 : i32
      %dma_start3A_215 = tpu.memref_slice %arg12[%dma_start3A_213, %dma_start3A_214] : memref<10000x128xf32, #tpu.memory_space<vmem_shared>> -> memref<10000x128xf32, #tpu.memory_space<vmem_shared>>
      tpu.enqueue_indirect_dma source(%dma_start3A_209 : memref<16x128xf32, #tpu.memory_space<vmem>>) target(%dma_start3A_215 : memref<10000x128xf32, #tpu.memory_space<vmem_shared>>) offsets(%dma_start3A_212 : memref<16xi32, #tpu.memory_space<vmem>>) semaphore(%run_scoped3A_206 : memref<!tpu.dma_semaphore, #tpu.memory_space<semaphore_mem>>) {add = true}
      %dma_wait3A_216 = arith.constant 0 : i32
      %dma_wait3A_217 = arith.constant 0 : i32
      %dma_wait3A_218 = tpu.memref_slice %arg13[%dma_wait3A_216, %dma_wait3A_217] : memref<24x128xf32, #tpu.memory_space<vmem>> -> memref<16x128xf32, #tpu.memory_space<vmem>>
      %dma_wait3A_219 = arith.constant 0 : i32
      %dma_wait3A_220 = tpu.memref_slice %arg11[%run_scoped3A_204, %dma_wait3A_219] : memref<1x16xi32, #tpu.memory_space<vmem>> -> memref<1x16xi32, #tpu.memory_space<vmem>>
      %dma_wait3A_221 = tpu.memref_squeeze %dma_wait3A_220 : memref<1x16xi32, #tpu.memory_space<vmem>> -> memref<16xi32, #tpu.memory_space<vmem>>
      %dma_wait3A_222 = arith.constant 0 : i32
      %dma_wait3A_223 = arith.constant 0 : i32
      %dma_wait3A_224 = tpu.memref_slice %arg12[%dma_wait3A_222, %dma_wait3A_223] : memref<10000x128xf32, #tpu.memory_space<vmem_shared>> -> memref<10000x128xf32, #tpu.memory_space<vmem_shared>>
      tpu.wait_indirect_dma semaphore(%run_scoped3A_206 : memref<!tpu.dma_semaphore, #tpu.memory_space<semaphore_mem>>) src(%dma_wait3A_218 : memref<16x128xf32, #tpu.memory_space<vmem>>) dst(%dma_wait3A_224 : memref<10000x128xf32, #tpu.memory_space<vmem_shared>>)
      tpu.yield
    }) : () -> ()
    %barrier3A_205 = arith.constant 0 : index
    tpu.barrier barrier_id(%barrier3A_205)
    "tpu.region"() ({
      %run_scoped3A_206 = tpu.sem_alloc : memref<!tpu.dma_semaphore, #tpu.memory_space<semaphore_mem>>
      %dma_start3A_207 = arith.constant 0 : i32
      %dma_start3A_208 = arith.constant 0 : i32
      %dma_start3A_209 = tpu.memref_slice %arg7[%arg0, %dma_start3A_207, %dma_start3A_208] : memref<2x10000x128xf32, #tpu.memory_space<hbm>> -> memref<1x10000x128xf32, #tpu.memory_space<hbm>>
      %dma_start3A_210 = tpu.memref_squeeze %dma_start3A_209 : memref<1x10000x128xf32, #tpu.memory_space<hbm>> -> memref<10000x128xf32, #tpu.memory_space<hbm>>
      %dma_start3A_211 = arith.constant 0 : i32
      %dma_start3A_212 = tpu.memref_slice %dma_start3A_210[%mul3A_55, %dma_start3A_211] : memref<10000x128xf32, #tpu.memory_space<hbm>> -> memref<640x128xf32, #tpu.memory_space<hbm>>
      %dma_start3A_213 = arith.constant 0 : i32
      %dma_start3A_214 = tpu.memref_slice %arg12[%mul3A_55, %dma_start3A_213] : memref<10000x128xf32, #tpu.memory_space<vmem_shared>> -> memref<640x128xf32, #tpu.memory_space<vmem_shared>>
      tpu.enqueue_dma source(%dma_start3A_214 : memref<640x128xf32, #tpu.memory_space<vmem_shared>>) target(%dma_start3A_212 : memref<640x128xf32, #tpu.memory_space<hbm>>) target_semaphore(%run_scoped3A_206 : memref<!tpu.dma_semaphore, #tpu.memory_space<semaphore_mem>>)
      %dma_wait3A_215 = arith.constant 0 : i32
      %dma_wait3A_216 = arith.constant 0 : i32
      %dma_wait3A_217 = tpu.memref_slice %arg7[%arg0, %dma_wait3A_215, %dma_wait3A_216] : memref<2x10000x128xf32, #tpu.memory_space<hbm>> -> memref<1x10000x128xf32, #tpu.memory_space<hbm>>
      %dma_wait3A_218 = tpu.memref_squeeze %dma_wait3A_217 : memref<1x10000x128xf32, #tpu.memory_space<hbm>> -> memref<10000x128xf32, #tpu.memory_space<hbm>>
      %dma_wait3A_219 = arith.constant 0 : i32
      %dma_wait3A_220 = tpu.memref_slice %dma_wait3A_218[%mul3A_55, %dma_wait3A_219] : memref<10000x128xf32, #tpu.memory_space<hbm>> -> memref<640x128xf32, #tpu.memory_space<hbm>>
      %dma_wait3A_221 = arith.constant 0 : i32
      %dma_wait3A_222 = tpu.memref_slice %arg12[%mul3A_55, %dma_wait3A_221] : memref<10000x128xf32, #tpu.memory_space<vmem_shared>> -> memref<640x128xf32, #tpu.memory_space<vmem_shared>>
      tpu.wait_dma2 semaphore(%run_scoped3A_206 : memref<!tpu.dma_semaphore, #tpu.memory_space<semaphore_mem>>) src(%dma_wait3A_222 : memref<640x128xf32, #tpu.memory_space<vmem_shared>>) dst(%dma_wait3A_220 : memref<640x128xf32, #tpu.memory_space<hbm>>)
      tpu.yield
    }) : () -> ()
    return
  }
}

#map = affine_map<(d0, d1) -> (0, 0, 0)>
module attributes {stable_mosaic.version = 14 : i64} {
  func.func @_deg_kernel(%arg0: i32, %arg1: i32, %arg2: memref<32x625x16xi32, #tpu.memory_space<hbm>>, %arg3: memref<2x640x16xf32, #tpu.memory_space<hbm>>, %arg4: memref<625x16xi32, #tpu.memory_space<vmem>>, %arg5: memref<640x16xf32, #tpu.memory_space<vmem>>, %arg6: memref<5x128xi32, #tpu.memory_space<vmem>>, %arg7: memref<640x16xf32, #tpu.memory_space<vmem_shared>>) attributes {dimension_semantics = [#tpu.dimension_semantics<core_parallel>, #tpu.dimension_semantics<subcore_parallel>], iteration_bounds = array<i64: 2, 16>, scalar_prefetch = 0 : i64, scratch_operands = 4 : i64, tpu.core_type = #tpu.core_type<sc_vector_subcore>, window_params = [{transform_indices = #map}, {transform_indices = #map}]} {
    %mul3A = arith.constant 16 : i32
    %mul3A_0 = arith.muli %arg0, %mul3A : i32
    %add3A = arith.addi %mul3A_0, %arg1 : i32
    "tpu.region"() ({
      %run_scoped3A_301 = tpu.sem_alloc : memref<!tpu.dma_semaphore, #tpu.memory_space<semaphore_mem>>
      %dma_start3A = arith.constant 0 : i32
      %dma_start3A_302 = arith.constant 0 : i32
      %dma_start3A_303 = tpu.memref_slice %arg2[%add3A, %dma_start3A, %dma_start3A_302] : memref<32x625x16xi32, #tpu.memory_space<hbm>> -> memref<1x625x16xi32, #tpu.memory_space<hbm>>
      %dma_start3A_304 = tpu.memref_squeeze %dma_start3A_303 : memref<1x625x16xi32, #tpu.memory_space<hbm>> -> memref<625x16xi32, #tpu.memory_space<hbm>>
      %dma_start3A_305 = arith.constant 0 : i32
      %dma_start3A_306 = arith.constant 0 : i32
      %dma_start3A_307 = tpu.memref_slice %arg2[%add3A, %dma_start3A_305, %dma_start3A_306] : memref<32x625x16xi32, #tpu.memory_space<hbm>> -> memref<1x625x16xi32, #tpu.memory_space<hbm>>
      %dma_start3A_308 = tpu.memref_squeeze %dma_start3A_307 : memref<1x625x16xi32, #tpu.memory_space<hbm>> -> memref<625x16xi32, #tpu.memory_space<hbm>>
      tpu.enqueue_dma source(%dma_start3A_308 : memref<625x16xi32, #tpu.memory_space<hbm>>) target(%arg4 : memref<625x16xi32, #tpu.memory_space<vmem>>) target_semaphore(%run_scoped3A_301 : memref<!tpu.dma_semaphore, #tpu.memory_space<semaphore_mem>>)
      %dma_wait3A = arith.constant 0 : i32
      %dma_wait3A_309 = arith.constant 0 : i32
      %dma_wait3A_310 = tpu.memref_slice %arg2[%add3A, %dma_wait3A, %dma_wait3A_309] : memref<32x625x16xi32, #tpu.memory_space<hbm>> -> memref<1x625x16xi32, #tpu.memory_space<hbm>>
      %dma_wait3A_311 = tpu.memref_squeeze %dma_wait3A_310 : memref<1x625x16xi32, #tpu.memory_space<hbm>> -> memref<625x16xi32, #tpu.memory_space<hbm>>
      %dma_wait3A_312 = arith.constant 0 : i32
      %dma_wait3A_313 = arith.constant 0 : i32
      %dma_wait3A_314 = tpu.memref_slice %arg2[%add3A, %dma_wait3A_312, %dma_wait3A_313] : memref<32x625x16xi32, #tpu.memory_space<hbm>> -> memref<1x625x16xi32, #tpu.memory_space<hbm>>
      %dma_wait3A_315 = tpu.memref_squeeze %dma_wait3A_314 : memref<1x625x16xi32, #tpu.memory_space<hbm>> -> memref<625x16xi32, #tpu.memory_space<hbm>>
      tpu.wait_dma2 semaphore(%run_scoped3A_301 : memref<!tpu.dma_semaphore, #tpu.memory_space<semaphore_mem>>) src(%dma_wait3A_315 : memref<625x16xi32, #tpu.memory_space<hbm>>) dst(%arg4 : memref<625x16xi32, #tpu.memory_space<vmem>>)
      tpu.yield
    }) : () -> ()
    %broadcast_in_dim3A = arith.constant 0.000000e+00 : f32
    %broadcast_in_dim3A_1 = vector.broadcast %broadcast_in_dim3A : f32 to vector<16xf32>
    %scan3A = arith.constant 0 : i32
    %scan3A_2 = arith.constant 640 : i32
    %scan3A_3 = arith.addi %scan3A, %scan3A_2 : i32
    %scan3A_4 = arith.constant 1 : i32
    scf.for %scan3A_301 = %scan3A to %scan3A_3 step %scan3A_4  : i32 {
      %mul3A_302 = arith.constant 1 : i32
      %mul3A_303 = arith.muli %scan3A_301, %mul3A_302 : i32
      %add3A_304 = arith.constant 0 : i32
      %add3A_305 = arith.addi %add3A_304, %mul3A_303 : i32
      %swap3A_306 = arith.index_cast %add3A_305 : i32 to index
      %swap3A_307 = arith.constant 0 : index
      %swap3A_308 = tpu.vector_load %arg5[%swap3A_306, %swap3A_307] {strides = array<i32>} : memref<640x16xf32, #tpu.memory_space<vmem>>, vector<16xf32>,
      tpu.vector_store %arg5[%swap3A_306, %swap3A_307], %broadcast_in_dim3A_1 {strides = array<i32>} : memref<640x16xf32, #tpu.memory_space<vmem>>, vector<16xf32>,
    }
    %scan3A_5 = arith.constant 640 : i32
    %iota3A = tpu.iota {dimensions = array<i32: 0>} : vector<16xi32>
    %add3A_6 = arith.constant 0 : i32
    %add3A_7 = vector.broadcast %add3A_6 : i32 to vector<16xi32>
    %add3A_8 = arith.addi %iota3A, %add3A_7 : vector<16xi32>
    %swap3A = arith.constant 0 : i32
    %swap3A_9 = arith.index_cast %swap3A : i32 to index
    %swap3A_10 = arith.constant 0 : index
    %swap3A_11 = tpu.vector_load %arg6[%swap3A_9, %swap3A_10] {strides = array<i32>} : memref<5x128xi32, #tpu.memory_space<vmem>>, vector<16xi32>,
    tpu.vector_store %arg6[%swap3A_9, %swap3A_10], %add3A_8 {strides = array<i32>} : memref<5x128xi32, #tpu.memory_space<vmem>>, vector<16xi32>,
    %add3A_12 = arith.constant 16 : i32
    %add3A_13 = vector.broadcast %add3A_12 : i32 to vector<16xi32>
    %add3A_14 = arith.addi %iota3A, %add3A_13 : vector<16xi32>
    %swap3A_15 = arith.constant 0 : i32
    %swap3A_16 = arith.index_cast %swap3A_15 : i32 to index
    %swap3A_17 = arith.constant 16 : index
    %swap3A_18 = tpu.vector_load %arg6[%swap3A_16, %swap3A_17] {strides = array<i32>} : memref<5x128xi32, #tpu.memory_space<vmem>>, vector<16xi32>,
    tpu.vector_store %arg6[%swap3A_16, %swap3A_17], %add3A_14 {strides = array<i32>} : memref<5x128xi32, #tpu.memory_space<vmem>>, vector<16xi32>,
    %add3A_19 = arith.constant 32 : i32
    %add3A_20 = vector.broadcast %add3A_19 : i32 to vector<16xi32>
    %add3A_21 = arith.addi %iota3A, %add3A_20 : vector<16xi32>
    %swap3A_22 = arith.constant 0 : i32
    %swap3A_23 = arith.index_cast %swap3A_22 : i32 to index
    %swap3A_24 = arith.constant 32 : index
    %swap3A_25 = tpu.vector_load %arg6[%swap3A_23, %swap3A_24] {strides = array<i32>} : memref<5x128xi32, #tpu.memory_space<vmem>>, vector<16xi32>,
    tpu.vector_store %arg6[%swap3A_23, %swap3A_24], %add3A_21 {strides = array<i32>} : memref<5x128xi32, #tpu.memory_space<vmem>>, vector<16xi32>,
    %add3A_26 = arith.constant 48 : i32
    %add3A_27 = vector.broadcast %add3A_26 : i32 to vector<16xi32>
    %add3A_28 = arith.addi %iota3A, %add3A_27 : vector<16xi32>
    %swap3A_29 = arith.constant 0 : i32
    %swap3A_30 = arith.index_cast %swap3A_29 : i32 to index
    %swap3A_31 = arith.constant 48 : index
    %swap3A_32 = tpu.vector_load %arg6[%swap3A_30, %swap3A_31] {strides = array<i32>} : memref<5x128xi32, #tpu.memory_space<vmem>>, vector<16xi32>,
    tpu.vector_store %arg6[%swap3A_30, %swap3A_31], %add3A_28 {strides = array<i32>} : memref<5x128xi32, #tpu.memory_space<vmem>>, vector<16xi32>,
    %add3A_33 = arith.constant 64 : i32
    %add3A_34 = vector.broadcast %add3A_33 : i32 to vector<16xi32>
    %add3A_35 = arith.addi %iota3A, %add3A_34 : vector<16xi32>
    %swap3A_36 = arith.constant 0 : i32
    %swap3A_37 = arith.index_cast %swap3A_36 : i32 to index
    %swap3A_38 = arith.constant 64 : index
    %swap3A_39 = tpu.vector_load %arg6[%swap3A_37, %swap3A_38] {strides = array<i32>} : memref<5x128xi32, #tpu.memory_space<vmem>>, vector<16xi32>,
    tpu.vector_store %arg6[%swap3A_37, %swap3A_38], %add3A_35 {strides = array<i32>} : memref<5x128xi32, #tpu.memory_space<vmem>>, vector<16xi32>,
    %add3A_40 = arith.constant 80 : i32
    %add3A_41 = vector.broadcast %add3A_40 : i32 to vector<16xi32>
    %add3A_42 = arith.addi %iota3A, %add3A_41 : vector<16xi32>
    %swap3A_43 = arith.constant 0 : i32
    %swap3A_44 = arith.index_cast %swap3A_43 : i32 to index
    %swap3A_45 = arith.constant 80 : index
    %swap3A_46 = tpu.vector_load %arg6[%swap3A_44, %swap3A_45] {strides = array<i32>} : memref<5x128xi32, #tpu.memory_space<vmem>>, vector<16xi32>,
    tpu.vector_store %arg6[%swap3A_44, %swap3A_45], %add3A_42 {strides = array<i32>} : memref<5x128xi32, #tpu.memory_space<vmem>>, vector<16xi32>,
    %add3A_47 = arith.constant 96 : i32
    %add3A_48 = vector.broadcast %add3A_47 : i32 to vector<16xi32>
    %add3A_49 = arith.addi %iota3A, %add3A_48 : vector<16xi32>
    %swap3A_50 = arith.constant 0 : i32
    %swap3A_51 = arith.index_cast %swap3A_50 : i32 to index
    %swap3A_52 = arith.constant 96 : index
    %swap3A_53 = tpu.vector_load %arg6[%swap3A_51, %swap3A_52] {strides = array<i32>} : memref<5x128xi32, #tpu.memory_space<vmem>>, vector<16xi32>,
    tpu.vector_store %arg6[%swap3A_51, %swap3A_52], %add3A_49 {strides = array<i32>} : memref<5x128xi32, #tpu.memory_space<vmem>>, vector<16xi32>,
    %add3A_54 = arith.constant 112 : i32
    %add3A_55 = vector.broadcast %add3A_54 : i32 to vector<16xi32>
    %add3A_56 = arith.addi %iota3A, %add3A_55 : vector<16xi32>
    %swap3A_57 = arith.constant 0 : i32
    %swap3A_58 = arith.index_cast %swap3A_57 : i32 to index
    %swap3A_59 = arith.constant 112 : index
    %swap3A_60 = tpu.vector_load %arg6[%swap3A_58, %swap3A_59] {strides = array<i32>} : memref<5x128xi32, #tpu.memory_space<vmem>>, vector<16xi32>,
    tpu.vector_store %arg6[%swap3A_58, %swap3A_59], %add3A_56 {strides = array<i32>} : memref<5x128xi32, #tpu.memory_space<vmem>>, vector<16xi32>,
    %add3A_61 = arith.constant 128 : i32
    %add3A_62 = vector.broadcast %add3A_61 : i32 to vector<16xi32>
    %add3A_63 = arith.addi %iota3A, %add3A_62 : vector<16xi32>
    %swap3A_64 = arith.constant 1 : i32
    %swap3A_65 = arith.index_cast %swap3A_64 : i32 to index
    %swap3A_66 = arith.constant 0 : index
    %swap3A_67 = tpu.vector_load %arg6[%swap3A_65, %swap3A_66] {strides = array<i32>} : memref<5x128xi32, #tpu.memory_space<vmem>>, vector<16xi32>,
    tpu.vector_store %arg6[%swap3A_65, %swap3A_66], %add3A_63 {strides = array<i32>} : memref<5x128xi32, #tpu.memory_space<vmem>>, vector<16xi32>,
    %add3A_68 = arith.constant 144 : i32
    %add3A_69 = vector.broadcast %add3A_68 : i32 to vector<16xi32>
    %add3A_70 = arith.addi %iota3A, %add3A_69 : vector<16xi32>
    %swap3A_71 = arith.constant 1 : i32
    %swap3A_72 = arith.index_cast %swap3A_71 : i32 to index
    %swap3A_73 = arith.constant 16 : index
    %swap3A_74 = tpu.vector_load %arg6[%swap3A_72, %swap3A_73] {strides = array<i32>} : memref<5x128xi32, #tpu.memory_space<vmem>>, vector<16xi32>,
    tpu.vector_store %arg6[%swap3A_72, %swap3A_73], %add3A_70 {strides = array<i32>} : memref<5x128xi32, #tpu.memory_space<vmem>>, vector<16xi32>,
    %add3A_75 = arith.constant 160 : i32
    %add3A_76 = vector.broadcast %add3A_75 : i32 to vector<16xi32>
    %add3A_77 = arith.addi %iota3A, %add3A_76 : vector<16xi32>
    %swap3A_78 = arith.constant 1 : i32
    %swap3A_79 = arith.index_cast %swap3A_78 : i32 to index
    %swap3A_80 = arith.constant 32 : index
    %swap3A_81 = tpu.vector_load %arg6[%swap3A_79, %swap3A_80] {strides = array<i32>} : memref<5x128xi32, #tpu.memory_space<vmem>>, vector<16xi32>,
    tpu.vector_store %arg6[%swap3A_79, %swap3A_80], %add3A_77 {strides = array<i32>} : memref<5x128xi32, #tpu.memory_space<vmem>>, vector<16xi32>,
    %add3A_82 = arith.constant 176 : i32
    %add3A_83 = vector.broadcast %add3A_82 : i32 to vector<16xi32>
    %add3A_84 = arith.addi %iota3A, %add3A_83 : vector<16xi32>
    %swap3A_85 = arith.constant 1 : i32
    %swap3A_86 = arith.index_cast %swap3A_85 : i32 to index
    %swap3A_87 = arith.constant 48 : index
    %swap3A_88 = tpu.vector_load %arg6[%swap3A_86, %swap3A_87] {strides = array<i32>} : memref<5x128xi32, #tpu.memory_space<vmem>>, vector<16xi32>,
    tpu.vector_store %arg6[%swap3A_86, %swap3A_87], %add3A_84 {strides = array<i32>} : memref<5x128xi32, #tpu.memory_space<vmem>>, vector<16xi32>,
    %add3A_89 = arith.constant 192 : i32
    %add3A_90 = vector.broadcast %add3A_89 : i32 to vector<16xi32>
    %add3A_91 = arith.addi %iota3A, %add3A_90 : vector<16xi32>
    %swap3A_92 = arith.constant 1 : i32
    %swap3A_93 = arith.index_cast %swap3A_92 : i32 to index
    %swap3A_94 = arith.constant 64 : index
    %swap3A_95 = tpu.vector_load %arg6[%swap3A_93, %swap3A_94] {strides = array<i32>} : memref<5x128xi32, #tpu.memory_space<vmem>>, vector<16xi32>,
    tpu.vector_store %arg6[%swap3A_93, %swap3A_94], %add3A_91 {strides = array<i32>} : memref<5x128xi32, #tpu.memory_space<vmem>>, vector<16xi32>,
    %add3A_96 = arith.constant 208 : i32
    %add3A_97 = vector.broadcast %add3A_96 : i32 to vector<16xi32>
    %add3A_98 = arith.addi %iota3A, %add3A_97 : vector<16xi32>
    %swap3A_99 = arith.constant 1 : i32
    %swap3A_100 = arith.index_cast %swap3A_99 : i32 to index
    %swap3A_101 = arith.constant 80 : index
    %swap3A_102 = tpu.vector_load %arg6[%swap3A_100, %swap3A_101] {strides = array<i32>} : memref<5x128xi32, #tpu.memory_space<vmem>>, vector<16xi32>,
    tpu.vector_store %arg6[%swap3A_100, %swap3A_101], %add3A_98 {strides = array<i32>} : memref<5x128xi32, #tpu.memory_space<vmem>>, vector<16xi32>,
    %add3A_103 = arith.constant 224 : i32
    %add3A_104 = vector.broadcast %add3A_103 : i32 to vector<16xi32>
    %add3A_105 = arith.addi %iota3A, %add3A_104 : vector<16xi32>
    %swap3A_106 = arith.constant 1 : i32
    %swap3A_107 = arith.index_cast %swap3A_106 : i32 to index
    %swap3A_108 = arith.constant 96 : index
    %swap3A_109 = tpu.vector_load %arg6[%swap3A_107, %swap3A_108] {strides = array<i32>} : memref<5x128xi32, #tpu.memory_space<vmem>>, vector<16xi32>,
    tpu.vector_store %arg6[%swap3A_107, %swap3A_108], %add3A_105 {strides = array<i32>} : memref<5x128xi32, #tpu.memory_space<vmem>>, vector<16xi32>,
    %add3A_110 = arith.constant 240 : i32
    %add3A_111 = vector.broadcast %add3A_110 : i32 to vector<16xi32>
    %add3A_112 = arith.addi %iota3A, %add3A_111 : vector<16xi32>
    %swap3A_113 = arith.constant 1 : i32
    %swap3A_114 = arith.index_cast %swap3A_113 : i32 to index
    %swap3A_115 = arith.constant 112 : index
    %swap3A_116 = tpu.vector_load %arg6[%swap3A_114, %swap3A_115] {strides = array<i32>} : memref<5x128xi32, #tpu.memory_space<vmem>>, vector<16xi32>,
    tpu.vector_store %arg6[%swap3A_114, %swap3A_115], %add3A_112 {strides = array<i32>} : memref<5x128xi32, #tpu.memory_space<vmem>>, vector<16xi32>,
    %add3A_117 = arith.constant 256 : i32
    %add3A_118 = vector.broadcast %add3A_117 : i32 to vector<16xi32>
    %add3A_119 = arith.addi %iota3A, %add3A_118 : vector<16xi32>
    %swap3A_120 = arith.constant 2 : i32
    %swap3A_121 = arith.index_cast %swap3A_120 : i32 to index
    %swap3A_122 = arith.constant 0 : index
    %swap3A_123 = tpu.vector_load %arg6[%swap3A_121, %swap3A_122] {strides = array<i32>} : memref<5x128xi32, #tpu.memory_space<vmem>>, vector<16xi32>,
    tpu.vector_store %arg6[%swap3A_121, %swap3A_122], %add3A_119 {strides = array<i32>} : memref<5x128xi32, #tpu.memory_space<vmem>>, vector<16xi32>,
    %add3A_124 = arith.constant 272 : i32
    %add3A_125 = vector.broadcast %add3A_124 : i32 to vector<16xi32>
    %add3A_126 = arith.addi %iota3A, %add3A_125 : vector<16xi32>
    %swap3A_127 = arith.constant 2 : i32
    %swap3A_128 = arith.index_cast %swap3A_127 : i32 to index
    %swap3A_129 = arith.constant 16 : index
    %swap3A_130 = tpu.vector_load %arg6[%swap3A_128, %swap3A_129] {strides = array<i32>} : memref<5x128xi32, #tpu.memory_space<vmem>>, vector<16xi32>,
    tpu.vector_store %arg6[%swap3A_128, %swap3A_129], %add3A_126 {strides = array<i32>} : memref<5x128xi32, #tpu.memory_space<vmem>>, vector<16xi32>,
    %add3A_131 = arith.constant 288 : i32
    %add3A_132 = vector.broadcast %add3A_131 : i32 to vector<16xi32>
    %add3A_133 = arith.addi %iota3A, %add3A_132 : vector<16xi32>
    %swap3A_134 = arith.constant 2 : i32
    %swap3A_135 = arith.index_cast %swap3A_134 : i32 to index
    %swap3A_136 = arith.constant 32 : index
    %swap3A_137 = tpu.vector_load %arg6[%swap3A_135, %swap3A_136] {strides = array<i32>} : memref<5x128xi32, #tpu.memory_space<vmem>>, vector<16xi32>,
    tpu.vector_store %arg6[%swap3A_135, %swap3A_136], %add3A_133 {strides = array<i32>} : memref<5x128xi32, #tpu.memory_space<vmem>>, vector<16xi32>,
    %add3A_138 = arith.constant 304 : i32
    %add3A_139 = vector.broadcast %add3A_138 : i32 to vector<16xi32>
    %add3A_140 = arith.addi %iota3A, %add3A_139 : vector<16xi32>
    %swap3A_141 = arith.constant 2 : i32
    %swap3A_142 = arith.index_cast %swap3A_141 : i32 to index
    %swap3A_143 = arith.constant 48 : index
    %swap3A_144 = tpu.vector_load %arg6[%swap3A_142, %swap3A_143] {strides = array<i32>} : memref<5x128xi32, #tpu.memory_space<vmem>>, vector<16xi32>,
    tpu.vector_store %arg6[%swap3A_142, %swap3A_143], %add3A_140 {strides = array<i32>} : memref<5x128xi32, #tpu.memory_space<vmem>>, vector<16xi32>,
    %add3A_145 = arith.constant 320 : i32
    %add3A_146 = vector.broadcast %add3A_145 : i32 to vector<16xi32>
    %add3A_147 = arith.addi %iota3A, %add3A_146 : vector<16xi32>
    %swap3A_148 = arith.constant 2 : i32
    %swap3A_149 = arith.index_cast %swap3A_148 : i32 to index
    %swap3A_150 = arith.constant 64 : index
    %swap3A_151 = tpu.vector_load %arg6[%swap3A_149, %swap3A_150] {strides = array<i32>} : memref<5x128xi32, #tpu.memory_space<vmem>>, vector<16xi32>,
    tpu.vector_store %arg6[%swap3A_149, %swap3A_150], %add3A_147 {strides = array<i32>} : memref<5x128xi32, #tpu.memory_space<vmem>>, vector<16xi32>,
    %add3A_152 = arith.constant 336 : i32
    %add3A_153 = vector.broadcast %add3A_152 : i32 to vector<16xi32>
    %add3A_154 = arith.addi %iota3A, %add3A_153 : vector<16xi32>
    %swap3A_155 = arith.constant 2 : i32
    %swap3A_156 = arith.index_cast %swap3A_155 : i32 to index
    %swap3A_157 = arith.constant 80 : index
    %swap3A_158 = tpu.vector_load %arg6[%swap3A_156, %swap3A_157] {strides = array<i32>} : memref<5x128xi32, #tpu.memory_space<vmem>>, vector<16xi32>,
    tpu.vector_store %arg6[%swap3A_156, %swap3A_157], %add3A_154 {strides = array<i32>} : memref<5x128xi32, #tpu.memory_space<vmem>>, vector<16xi32>,
    %add3A_159 = arith.constant 352 : i32
    %add3A_160 = vector.broadcast %add3A_159 : i32 to vector<16xi32>
    %add3A_161 = arith.addi %iota3A, %add3A_160 : vector<16xi32>
    %swap3A_162 = arith.constant 2 : i32
    %swap3A_163 = arith.index_cast %swap3A_162 : i32 to index
    %swap3A_164 = arith.constant 96 : index
    %swap3A_165 = tpu.vector_load %arg6[%swap3A_163, %swap3A_164] {strides = array<i32>} : memref<5x128xi32, #tpu.memory_space<vmem>>, vector<16xi32>,
    tpu.vector_store %arg6[%swap3A_163, %swap3A_164], %add3A_161 {strides = array<i32>} : memref<5x128xi32, #tpu.memory_space<vmem>>, vector<16xi32>,
    %add3A_166 = arith.constant 368 : i32
    %add3A_167 = vector.broadcast %add3A_166 : i32 to vector<16xi32>
    %add3A_168 = arith.addi %iota3A, %add3A_167 : vector<16xi32>
    %swap3A_169 = arith.constant 2 : i32
    %swap3A_170 = arith.index_cast %swap3A_169 : i32 to index
    %swap3A_171 = arith.constant 112 : index
    %swap3A_172 = tpu.vector_load %arg6[%swap3A_170, %swap3A_171] {strides = array<i32>} : memref<5x128xi32, #tpu.memory_space<vmem>>, vector<16xi32>,
    tpu.vector_store %arg6[%swap3A_170, %swap3A_171], %add3A_168 {strides = array<i32>} : memref<5x128xi32, #tpu.memory_space<vmem>>, vector<16xi32>,
    %add3A_173 = arith.constant 384 : i32
    %add3A_174 = vector.broadcast %add3A_173 : i32 to vector<16xi32>
    %add3A_175 = arith.addi %iota3A, %add3A_174 : vector<16xi32>
    %swap3A_176 = arith.constant 3 : i32
    %swap3A_177 = arith.index_cast %swap3A_176 : i32 to index
    %swap3A_178 = arith.constant 0 : index
    %swap3A_179 = tpu.vector_load %arg6[%swap3A_177, %swap3A_178] {strides = array<i32>} : memref<5x128xi32, #tpu.memory_space<vmem>>, vector<16xi32>,
    tpu.vector_store %arg6[%swap3A_177, %swap3A_178], %add3A_175 {strides = array<i32>} : memref<5x128xi32, #tpu.memory_space<vmem>>, vector<16xi32>,
    %add3A_180 = arith.constant 400 : i32
    %add3A_181 = vector.broadcast %add3A_180 : i32 to vector<16xi32>
    %add3A_182 = arith.addi %iota3A, %add3A_181 : vector<16xi32>
    %swap3A_183 = arith.constant 3 : i32
    %swap3A_184 = arith.index_cast %swap3A_183 : i32 to index
    %swap3A_185 = arith.constant 16 : index
    %swap3A_186 = tpu.vector_load %arg6[%swap3A_184, %swap3A_185] {strides = array<i32>} : memref<5x128xi32, #tpu.memory_space<vmem>>, vector<16xi32>,
    tpu.vector_store %arg6[%swap3A_184, %swap3A_185], %add3A_182 {strides = array<i32>} : memref<5x128xi32, #tpu.memory_space<vmem>>, vector<16xi32>,
    %add3A_187 = arith.constant 416 : i32
    %add3A_188 = vector.broadcast %add3A_187 : i32 to vector<16xi32>
    %add3A_189 = arith.addi %iota3A, %add3A_188 : vector<16xi32>
    %swap3A_190 = arith.constant 3 : i32
    %swap3A_191 = arith.index_cast %swap3A_190 : i32 to index
    %swap3A_192 = arith.constant 32 : index
    %swap3A_193 = tpu.vector_load %arg6[%swap3A_191, %swap3A_192] {strides = array<i32>} : memref<5x128xi32, #tpu.memory_space<vmem>>, vector<16xi32>,
    tpu.vector_store %arg6[%swap3A_191, %swap3A_192], %add3A_189 {strides = array<i32>} : memref<5x128xi32, #tpu.memory_space<vmem>>, vector<16xi32>,
    %add3A_194 = arith.constant 432 : i32
    %add3A_195 = vector.broadcast %add3A_194 : i32 to vector<16xi32>
    %add3A_196 = arith.addi %iota3A, %add3A_195 : vector<16xi32>
    %swap3A_197 = arith.constant 3 : i32
    %swap3A_198 = arith.index_cast %swap3A_197 : i32 to index
    %swap3A_199 = arith.constant 48 : index
    %swap3A_200 = tpu.vector_load %arg6[%swap3A_198, %swap3A_199] {strides = array<i32>} : memref<5x128xi32, #tpu.memory_space<vmem>>, vector<16xi32>,
    tpu.vector_store %arg6[%swap3A_198, %swap3A_199], %add3A_196 {strides = array<i32>} : memref<5x128xi32, #tpu.memory_space<vmem>>, vector<16xi32>,
    %add3A_201 = arith.constant 448 : i32
    %add3A_202 = vector.broadcast %add3A_201 : i32 to vector<16xi32>
    %add3A_203 = arith.addi %iota3A, %add3A_202 : vector<16xi32>
    %swap3A_204 = arith.constant 3 : i32
    %swap3A_205 = arith.index_cast %swap3A_204 : i32 to index
    %swap3A_206 = arith.constant 64 : index
    %swap3A_207 = tpu.vector_load %arg6[%swap3A_205, %swap3A_206] {strides = array<i32>} : memref<5x128xi32, #tpu.memory_space<vmem>>, vector<16xi32>,
    tpu.vector_store %arg6[%swap3A_205, %swap3A_206], %add3A_203 {strides = array<i32>} : memref<5x128xi32, #tpu.memory_space<vmem>>, vector<16xi32>,
    %add3A_208 = arith.constant 464 : i32
    %add3A_209 = vector.broadcast %add3A_208 : i32 to vector<16xi32>
    %add3A_210 = arith.addi %iota3A, %add3A_209 : vector<16xi32>
    %swap3A_211 = arith.constant 3 : i32
    %swap3A_212 = arith.index_cast %swap3A_211 : i32 to index
    %swap3A_213 = arith.constant 80 : index
    %swap3A_214 = tpu.vector_load %arg6[%swap3A_212, %swap3A_213] {strides = array<i32>} : memref<5x128xi32, #tpu.memory_space<vmem>>, vector<16xi32>,
    tpu.vector_store %arg6[%swap3A_212, %swap3A_213], %add3A_210 {strides = array<i32>} : memref<5x128xi32, #tpu.memory_space<vmem>>, vector<16xi32>,
    %add3A_215 = arith.constant 480 : i32
    %add3A_216 = vector.broadcast %add3A_215 : i32 to vector<16xi32>
    %add3A_217 = arith.addi %iota3A, %add3A_216 : vector<16xi32>
    %swap3A_218 = arith.constant 3 : i32
    %swap3A_219 = arith.index_cast %swap3A_218 : i32 to index
    %swap3A_220 = arith.constant 96 : index
    %swap3A_221 = tpu.vector_load %arg6[%swap3A_219, %swap3A_220] {strides = array<i32>} : memref<5x128xi32, #tpu.memory_space<vmem>>, vector<16xi32>,
    tpu.vector_store %arg6[%swap3A_219, %swap3A_220], %add3A_217 {strides = array<i32>} : memref<5x128xi32, #tpu.memory_space<vmem>>, vector<16xi32>,
    %add3A_222 = arith.constant 496 : i32
    %add3A_223 = vector.broadcast %add3A_222 : i32 to vector<16xi32>
    %add3A_224 = arith.addi %iota3A, %add3A_223 : vector<16xi32>
    %swap3A_225 = arith.constant 3 : i32
    %swap3A_226 = arith.index_cast %swap3A_225 : i32 to index
    %swap3A_227 = arith.constant 112 : index
    %swap3A_228 = tpu.vector_load %arg6[%swap3A_226, %swap3A_227] {strides = array<i32>} : memref<5x128xi32, #tpu.memory_space<vmem>>, vector<16xi32>,
    tpu.vector_store %arg6[%swap3A_226, %swap3A_227], %add3A_224 {strides = array<i32>} : memref<5x128xi32, #tpu.memory_space<vmem>>, vector<16xi32>,
    %add3A_229 = arith.constant 512 : i32
    %add3A_230 = vector.broadcast %add3A_229 : i32 to vector<16xi32>
    %add3A_231 = arith.addi %iota3A, %add3A_230 : vector<16xi32>
    %swap3A_232 = arith.constant 4 : i32
    %swap3A_233 = arith.index_cast %swap3A_232 : i32 to index
    %swap3A_234 = arith.constant 0 : index
    %swap3A_235 = tpu.vector_load %arg6[%swap3A_233, %swap3A_234] {strides = array<i32>} : memref<5x128xi32, #tpu.memory_space<vmem>>, vector<16xi32>,
    tpu.vector_store %arg6[%swap3A_233, %swap3A_234], %add3A_231 {strides = array<i32>} : memref<5x128xi32, #tpu.memory_space<vmem>>, vector<16xi32>,
    %add3A_236 = arith.constant 528 : i32
    %add3A_237 = vector.broadcast %add3A_236 : i32 to vector<16xi32>
    %add3A_238 = arith.addi %iota3A, %add3A_237 : vector<16xi32>
    %swap3A_239 = arith.constant 4 : i32
    %swap3A_240 = arith.index_cast %swap3A_239 : i32 to index
    %swap3A_241 = arith.constant 16 : index
    %swap3A_242 = tpu.vector_load %arg6[%swap3A_240, %swap3A_241] {strides = array<i32>} : memref<5x128xi32, #tpu.memory_space<vmem>>, vector<16xi32>,
    tpu.vector_store %arg6[%swap3A_240, %swap3A_241], %add3A_238 {strides = array<i32>} : memref<5x128xi32, #tpu.memory_space<vmem>>, vector<16xi32>,
    %add3A_243 = arith.constant 544 : i32
    %add3A_244 = vector.broadcast %add3A_243 : i32 to vector<16xi32>
    %add3A_245 = arith.addi %iota3A, %add3A_244 : vector<16xi32>
    %swap3A_246 = arith.constant 4 : i32
    %swap3A_247 = arith.index_cast %swap3A_246 : i32 to index
    %swap3A_248 = arith.constant 32 : index
    %swap3A_249 = tpu.vector_load %arg6[%swap3A_247, %swap3A_248] {strides = array<i32>} : memref<5x128xi32, #tpu.memory_space<vmem>>, vector<16xi32>,
    tpu.vector_store %arg6[%swap3A_247, %swap3A_248], %add3A_245 {strides = array<i32>} : memref<5x128xi32, #tpu.memory_space<vmem>>, vector<16xi32>,
    %add3A_250 = arith.constant 560 : i32
    %add3A_251 = vector.broadcast %add3A_250 : i32 to vector<16xi32>
    %add3A_252 = arith.addi %iota3A, %add3A_251 : vector<16xi32>
    %swap3A_253 = arith.constant 4 : i32
    %swap3A_254 = arith.index_cast %swap3A_253 : i32 to index
    %swap3A_255 = arith.constant 48 : index
    %swap3A_256 = tpu.vector_load %arg6[%swap3A_254, %swap3A_255] {strides = array<i32>} : memref<5x128xi32, #tpu.memory_space<vmem>>, vector<16xi32>,
    tpu.vector_store %arg6[%swap3A_254, %swap3A_255], %add3A_252 {strides = array<i32>} : memref<5x128xi32, #tpu.memory_space<vmem>>, vector<16xi32>,
    %add3A_257 = arith.constant 576 : i32
    %add3A_258 = vector.broadcast %add3A_257 : i32 to vector<16xi32>
    %add3A_259 = arith.addi %iota3A, %add3A_258 : vector<16xi32>
    %swap3A_260 = arith.constant 4 : i32
    %swap3A_261 = arith.index_cast %swap3A_260 : i32 to index
    %swap3A_262 = arith.constant 64 : index
    %swap3A_263 = tpu.vector_load %arg6[%swap3A_261, %swap3A_262] {strides = array<i32>} : memref<5x128xi32, #tpu.memory_space<vmem>>, vector<16xi32>,
    tpu.vector_store %arg6[%swap3A_261, %swap3A_262], %add3A_259 {strides = array<i32>} : memref<5x128xi32, #tpu.memory_space<vmem>>, vector<16xi32>,
    %add3A_264 = arith.constant 592 : i32
    %add3A_265 = vector.broadcast %add3A_264 : i32 to vector<16xi32>
    %add3A_266 = arith.addi %iota3A, %add3A_265 : vector<16xi32>
    %swap3A_267 = arith.constant 4 : i32
    %swap3A_268 = arith.index_cast %swap3A_267 : i32 to index
    %swap3A_269 = arith.constant 80 : index
    %swap3A_270 = tpu.vector_load %arg6[%swap3A_268, %swap3A_269] {strides = array<i32>} : memref<5x128xi32, #tpu.memory_space<vmem>>, vector<16xi32>,
    tpu.vector_store %arg6[%swap3A_268, %swap3A_269], %add3A_266 {strides = array<i32>} : memref<5x128xi32, #tpu.memory_space<vmem>>, vector<16xi32>,
    %add3A_271 = arith.constant 608 : i32
    %add3A_272 = vector.broadcast %add3A_271 : i32 to vector<16xi32>
    %add3A_273 = arith.addi %iota3A, %add3A_272 : vector<16xi32>
    %swap3A_274 = arith.constant 4 : i32
    %swap3A_275 = arith.index_cast %swap3A_274 : i32 to index
    %swap3A_276 = arith.constant 96 : index
    %swap3A_277 = tpu.vector_load %arg6[%swap3A_275, %swap3A_276] {strides = array<i32>} : memref<5x128xi32, #tpu.memory_space<vmem>>, vector<16xi32>,
    tpu.vector_store %arg6[%swap3A_275, %swap3A_276], %add3A_273 {strides = array<i32>} : memref<5x128xi32, #tpu.memory_space<vmem>>, vector<16xi32>,
    %add3A_278 = arith.constant 624 : i32
    %add3A_279 = vector.broadcast %add3A_278 : i32 to vector<16xi32>
    %add3A_280 = arith.addi %iota3A, %add3A_279 : vector<16xi32>
    %swap3A_281 = arith.constant 4 : i32
    %swap3A_282 = arith.index_cast %swap3A_281 : i32 to index
    %swap3A_283 = arith.constant 112 : index
    %swap3A_284 = tpu.vector_load %arg6[%swap3A_282, %swap3A_283] {strides = array<i32>} : memref<5x128xi32, #tpu.memory_space<vmem>>, vector<16xi32>,
    tpu.vector_store %arg6[%swap3A_282, %swap3A_283], %add3A_280 {strides = array<i32>} : memref<5x128xi32, #tpu.memory_space<vmem>>, vector<16xi32>,
    %mul3A_285 = arith.constant 40 : i32
    %mul3A_286 = arith.muli %arg1, %mul3A_285 : i32
    %mul3A_287 = arith.constant 40 : i32
    %mul3A_288 = arith.muli %arg1, %mul3A_287 : i32
    "tpu.region"() ({
      %run_scoped3A_301 = tpu.sem_alloc : memref<!tpu.dma_semaphore, #tpu.memory_space<semaphore_mem>>
      %dma_start3A = arith.constant 0 : i32
      %dma_start3A_302 = tpu.memref_slice %arg5[%mul3A_286, %dma_start3A] : memref<640x16xf32, #tpu.memory_space<vmem>> -> memref<40x16xf32, #tpu.memory_space<vmem>>
      %dma_start3A_303 = arith.constant 0 : i32
      %dma_start3A_304 = tpu.memref_slice %arg7[%mul3A_288, %dma_start3A_303] : memref<640x16xf32, #tpu.memory_space<vmem_shared>> -> memref<40x16xf32, #tpu.memory_space<vmem_shared>>
      %dma_start3A_305 = arith.constant 0 : i32
      %dma_start3A_306 = tpu.memref_slice %arg7[%mul3A_288, %dma_start3A_305] : memref<640x16xf32, #tpu.memory_space<vmem_shared>> -> memref<40x16xf32, #tpu.memory_space<vmem_shared>>
      %dma_start3A_307 = arith.constant 0 : i32
      %dma_start3A_308 = tpu.memref_slice %arg5[%mul3A_286, %dma_start3A_307] : memref<640x16xf32, #tpu.memory_space<vmem>> -> memref<40x16xf32, #tpu.memory_space<vmem>>
      tpu.enqueue_dma source(%dma_start3A_308 : memref<40x16xf32, #tpu.memory_space<vmem>>) target(%dma_start3A_306 : memref<40x16xf32, #tpu.memory_space<vmem_shared>>) target_semaphore(%run_scoped3A_301 : memref<!tpu.dma_semaphore, #tpu.memory_space<semaphore_mem>>)
      %dma_wait3A = arith.constant 0 : i32
      %dma_wait3A_309 = tpu.memref_slice %arg5[%mul3A_286, %dma_wait3A] : memref<640x16xf32, #tpu.memory_space<vmem>> -> memref<40x16xf32, #tpu.memory_space<vmem>>
      %dma_wait3A_310 = arith.constant 0 : i32
      %dma_wait3A_311 = tpu.memref_slice %arg7[%mul3A_288, %dma_wait3A_310] : memref<640x16xf32, #tpu.memory_space<vmem_shared>> -> memref<40x16xf32, #tpu.memory_space<vmem_shared>>
      %dma_wait3A_312 = arith.constant 0 : i32
      %dma_wait3A_313 = tpu.memref_slice %arg7[%mul3A_288, %dma_wait3A_312] : memref<640x16xf32, #tpu.memory_space<vmem_shared>> -> memref<40x16xf32, #tpu.memory_space<vmem_shared>>
      %dma_wait3A_314 = arith.constant 0 : i32
      %dma_wait3A_315 = tpu.memref_slice %arg5[%mul3A_286, %dma_wait3A_314] : memref<640x16xf32, #tpu.memory_space<vmem>> -> memref<40x16xf32, #tpu.memory_space<vmem>>
      tpu.wait_dma2 semaphore(%run_scoped3A_301 : memref<!tpu.dma_semaphore, #tpu.memory_space<semaphore_mem>>) src(%dma_wait3A_315 : memref<40x16xf32, #tpu.memory_space<vmem>>) dst(%dma_wait3A_313 : memref<40x16xf32, #tpu.memory_space<vmem_shared>>)
      tpu.yield
    }) : () -> ()
    %barrier3A = arith.constant 0 : index
    tpu.barrier barrier_id(%barrier3A)
    %scan3A_289 = arith.constant 0 : i32
    %scan3A_290 = arith.constant 625 : i32
    %scan3A_291 = arith.addi %scan3A_289, %scan3A_290 : i32
    %scan3A_292 = arith.constant 1 : i32
    scf.for %scan3A_301 = %scan3A_289 to %scan3A_291 step %scan3A_292  : i32 {
      %mul3A_302 = arith.constant 1 : i32
      %mul3A_303 = arith.muli %scan3A_301, %mul3A_302 : i32
      %add3A_304 = arith.constant 0 : i32
      %add3A_305 = arith.addi %add3A_304, %mul3A_303 : i32
      %get3A = arith.index_cast %add3A_305 : i32 to index
      %get3A_306 = arith.constant 0 : index
      %get3A_307 = tpu.vector_load %arg4[%get3A, %get3A_306] {strides = array<i32>} : memref<625x16xi32, #tpu.memory_space<vmem>>, vector<16xi32>,
      %shift_right_arithmetic3A = arith.constant 4 : i32
      %shift_right_arithmetic3A_308 = vector.broadcast %shift_right_arithmetic3A : i32 to vector<16xi32>
      %shift_right_arithmetic3A_309 = arith.shrsi %get3A_307, %shift_right_arithmetic3A_308 : vector<16xi32>
      %and3A = arith.constant 15 : i32
      %and3A_310 = vector.broadcast %and3A : i32 to vector<16xi32>
      %and3A_311 = arith.andi %get3A_307, %and3A_310 : vector<16xi32>
      %broadcast_in_dim3A_312 = arith.constant true
      %broadcast_in_dim3A_313 = vector.broadcast %broadcast_in_dim3A_312 : i1 to vector<16xi1>
      %unique3A, %unique3A_314 = tpu.scan_count mask(%broadcast_in_dim3A_313 : vector<16xi1>) value(%get3A_307 : vector<16xi32>) : vector<16xi1>, vector<16xi32>
      %convert_element_type3A_315 = arith.sitofp %unique3A_314 : vector<16xi32> to vector<16xf32>
      tpu.vector_store_idx %arg5[%shift_right_arithmetic3A_309, %and3A_311], %convert_element_type3A_315 masked %unique3A {add = true} : memref<640x16xf32, #tpu.memory_space<vmem>>[vector<16xi32>, vector<16xi32>], vector<16xf32>, vector<16xi1>
    }
    %scan3A_293 = arith.constant 625 : i32
    %run_scoped3A = arith.constant 0 : i32
    "tpu.region"() ({
      %run_scoped3A_301 = tpu.sem_alloc : memref<!tpu.dma_semaphore, #tpu.memory_space<semaphore_mem>>
      %dma_start3A = arith.constant 0 : i32
      %dma_start3A_302 = arith.constant 0 : i32
      %dma_start3A_303 = tpu.memref_slice %arg5[%dma_start3A, %dma_start3A_302] : memref<640x16xf32, #tpu.memory_space<vmem>> -> memref<128x16xf32, #tpu.memory_space<vmem>>
      %dma_start3A_304 = arith.constant 0 : i32
      %dma_start3A_305 = tpu.memref_slice %arg6[%run_scoped3A, %dma_start3A_304] : memref<5x128xi32, #tpu.memory_space<vmem>> -> memref<1x128xi32, #tpu.memory_space<vmem>>
      %dma_start3A_306 = tpu.memref_squeeze %dma_start3A_305 : memref<1x128xi32, #tpu.memory_space<vmem>> -> memref<128xi32, #tpu.memory_space<vmem>>
      %dma_start3A_307 = arith.constant 0 : i32
      %dma_start3A_308 = arith.constant 0 : i32
      %dma_start3A_309 = tpu.memref_slice %arg7[%dma_start3A_307, %dma_start3A_308] : memref<640x16xf32, #tpu.memory_space<vmem_shared>> -> memref<640x16xf32, #tpu.memory_space<vmem_shared>>
      tpu.enqueue_indirect_dma source(%dma_start3A_303 : memref<128x16xf32, #tpu.memory_space<vmem>>) target(%dma_start3A_309 : memref<640x16xf32, #tpu.memory_space<vmem_shared>>) offsets(%dma_start3A_306 : memref<128xi32, #tpu.memory_space<vmem>>) semaphore(%run_scoped3A_301 : memref<!tpu.dma_semaphore, #tpu.memory_space<semaphore_mem>>) {add = true}
      %dma_wait3A = arith.constant 0 : i32
      %dma_wait3A_310 = arith.constant 0 : i32
      %dma_wait3A_311 = tpu.memref_slice %arg5[%dma_wait3A, %dma_wait3A_310] : memref<640x16xf32, #tpu.memory_space<vmem>> -> memref<128x16xf32, #tpu.memory_space<vmem>>
      %dma_wait3A_312 = arith.constant 0 : i32
      %dma_wait3A_313 = tpu.memref_slice %arg6[%run_scoped3A, %dma_wait3A_312] : memref<5x128xi32, #tpu.memory_space<vmem>> -> memref<1x128xi32, #tpu.memory_space<vmem>>
      %dma_wait3A_314 = tpu.memref_squeeze %dma_wait3A_313 : memref<1x128xi32, #tpu.memory_space<vmem>> -> memref<128xi32, #tpu.memory_space<vmem>>
      %dma_wait3A_315 = arith.constant 0 : i32
      %dma_wait3A_316 = arith.constant 0 : i32
      %dma_wait3A_317 = tpu.memref_slice %arg7[%dma_wait3A_315, %dma_wait3A_316] : memref<640x16xf32, #tpu.memory_space<vmem_shared>> -> memref<640x16xf32, #tpu.memory_space<vmem_shared>>
      tpu.wait_indirect_dma semaphore(%run_scoped3A_301 : memref<!tpu.dma_semaphore, #tpu.memory_space<semaphore_mem>>) src(%dma_wait3A_311 : memref<128x16xf32, #tpu.memory_space<vmem>>) dst(%dma_wait3A_317 : memref<640x16xf32, #tpu.memory_space<vmem_shared>>)
      tpu.yield
    }) : () -> ()
    %run_scoped3A_294 = arith.constant 1 : i32
    "tpu.region"() ({
      %run_scoped3A_301 = tpu.sem_alloc : memref<!tpu.dma_semaphore, #tpu.memory_space<semaphore_mem>>
      %dma_start3A = arith.constant 128 : i32
      %dma_start3A_302 = arith.constant 0 : i32
      %dma_start3A_303 = tpu.memref_slice %arg5[%dma_start3A, %dma_start3A_302] : memref<640x16xf32, #tpu.memory_space<vmem>> -> memref<128x16xf32, #tpu.memory_space<vmem>>
      %dma_start3A_304 = arith.constant 0 : i32
      %dma_start3A_305 = tpu.memref_slice %arg6[%run_scoped3A_294, %dma_start3A_304] : memref<5x128xi32, #tpu.memory_space<vmem>> -> memref<1x128xi32, #tpu.memory_space<vmem>>
      %dma_start3A_306 = tpu.memref_squeeze %dma_start3A_305 : memref<1x128xi32, #tpu.memory_space<vmem>> -> memref<128xi32, #tpu.memory_space<vmem>>
      %dma_start3A_307 = arith.constant 0 : i32
      %dma_start3A_308 = arith.constant 0 : i32
      %dma_start3A_309 = tpu.memref_slice %arg7[%dma_start3A_307, %dma_start3A_308] : memref<640x16xf32, #tpu.memory_space<vmem_shared>> -> memref<640x16xf32, #tpu.memory_space<vmem_shared>>
      tpu.enqueue_indirect_dma source(%dma_start3A_303 : memref<128x16xf32, #tpu.memory_space<vmem>>) target(%dma_start3A_309 : memref<640x16xf32, #tpu.memory_space<vmem_shared>>) offsets(%dma_start3A_306 : memref<128xi32, #tpu.memory_space<vmem>>) semaphore(%run_scoped3A_301 : memref<!tpu.dma_semaphore, #tpu.memory_space<semaphore_mem>>) {add = true}
      %dma_wait3A = arith.constant 128 : i32
      %dma_wait3A_310 = arith.constant 0 : i32
      %dma_wait3A_311 = tpu.memref_slice %arg5[%dma_wait3A, %dma_wait3A_310] : memref<640x16xf32, #tpu.memory_space<vmem>> -> memref<128x16xf32, #tpu.memory_space<vmem>>
      %dma_wait3A_312 = arith.constant 0 : i32
      %dma_wait3A_313 = tpu.memref_slice %arg6[%run_scoped3A_294, %dma_wait3A_312] : memref<5x128xi32, #tpu.memory_space<vmem>> -> memref<1x128xi32, #tpu.memory_space<vmem>>
      %dma_wait3A_314 = tpu.memref_squeeze %dma_wait3A_313 : memref<1x128xi32, #tpu.memory_space<vmem>> -> memref<128xi32, #tpu.memory_space<vmem>>
      %dma_wait3A_315 = arith.constant 0 : i32
      %dma_wait3A_316 = arith.constant 0 : i32
      %dma_wait3A_317 = tpu.memref_slice %arg7[%dma_wait3A_315, %dma_wait3A_316] : memref<640x16xf32, #tpu.memory_space<vmem_shared>> -> memref<640x16xf32, #tpu.memory_space<vmem_shared>>
      tpu.wait_indirect_dma semaphore(%run_scoped3A_301 : memref<!tpu.dma_semaphore, #tpu.memory_space<semaphore_mem>>) src(%dma_wait3A_311 : memref<128x16xf32, #tpu.memory_space<vmem>>) dst(%dma_wait3A_317 : memref<640x16xf32, #tpu.memory_space<vmem_shared>>)
      tpu.yield
    }) : () -> ()
    %run_scoped3A_295 = arith.constant 2 : i32
    "tpu.region"() ({
      %run_scoped3A_301 = tpu.sem_alloc : memref<!tpu.dma_semaphore, #tpu.memory_space<semaphore_mem>>
      %dma_start3A = arith.constant 256 : i32
      %dma_start3A_302 = arith.constant 0 : i32
      %dma_start3A_303 = tpu.memref_slice %arg5[%dma_start3A, %dma_start3A_302] : memref<640x16xf32, #tpu.memory_space<vmem>> -> memref<128x16xf32, #tpu.memory_space<vmem>>
      %dma_start3A_304 = arith.constant 0 : i32
      %dma_start3A_305 = tpu.memref_slice %arg6[%run_scoped3A_295, %dma_start3A_304] : memref<5x128xi32, #tpu.memory_space<vmem>> -> memref<1x128xi32, #tpu.memory_space<vmem>>
      %dma_start3A_306 = tpu.memref_squeeze %dma_start3A_305 : memref<1x128xi32, #tpu.memory_space<vmem>> -> memref<128xi32, #tpu.memory_space<vmem>>
      %dma_start3A_307 = arith.constant 0 : i32
      %dma_start3A_308 = arith.constant 0 : i32
      %dma_start3A_309 = tpu.memref_slice %arg7[%dma_start3A_307, %dma_start3A_308] : memref<640x16xf32, #tpu.memory_space<vmem_shared>> -> memref<640x16xf32, #tpu.memory_space<vmem_shared>>
      tpu.enqueue_indirect_dma source(%dma_start3A_303 : memref<128x16xf32, #tpu.memory_space<vmem>>) target(%dma_start3A_309 : memref<640x16xf32, #tpu.memory_space<vmem_shared>>) offsets(%dma_start3A_306 : memref<128xi32, #tpu.memory_space<vmem>>) semaphore(%run_scoped3A_301 : memref<!tpu.dma_semaphore, #tpu.memory_space<semaphore_mem>>) {add = true}
      %dma_wait3A = arith.constant 256 : i32
      %dma_wait3A_310 = arith.constant 0 : i32
      %dma_wait3A_311 = tpu.memref_slice %arg5[%dma_wait3A, %dma_wait3A_310] : memref<640x16xf32, #tpu.memory_space<vmem>> -> memref<128x16xf32, #tpu.memory_space<vmem>>
      %dma_wait3A_312 = arith.constant 0 : i32
      %dma_wait3A_313 = tpu.memref_slice %arg6[%run_scoped3A_295, %dma_wait3A_312] : memref<5x128xi32, #tpu.memory_space<vmem>> -> memref<1x128xi32, #tpu.memory_space<vmem>>
      %dma_wait3A_314 = tpu.memref_squeeze %dma_wait3A_313 : memref<1x128xi32, #tpu.memory_space<vmem>> -> memref<128xi32, #tpu.memory_space<vmem>>
      %dma_wait3A_315 = arith.constant 0 : i32
      %dma_wait3A_316 = arith.constant 0 : i32
      %dma_wait3A_317 = tpu.memref_slice %arg7[%dma_wait3A_315, %dma_wait3A_316] : memref<640x16xf32, #tpu.memory_space<vmem_shared>> -> memref<640x16xf32, #tpu.memory_space<vmem_shared>>
      tpu.wait_indirect_dma semaphore(%run_scoped3A_301 : memref<!tpu.dma_semaphore, #tpu.memory_space<semaphore_mem>>) src(%dma_wait3A_311 : memref<128x16xf32, #tpu.memory_space<vmem>>) dst(%dma_wait3A_317 : memref<640x16xf32, #tpu.memory_space<vmem_shared>>)
      tpu.yield
    }) : () -> ()
    %run_scoped3A_296 = arith.constant 3 : i32
    "tpu.region"() ({
      %run_scoped3A_301 = tpu.sem_alloc : memref<!tpu.dma_semaphore, #tpu.memory_space<semaphore_mem>>
      %dma_start3A = arith.constant 384 : i32
      %dma_start3A_302 = arith.constant 0 : i32
      %dma_start3A_303 = tpu.memref_slice %arg5[%dma_start3A, %dma_start3A_302] : memref<640x16xf32, #tpu.memory_space<vmem>> -> memref<128x16xf32, #tpu.memory_space<vmem>>
      %dma_start3A_304 = arith.constant 0 : i32
      %dma_start3A_305 = tpu.memref_slice %arg6[%run_scoped3A_296, %dma_start3A_304] : memref<5x128xi32, #tpu.memory_space<vmem>> -> memref<1x128xi32, #tpu.memory_space<vmem>>
      %dma_start3A_306 = tpu.memref_squeeze %dma_start3A_305 : memref<1x128xi32, #tpu.memory_space<vmem>> -> memref<128xi32, #tpu.memory_space<vmem>>
      %dma_start3A_307 = arith.constant 0 : i32
      %dma_start3A_308 = arith.constant 0 : i32
      %dma_start3A_309 = tpu.memref_slice %arg7[%dma_start3A_307, %dma_start3A_308] : memref<640x16xf32, #tpu.memory_space<vmem_shared>> -> memref<640x16xf32, #tpu.memory_space<vmem_shared>>
      tpu.enqueue_indirect_dma source(%dma_start3A_303 : memref<128x16xf32, #tpu.memory_space<vmem>>) target(%dma_start3A_309 : memref<640x16xf32, #tpu.memory_space<vmem_shared>>) offsets(%dma_start3A_306 : memref<128xi32, #tpu.memory_space<vmem>>) semaphore(%run_scoped3A_301 : memref<!tpu.dma_semaphore, #tpu.memory_space<semaphore_mem>>) {add = true}
      %dma_wait3A = arith.constant 384 : i32
      %dma_wait3A_310 = arith.constant 0 : i32
      %dma_wait3A_311 = tpu.memref_slice %arg5[%dma_wait3A, %dma_wait3A_310] : memref<640x16xf32, #tpu.memory_space<vmem>> -> memref<128x16xf32, #tpu.memory_space<vmem>>
      %dma_wait3A_312 = arith.constant 0 : i32
      %dma_wait3A_313 = tpu.memref_slice %arg6[%run_scoped3A_296, %dma_wait3A_312] : memref<5x128xi32, #tpu.memory_space<vmem>> -> memref<1x128xi32, #tpu.memory_space<vmem>>
      %dma_wait3A_314 = tpu.memref_squeeze %dma_wait3A_313 : memref<1x128xi32, #tpu.memory_space<vmem>> -> memref<128xi32, #tpu.memory_space<vmem>>
      %dma_wait3A_315 = arith.constant 0 : i32
      %dma_wait3A_316 = arith.constant 0 : i32
      %dma_wait3A_317 = tpu.memref_slice %arg7[%dma_wait3A_315, %dma_wait3A_316] : memref<640x16xf32, #tpu.memory_space<vmem_shared>> -> memref<640x16xf32, #tpu.memory_space<vmem_shared>>
      tpu.wait_indirect_dma semaphore(%run_scoped3A_301 : memref<!tpu.dma_semaphore, #tpu.memory_space<semaphore_mem>>) src(%dma_wait3A_311 : memref<128x16xf32, #tpu.memory_space<vmem>>) dst(%dma_wait3A_317 : memref<640x16xf32, #tpu.memory_space<vmem_shared>>)
      tpu.yield
    }) : () -> ()
    %run_scoped3A_297 = arith.constant 4 : i32
    "tpu.region"() ({
      %run_scoped3A_301 = tpu.sem_alloc : memref<!tpu.dma_semaphore, #tpu.memory_space<semaphore_mem>>
      %dma_start3A = arith.constant 512 : i32
      %dma_start3A_302 = arith.constant 0 : i32
      %dma_start3A_303 = tpu.memref_slice %arg5[%dma_start3A, %dma_start3A_302] : memref<640x16xf32, #tpu.memory_space<vmem>> -> memref<128x16xf32, #tpu.memory_space<vmem>>
      %dma_start3A_304 = arith.constant 0 : i32
      %dma_start3A_305 = tpu.memref_slice %arg6[%run_scoped3A_297, %dma_start3A_304] : memref<5x128xi32, #tpu.memory_space<vmem>> -> memref<1x128xi32, #tpu.memory_space<vmem>>
      %dma_start3A_306 = tpu.memref_squeeze %dma_start3A_305 : memref<1x128xi32, #tpu.memory_space<vmem>> -> memref<128xi32, #tpu.memory_space<vmem>>
      %dma_start3A_307 = arith.constant 0 : i32
      %dma_start3A_308 = arith.constant 0 : i32
      %dma_start3A_309 = tpu.memref_slice %arg7[%dma_start3A_307, %dma_start3A_308] : memref<640x16xf32, #tpu.memory_space<vmem_shared>> -> memref<640x16xf32, #tpu.memory_space<vmem_shared>>
      tpu.enqueue_indirect_dma source(%dma_start3A_303 : memref<128x16xf32, #tpu.memory_space<vmem>>) target(%dma_start3A_309 : memref<640x16xf32, #tpu.memory_space<vmem_shared>>) offsets(%dma_start3A_306 : memref<128xi32, #tpu.memory_space<vmem>>) semaphore(%run_scoped3A_301 : memref<!tpu.dma_semaphore, #tpu.memory_space<semaphore_mem>>) {add = true}
      %dma_wait3A = arith.constant 512 : i32
      %dma_wait3A_310 = arith.constant 0 : i32
      %dma_wait3A_311 = tpu.memref_slice %arg5[%dma_wait3A, %dma_wait3A_310] : memref<640x16xf32, #tpu.memory_space<vmem>> -> memref<128x16xf32, #tpu.memory_space<vmem>>
      %dma_wait3A_312 = arith.constant 0 : i32
      %dma_wait3A_313 = tpu.memref_slice %arg6[%run_scoped3A_297, %dma_wait3A_312] : memref<5x128xi32, #tpu.memory_space<vmem>> -> memref<1x128xi32, #tpu.memory_space<vmem>>
      %dma_wait3A_314 = tpu.memref_squeeze %dma_wait3A_313 : memref<1x128xi32, #tpu.memory_space<vmem>> -> memref<128xi32, #tpu.memory_space<vmem>>
      %dma_wait3A_315 = arith.constant 0 : i32
      %dma_wait3A_316 = arith.constant 0 : i32
      %dma_wait3A_317 = tpu.memref_slice %arg7[%dma_wait3A_315, %dma_wait3A_316] : memref<640x16xf32, #tpu.memory_space<vmem_shared>> -> memref<640x16xf32, #tpu.memory_space<vmem_shared>>
      tpu.wait_indirect_dma semaphore(%run_scoped3A_301 : memref<!tpu.dma_semaphore, #tpu.memory_space<semaphore_mem>>) src(%dma_wait3A_311 : memref<128x16xf32, #tpu.memory_space<vmem>>) dst(%dma_wait3A_317 : memref<640x16xf32, #tpu.memory_space<vmem_shared>>)
      tpu.yield
    }) : () -> ()
    %barrier3A_298 = arith.constant 0 : index
    tpu.barrier barrier_id(%barrier3A_298)
    %eq3A = arith.constant 0 : i32
    %eq3A_299 = arith.cmpi eq, %arg1, %eq3A : i32
    %convert_element_type3A = arith.extui %eq3A_299 : i1 to i32
    %cond3A = arith.constant 0 : i32
    %cond3A_300 = arith.cmpi ne, %convert_element_type3A, %cond3A : i32
    scf.if %cond3A_300 {
      "tpu.region"() ({
        %run_scoped3A_301 = tpu.sem_alloc : memref<!tpu.dma_semaphore, #tpu.memory_space<semaphore_mem>>
        %dma_start3A = arith.constant 0 : i32
        %dma_start3A_302 = arith.constant 0 : i32
        %dma_start3A_303 = tpu.memref_slice %arg3[%arg0, %dma_start3A, %dma_start3A_302] : memref<2x640x16xf32, #tpu.memory_space<hbm>> -> memref<1x640x16xf32, #tpu.memory_space<hbm>>
        %dma_start3A_304 = tpu.memref_squeeze %dma_start3A_303 : memref<1x640x16xf32, #tpu.memory_space<hbm>> -> memref<640x16xf32, #tpu.memory_space<hbm>>
        tpu.enqueue_dma source(%arg7 : memref<640x16xf32, #tpu.memory_space<vmem_shared>>) target(%dma_start3A_304 : memref<640x16xf32, #tpu.memory_space<hbm>>) target_semaphore(%run_scoped3A_301 : memref<!tpu.dma_semaphore, #tpu.memory_space<semaphore_mem>>)
        %dma_wait3A = arith.constant 0 : i32
        %dma_wait3A_305 = arith.constant 0 : i32
        %dma_wait3A_306 = tpu.memref_slice %arg3[%arg0, %dma_wait3A, %dma_wait3A_305] : memref<2x640x16xf32, #tpu.memory_space<hbm>> -> memref<1x640x16xf32, #tpu.memory_space<hbm>>
        %dma_wait3A_307 = tpu.memref_squeeze %dma_wait3A_306 : memref<1x640x16xf32, #tpu.memory_space<hbm>> -> memref<640x16xf32, #tpu.memory_space<hbm>>
        tpu.wait_dma2 semaphore(%run_scoped3A_301 : memref<!tpu.dma_semaphore, #tpu.memory_space<semaphore_mem>>) src(%arg7 : memref<640x16xf32, #tpu.memory_space<vmem_shared>>) dst(%dma_wait3A_307 : memref<640x16xf32, #tpu.memory_space<hbm>>)
        tpu.yield
      }) : () -> ()
    } else {
    }
    return
  }
}

#map = affine_map<(d0, d1) -> (0, 0)>
#map1 = affine_map<(d0, d1) -> (0, 0, 0)>
module attributes {stable_mosaic.version = 14 : i64} {
  func.func @_agg_kernel(%arg0: i32, %arg1: i32, %arg2: memref<10000x128xf32, #tpu.memory_space<hbm>>, %arg3: memref<32x416x24xi32, #tpu.memory_space<hbm>>, %arg4: memref<32x416x24xi32, #tpu.memory_space<hbm>>, %arg5: memref<32x1x16xi32, #tpu.memory_space<hbm>>, %arg6: memref<32x1x16xi32, #tpu.memory_space<hbm>>, %arg7: memref<2x10000x128xf32, #tpu.memory_space<hbm>>, %arg8: memref<416x24xi32, #tpu.memory_space<vmem>>, %arg9: memref<416x24xi32, #tpu.memory_space<vmem>>, %arg10: memref<1x16xi32, #tpu.memory_space<vmem>>, %arg11: memref<1x16xi32, #tpu.memory_space<vmem>>, %arg12: memref<10000x128xf32, #tpu.memory_space<vmem_shared>>, %arg13: memref<24x128xf32, #tpu.memory_space<vmem>>, %arg14: memref<24x128xf32, #tpu.memory_space<vmem>>, %arg15: memref<24x128xf32, #tpu.memory_space<vmem>>, %arg16: memref<24x128xf32, #tpu.memory_space<vmem>>, %arg17: memref<24x128xf32, #tpu.memory_space<vmem>>, %arg18: memref<24x128xf32, #tpu.memory_space<vmem>>, %arg19: memref<24x128xf32, #tpu.memory_space<vmem>>, %arg20: memref<24x128xf32, #tpu.memory_space<vmem>>, %arg21: memref<!tpu.dma_semaphore, #tpu.memory_space<semaphore_mem>>, %arg22: memref<!tpu.dma_semaphore, #tpu.memory_space<semaphore_mem>>, %arg23: memref<!tpu.dma_semaphore, #tpu.memory_space<semaphore_mem>>, %arg24: memref<!tpu.dma_semaphore, #tpu.memory_space<semaphore_mem>>, %arg25: memref<!tpu.dma_semaphore, #tpu.memory_space<semaphore_mem>>, %arg26: memref<!tpu.dma_semaphore, #tpu.memory_space<semaphore_mem>>, %arg27: memref<!tpu.dma_semaphore, #tpu.memory_space<semaphore_mem>>, %arg28: memref<!tpu.dma_semaphore, #tpu.memory_space<semaphore_mem>>) attributes {dimension_semantics = [#tpu.dimension_semantics<core_parallel>, #tpu.dimension_semantics<subcore_parallel>], iteration_bounds = array<i64: 2, 16>, scalar_prefetch = 0 : i64, scratch_operands = 21 : i64, tpu.core_type = #tpu.core_type<sc_vector_subcore>, window_params = [{transform_indices = #map}, {transform_indices = #map1}, {transform_indices = #map1}, {transform_indices = #map1}, {transform_indices = #map1}, {transform_indices = #map1}]} {
    %mul3A = arith.constant 16 : i32
    %mul3A_0 = arith.muli %arg0, %mul3A : i32
    %add3A = arith.addi %mul3A_0, %arg1 : i32
    "tpu.region"() ({
      %run_scoped3A_206 = tpu.sem_alloc : memref<!tpu.dma_semaphore, #tpu.memory_space<semaphore_mem>>
      %dma_start3A_207 = arith.constant 0 : i32
      %dma_start3A_208 = arith.constant 0 : i32
      %dma_start3A_209 = tpu.memref_slice %arg3[%add3A, %dma_start3A_207, %dma_start3A_208] : memref<32x416x24xi32, #tpu.memory_space<hbm>> -> memref<1x416x24xi32, #tpu.memory_space<hbm>>
      %dma_start3A_210 = tpu.memref_squeeze %dma_start3A_209 : memref<1x416x24xi32, #tpu.memory_space<hbm>> -> memref<416x24xi32, #tpu.memory_space<hbm>>
      %dma_start3A_211 = arith.constant 0 : i32
      %dma_start3A_212 = arith.constant 0 : i32
      %dma_start3A_213 = tpu.memref_slice %arg3[%add3A, %dma_start3A_211, %dma_start3A_212] : memref<32x416x24xi32, #tpu.memory_space<hbm>> -> memref<1x416x24xi32, #tpu.memory_space<hbm>>
      %dma_start3A_214 = tpu.memref_squeeze %dma_start3A_213 : memref<1x416x24xi32, #tpu.memory_space<hbm>> -> memref<416x24xi32, #tpu.memory_space<hbm>>
      tpu.enqueue_dma source(%dma_start3A_214 : memref<416x24xi32, #tpu.memory_space<hbm>>) target(%arg8 : memref<416x24xi32, #tpu.memory_space<vmem>>) target_semaphore(%run_scoped3A_206 : memref<!tpu.dma_semaphore, #tpu.memory_space<semaphore_mem>>)
      %dma_wait3A_215 = arith.constant 0 : i32
      %dma_wait3A_216 = arith.constant 0 : i32
      %dma_wait3A_217 = tpu.memref_slice %arg3[%add3A, %dma_wait3A_215, %dma_wait3A_216] : memref<32x416x24xi32, #tpu.memory_space<hbm>> -> memref<1x416x24xi32, #tpu.memory_space<hbm>>
      %dma_wait3A_218 = tpu.memref_squeeze %dma_wait3A_217 : memref<1x416x24xi32, #tpu.memory_space<hbm>> -> memref<416x24xi32, #tpu.memory_space<hbm>>
      %dma_wait3A_219 = arith.constant 0 : i32
      %dma_wait3A_220 = arith.constant 0 : i32
      %dma_wait3A_221 = tpu.memref_slice %arg3[%add3A, %dma_wait3A_219, %dma_wait3A_220] : memref<32x416x24xi32, #tpu.memory_space<hbm>> -> memref<1x416x24xi32, #tpu.memory_space<hbm>>
      %dma_wait3A_222 = tpu.memref_squeeze %dma_wait3A_221 : memref<1x416x24xi32, #tpu.memory_space<hbm>> -> memref<416x24xi32, #tpu.memory_space<hbm>>
      tpu.wait_dma2 semaphore(%run_scoped3A_206 : memref<!tpu.dma_semaphore, #tpu.memory_space<semaphore_mem>>) src(%dma_wait3A_222 : memref<416x24xi32, #tpu.memory_space<hbm>>) dst(%arg8 : memref<416x24xi32, #tpu.memory_space<vmem>>)
      tpu.yield
    }) : () -> ()
    "tpu.region"() ({
      %run_scoped3A_206 = tpu.sem_alloc : memref<!tpu.dma_semaphore, #tpu.memory_space<semaphore_mem>>
      %dma_start3A_207 = arith.constant 0 : i32
      %dma_start3A_208 = arith.constant 0 : i32
      %dma_start3A_209 = tpu.memref_slice %arg4[%add3A, %dma_start3A_207, %dma_start3A_208] : memref<32x416x24xi32, #tpu.memory_space<hbm>> -> memref<1x416x24xi32, #tpu.memory_space<hbm>>
      %dma_start3A_210 = tpu.memref_squeeze %dma_start3A_209 : memref<1x416x24xi32, #tpu.memory_space<hbm>> -> memref<416x24xi32, #tpu.memory_space<hbm>>
      %dma_start3A_211 = arith.constant 0 : i32
      %dma_start3A_212 = arith.constant 0 : i32
      %dma_start3A_213 = tpu.memref_slice %arg4[%add3A, %dma_start3A_211, %dma_start3A_212] : memref<32x416x24xi32, #tpu.memory_space<hbm>> -> memref<1x416x24xi32, #tpu.memory_space<hbm>>
      %dma_start3A_214 = tpu.memref_squeeze %dma_start3A_213 : memref<1x416x24xi32, #tpu.memory_space<hbm>> -> memref<416x24xi32, #tpu.memory_space<hbm>>
      tpu.enqueue_dma source(%dma_start3A_214 : memref<416x24xi32, #tpu.memory_space<hbm>>) target(%arg9 : memref<416x24xi32, #tpu.memory_space<vmem>>) target_semaphore(%run_scoped3A_206 : memref<!tpu.dma_semaphore, #tpu.memory_space<semaphore_mem>>)
      %dma_wait3A_215 = arith.constant 0 : i32
      %dma_wait3A_216 = arith.constant 0 : i32
      %dma_wait3A_217 = tpu.memref_slice %arg4[%add3A, %dma_wait3A_215, %dma_wait3A_216] : memref<32x416x24xi32, #tpu.memory_space<hbm>> -> memref<1x416x24xi32, #tpu.memory_space<hbm>>
      %dma_wait3A_218 = tpu.memref_squeeze %dma_wait3A_217 : memref<1x416x24xi32, #tpu.memory_space<hbm>> -> memref<416x24xi32, #tpu.memory_space<hbm>>
      %dma_wait3A_219 = arith.constant 0 : i32
      %dma_wait3A_220 = arith.constant 0 : i32
      %dma_wait3A_221 = tpu.memref_slice %arg4[%add3A, %dma_wait3A_219, %dma_wait3A_220] : memref<32x416x24xi32, #tpu.memory_space<hbm>> -> memref<1x416x24xi32, #tpu.memory_space<hbm>>
      %dma_wait3A_222 = tpu.memref_squeeze %dma_wait3A_221 : memref<1x416x24xi32, #tpu.memory_space<hbm>> -> memref<416x24xi32, #tpu.memory_space<hbm>>
      tpu.wait_dma2 semaphore(%run_scoped3A_206 : memref<!tpu.dma_semaphore, #tpu.memory_space<semaphore_mem>>) src(%dma_wait3A_222 : memref<416x24xi32, #tpu.memory_space<hbm>>) dst(%arg9 : memref<416x24xi32, #tpu.memory_space<vmem>>)
      tpu.yield
    }) : () -> ()
    "tpu.region"() ({
      %run_scoped3A_206 = tpu.sem_alloc : memref<!tpu.dma_semaphore, #tpu.memory_space<semaphore_mem>>
      %dma_start3A_207 = arith.constant 0 : i32
      %dma_start3A_208 = arith.constant 0 : i32
      %dma_start3A_209 = tpu.memref_slice %arg5[%add3A, %dma_start3A_207, %dma_start3A_208] : memref<32x1x16xi32, #tpu.memory_space<hbm>> -> memref<1x1x16xi32, #tpu.memory_space<hbm>>
      %dma_start3A_210 = tpu.memref_squeeze %dma_start3A_209 : memref<1x1x16xi32, #tpu.memory_space<hbm>> -> memref<1x16xi32, #tpu.memory_space<hbm>>
      %dma_start3A_211 = arith.constant 0 : i32
      %dma_start3A_212 = arith.constant 0 : i32
      %dma_start3A_213 = tpu.memref_slice %arg5[%add3A, %dma_start3A_211, %dma_start3A_212] : memref<32x1x16xi32, #tpu.memory_space<hbm>> -> memref<1x1x16xi32, #tpu.memory_space<hbm>>
      %dma_start3A_214 = tpu.memref_squeeze %dma_start3A_213 : memref<1x1x16xi32, #tpu.memory_space<hbm>> -> memref<1x16xi32, #tpu.memory_space<hbm>>
      tpu.enqueue_dma source(%dma_start3A_214 : memref<1x16xi32, #tpu.memory_space<hbm>>) target(%arg10 : memref<1x16xi32, #tpu.memory_space<vmem>>) target_semaphore(%run_scoped3A_206 : memref<!tpu.dma_semaphore, #tpu.memory_space<semaphore_mem>>)
      %dma_wait3A_215 = arith.constant 0 : i32
      %dma_wait3A_216 = arith.constant 0 : i32
      %dma_wait3A_217 = tpu.memref_slice %arg5[%add3A, %dma_wait3A_215, %dma_wait3A_216] : memref<32x1x16xi32, #tpu.memory_space<hbm>> -> memref<1x1x16xi32, #tpu.memory_space<hbm>>
      %dma_wait3A_218 = tpu.memref_squeeze %dma_wait3A_217 : memref<1x1x16xi32, #tpu.memory_space<hbm>> -> memref<1x16xi32, #tpu.memory_space<hbm>>
      %dma_wait3A_219 = arith.constant 0 : i32
      %dma_wait3A_220 = arith.constant 0 : i32
      %dma_wait3A_221 = tpu.memref_slice %arg5[%add3A, %dma_wait3A_219, %dma_wait3A_220] : memref<32x1x16xi32, #tpu.memory_space<hbm>> -> memref<1x1x16xi32, #tpu.memory_space<hbm>>
      %dma_wait3A_222 = tpu.memref_squeeze %dma_wait3A_221 : memref<1x1x16xi32, #tpu.memory_space<hbm>> -> memref<1x16xi32, #tpu.memory_space<hbm>>
      tpu.wait_dma2 semaphore(%run_scoped3A_206 : memref<!tpu.dma_semaphore, #tpu.memory_space<semaphore_mem>>) src(%dma_wait3A_222 : memref<1x16xi32, #tpu.memory_space<hbm>>) dst(%arg10 : memref<1x16xi32, #tpu.memory_space<vmem>>)
      tpu.yield
    }) : () -> ()
    "tpu.region"() ({
      %run_scoped3A_206 = tpu.sem_alloc : memref<!tpu.dma_semaphore, #tpu.memory_space<semaphore_mem>>
      %dma_start3A_207 = arith.constant 0 : i32
      %dma_start3A_208 = arith.constant 0 : i32
      %dma_start3A_209 = tpu.memref_slice %arg6[%add3A, %dma_start3A_207, %dma_start3A_208] : memref<32x1x16xi32, #tpu.memory_space<hbm>> -> memref<1x1x16xi32, #tpu.memory_space<hbm>>
      %dma_start3A_210 = tpu.memref_squeeze %dma_start3A_209 : memref<1x1x16xi32, #tpu.memory_space<hbm>> -> memref<1x16xi32, #tpu.memory_space<hbm>>
      %dma_start3A_211 = arith.constant 0 : i32
      %dma_start3A_212 = arith.constant 0 : i32
      %dma_start3A_213 = tpu.memref_slice %arg6[%add3A, %dma_start3A_211, %dma_start3A_212] : memref<32x1x16xi32, #tpu.memory_space<hbm>> -> memref<1x1x16xi32, #tpu.memory_space<hbm>>
      %dma_start3A_214 = tpu.memref_squeeze %dma_start3A_213 : memref<1x1x16xi32, #tpu.memory_space<hbm>> -> memref<1x16xi32, #tpu.memory_space<hbm>>
      tpu.enqueue_dma source(%dma_start3A_214 : memref<1x16xi32, #tpu.memory_space<hbm>>) target(%arg11 : memref<1x16xi32, #tpu.memory_space<vmem>>) target_semaphore(%run_scoped3A_206 : memref<!tpu.dma_semaphore, #tpu.memory_space<semaphore_mem>>)
      %dma_wait3A_215 = arith.constant 0 : i32
      %dma_wait3A_216 = arith.constant 0 : i32
      %dma_wait3A_217 = tpu.memref_slice %arg6[%add3A, %dma_wait3A_215, %dma_wait3A_216] : memref<32x1x16xi32, #tpu.memory_space<hbm>> -> memref<1x1x16xi32, #tpu.memory_space<hbm>>
      %dma_wait3A_218 = tpu.memref_squeeze %dma_wait3A_217 : memref<1x1x16xi32, #tpu.memory_space<hbm>> -> memref<1x16xi32, #tpu.memory_space<hbm>>
      %dma_wait3A_219 = arith.constant 0 : i32
      %dma_wait3A_220 = arith.constant 0 : i32
      %dma_wait3A_221 = tpu.memref_slice %arg6[%add3A, %dma_wait3A_219, %dma_wait3A_220] : memref<32x1x16xi32, #tpu.memory_space<hbm>> -> memref<1x1x16xi32, #tpu.memory_space<hbm>>
      %dma_wait3A_222 = tpu.memref_squeeze %dma_wait3A_221 : memref<1x1x16xi32, #tpu.memory_space<hbm>> -> memref<1x16xi32, #tpu.memory_space<hbm>>
      tpu.wait_dma2 semaphore(%run_scoped3A_206 : memref<!tpu.dma_semaphore, #tpu.memory_space<semaphore_mem>>) src(%dma_wait3A_222 : memref<1x16xi32, #tpu.memory_space<hbm>>) dst(%arg11 : memref<1x16xi32, #tpu.memory_space<vmem>>)
      tpu.yield
    }) : () -> ()
    %dma_start3A = arith.constant 0 : i32
    %dma_start3A_1 = arith.constant 0 : i32
    %dma_start3A_2 = tpu.memref_slice %arg8[%dma_start3A, %dma_start3A_1] : memref<416x24xi32, #tpu.memory_space<vmem>> -> memref<1x24xi32, #tpu.memory_space<vmem>>
    %dma_start3A_3 = tpu.memref_squeeze %dma_start3A_2 : memref<1x24xi32, #tpu.memory_space<vmem>> -> memref<24xi32, #tpu.memory_space<vmem>>
    %dma_start3A_4 = arith.constant 0 : i32
    %dma_start3A_5 = arith.constant 0 : i32
    %dma_start3A_6 = tpu.memref_slice %arg2[%dma_start3A_4, %dma_start3A_5] : memref<10000x128xf32, #tpu.memory_space<hbm>> -> memref<10000x128xf32, #tpu.memory_space<hbm>>
    tpu.enqueue_indirect_dma source(%dma_start3A_6 : memref<10000x128xf32, #tpu.memory_space<hbm>>) target(%arg13 : memref<24x128xf32, #tpu.memory_space<vmem>>) offsets(%dma_start3A_3 : memref<24xi32, #tpu.memory_space<vmem>>) semaphore(%arg21 : memref<!tpu.dma_semaphore, #tpu.memory_space<semaphore_mem>>)
    %dma_start3A_7 = arith.constant 1 : i32
    %dma_start3A_8 = arith.constant 0 : i32
    %dma_start3A_9 = tpu.memref_slice %arg8[%dma_start3A_7, %dma_start3A_8] : memref<416x24xi32, #tpu.memory_space<vmem>> -> memref<1x24xi32, #tpu.memory_space<vmem>>
    %dma_start3A_10 = tpu.memref_squeeze %dma_start3A_9 : memref<1x24xi32, #tpu.memory_space<vmem>> -> memref<24xi32, #tpu.memory_space<vmem>>
    %dma_start3A_11 = arith.constant 0 : i32
    %dma_start3A_12 = arith.constant 0 : i32
    %dma_start3A_13 = tpu.memref_slice %arg2[%dma_start3A_11, %dma_start3A_12] : memref<10000x128xf32, #tpu.memory_space<hbm>> -> memref<10000x128xf32, #tpu.memory_space<hbm>>
    tpu.enqueue_indirect_dma source(%dma_start3A_13 : memref<10000x128xf32, #tpu.memory_space<hbm>>) target(%arg14 : memref<24x128xf32, #tpu.memory_space<vmem>>) offsets(%dma_start3A_10 : memref<24xi32, #tpu.memory_space<vmem>>) semaphore(%arg22 : memref<!tpu.dma_semaphore, #tpu.memory_space<semaphore_mem>>)
    %dma_start3A_14 = arith.constant 2 : i32
    %dma_start3A_15 = arith.constant 0 : i32
    %dma_start3A_16 = tpu.memref_slice %arg8[%dma_start3A_14, %dma_start3A_15] : memref<416x24xi32, #tpu.memory_space<vmem>> -> memref<1x24xi32, #tpu.memory_space<vmem>>
    %dma_start3A_17 = tpu.memref_squeeze %dma_start3A_16 : memref<1x24xi32, #tpu.memory_space<vmem>> -> memref<24xi32, #tpu.memory_space<vmem>>
    %dma_start3A_18 = arith.constant 0 : i32
    %dma_start3A_19 = arith.constant 0 : i32
    %dma_start3A_20 = tpu.memref_slice %arg2[%dma_start3A_18, %dma_start3A_19] : memref<10000x128xf32, #tpu.memory_space<hbm>> -> memref<10000x128xf32, #tpu.memory_space<hbm>>
    tpu.enqueue_indirect_dma source(%dma_start3A_20 : memref<10000x128xf32, #tpu.memory_space<hbm>>) target(%arg15 : memref<24x128xf32, #tpu.memory_space<vmem>>) offsets(%dma_start3A_17 : memref<24xi32, #tpu.memory_space<vmem>>) semaphore(%arg23 : memref<!tpu.dma_semaphore, #tpu.memory_space<semaphore_mem>>)
    %dma_start3A_21 = arith.constant 3 : i32
    %dma_start3A_22 = arith.constant 0 : i32
    %dma_start3A_23 = tpu.memref_slice %arg8[%dma_start3A_21, %dma_start3A_22] : memref<416x24xi32, #tpu.memory_space<vmem>> -> memref<1x24xi32, #tpu.memory_space<vmem>>
    %dma_start3A_24 = tpu.memref_squeeze %dma_start3A_23 : memref<1x24xi32, #tpu.memory_space<vmem>> -> memref<24xi32, #tpu.memory_space<vmem>>
    %dma_start3A_25 = arith.constant 0 : i32
    %dma_start3A_26 = arith.constant 0 : i32
    %dma_start3A_27 = tpu.memref_slice %arg2[%dma_start3A_25, %dma_start3A_26] : memref<10000x128xf32, #tpu.memory_space<hbm>> -> memref<10000x128xf32, #tpu.memory_space<hbm>>
    tpu.enqueue_indirect_dma source(%dma_start3A_27 : memref<10000x128xf32, #tpu.memory_space<hbm>>) target(%arg16 : memref<24x128xf32, #tpu.memory_space<vmem>>) offsets(%dma_start3A_24 : memref<24xi32, #tpu.memory_space<vmem>>) semaphore(%arg24 : memref<!tpu.dma_semaphore, #tpu.memory_space<semaphore_mem>>)
    %dma_start3A_28 = arith.constant 4 : i32
    %dma_start3A_29 = arith.constant 0 : i32
    %dma_start3A_30 = tpu.memref_slice %arg8[%dma_start3A_28, %dma_start3A_29] : memref<416x24xi32, #tpu.memory_space<vmem>> -> memref<1x24xi32, #tpu.memory_space<vmem>>
    %dma_start3A_31 = tpu.memref_squeeze %dma_start3A_30 : memref<1x24xi32, #tpu.memory_space<vmem>> -> memref<24xi32, #tpu.memory_space<vmem>>
    %dma_start3A_32 = arith.constant 0 : i32
    %dma_start3A_33 = arith.constant 0 : i32
    %dma_start3A_34 = tpu.memref_slice %arg2[%dma_start3A_32, %dma_start3A_33] : memref<10000x128xf32, #tpu.memory_space<hbm>> -> memref<10000x128xf32, #tpu.memory_space<hbm>>
    tpu.enqueue_indirect_dma source(%dma_start3A_34 : memref<10000x128xf32, #tpu.memory_space<hbm>>) target(%arg17 : memref<24x128xf32, #tpu.memory_space<vmem>>) offsets(%dma_start3A_31 : memref<24xi32, #tpu.memory_space<vmem>>) semaphore(%arg25 : memref<!tpu.dma_semaphore, #tpu.memory_space<semaphore_mem>>)
    %dma_start3A_35 = arith.constant 5 : i32
    %dma_start3A_36 = arith.constant 0 : i32
    %dma_start3A_37 = tpu.memref_slice %arg8[%dma_start3A_35, %dma_start3A_36] : memref<416x24xi32, #tpu.memory_space<vmem>> -> memref<1x24xi32, #tpu.memory_space<vmem>>
    %dma_start3A_38 = tpu.memref_squeeze %dma_start3A_37 : memref<1x24xi32, #tpu.memory_space<vmem>> -> memref<24xi32, #tpu.memory_space<vmem>>
    %dma_start3A_39 = arith.constant 0 : i32
    %dma_start3A_40 = arith.constant 0 : i32
    %dma_start3A_41 = tpu.memref_slice %arg2[%dma_start3A_39, %dma_start3A_40] : memref<10000x128xf32, #tpu.memory_space<hbm>> -> memref<10000x128xf32, #tpu.memory_space<hbm>>
    tpu.enqueue_indirect_dma source(%dma_start3A_41 : memref<10000x128xf32, #tpu.memory_space<hbm>>) target(%arg18 : memref<24x128xf32, #tpu.memory_space<vmem>>) offsets(%dma_start3A_38 : memref<24xi32, #tpu.memory_space<vmem>>) semaphore(%arg26 : memref<!tpu.dma_semaphore, #tpu.memory_space<semaphore_mem>>)
    %dma_start3A_42 = arith.constant 6 : i32
    %dma_start3A_43 = arith.constant 0 : i32
    %dma_start3A_44 = tpu.memref_slice %arg8[%dma_start3A_42, %dma_start3A_43] : memref<416x24xi32, #tpu.memory_space<vmem>> -> memref<1x24xi32, #tpu.memory_space<vmem>>
    %dma_start3A_45 = tpu.memref_squeeze %dma_start3A_44 : memref<1x24xi32, #tpu.memory_space<vmem>> -> memref<24xi32, #tpu.memory_space<vmem>>
    %dma_start3A_46 = arith.constant 0 : i32
    %dma_start3A_47 = arith.constant 0 : i32
    %dma_start3A_48 = tpu.memref_slice %arg2[%dma_start3A_46, %dma_start3A_47] : memref<10000x128xf32, #tpu.memory_space<hbm>> -> memref<10000x128xf32, #tpu.memory_space<hbm>>
    tpu.enqueue_indirect_dma source(%dma_start3A_48 : memref<10000x128xf32, #tpu.memory_space<hbm>>) target(%arg19 : memref<24x128xf32, #tpu.memory_space<vmem>>) offsets(%dma_start3A_45 : memref<24xi32, #tpu.memory_space<vmem>>) semaphore(%arg27 : memref<!tpu.dma_semaphore, #tpu.memory_space<semaphore_mem>>)
    %broadcast_in_dim3A = arith.constant 0.000000e+00 : f32
    %broadcast_in_dim3A_49 = vector.broadcast %broadcast_in_dim3A : f32 to vector<16xf32>
    %scan3A = arith.constant 0 : i32
    %scan3A_50 = arith.constant 24 : i32
    %scan3A_51 = arith.addi %scan3A, %scan3A_50 : i32
    %scan3A_52 = arith.constant 1 : i32
    scf.for %scan3A_206 = %scan3A to %scan3A_51 step %scan3A_52  : i32 {
      %mul3A_207 = arith.constant 1 : i32
      %mul3A_208 = arith.muli %scan3A_206, %mul3A_207 : i32
      %add3A_209 = arith.constant 0 : i32
      %add3A_210 = arith.addi %add3A_209, %mul3A_208 : i32
      %swap3A = arith.index_cast %add3A_210 : i32 to index
      %swap3A_211 = arith.constant 0 : index
      %swap3A_212 = tpu.vector_load %arg20[%swap3A, %swap3A_211] {strides = array<i32>} : memref<24x128xf32, #tpu.memory_space<vmem>>, vector<16xf32>,
      tpu.vector_store %arg20[%swap3A, %swap3A_211], %broadcast_in_dim3A_49 {strides = array<i32>} : memref<24x128xf32, #tpu.memory_space<vmem>>, vector<16xf32>,
      %swap3A_213 = arith.index_cast %add3A_210 : i32 to index
      %swap3A_214 = arith.constant 16 : index
      %swap3A_215 = tpu.vector_load %arg20[%swap3A_213, %swap3A_214] {strides = array<i32>} : memref<24x128xf32, #tpu.memory_space<vmem>>, vector<16xf32>,
      tpu.vector_store %arg20[%swap3A_213, %swap3A_214], %broadcast_in_dim3A_49 {strides = array<i32>} : memref<24x128xf32, #tpu.memory_space<vmem>>, vector<16xf32>,
      %swap3A_216 = arith.index_cast %add3A_210 : i32 to index
      %swap3A_217 = arith.constant 32 : index
      %swap3A_218 = tpu.vector_load %arg20[%swap3A_216, %swap3A_217] {strides = array<i32>} : memref<24x128xf32, #tpu.memory_space<vmem>>, vector<16xf32>,
      tpu.vector_store %arg20[%swap3A_216, %swap3A_217], %broadcast_in_dim3A_49 {strides = array<i32>} : memref<24x128xf32, #tpu.memory_space<vmem>>, vector<16xf32>,
      %swap3A_219 = arith.index_cast %add3A_210 : i32 to index
      %swap3A_220 = arith.constant 48 : index
      %swap3A_221 = tpu.vector_load %arg20[%swap3A_219, %swap3A_220] {strides = array<i32>} : memref<24x128xf32, #tpu.memory_space<vmem>>, vector<16xf32>,
      tpu.vector_store %arg20[%swap3A_219, %swap3A_220], %broadcast_in_dim3A_49 {strides = array<i32>} : memref<24x128xf32, #tpu.memory_space<vmem>>, vector<16xf32>,
      %swap3A_222 = arith.index_cast %add3A_210 : i32 to index
      %swap3A_223 = arith.constant 64 : index
      %swap3A_224 = tpu.vector_load %arg20[%swap3A_222, %swap3A_223] {strides = array<i32>} : memref<24x128xf32, #tpu.memory_space<vmem>>, vector<16xf32>,
      tpu.vector_store %arg20[%swap3A_222, %swap3A_223], %broadcast_in_dim3A_49 {strides = array<i32>} : memref<24x128xf32, #tpu.memory_space<vmem>>, vector<16xf32>,
      %swap3A_225 = arith.index_cast %add3A_210 : i32 to index
      %swap3A_226 = arith.constant 80 : index
      %swap3A_227 = tpu.vector_load %arg20[%swap3A_225, %swap3A_226] {strides = array<i32>} : memref<24x128xf32, #tpu.memory_space<vmem>>, vector<16xf32>,
      tpu.vector_store %arg20[%swap3A_225, %swap3A_226], %broadcast_in_dim3A_49 {strides = array<i32>} : memref<24x128xf32, #tpu.memory_space<vmem>>, vector<16xf32>,
      %swap3A_228 = arith.index_cast %add3A_210 : i32 to index
      %swap3A_229 = arith.constant 96 : index
      %swap3A_230 = tpu.vector_load %arg20[%swap3A_228, %swap3A_229] {strides = array<i32>} : memref<24x128xf32, #tpu.memory_space<vmem>>, vector<16xf32>,
      tpu.vector_store %arg20[%swap3A_228, %swap3A_229], %broadcast_in_dim3A_49 {strides = array<i32>} : memref<24x128xf32, #tpu.memory_space<vmem>>, vector<16xf32>,
      %swap3A_231 = arith.index_cast %add3A_210 : i32 to index
      %swap3A_232 = arith.constant 112 : index
      %swap3A_233 = tpu.vector_load %arg20[%swap3A_231, %swap3A_232] {strides = array<i32>} : memref<24x128xf32, #tpu.memory_space<vmem>>, vector<16xf32>,
      tpu.vector_store %arg20[%swap3A_231, %swap3A_232], %broadcast_in_dim3A_49 {strides = array<i32>} : memref<24x128xf32, #tpu.memory_space<vmem>>, vector<16xf32>,
    }
    %scan3A_53 = arith.constant 24 : i32
    %mul3A_54 = arith.constant 624 : i32
    %mul3A_55 = arith.muli %arg1, %mul3A_54 : i32
    %add3A_56 = arith.constant 0 : i32
    %add3A_57 = arith.addi %mul3A_55, %add3A_56 : i32
    "tpu.region"() ({
      %run_scoped3A_206 = tpu.sem_alloc : memref<!tpu.dma_semaphore, #tpu.memory_space<semaphore_mem>>
      %dma_start3A_207 = arith.constant 0 : i32
      %dma_start3A_208 = tpu.memref_slice %arg12[%add3A_57, %dma_start3A_207] : memref<10000x128xf32, #tpu.memory_space<vmem_shared>> -> memref<24x128xf32, #tpu.memory_space<vmem_shared>>
      %dma_start3A_209 = arith.constant 0 : i32
      %dma_start3A_210 = tpu.memref_slice %arg12[%add3A_57, %dma_start3A_209] : memref<10000x128xf32, #tpu.memory_space<vmem_shared>> -> memref<24x128xf32, #tpu.memory_space<vmem_shared>>
      tpu.enqueue_dma source(%arg20 : memref<24x128xf32, #tpu.memory_space<vmem>>) target(%dma_start3A_210 : memref<24x128xf32, #tpu.memory_space<vmem_shared>>) target_semaphore(%run_scoped3A_206 : memref<!tpu.dma_semaphore, #tpu.memory_space<semaphore_mem>>)
      %dma_wait3A_211 = arith.constant 0 : i32
      %dma_wait3A_212 = tpu.memref_slice %arg12[%add3A_57, %dma_wait3A_211] : memref<10000x128xf32, #tpu.memory_space<vmem_shared>> -> memref<24x128xf32, #tpu.memory_space<vmem_shared>>
      %dma_wait3A_213 = arith.constant 0 : i32
      %dma_wait3A_214 = tpu.memref_slice %arg12[%add3A_57, %dma_wait3A_213] : memref<10000x128xf32, #tpu.memory_space<vmem_shared>> -> memref<24x128xf32, #tpu.memory_space<vmem_shared>>
      tpu.wait_dma2 semaphore(%run_scoped3A_206 : memref<!tpu.dma_semaphore, #tpu.memory_space<semaphore_mem>>) src(%arg20 : memref<24x128xf32, #tpu.memory_space<vmem>>) dst(%dma_wait3A_214 : memref<24x128xf32, #tpu.memory_space<vmem_shared>>)
      tpu.yield
    }) : () -> ()
    %add3A_58 = arith.constant 24 : i32
    %add3A_59 = arith.addi %mul3A_55, %add3A_58 : i32
    "tpu.region"() ({
      %run_scoped3A_206 = tpu.sem_alloc : memref<!tpu.dma_semaphore, #tpu.memory_space<semaphore_mem>>
      %dma_start3A_207 = arith.constant 0 : i32
      %dma_start3A_208 = tpu.memref_slice %arg12[%add3A_59, %dma_start3A_207] : memref<10000x128xf32, #tpu.memory_space<vmem_shared>> -> memref<24x128xf32, #tpu.memory_space<vmem_shared>>
      %dma_start3A_209 = arith.constant 0 : i32
      %dma_start3A_210 = tpu.memref_slice %arg12[%add3A_59, %dma_start3A_209] : memref<10000x128xf32, #tpu.memory_space<vmem_shared>> -> memref<24x128xf32, #tpu.memory_space<vmem_shared>>
      tpu.enqueue_dma source(%arg20 : memref<24x128xf32, #tpu.memory_space<vmem>>) target(%dma_start3A_210 : memref<24x128xf32, #tpu.memory_space<vmem_shared>>) target_semaphore(%run_scoped3A_206 : memref<!tpu.dma_semaphore, #tpu.memory_space<semaphore_mem>>)
      %dma_wait3A_211 = arith.constant 0 : i32
      %dma_wait3A_212 = tpu.memref_slice %arg12[%add3A_59, %dma_wait3A_211] : memref<10000x128xf32, #tpu.memory_space<vmem_shared>> -> memref<24x128xf32, #tpu.memory_space<vmem_shared>>
      %dma_wait3A_213 = arith.constant 0 : i32
      %dma_wait3A_214 = tpu.memref_slice %arg12[%add3A_59, %dma_wait3A_213] : memref<10000x128xf32, #tpu.memory_space<vmem_shared>> -> memref<24x128xf32, #tpu.memory_space<vmem_shared>>
      tpu.wait_dma2 semaphore(%run_scoped3A_206 : memref<!tpu.dma_semaphore, #tpu.memory_space<semaphore_mem>>) src(%arg20 : memref<24x128xf32, #tpu.memory_space<vmem>>) dst(%dma_wait3A_214 : memref<24x128xf32, #tpu.memory_space<vmem_shared>>)
      tpu.yield
    }) : () -> ()
    %add3A_60 = arith.constant 48 : i32
    %add3A_61 = arith.addi %mul3A_55, %add3A_60 : i32
    "tpu.region"() ({
      %run_scoped3A_206 = tpu.sem_alloc : memref<!tpu.dma_semaphore, #tpu.memory_space<semaphore_mem>>
      %dma_start3A_207 = arith.constant 0 : i32
      %dma_start3A_208 = tpu.memref_slice %arg12[%add3A_61, %dma_start3A_207] : memref<10000x128xf32, #tpu.memory_space<vmem_shared>> -> memref<24x128xf32, #tpu.memory_space<vmem_shared>>
      %dma_start3A_209 = arith.constant 0 : i32
      %dma_start3A_210 = tpu.memref_slice %arg12[%add3A_61, %dma_start3A_209] : memref<10000x128xf32, #tpu.memory_space<vmem_shared>> -> memref<24x128xf32, #tpu.memory_space<vmem_shared>>
      tpu.enqueue_dma source(%arg20 : memref<24x128xf32, #tpu.memory_space<vmem>>) target(%dma_start3A_210 : memref<24x128xf32, #tpu.memory_space<vmem_shared>>) target_semaphore(%run_scoped3A_206 : memref<!tpu.dma_semaphore, #tpu.memory_space<semaphore_mem>>)
      %dma_wait3A_211 = arith.constant 0 : i32
      %dma_wait3A_212 = tpu.memref_slice %arg12[%add3A_61, %dma_wait3A_211] : memref<10000x128xf32, #tpu.memory_space<vmem_shared>> -> memref<24x128xf32, #tpu.memory_space<vmem_shared>>
      %dma_wait3A_213 = arith.constant 0 : i32
      %dma_wait3A_214 = tpu.memref_slice %arg12[%add3A_61, %dma_wait3A_213] : memref<10000x128xf32, #tpu.memory_space<vmem_shared>> -> memref<24x128xf32, #tpu.memory_space<vmem_shared>>
      tpu.wait_dma2 semaphore(%run_scoped3A_206 : memref<!tpu.dma_semaphore, #tpu.memory_space<semaphore_mem>>) src(%arg20 : memref<24x128xf32, #tpu.memory_space<vmem>>) dst(%dma_wait3A_214 : memref<24x128xf32, #tpu.memory_space<vmem_shared>>)
      tpu.yield
    }) : () -> ()
    %add3A_62 = arith.constant 72 : i32
    %add3A_63 = arith.addi %mul3A_55, %add3A_62 : i32
    "tpu.region"() ({
      %run_scoped3A_206 = tpu.sem_alloc : memref<!tpu.dma_semaphore, #tpu.memory_space<semaphore_mem>>
      %dma_start3A_207 = arith.constant 0 : i32
      %dma_start3A_208 = tpu.memref_slice %arg12[%add3A_63, %dma_start3A_207] : memref<10000x128xf32, #tpu.memory_space<vmem_shared>> -> memref<24x128xf32, #tpu.memory_space<vmem_shared>>
      %dma_start3A_209 = arith.constant 0 : i32
      %dma_start3A_210 = tpu.memref_slice %arg12[%add3A_63, %dma_start3A_209] : memref<10000x128xf32, #tpu.memory_space<vmem_shared>> -> memref<24x128xf32, #tpu.memory_space<vmem_shared>>
      tpu.enqueue_dma source(%arg20 : memref<24x128xf32, #tpu.memory_space<vmem>>) target(%dma_start3A_210 : memref<24x128xf32, #tpu.memory_space<vmem_shared>>) target_semaphore(%run_scoped3A_206 : memref<!tpu.dma_semaphore, #tpu.memory_space<semaphore_mem>>)
      %dma_wait3A_211 = arith.constant 0 : i32
      %dma_wait3A_212 = tpu.memref_slice %arg12[%add3A_63, %dma_wait3A_211] : memref<10000x128xf32, #tpu.memory_space<vmem_shared>> -> memref<24x128xf32, #tpu.memory_space<vmem_shared>>
      %dma_wait3A_213 = arith.constant 0 : i32
      %dma_wait3A_214 = tpu.memref_slice %arg12[%add3A_63, %dma_wait3A_213] : memref<10000x128xf32, #tpu.memory_space<vmem_shared>> -> memref<24x128xf32, #tpu.memory_space<vmem_shared>>
      tpu.wait_dma2 semaphore(%run_scoped3A_206 : memref<!tpu.dma_semaphore, #tpu.memory_space<semaphore_mem>>) src(%arg20 : memref<24x128xf32, #tpu.memory_space<vmem>>) dst(%dma_wait3A_214 : memref<24x128xf32, #tpu.memory_space<vmem_shared>>)
      tpu.yield
    }) : () -> ()
    %add3A_64 = arith.constant 96 : i32
    %add3A_65 = arith.addi %mul3A_55, %add3A_64 : i32
    "tpu.region"() ({
      %run_scoped3A_206 = tpu.sem_alloc : memref<!tpu.dma_semaphore, #tpu.memory_space<semaphore_mem>>
      %dma_start3A_207 = arith.constant 0 : i32
      %dma_start3A_208 = tpu.memref_slice %arg12[%add3A_65, %dma_start3A_207] : memref<10000x128xf32, #tpu.memory_space<vmem_shared>> -> memref<24x128xf32, #tpu.memory_space<vmem_shared>>
      %dma_start3A_209 = arith.constant 0 : i32
      %dma_start3A_210 = tpu.memref_slice %arg12[%add3A_65, %dma_start3A_209] : memref<10000x128xf32, #tpu.memory_space<vmem_shared>> -> memref<24x128xf32, #tpu.memory_space<vmem_shared>>
      tpu.enqueue_dma source(%arg20 : memref<24x128xf32, #tpu.memory_space<vmem>>) target(%dma_start3A_210 : memref<24x128xf32, #tpu.memory_space<vmem_shared>>) target_semaphore(%run_scoped3A_206 : memref<!tpu.dma_semaphore, #tpu.memory_space<semaphore_mem>>)
      %dma_wait3A_211 = arith.constant 0 : i32
      %dma_wait3A_212 = tpu.memref_slice %arg12[%add3A_65, %dma_wait3A_211] : memref<10000x128xf32, #tpu.memory_space<vmem_shared>> -> memref<24x128xf32, #tpu.memory_space<vmem_shared>>
      %dma_wait3A_213 = arith.constant 0 : i32
      %dma_wait3A_214 = tpu.memref_slice %arg12[%add3A_65, %dma_wait3A_213] : memref<10000x128xf32, #tpu.memory_space<vmem_shared>> -> memref<24x128xf32, #tpu.memory_space<vmem_shared>>
      tpu.wait_dma2 semaphore(%run_scoped3A_206 : memref<!tpu.dma_semaphore, #tpu.memory_space<semaphore_mem>>) src(%arg20 : memref<24x128xf32, #tpu.memory_space<vmem>>) dst(%dma_wait3A_214 : memref<24x128xf32, #tpu.memory_space<vmem_shared>>)
      tpu.yield
    }) : () -> ()
    %add3A_66 = arith.constant 120 : i32
    %add3A_67 = arith.addi %mul3A_55, %add3A_66 : i32
    "tpu.region"() ({
      %run_scoped3A_206 = tpu.sem_alloc : memref<!tpu.dma_semaphore, #tpu.memory_space<semaphore_mem>>
      %dma_start3A_207 = arith.constant 0 : i32
      %dma_start3A_208 = tpu.memref_slice %arg12[%add3A_67, %dma_start3A_207] : memref<10000x128xf32, #tpu.memory_space<vmem_shared>> -> memref<24x128xf32, #tpu.memory_space<vmem_shared>>
      %dma_start3A_209 = arith.constant 0 : i32
      %dma_start3A_210 = tpu.memref_slice %arg12[%add3A_67, %dma_start3A_209] : memref<10000x128xf32, #tpu.memory_space<vmem_shared>> -> memref<24x128xf32, #tpu.memory_space<vmem_shared>>
      tpu.enqueue_dma source(%arg20 : memref<24x128xf32, #tpu.memory_space<vmem>>) target(%dma_start3A_210 : memref<24x128xf32, #tpu.memory_space<vmem_shared>>) target_semaphore(%run_scoped3A_206 : memref<!tpu.dma_semaphore, #tpu.memory_space<semaphore_mem>>)
      %dma_wait3A_211 = arith.constant 0 : i32
      %dma_wait3A_212 = tpu.memref_slice %arg12[%add3A_67, %dma_wait3A_211] : memref<10000x128xf32, #tpu.memory_space<vmem_shared>> -> memref<24x128xf32, #tpu.memory_space<vmem_shared>>
      %dma_wait3A_213 = arith.constant 0 : i32
      %dma_wait3A_214 = tpu.memref_slice %arg12[%add3A_67, %dma_wait3A_213] : memref<10000x128xf32, #tpu.memory_space<vmem_shared>> -> memref<24x128xf32, #tpu.memory_space<vmem_shared>>
      tpu.wait_dma2 semaphore(%run_scoped3A_206 : memref<!tpu.dma_semaphore, #tpu.memory_space<semaphore_mem>>) src(%arg20 : memref<24x128xf32, #tpu.memory_space<vmem>>) dst(%dma_wait3A_214 : memref<24x128xf32, #tpu.memory_space<vmem_shared>>)
      tpu.yield
    }) : () -> ()
    %add3A_68 = arith.constant 144 : i32
    %add3A_69 = arith.addi %mul3A_55, %add3A_68 : i32
    "tpu.region"() ({
      %run_scoped3A_206 = tpu.sem_alloc : memref<!tpu.dma_semaphore, #tpu.memory_space<semaphore_mem>>
      %dma_start3A_207 = arith.constant 0 : i32
      %dma_start3A_208 = tpu.memref_slice %arg12[%add3A_69, %dma_start3A_207] : memref<10000x128xf32, #tpu.memory_space<vmem_shared>> -> memref<24x128xf32, #tpu.memory_space<vmem_shared>>
      %dma_start3A_209 = arith.constant 0 : i32
      %dma_start3A_210 = tpu.memref_slice %arg12[%add3A_69, %dma_start3A_209] : memref<10000x128xf32, #tpu.memory_space<vmem_shared>> -> memref<24x128xf32, #tpu.memory_space<vmem_shared>>
      tpu.enqueue_dma source(%arg20 : memref<24x128xf32, #tpu.memory_space<vmem>>) target(%dma_start3A_210 : memref<24x128xf32, #tpu.memory_space<vmem_shared>>) target_semaphore(%run_scoped3A_206 : memref<!tpu.dma_semaphore, #tpu.memory_space<semaphore_mem>>)
      %dma_wait3A_211 = arith.constant 0 : i32
      %dma_wait3A_212 = tpu.memref_slice %arg12[%add3A_69, %dma_wait3A_211] : memref<10000x128xf32, #tpu.memory_space<vmem_shared>> -> memref<24x128xf32, #tpu.memory_space<vmem_shared>>
      %dma_wait3A_213 = arith.constant 0 : i32
      %dma_wait3A_214 = tpu.memref_slice %arg12[%add3A_69, %dma_wait3A_213] : memref<10000x128xf32, #tpu.memory_space<vmem_shared>> -> memref<24x128xf32, #tpu.memory_space<vmem_shared>>
      tpu.wait_dma2 semaphore(%run_scoped3A_206 : memref<!tpu.dma_semaphore, #tpu.memory_space<semaphore_mem>>) src(%arg20 : memref<24x128xf32, #tpu.memory_space<vmem>>) dst(%dma_wait3A_214 : memref<24x128xf32, #tpu.memory_space<vmem_shared>>)
      tpu.yield
    }) : () -> ()
    %add3A_70 = arith.constant 168 : i32
    %add3A_71 = arith.addi %mul3A_55, %add3A_70 : i32
    "tpu.region"() ({
      %run_scoped3A_206 = tpu.sem_alloc : memref<!tpu.dma_semaphore, #tpu.memory_space<semaphore_mem>>
      %dma_start3A_207 = arith.constant 0 : i32
      %dma_start3A_208 = tpu.memref_slice %arg12[%add3A_71, %dma_start3A_207] : memref<10000x128xf32, #tpu.memory_space<vmem_shared>> -> memref<24x128xf32, #tpu.memory_space<vmem_shared>>
      %dma_start3A_209 = arith.constant 0 : i32
      %dma_start3A_210 = tpu.memref_slice %arg12[%add3A_71, %dma_start3A_209] : memref<10000x128xf32, #tpu.memory_space<vmem_shared>> -> memref<24x128xf32, #tpu.memory_space<vmem_shared>>
      tpu.enqueue_dma source(%arg20 : memref<24x128xf32, #tpu.memory_space<vmem>>) target(%dma_start3A_210 : memref<24x128xf32, #tpu.memory_space<vmem_shared>>) target_semaphore(%run_scoped3A_206 : memref<!tpu.dma_semaphore, #tpu.memory_space<semaphore_mem>>)
      %dma_wait3A_211 = arith.constant 0 : i32
      %dma_wait3A_212 = tpu.memref_slice %arg12[%add3A_71, %dma_wait3A_211] : memref<10000x128xf32, #tpu.memory_space<vmem_shared>> -> memref<24x128xf32, #tpu.memory_space<vmem_shared>>
      %dma_wait3A_213 = arith.constant 0 : i32
      %dma_wait3A_214 = tpu.memref_slice %arg12[%add3A_71, %dma_wait3A_213] : memref<10000x128xf32, #tpu.memory_space<vmem_shared>> -> memref<24x128xf32, #tpu.memory_space<vmem_shared>>
      tpu.wait_dma2 semaphore(%run_scoped3A_206 : memref<!tpu.dma_semaphore, #tpu.memory_space<semaphore_mem>>) src(%arg20 : memref<24x128xf32, #tpu.memory_space<vmem>>) dst(%dma_wait3A_214 : memref<24x128xf32, #tpu.memory_space<vmem_shared>>)
      tpu.yield
    }) : () -> ()
    %add3A_72 = arith.constant 192 : i32
    %add3A_73 = arith.addi %mul3A_55, %add3A_72 : i32
    "tpu.region"() ({
      %run_scoped3A_206 = tpu.sem_alloc : memref<!tpu.dma_semaphore, #tpu.memory_space<semaphore_mem>>
      %dma_start3A_207 = arith.constant 0 : i32
      %dma_start3A_208 = tpu.memref_slice %arg12[%add3A_73, %dma_start3A_207] : memref<10000x128xf32, #tpu.memory_space<vmem_shared>> -> memref<24x128xf32, #tpu.memory_space<vmem_shared>>
      %dma_start3A_209 = arith.constant 0 : i32
      %dma_start3A_210 = tpu.memref_slice %arg12[%add3A_73, %dma_start3A_209] : memref<10000x128xf32, #tpu.memory_space<vmem_shared>> -> memref<24x128xf32, #tpu.memory_space<vmem_shared>>
      tpu.enqueue_dma source(%arg20 : memref<24x128xf32, #tpu.memory_space<vmem>>) target(%dma_start3A_210 : memref<24x128xf32, #tpu.memory_space<vmem_shared>>) target_semaphore(%run_scoped3A_206 : memref<!tpu.dma_semaphore, #tpu.memory_space<semaphore_mem>>)
      %dma_wait3A_211 = arith.constant 0 : i32
      %dma_wait3A_212 = tpu.memref_slice %arg12[%add3A_73, %dma_wait3A_211] : memref<10000x128xf32, #tpu.memory_space<vmem_shared>> -> memref<24x128xf32, #tpu.memory_space<vmem_shared>>
      %dma_wait3A_213 = arith.constant 0 : i32
      %dma_wait3A_214 = tpu.memref_slice %arg12[%add3A_73, %dma_wait3A_213] : memref<10000x128xf32, #tpu.memory_space<vmem_shared>> -> memref<24x128xf32, #tpu.memory_space<vmem_shared>>
      tpu.wait_dma2 semaphore(%run_scoped3A_206 : memref<!tpu.dma_semaphore, #tpu.memory_space<semaphore_mem>>) src(%arg20 : memref<24x128xf32, #tpu.memory_space<vmem>>) dst(%dma_wait3A_214 : memref<24x128xf32, #tpu.memory_space<vmem_shared>>)
      tpu.yield
    }) : () -> ()
    %add3A_74 = arith.constant 216 : i32
    %add3A_75 = arith.addi %mul3A_55, %add3A_74 : i32
    "tpu.region"() ({
      %run_scoped3A_206 = tpu.sem_alloc : memref<!tpu.dma_semaphore, #tpu.memory_space<semaphore_mem>>
      %dma_start3A_207 = arith.constant 0 : i32
      %dma_start3A_208 = tpu.memref_slice %arg12[%add3A_75, %dma_start3A_207] : memref<10000x128xf32, #tpu.memory_space<vmem_shared>> -> memref<24x128xf32, #tpu.memory_space<vmem_shared>>
      %dma_start3A_209 = arith.constant 0 : i32
      %dma_start3A_210 = tpu.memref_slice %arg12[%add3A_75, %dma_start3A_209] : memref<10000x128xf32, #tpu.memory_space<vmem_shared>> -> memref<24x128xf32, #tpu.memory_space<vmem_shared>>
      tpu.enqueue_dma source(%arg20 : memref<24x128xf32, #tpu.memory_space<vmem>>) target(%dma_start3A_210 : memref<24x128xf32, #tpu.memory_space<vmem_shared>>) target_semaphore(%run_scoped3A_206 : memref<!tpu.dma_semaphore, #tpu.memory_space<semaphore_mem>>)
      %dma_wait3A_211 = arith.constant 0 : i32
      %dma_wait3A_212 = tpu.memref_slice %arg12[%add3A_75, %dma_wait3A_211] : memref<10000x128xf32, #tpu.memory_space<vmem_shared>> -> memref<24x128xf32, #tpu.memory_space<vmem_shared>>
      %dma_wait3A_213 = arith.constant 0 : i32
      %dma_wait3A_214 = tpu.memref_slice %arg12[%add3A_75, %dma_wait3A_213] : memref<10000x128xf32, #tpu.memory_space<vmem_shared>> -> memref<24x128xf32, #tpu.memory_space<vmem_shared>>
      tpu.wait_dma2 semaphore(%run_scoped3A_206 : memref<!tpu.dma_semaphore, #tpu.memory_space<semaphore_mem>>) src(%arg20 : memref<24x128xf32, #tpu.memory_space<vmem>>) dst(%dma_wait3A_214 : memref<24x128xf32, #tpu.memory_space<vmem_shared>>)
      tpu.yield
    }) : () -> ()
    %add3A_76 = arith.constant 240 : i32
    %add3A_77 = arith.addi %mul3A_55, %add3A_76 : i32
    "tpu.region"() ({
      %run_scoped3A_206 = tpu.sem_alloc : memref<!tpu.dma_semaphore, #tpu.memory_space<semaphore_mem>>
      %dma_start3A_207 = arith.constant 0 : i32
      %dma_start3A_208 = tpu.memref_slice %arg12[%add3A_77, %dma_start3A_207] : memref<10000x128xf32, #tpu.memory_space<vmem_shared>> -> memref<24x128xf32, #tpu.memory_space<vmem_shared>>
      %dma_start3A_209 = arith.constant 0 : i32
      %dma_start3A_210 = tpu.memref_slice %arg12[%add3A_77, %dma_start3A_209] : memref<10000x128xf32, #tpu.memory_space<vmem_shared>> -> memref<24x128xf32, #tpu.memory_space<vmem_shared>>
      tpu.enqueue_dma source(%arg20 : memref<24x128xf32, #tpu.memory_space<vmem>>) target(%dma_start3A_210 : memref<24x128xf32, #tpu.memory_space<vmem_shared>>) target_semaphore(%run_scoped3A_206 : memref<!tpu.dma_semaphore, #tpu.memory_space<semaphore_mem>>)
      %dma_wait3A_211 = arith.constant 0 : i32
      %dma_wait3A_212 = tpu.memref_slice %arg12[%add3A_77, %dma_wait3A_211] : memref<10000x128xf32, #tpu.memory_space<vmem_shared>> -> memref<24x128xf32, #tpu.memory_space<vmem_shared>>
      %dma_wait3A_213 = arith.constant 0 : i32
      %dma_wait3A_214 = tpu.memref_slice %arg12[%add3A_77, %dma_wait3A_213] : memref<10000x128xf32, #tpu.memory_space<vmem_shared>> -> memref<24x128xf32, #tpu.memory_space<vmem_shared>>
      tpu.wait_dma2 semaphore(%run_scoped3A_206 : memref<!tpu.dma_semaphore, #tpu.memory_space<semaphore_mem>>) src(%arg20 : memref<24x128xf32, #tpu.memory_space<vmem>>) dst(%dma_wait3A_214 : memref<24x128xf32, #tpu.memory_space<vmem_shared>>)
      tpu.yield
    }) : () -> ()
    %add3A_78 = arith.constant 264 : i32
    %add3A_79 = arith.addi %mul3A_55, %add3A_78 : i32
    "tpu.region"() ({
      %run_scoped3A_206 = tpu.sem_alloc : memref<!tpu.dma_semaphore, #tpu.memory_space<semaphore_mem>>
      %dma_start3A_207 = arith.constant 0 : i32
      %dma_start3A_208 = tpu.memref_slice %arg12[%add3A_79, %dma_start3A_207] : memref<10000x128xf32, #tpu.memory_space<vmem_shared>> -> memref<24x128xf32, #tpu.memory_space<vmem_shared>>
      %dma_start3A_209 = arith.constant 0 : i32
      %dma_start3A_210 = tpu.memref_slice %arg12[%add3A_79, %dma_start3A_209] : memref<10000x128xf32, #tpu.memory_space<vmem_shared>> -> memref<24x128xf32, #tpu.memory_space<vmem_shared>>
      tpu.enqueue_dma source(%arg20 : memref<24x128xf32, #tpu.memory_space<vmem>>) target(%dma_start3A_210 : memref<24x128xf32, #tpu.memory_space<vmem_shared>>) target_semaphore(%run_scoped3A_206 : memref<!tpu.dma_semaphore, #tpu.memory_space<semaphore_mem>>)
      %dma_wait3A_211 = arith.constant 0 : i32
      %dma_wait3A_212 = tpu.memref_slice %arg12[%add3A_79, %dma_wait3A_211] : memref<10000x128xf32, #tpu.memory_space<vmem_shared>> -> memref<24x128xf32, #tpu.memory_space<vmem_shared>>
      %dma_wait3A_213 = arith.constant 0 : i32
      %dma_wait3A_214 = tpu.memref_slice %arg12[%add3A_79, %dma_wait3A_213] : memref<10000x128xf32, #tpu.memory_space<vmem_shared>> -> memref<24x128xf32, #tpu.memory_space<vmem_shared>>
      tpu.wait_dma2 semaphore(%run_scoped3A_206 : memref<!tpu.dma_semaphore, #tpu.memory_space<semaphore_mem>>) src(%arg20 : memref<24x128xf32, #tpu.memory_space<vmem>>) dst(%dma_wait3A_214 : memref<24x128xf32, #tpu.memory_space<vmem_shared>>)
      tpu.yield
    }) : () -> ()
    %add3A_80 = arith.constant 288 : i32
    %add3A_81 = arith.addi %mul3A_55, %add3A_80 : i32
    "tpu.region"() ({
      %run_scoped3A_206 = tpu.sem_alloc : memref<!tpu.dma_semaphore, #tpu.memory_space<semaphore_mem>>
      %dma_start3A_207 = arith.constant 0 : i32
      %dma_start3A_208 = tpu.memref_slice %arg12[%add3A_81, %dma_start3A_207] : memref<10000x128xf32, #tpu.memory_space<vmem_shared>> -> memref<24x128xf32, #tpu.memory_space<vmem_shared>>
      %dma_start3A_209 = arith.constant 0 : i32
      %dma_start3A_210 = tpu.memref_slice %arg12[%add3A_81, %dma_start3A_209] : memref<10000x128xf32, #tpu.memory_space<vmem_shared>> -> memref<24x128xf32, #tpu.memory_space<vmem_shared>>
      tpu.enqueue_dma source(%arg20 : memref<24x128xf32, #tpu.memory_space<vmem>>) target(%dma_start3A_210 : memref<24x128xf32, #tpu.memory_space<vmem_shared>>) target_semaphore(%run_scoped3A_206 : memref<!tpu.dma_semaphore, #tpu.memory_space<semaphore_mem>>)
      %dma_wait3A_211 = arith.constant 0 : i32
      %dma_wait3A_212 = tpu.memref_slice %arg12[%add3A_81, %dma_wait3A_211] : memref<10000x128xf32, #tpu.memory_space<vmem_shared>> -> memref<24x128xf32, #tpu.memory_space<vmem_shared>>
      %dma_wait3A_213 = arith.constant 0 : i32
      %dma_wait3A_214 = tpu.memref_slice %arg12[%add3A_81, %dma_wait3A_213] : memref<10000x128xf32, #tpu.memory_space<vmem_shared>> -> memref<24x128xf32, #tpu.memory_space<vmem_shared>>
      tpu.wait_dma2 semaphore(%run_scoped3A_206 : memref<!tpu.dma_semaphore, #tpu.memory_space<semaphore_mem>>) src(%arg20 : memref<24x128xf32, #tpu.memory_space<vmem>>) dst(%dma_wait3A_214 : memref<24x128xf32, #tpu.memory_space<vmem_shared>>)
      tpu.yield
    }) : () -> ()
    %add3A_82 = arith.constant 312 : i32
    %add3A_83 = arith.addi %mul3A_55, %add3A_82 : i32
    "tpu.region"() ({
      %run_scoped3A_206 = tpu.sem_alloc : memref<!tpu.dma_semaphore, #tpu.memory_space<semaphore_mem>>
      %dma_start3A_207 = arith.constant 0 : i32
      %dma_start3A_208 = tpu.memref_slice %arg12[%add3A_83, %dma_start3A_207] : memref<10000x128xf32, #tpu.memory_space<vmem_shared>> -> memref<24x128xf32, #tpu.memory_space<vmem_shared>>
      %dma_start3A_209 = arith.constant 0 : i32
      %dma_start3A_210 = tpu.memref_slice %arg12[%add3A_83, %dma_start3A_209] : memref<10000x128xf32, #tpu.memory_space<vmem_shared>> -> memref<24x128xf32, #tpu.memory_space<vmem_shared>>
      tpu.enqueue_dma source(%arg20 : memref<24x128xf32, #tpu.memory_space<vmem>>) target(%dma_start3A_210 : memref<24x128xf32, #tpu.memory_space<vmem_shared>>) target_semaphore(%run_scoped3A_206 : memref<!tpu.dma_semaphore, #tpu.memory_space<semaphore_mem>>)
      %dma_wait3A_211 = arith.constant 0 : i32
      %dma_wait3A_212 = tpu.memref_slice %arg12[%add3A_83, %dma_wait3A_211] : memref<10000x128xf32, #tpu.memory_space<vmem_shared>> -> memref<24x128xf32, #tpu.memory_space<vmem_shared>>
      %dma_wait3A_213 = arith.constant 0 : i32
      %dma_wait3A_214 = tpu.memref_slice %arg12[%add3A_83, %dma_wait3A_213] : memref<10000x128xf32, #tpu.memory_space<vmem_shared>> -> memref<24x128xf32, #tpu.memory_space<vmem_shared>>
      tpu.wait_dma2 semaphore(%run_scoped3A_206 : memref<!tpu.dma_semaphore, #tpu.memory_space<semaphore_mem>>) src(%arg20 : memref<24x128xf32, #tpu.memory_space<vmem>>) dst(%dma_wait3A_214 : memref<24x128xf32, #tpu.memory_space<vmem_shared>>)
      tpu.yield
    }) : () -> ()
    %add3A_84 = arith.constant 336 : i32
    %add3A_85 = arith.addi %mul3A_55, %add3A_84 : i32
    "tpu.region"() ({
      %run_scoped3A_206 = tpu.sem_alloc : memref<!tpu.dma_semaphore, #tpu.memory_space<semaphore_mem>>
      %dma_start3A_207 = arith.constant 0 : i32
      %dma_start3A_208 = tpu.memref_slice %arg12[%add3A_85, %dma_start3A_207] : memref<10000x128xf32, #tpu.memory_space<vmem_shared>> -> memref<24x128xf32, #tpu.memory_space<vmem_shared>>
      %dma_start3A_209 = arith.constant 0 : i32
      %dma_start3A_210 = tpu.memref_slice %arg12[%add3A_85, %dma_start3A_209] : memref<10000x128xf32, #tpu.memory_space<vmem_shared>> -> memref<24x128xf32, #tpu.memory_space<vmem_shared>>
      tpu.enqueue_dma source(%arg20 : memref<24x128xf32, #tpu.memory_space<vmem>>) target(%dma_start3A_210 : memref<24x128xf32, #tpu.memory_space<vmem_shared>>) target_semaphore(%run_scoped3A_206 : memref<!tpu.dma_semaphore, #tpu.memory_space<semaphore_mem>>)
      %dma_wait3A_211 = arith.constant 0 : i32
      %dma_wait3A_212 = tpu.memref_slice %arg12[%add3A_85, %dma_wait3A_211] : memref<10000x128xf32, #tpu.memory_space<vmem_shared>> -> memref<24x128xf32, #tpu.memory_space<vmem_shared>>
      %dma_wait3A_213 = arith.constant 0 : i32
      %dma_wait3A_214 = tpu.memref_slice %arg12[%add3A_85, %dma_wait3A_213] : memref<10000x128xf32, #tpu.memory_space<vmem_shared>> -> memref<24x128xf32, #tpu.memory_space<vmem_shared>>
      tpu.wait_dma2 semaphore(%run_scoped3A_206 : memref<!tpu.dma_semaphore, #tpu.memory_space<semaphore_mem>>) src(%arg20 : memref<24x128xf32, #tpu.memory_space<vmem>>) dst(%dma_wait3A_214 : memref<24x128xf32, #tpu.memory_space<vmem_shared>>)
      tpu.yield
    }) : () -> ()
    %add3A_86 = arith.constant 360 : i32
    %add3A_87 = arith.addi %mul3A_55, %add3A_86 : i32
    "tpu.region"() ({
      %run_scoped3A_206 = tpu.sem_alloc : memref<!tpu.dma_semaphore, #tpu.memory_space<semaphore_mem>>
      %dma_start3A_207 = arith.constant 0 : i32
      %dma_start3A_208 = tpu.memref_slice %arg12[%add3A_87, %dma_start3A_207] : memref<10000x128xf32, #tpu.memory_space<vmem_shared>> -> memref<24x128xf32, #tpu.memory_space<vmem_shared>>
      %dma_start3A_209 = arith.constant 0 : i32
      %dma_start3A_210 = tpu.memref_slice %arg12[%add3A_87, %dma_start3A_209] : memref<10000x128xf32, #tpu.memory_space<vmem_shared>> -> memref<24x128xf32, #tpu.memory_space<vmem_shared>>
      tpu.enqueue_dma source(%arg20 : memref<24x128xf32, #tpu.memory_space<vmem>>) target(%dma_start3A_210 : memref<24x128xf32, #tpu.memory_space<vmem_shared>>) target_semaphore(%run_scoped3A_206 : memref<!tpu.dma_semaphore, #tpu.memory_space<semaphore_mem>>)
      %dma_wait3A_211 = arith.constant 0 : i32
      %dma_wait3A_212 = tpu.memref_slice %arg12[%add3A_87, %dma_wait3A_211] : memref<10000x128xf32, #tpu.memory_space<vmem_shared>> -> memref<24x128xf32, #tpu.memory_space<vmem_shared>>
      %dma_wait3A_213 = arith.constant 0 : i32
      %dma_wait3A_214 = tpu.memref_slice %arg12[%add3A_87, %dma_wait3A_213] : memref<10000x128xf32, #tpu.memory_space<vmem_shared>> -> memref<24x128xf32, #tpu.memory_space<vmem_shared>>
      tpu.wait_dma2 semaphore(%run_scoped3A_206 : memref<!tpu.dma_semaphore, #tpu.memory_space<semaphore_mem>>) src(%arg20 : memref<24x128xf32, #tpu.memory_space<vmem>>) dst(%dma_wait3A_214 : memref<24x128xf32, #tpu.memory_space<vmem_shared>>)
      tpu.yield
    }) : () -> ()
    %add3A_88 = arith.constant 384 : i32
    %add3A_89 = arith.addi %mul3A_55, %add3A_88 : i32
    "tpu.region"() ({
      %run_scoped3A_206 = tpu.sem_alloc : memref<!tpu.dma_semaphore, #tpu.memory_space<semaphore_mem>>
      %dma_start3A_207 = arith.constant 0 : i32
      %dma_start3A_208 = tpu.memref_slice %arg12[%add3A_89, %dma_start3A_207] : memref<10000x128xf32, #tpu.memory_space<vmem_shared>> -> memref<24x128xf32, #tpu.memory_space<vmem_shared>>
      %dma_start3A_209 = arith.constant 0 : i32
      %dma_start3A_210 = tpu.memref_slice %arg12[%add3A_89, %dma_start3A_209] : memref<10000x128xf32, #tpu.memory_space<vmem_shared>> -> memref<24x128xf32, #tpu.memory_space<vmem_shared>>
      tpu.enqueue_dma source(%arg20 : memref<24x128xf32, #tpu.memory_space<vmem>>) target(%dma_start3A_210 : memref<24x128xf32, #tpu.memory_space<vmem_shared>>) target_semaphore(%run_scoped3A_206 : memref<!tpu.dma_semaphore, #tpu.memory_space<semaphore_mem>>)
      %dma_wait3A_211 = arith.constant 0 : i32
      %dma_wait3A_212 = tpu.memref_slice %arg12[%add3A_89, %dma_wait3A_211] : memref<10000x128xf32, #tpu.memory_space<vmem_shared>> -> memref<24x128xf32, #tpu.memory_space<vmem_shared>>
      %dma_wait3A_213 = arith.constant 0 : i32
      %dma_wait3A_214 = tpu.memref_slice %arg12[%add3A_89, %dma_wait3A_213] : memref<10000x128xf32, #tpu.memory_space<vmem_shared>> -> memref<24x128xf32, #tpu.memory_space<vmem_shared>>
      tpu.wait_dma2 semaphore(%run_scoped3A_206 : memref<!tpu.dma_semaphore, #tpu.memory_space<semaphore_mem>>) src(%arg20 : memref<24x128xf32, #tpu.memory_space<vmem>>) dst(%dma_wait3A_214 : memref<24x128xf32, #tpu.memory_space<vmem_shared>>)
      tpu.yield
    }) : () -> ()
    %add3A_90 = arith.constant 408 : i32
    %add3A_91 = arith.addi %mul3A_55, %add3A_90 : i32
    "tpu.region"() ({
      %run_scoped3A_206 = tpu.sem_alloc : memref<!tpu.dma_semaphore, #tpu.memory_space<semaphore_mem>>
      %dma_start3A_207 = arith.constant 0 : i32
      %dma_start3A_208 = tpu.memref_slice %arg12[%add3A_91, %dma_start3A_207] : memref<10000x128xf32, #tpu.memory_space<vmem_shared>> -> memref<24x128xf32, #tpu.memory_space<vmem_shared>>
      %dma_start3A_209 = arith.constant 0 : i32
      %dma_start3A_210 = tpu.memref_slice %arg12[%add3A_91, %dma_start3A_209] : memref<10000x128xf32, #tpu.memory_space<vmem_shared>> -> memref<24x128xf32, #tpu.memory_space<vmem_shared>>
      tpu.enqueue_dma source(%arg20 : memref<24x128xf32, #tpu.memory_space<vmem>>) target(%dma_start3A_210 : memref<24x128xf32, #tpu.memory_space<vmem_shared>>) target_semaphore(%run_scoped3A_206 : memref<!tpu.dma_semaphore, #tpu.memory_space<semaphore_mem>>)
      %dma_wait3A_211 = arith.constant 0 : i32
      %dma_wait3A_212 = tpu.memref_slice %arg12[%add3A_91, %dma_wait3A_211] : memref<10000x128xf32, #tpu.memory_space<vmem_shared>> -> memref<24x128xf32, #tpu.memory_space<vmem_shared>>
      %dma_wait3A_213 = arith.constant 0 : i32
      %dma_wait3A_214 = tpu.memref_slice %arg12[%add3A_91, %dma_wait3A_213] : memref<10000x128xf32, #tpu.memory_space<vmem_shared>> -> memref<24x128xf32, #tpu.memory_space<vmem_shared>>
      tpu.wait_dma2 semaphore(%run_scoped3A_206 : memref<!tpu.dma_semaphore, #tpu.memory_space<semaphore_mem>>) src(%arg20 : memref<24x128xf32, #tpu.memory_space<vmem>>) dst(%dma_wait3A_214 : memref<24x128xf32, #tpu.memory_space<vmem_shared>>)
      tpu.yield
    }) : () -> ()
    %add3A_92 = arith.constant 432 : i32
    %add3A_93 = arith.addi %mul3A_55, %add3A_92 : i32
    "tpu.region"() ({
      %run_scoped3A_206 = tpu.sem_alloc : memref<!tpu.dma_semaphore, #tpu.memory_space<semaphore_mem>>
      %dma_start3A_207 = arith.constant 0 : i32
      %dma_start3A_208 = tpu.memref_slice %arg12[%add3A_93, %dma_start3A_207] : memref<10000x128xf32, #tpu.memory_space<vmem_shared>> -> memref<24x128xf32, #tpu.memory_space<vmem_shared>>
      %dma_start3A_209 = arith.constant 0 : i32
      %dma_start3A_210 = tpu.memref_slice %arg12[%add3A_93, %dma_start3A_209] : memref<10000x128xf32, #tpu.memory_space<vmem_shared>> -> memref<24x128xf32, #tpu.memory_space<vmem_shared>>
      tpu.enqueue_dma source(%arg20 : memref<24x128xf32, #tpu.memory_space<vmem>>) target(%dma_start3A_210 : memref<24x128xf32, #tpu.memory_space<vmem_shared>>) target_semaphore(%run_scoped3A_206 : memref<!tpu.dma_semaphore, #tpu.memory_space<semaphore_mem>>)
      %dma_wait3A_211 = arith.constant 0 : i32
      %dma_wait3A_212 = tpu.memref_slice %arg12[%add3A_93, %dma_wait3A_211] : memref<10000x128xf32, #tpu.memory_space<vmem_shared>> -> memref<24x128xf32, #tpu.memory_space<vmem_shared>>
      %dma_wait3A_213 = arith.constant 0 : i32
      %dma_wait3A_214 = tpu.memref_slice %arg12[%add3A_93, %dma_wait3A_213] : memref<10000x128xf32, #tpu.memory_space<vmem_shared>> -> memref<24x128xf32, #tpu.memory_space<vmem_shared>>
      tpu.wait_dma2 semaphore(%run_scoped3A_206 : memref<!tpu.dma_semaphore, #tpu.memory_space<semaphore_mem>>) src(%arg20 : memref<24x128xf32, #tpu.memory_space<vmem>>) dst(%dma_wait3A_214 : memref<24x128xf32, #tpu.memory_space<vmem_shared>>)
      tpu.yield
    }) : () -> ()
    %add3A_94 = arith.constant 456 : i32
    %add3A_95 = arith.addi %mul3A_55, %add3A_94 : i32
    "tpu.region"() ({
      %run_scoped3A_206 = tpu.sem_alloc : memref<!tpu.dma_semaphore, #tpu.memory_space<semaphore_mem>>
      %dma_start3A_207 = arith.constant 0 : i32
      %dma_start3A_208 = tpu.memref_slice %arg12[%add3A_95, %dma_start3A_207] : memref<10000x128xf32, #tpu.memory_space<vmem_shared>> -> memref<24x128xf32, #tpu.memory_space<vmem_shared>>
      %dma_start3A_209 = arith.constant 0 : i32
      %dma_start3A_210 = tpu.memref_slice %arg12[%add3A_95, %dma_start3A_209] : memref<10000x128xf32, #tpu.memory_space<vmem_shared>> -> memref<24x128xf32, #tpu.memory_space<vmem_shared>>
      tpu.enqueue_dma source(%arg20 : memref<24x128xf32, #tpu.memory_space<vmem>>) target(%dma_start3A_210 : memref<24x128xf32, #tpu.memory_space<vmem_shared>>) target_semaphore(%run_scoped3A_206 : memref<!tpu.dma_semaphore, #tpu.memory_space<semaphore_mem>>)
      %dma_wait3A_211 = arith.constant 0 : i32
      %dma_wait3A_212 = tpu.memref_slice %arg12[%add3A_95, %dma_wait3A_211] : memref<10000x128xf32, #tpu.memory_space<vmem_shared>> -> memref<24x128xf32, #tpu.memory_space<vmem_shared>>
      %dma_wait3A_213 = arith.constant 0 : i32
      %dma_wait3A_214 = tpu.memref_slice %arg12[%add3A_95, %dma_wait3A_213] : memref<10000x128xf32, #tpu.memory_space<vmem_shared>> -> memref<24x128xf32, #tpu.memory_space<vmem_shared>>
      tpu.wait_dma2 semaphore(%run_scoped3A_206 : memref<!tpu.dma_semaphore, #tpu.memory_space<semaphore_mem>>) src(%arg20 : memref<24x128xf32, #tpu.memory_space<vmem>>) dst(%dma_wait3A_214 : memref<24x128xf32, #tpu.memory_space<vmem_shared>>)
      tpu.yield
    }) : () -> ()
    %add3A_96 = arith.constant 480 : i32
    %add3A_97 = arith.addi %mul3A_55, %add3A_96 : i32
    "tpu.region"() ({
      %run_scoped3A_206 = tpu.sem_alloc : memref<!tpu.dma_semaphore, #tpu.memory_space<semaphore_mem>>
      %dma_start3A_207 = arith.constant 0 : i32
      %dma_start3A_208 = tpu.memref_slice %arg12[%add3A_97, %dma_start3A_207] : memref<10000x128xf32, #tpu.memory_space<vmem_shared>> -> memref<24x128xf32, #tpu.memory_space<vmem_shared>>
      %dma_start3A_209 = arith.constant 0 : i32
      %dma_start3A_210 = tpu.memref_slice %arg12[%add3A_97, %dma_start3A_209] : memref<10000x128xf32, #tpu.memory_space<vmem_shared>> -> memref<24x128xf32, #tpu.memory_space<vmem_shared>>
      tpu.enqueue_dma source(%arg20 : memref<24x128xf32, #tpu.memory_space<vmem>>) target(%dma_start3A_210 : memref<24x128xf32, #tpu.memory_space<vmem_shared>>) target_semaphore(%run_scoped3A_206 : memref<!tpu.dma_semaphore, #tpu.memory_space<semaphore_mem>>)
      %dma_wait3A_211 = arith.constant 0 : i32
      %dma_wait3A_212 = tpu.memref_slice %arg12[%add3A_97, %dma_wait3A_211] : memref<10000x128xf32, #tpu.memory_space<vmem_shared>> -> memref<24x128xf32, #tpu.memory_space<vmem_shared>>
      %dma_wait3A_213 = arith.constant 0 : i32
      %dma_wait3A_214 = tpu.memref_slice %arg12[%add3A_97, %dma_wait3A_213] : memref<10000x128xf32, #tpu.memory_space<vmem_shared>> -> memref<24x128xf32, #tpu.memory_space<vmem_shared>>
      tpu.wait_dma2 semaphore(%run_scoped3A_206 : memref<!tpu.dma_semaphore, #tpu.memory_space<semaphore_mem>>) src(%arg20 : memref<24x128xf32, #tpu.memory_space<vmem>>) dst(%dma_wait3A_214 : memref<24x128xf32, #tpu.memory_space<vmem_shared>>)
      tpu.yield
    }) : () -> ()
    %add3A_98 = arith.constant 504 : i32
    %add3A_99 = arith.addi %mul3A_55, %add3A_98 : i32
    "tpu.region"() ({
      %run_scoped3A_206 = tpu.sem_alloc : memref<!tpu.dma_semaphore, #tpu.memory_space<semaphore_mem>>
      %dma_start3A_207 = arith.constant 0 : i32
      %dma_start3A_208 = tpu.memref_slice %arg12[%add3A_99, %dma_start3A_207] : memref<10000x128xf32, #tpu.memory_space<vmem_shared>> -> memref<24x128xf32, #tpu.memory_space<vmem_shared>>
      %dma_start3A_209 = arith.constant 0 : i32
      %dma_start3A_210 = tpu.memref_slice %arg12[%add3A_99, %dma_start3A_209] : memref<10000x128xf32, #tpu.memory_space<vmem_shared>> -> memref<24x128xf32, #tpu.memory_space<vmem_shared>>
      tpu.enqueue_dma source(%arg20 : memref<24x128xf32, #tpu.memory_space<vmem>>) target(%dma_start3A_210 : memref<24x128xf32, #tpu.memory_space<vmem_shared>>) target_semaphore(%run_scoped3A_206 : memref<!tpu.dma_semaphore, #tpu.memory_space<semaphore_mem>>)
      %dma_wait3A_211 = arith.constant 0 : i32
      %dma_wait3A_212 = tpu.memref_slice %arg12[%add3A_99, %dma_wait3A_211] : memref<10000x128xf32, #tpu.memory_space<vmem_shared>> -> memref<24x128xf32, #tpu.memory_space<vmem_shared>>
      %dma_wait3A_213 = arith.constant 0 : i32
      %dma_wait3A_214 = tpu.memref_slice %arg12[%add3A_99, %dma_wait3A_213] : memref<10000x128xf32, #tpu.memory_space<vmem_shared>> -> memref<24x128xf32, #tpu.memory_space<vmem_shared>>
      tpu.wait_dma2 semaphore(%run_scoped3A_206 : memref<!tpu.dma_semaphore, #tpu.memory_space<semaphore_mem>>) src(%arg20 : memref<24x128xf32, #tpu.memory_space<vmem>>) dst(%dma_wait3A_214 : memref<24x128xf32, #tpu.memory_space<vmem_shared>>)
      tpu.yield
    }) : () -> ()
    %add3A_100 = arith.constant 528 : i32
    %add3A_101 = arith.addi %mul3A_55, %add3A_100 : i32
    "tpu.region"() ({
      %run_scoped3A_206 = tpu.sem_alloc : memref<!tpu.dma_semaphore, #tpu.memory_space<semaphore_mem>>
      %dma_start3A_207 = arith.constant 0 : i32
      %dma_start3A_208 = tpu.memref_slice %arg12[%add3A_101, %dma_start3A_207] : memref<10000x128xf32, #tpu.memory_space<vmem_shared>> -> memref<24x128xf32, #tpu.memory_space<vmem_shared>>
      %dma_start3A_209 = arith.constant 0 : i32
      %dma_start3A_210 = tpu.memref_slice %arg12[%add3A_101, %dma_start3A_209] : memref<10000x128xf32, #tpu.memory_space<vmem_shared>> -> memref<24x128xf32, #tpu.memory_space<vmem_shared>>
      tpu.enqueue_dma source(%arg20 : memref<24x128xf32, #tpu.memory_space<vmem>>) target(%dma_start3A_210 : memref<24x128xf32, #tpu.memory_space<vmem_shared>>) target_semaphore(%run_scoped3A_206 : memref<!tpu.dma_semaphore, #tpu.memory_space<semaphore_mem>>)
      %dma_wait3A_211 = arith.constant 0 : i32
      %dma_wait3A_212 = tpu.memref_slice %arg12[%add3A_101, %dma_wait3A_211] : memref<10000x128xf32, #tpu.memory_space<vmem_shared>> -> memref<24x128xf32, #tpu.memory_space<vmem_shared>>
      %dma_wait3A_213 = arith.constant 0 : i32
      %dma_wait3A_214 = tpu.memref_slice %arg12[%add3A_101, %dma_wait3A_213] : memref<10000x128xf32, #tpu.memory_space<vmem_shared>> -> memref<24x128xf32, #tpu.memory_space<vmem_shared>>
      tpu.wait_dma2 semaphore(%run_scoped3A_206 : memref<!tpu.dma_semaphore, #tpu.memory_space<semaphore_mem>>) src(%arg20 : memref<24x128xf32, #tpu.memory_space<vmem>>) dst(%dma_wait3A_214 : memref<24x128xf32, #tpu.memory_space<vmem_shared>>)
      tpu.yield
    }) : () -> ()
    %add3A_102 = arith.constant 552 : i32
    %add3A_103 = arith.addi %mul3A_55, %add3A_102 : i32
    "tpu.region"() ({
      %run_scoped3A_206 = tpu.sem_alloc : memref<!tpu.dma_semaphore, #tpu.memory_space<semaphore_mem>>
      %dma_start3A_207 = arith.constant 0 : i32
      %dma_start3A_208 = tpu.memref_slice %arg12[%add3A_103, %dma_start3A_207] : memref<10000x128xf32, #tpu.memory_space<vmem_shared>> -> memref<24x128xf32, #tpu.memory_space<vmem_shared>>
      %dma_start3A_209 = arith.constant 0 : i32
      %dma_start3A_210 = tpu.memref_slice %arg12[%add3A_103, %dma_start3A_209] : memref<10000x128xf32, #tpu.memory_space<vmem_shared>> -> memref<24x128xf32, #tpu.memory_space<vmem_shared>>
      tpu.enqueue_dma source(%arg20 : memref<24x128xf32, #tpu.memory_space<vmem>>) target(%dma_start3A_210 : memref<24x128xf32, #tpu.memory_space<vmem_shared>>) target_semaphore(%run_scoped3A_206 : memref<!tpu.dma_semaphore, #tpu.memory_space<semaphore_mem>>)
      %dma_wait3A_211 = arith.constant 0 : i32
      %dma_wait3A_212 = tpu.memref_slice %arg12[%add3A_103, %dma_wait3A_211] : memref<10000x128xf32, #tpu.memory_space<vmem_shared>> -> memref<24x128xf32, #tpu.memory_space<vmem_shared>>
      %dma_wait3A_213 = arith.constant 0 : i32
      %dma_wait3A_214 = tpu.memref_slice %arg12[%add3A_103, %dma_wait3A_213] : memref<10000x128xf32, #tpu.memory_space<vmem_shared>> -> memref<24x128xf32, #tpu.memory_space<vmem_shared>>
      tpu.wait_dma2 semaphore(%run_scoped3A_206 : memref<!tpu.dma_semaphore, #tpu.memory_space<semaphore_mem>>) src(%arg20 : memref<24x128xf32, #tpu.memory_space<vmem>>) dst(%dma_wait3A_214 : memref<24x128xf32, #tpu.memory_space<vmem_shared>>)
      tpu.yield
    }) : () -> ()
    %add3A_104 = arith.constant 576 : i32
    %add3A_105 = arith.addi %mul3A_55, %add3A_104 : i32
    "tpu.region"() ({
      %run_scoped3A_206 = tpu.sem_alloc : memref<!tpu.dma_semaphore, #tpu.memory_space<semaphore_mem>>
      %dma_start3A_207 = arith.constant 0 : i32
      %dma_start3A_208 = tpu.memref_slice %arg12[%add3A_105, %dma_start3A_207] : memref<10000x128xf32, #tpu.memory_space<vmem_shared>> -> memref<24x128xf32, #tpu.memory_space<vmem_shared>>
      %dma_start3A_209 = arith.constant 0 : i32
      %dma_start3A_210 = tpu.memref_slice %arg12[%add3A_105, %dma_start3A_209] : memref<10000x128xf32, #tpu.memory_space<vmem_shared>> -> memref<24x128xf32, #tpu.memory_space<vmem_shared>>
      tpu.enqueue_dma source(%arg20 : memref<24x128xf32, #tpu.memory_space<vmem>>) target(%dma_start3A_210 : memref<24x128xf32, #tpu.memory_space<vmem_shared>>) target_semaphore(%run_scoped3A_206 : memref<!tpu.dma_semaphore, #tpu.memory_space<semaphore_mem>>)
      %dma_wait3A_211 = arith.constant 0 : i32
      %dma_wait3A_212 = tpu.memref_slice %arg12[%add3A_105, %dma_wait3A_211] : memref<10000x128xf32, #tpu.memory_space<vmem_shared>> -> memref<24x128xf32, #tpu.memory_space<vmem_shared>>
      %dma_wait3A_213 = arith.constant 0 : i32
      %dma_wait3A_214 = tpu.memref_slice %arg12[%add3A_105, %dma_wait3A_213] : memref<10000x128xf32, #tpu.memory_space<vmem_shared>> -> memref<24x128xf32, #tpu.memory_space<vmem_shared>>
      tpu.wait_dma2 semaphore(%run_scoped3A_206 : memref<!tpu.dma_semaphore, #tpu.memory_space<semaphore_mem>>) src(%arg20 : memref<24x128xf32, #tpu.memory_space<vmem>>) dst(%dma_wait3A_214 : memref<24x128xf32, #tpu.memory_space<vmem_shared>>)
      tpu.yield
    }) : () -> ()
    %add3A_106 = arith.constant 600 : i32
    %add3A_107 = arith.addi %mul3A_55, %add3A_106 : i32
    "tpu.region"() ({
      %run_scoped3A_206 = tpu.sem_alloc : memref<!tpu.dma_semaphore, #tpu.memory_space<semaphore_mem>>
      %dma_start3A_207 = arith.constant 0 : i32
      %dma_start3A_208 = tpu.memref_slice %arg12[%add3A_107, %dma_start3A_207] : memref<10000x128xf32, #tpu.memory_space<vmem_shared>> -> memref<24x128xf32, #tpu.memory_space<vmem_shared>>
      %dma_start3A_209 = arith.constant 0 : i32
      %dma_start3A_210 = tpu.memref_slice %arg12[%add3A_107, %dma_start3A_209] : memref<10000x128xf32, #tpu.memory_space<vmem_shared>> -> memref<24x128xf32, #tpu.memory_space<vmem_shared>>
      tpu.enqueue_dma source(%arg20 : memref<24x128xf32, #tpu.memory_space<vmem>>) target(%dma_start3A_210 : memref<24x128xf32, #tpu.memory_space<vmem_shared>>) target_semaphore(%run_scoped3A_206 : memref<!tpu.dma_semaphore, #tpu.memory_space<semaphore_mem>>)
      %dma_wait3A_211 = arith.constant 0 : i32
      %dma_wait3A_212 = tpu.memref_slice %arg12[%add3A_107, %dma_wait3A_211] : memref<10000x128xf32, #tpu.memory_space<vmem_shared>> -> memref<24x128xf32, #tpu.memory_space<vmem_shared>>
      %dma_wait3A_213 = arith.constant 0 : i32
      %dma_wait3A_214 = tpu.memref_slice %arg12[%add3A_107, %dma_wait3A_213] : memref<10000x128xf32, #tpu.memory_space<vmem_shared>> -> memref<24x128xf32, #tpu.memory_space<vmem_shared>>
      tpu.wait_dma2 semaphore(%run_scoped3A_206 : memref<!tpu.dma_semaphore, #tpu.memory_space<semaphore_mem>>) src(%arg20 : memref<24x128xf32, #tpu.memory_space<vmem>>) dst(%dma_wait3A_214 : memref<24x128xf32, #tpu.memory_space<vmem_shared>>)
      tpu.yield
    }) : () -> ()
    %add3A_108 = arith.constant 624 : i32
    %add3A_109 = arith.addi %mul3A_55, %add3A_108 : i32
    "tpu.region"() ({
      %run_scoped3A_206 = tpu.sem_alloc : memref<!tpu.dma_semaphore, #tpu.memory_space<semaphore_mem>>
      %dma_start3A_207 = arith.constant 0 : i32
      %dma_start3A_208 = arith.constant 0 : i32
      %dma_start3A_209 = tpu.memref_slice %arg20[%dma_start3A_207, %dma_start3A_208] : memref<24x128xf32, #tpu.memory_space<vmem>> -> memref<16x128xf32, #tpu.memory_space<vmem>>
      %dma_start3A_210 = arith.constant 0 : i32
      %dma_start3A_211 = tpu.memref_slice %arg12[%add3A_109, %dma_start3A_210] : memref<10000x128xf32, #tpu.memory_space<vmem_shared>> -> memref<16x128xf32, #tpu.memory_space<vmem_shared>>
      %dma_start3A_212 = arith.constant 0 : i32
      %dma_start3A_213 = tpu.memref_slice %arg12[%add3A_109, %dma_start3A_212] : memref<10000x128xf32, #tpu.memory_space<vmem_shared>> -> memref<16x128xf32, #tpu.memory_space<vmem_shared>>
      %dma_start3A_214 = arith.constant 0 : i32
      %dma_start3A_215 = arith.constant 0 : i32
      %dma_start3A_216 = tpu.memref_slice %arg20[%dma_start3A_214, %dma_start3A_215] : memref<24x128xf32, #tpu.memory_space<vmem>> -> memref<16x128xf32, #tpu.memory_space<vmem>>
      tpu.enqueue_dma source(%dma_start3A_216 : memref<16x128xf32, #tpu.memory_space<vmem>>) target(%dma_start3A_213 : memref<16x128xf32, #tpu.memory_space<vmem_shared>>) target_semaphore(%run_scoped3A_206 : memref<!tpu.dma_semaphore, #tpu.memory_space<semaphore_mem>>)
      %dma_wait3A_217 = arith.constant 0 : i32
      %dma_wait3A_218 = arith.constant 0 : i32
      %dma_wait3A_219 = tpu.memref_slice %arg20[%dma_wait3A_217, %dma_wait3A_218] : memref<24x128xf32, #tpu.memory_space<vmem>> -> memref<16x128xf32, #tpu.memory_space<vmem>>
      %dma_wait3A_220 = arith.constant 0 : i32
      %dma_wait3A_221 = tpu.memref_slice %arg12[%add3A_109, %dma_wait3A_220] : memref<10000x128xf32, #tpu.memory_space<vmem_shared>> -> memref<16x128xf32, #tpu.memory_space<vmem_shared>>
      %dma_wait3A_222 = arith.constant 0 : i32
      %dma_wait3A_223 = tpu.memref_slice %arg12[%add3A_109, %dma_wait3A_222] : memref<10000x128xf32, #tpu.memory_space<vmem_shared>> -> memref<16x128xf32, #tpu.memory_space<vmem_shared>>
      %dma_wait3A_224 = arith.constant 0 : i32
      %dma_wait3A_225 = arith.constant 0 : i32
      %dma_wait3A_226 = tpu.memref_slice %arg20[%dma_wait3A_224, %dma_wait3A_225] : memref<24x128xf32, #tpu.memory_space<vmem>> -> memref<16x128xf32, #tpu.memory_space<vmem>>
      tpu.wait_dma2 semaphore(%run_scoped3A_206 : memref<!tpu.dma_semaphore, #tpu.memory_space<semaphore_mem>>) src(%dma_wait3A_226 : memref<16x128xf32, #tpu.memory_space<vmem>>) dst(%dma_wait3A_223 : memref<16x128xf32, #tpu.memory_space<vmem_shared>>)
      tpu.yield
    }) : () -> ()
    %dma_start3A_110 = arith.constant 7 : i32
    %dma_start3A_111 = arith.constant 0 : i32
    %dma_start3A_112 = tpu.memref_slice %arg8[%dma_start3A_110, %dma_start3A_111] : memref<416x24xi32, #tpu.memory_space<vmem>> -> memref<1x24xi32, #tpu.memory_space<vmem>>
    %dma_start3A_113 = tpu.memref_squeeze %dma_start3A_112 : memref<1x24xi32, #tpu.memory_space<vmem>> -> memref<24xi32, #tpu.memory_space<vmem>>
    %dma_start3A_114 = arith.constant 0 : i32
    %dma_start3A_115 = arith.constant 0 : i32
    %dma_start3A_116 = tpu.memref_slice %arg2[%dma_start3A_114, %dma_start3A_115] : memref<10000x128xf32, #tpu.memory_space<hbm>> -> memref<10000x128xf32, #tpu.memory_space<hbm>>
    tpu.enqueue_indirect_dma source(%dma_start3A_116 : memref<10000x128xf32, #tpu.memory_space<hbm>>) target(%arg20 : memref<24x128xf32, #tpu.memory_space<vmem>>) offsets(%dma_start3A_113 : memref<24xi32, #tpu.memory_space<vmem>>) semaphore(%arg28 : memref<!tpu.dma_semaphore, #tpu.memory_space<semaphore_mem>>)
    %barrier3A = arith.constant 0 : index
    tpu.barrier barrier_id(%barrier3A)
    %scan3A_117 = arith.constant 0 : i32
    %scan3A_118 = arith.constant 51 : i32
    %scan3A_119 = arith.addi %scan3A_117, %scan3A_118 : i32
    %scan3A_120 = arith.constant 1 : i32
    scf.for %scan3A_206 = %scan3A_117 to %scan3A_119 step %scan3A_120  : i32 {
      %mul3A_207 = arith.constant 1 : i32
      %mul3A_208 = arith.muli %scan3A_206, %mul3A_207 : i32
      %add3A_209 = arith.constant 0 : i32
      %add3A_210 = arith.addi %add3A_209, %mul3A_208 : i32
      %mul3A_211 = arith.constant 8 : i32
      %mul3A_212 = arith.muli %add3A_210, %mul3A_211 : i32
      %add3A_213 = arith.constant 0 : i32
      %add3A_214 = arith.addi %mul3A_212, %add3A_213 : i32
      %dma_wait3A_215 = arith.constant 0 : i32
      %dma_wait3A_216 = tpu.memref_slice %arg8[%add3A_214, %dma_wait3A_215] : memref<416x24xi32, #tpu.memory_space<vmem>> -> memref<1x24xi32, #tpu.memory_space<vmem>>
      %dma_wait3A_217 = tpu.memref_squeeze %dma_wait3A_216 : memref<1x24xi32, #tpu.memory_space<vmem>> -> memref<24xi32, #tpu.memory_space<vmem>>
      %dma_wait3A_218 = arith.constant 0 : i32
      %dma_wait3A_219 = arith.constant 0 : i32
      %dma_wait3A_220 = tpu.memref_slice %arg2[%dma_wait3A_218, %dma_wait3A_219] : memref<10000x128xf32, #tpu.memory_space<hbm>> -> memref<10000x128xf32, #tpu.memory_space<hbm>>
      tpu.wait_indirect_dma semaphore(%arg21 : memref<!tpu.dma_semaphore, #tpu.memory_space<semaphore_mem>>) src(%dma_wait3A_220 : memref<10000x128xf32, #tpu.memory_space<hbm>>) dst(%arg13 : memref<24x128xf32, #tpu.memory_space<vmem>>)
      %add3A_221 = arith.constant 0 : i32
      %add3A_222 = arith.addi %mul3A_212, %add3A_221 : i32
      "tpu.region"() ({
        %run_scoped3A_373 = tpu.sem_alloc : memref<!tpu.dma_semaphore, #tpu.memory_space<semaphore_mem>>
        %dma_start3A_374 = arith.constant 0 : i32
        %dma_start3A_375 = tpu.memref_slice %arg9[%add3A_222, %dma_start3A_374] : memref<416x24xi32, #tpu.memory_space<vmem>> -> memref<1x24xi32, #tpu.memory_space<vmem>>
        %dma_start3A_376 = tpu.memref_squeeze %dma_start3A_375 : memref<1x24xi32, #tpu.memory_space<vmem>> -> memref<24xi32, #tpu.memory_space<vmem>>
        %dma_start3A_377 = arith.constant 0 : i32
        %dma_start3A_378 = arith.constant 0 : i32
        %dma_start3A_379 = tpu.memref_slice %arg12[%dma_start3A_377, %dma_start3A_378] : memref<10000x128xf32, #tpu.memory_space<vmem_shared>> -> memref<10000x128xf32, #tpu.memory_space<vmem_shared>>
        tpu.enqueue_indirect_dma source(%arg13 : memref<24x128xf32, #tpu.memory_space<vmem>>) target(%dma_start3A_379 : memref<10000x128xf32, #tpu.memory_space<vmem_shared>>) offsets(%dma_start3A_376 : memref<24xi32, #tpu.memory_space<vmem>>) semaphore(%run_scoped3A_373 : memref<!tpu.dma_semaphore, #tpu.memory_space<semaphore_mem>>) {add = true}
        %dma_wait3A_380 = arith.constant 0 : i32
        %dma_wait3A_381 = tpu.memref_slice %arg9[%add3A_222, %dma_wait3A_380] : memref<416x24xi32, #tpu.memory_space<vmem>> -> memref<1x24xi32, #tpu.memory_space<vmem>>
        %dma_wait3A_382 = tpu.memref_squeeze %dma_wait3A_381 : memref<1x24xi32, #tpu.memory_space<vmem>> -> memref<24xi32, #tpu.memory_space<vmem>>
        %dma_wait3A_383 = arith.constant 0 : i32
        %dma_wait3A_384 = arith.constant 0 : i32
        %dma_wait3A_385 = tpu.memref_slice %arg12[%dma_wait3A_383, %dma_wait3A_384] : memref<10000x128xf32, #tpu.memory_space<vmem_shared>> -> memref<10000x128xf32, #tpu.memory_space<vmem_shared>>
        tpu.wait_indirect_dma semaphore(%run_scoped3A_373 : memref<!tpu.dma_semaphore, #tpu.memory_space<semaphore_mem>>) src(%arg13 : memref<24x128xf32, #tpu.memory_space<vmem>>) dst(%dma_wait3A_385 : memref<10000x128xf32, #tpu.memory_space<vmem_shared>>)
        tpu.yield
      }) : () -> ()
      %add3A_223 = arith.constant 8 : i32
      %add3A_224 = arith.addi %mul3A_212, %add3A_223 : i32
      %add3A_225 = arith.constant 0 : i32
      %add3A_226 = arith.addi %add3A_224, %add3A_225 : i32
      %dma_start3A_227 = arith.constant 0 : i32
      %dma_start3A_228 = tpu.memref_slice %arg8[%add3A_226, %dma_start3A_227] : memref<416x24xi32, #tpu.memory_space<vmem>> -> memref<1x24xi32, #tpu.memory_space<vmem>>
      %dma_start3A_229 = tpu.memref_squeeze %dma_start3A_228 : memref<1x24xi32, #tpu.memory_space<vmem>> -> memref<24xi32, #tpu.memory_space<vmem>>
      %dma_start3A_230 = arith.constant 0 : i32
      %dma_start3A_231 = arith.constant 0 : i32
      %dma_start3A_232 = tpu.memref_slice %arg2[%dma_start3A_230, %dma_start3A_231] : memref<10000x128xf32, #tpu.memory_space<hbm>> -> memref<10000x128xf32, #tpu.memory_space<hbm>>
      tpu.enqueue_indirect_dma source(%dma_start3A_232 : memref<10000x128xf32, #tpu.memory_space<hbm>>) target(%arg13 : memref<24x128xf32, #tpu.memory_space<vmem>>) offsets(%dma_start3A_229 : memref<24xi32, #tpu.memory_space<vmem>>) semaphore(%arg21 : memref<!tpu.dma_semaphore, #tpu.memory_space<semaphore_mem>>)
      %add3A_233 = arith.constant 1 : i32
      %add3A_234 = arith.addi %mul3A_212, %add3A_233 : i32
      %dma_wait3A_235 = arith.constant 0 : i32
      %dma_wait3A_236 = tpu.memref_slice %arg8[%add3A_234, %dma_wait3A_235] : memref<416x24xi32, #tpu.memory_space<vmem>> -> memref<1x24xi32, #tpu.memory_space<vmem>>
      %dma_wait3A_237 = tpu.memref_squeeze %dma_wait3A_236 : memref<1x24xi32, #tpu.memory_space<vmem>> -> memref<24xi32, #tpu.memory_space<vmem>>
      %dma_wait3A_238 = arith.constant 0 : i32
      %dma_wait3A_239 = arith.constant 0 : i32
      %dma_wait3A_240 = tpu.memref_slice %arg2[%dma_wait3A_238, %dma_wait3A_239] : memref<10000x128xf32, #tpu.memory_space<hbm>> -> memref<10000x128xf32, #tpu.memory_space<hbm>>
      tpu.wait_indirect_dma semaphore(%arg22 : memref<!tpu.dma_semaphore, #tpu.memory_space<semaphore_mem>>) src(%dma_wait3A_240 : memref<10000x128xf32, #tpu.memory_space<hbm>>) dst(%arg14 : memref<24x128xf32, #tpu.memory_space<vmem>>)
      %add3A_241 = arith.constant 1 : i32
      %add3A_242 = arith.addi %mul3A_212, %add3A_241 : i32
      "tpu.region"() ({
        %run_scoped3A_373 = tpu.sem_alloc : memref<!tpu.dma_semaphore, #tpu.memory_space<semaphore_mem>>
        %dma_start3A_374 = arith.constant 0 : i32
        %dma_start3A_375 = tpu.memref_slice %arg9[%add3A_242, %dma_start3A_374] : memref<416x24xi32, #tpu.memory_space<vmem>> -> memref<1x24xi32, #tpu.memory_space<vmem>>
        %dma_start3A_376 = tpu.memref_squeeze %dma_start3A_375 : memref<1x24xi32, #tpu.memory_space<vmem>> -> memref<24xi32, #tpu.memory_space<vmem>>
        %dma_start3A_377 = arith.constant 0 : i32
        %dma_start3A_378 = arith.constant 0 : i32
        %dma_start3A_379 = tpu.memref_slice %arg12[%dma_start3A_377, %dma_start3A_378] : memref<10000x128xf32, #tpu.memory_space<vmem_shared>> -> memref<10000x128xf32, #tpu.memory_space<vmem_shared>>
        tpu.enqueue_indirect_dma source(%arg14 : memref<24x128xf32, #tpu.memory_space<vmem>>) target(%dma_start3A_379 : memref<10000x128xf32, #tpu.memory_space<vmem_shared>>) offsets(%dma_start3A_376 : memref<24xi32, #tpu.memory_space<vmem>>) semaphore(%run_scoped3A_373 : memref<!tpu.dma_semaphore, #tpu.memory_space<semaphore_mem>>) {add = true}
        %dma_wait3A_380 = arith.constant 0 : i32
        %dma_wait3A_381 = tpu.memref_slice %arg9[%add3A_242, %dma_wait3A_380] : memref<416x24xi32, #tpu.memory_space<vmem>> -> memref<1x24xi32, #tpu.memory_space<vmem>>
        %dma_wait3A_382 = tpu.memref_squeeze %dma_wait3A_381 : memref<1x24xi32, #tpu.memory_space<vmem>> -> memref<24xi32, #tpu.memory_space<vmem>>
        %dma_wait3A_383 = arith.constant 0 : i32
        %dma_wait3A_384 = arith.constant 0 : i32
        %dma_wait3A_385 = tpu.memref_slice %arg12[%dma_wait3A_383, %dma_wait3A_384] : memref<10000x128xf32, #tpu.memory_space<vmem_shared>> -> memref<10000x128xf32, #tpu.memory_space<vmem_shared>>
        tpu.wait_indirect_dma semaphore(%run_scoped3A_373 : memref<!tpu.dma_semaphore, #tpu.memory_space<semaphore_mem>>) src(%arg14 : memref<24x128xf32, #tpu.memory_space<vmem>>) dst(%dma_wait3A_385 : memref<10000x128xf32, #tpu.memory_space<vmem_shared>>)
        tpu.yield
      }) : () -> ()
      %add3A_243 = arith.constant 8 : i32
      %add3A_244 = arith.addi %mul3A_212, %add3A_243 : i32
      %add3A_245 = arith.constant 1 : i32
      %add3A_246 = arith.addi %add3A_244, %add3A_245 : i32
      %dma_start3A_247 = arith.constant 0 : i32
      %dma_start3A_248 = tpu.memref_slice %arg8[%add3A_246, %dma_start3A_247] : memref<416x24xi32, #tpu.memory_space<vmem>> -> memref<1x24xi32, #tpu.memory_space<vmem>>
      %dma_start3A_249 = tpu.memref_squeeze %dma_start3A_248 : memref<1x24xi32, #tpu.memory_space<vmem>> -> memref<24xi32, #tpu.memory_space<vmem>>
      %dma_start3A_250 = arith.constant 0 : i32
      %dma_start3A_251 = arith.constant 0 : i32
      %dma_start3A_252 = tpu.memref_slice %arg2[%dma_start3A_250, %dma_start3A_251] : memref<10000x128xf32, #tpu.memory_space<hbm>> -> memref<10000x128xf32, #tpu.memory_space<hbm>>
      tpu.enqueue_indirect_dma source(%dma_start3A_252 : memref<10000x128xf32, #tpu.memory_space<hbm>>) target(%arg14 : memref<24x128xf32, #tpu.memory_space<vmem>>) offsets(%dma_start3A_249 : memref<24xi32, #tpu.memory_space<vmem>>) semaphore(%arg22 : memref<!tpu.dma_semaphore, #tpu.memory_space<semaphore_mem>>)
      %add3A_253 = arith.constant 2 : i32
      %add3A_254 = arith.addi %mul3A_212, %add3A_253 : i32
      %dma_wait3A_255 = arith.constant 0 : i32
      %dma_wait3A_256 = tpu.memref_slice %arg8[%add3A_254, %dma_wait3A_255] : memref<416x24xi32, #tpu.memory_space<vmem>> -> memref<1x24xi32, #tpu.memory_space<vmem>>
      %dma_wait3A_257 = tpu.memref_squeeze %dma_wait3A_256 : memref<1x24xi32, #tpu.memory_space<vmem>> -> memref<24xi32, #tpu.memory_space<vmem>>
      %dma_wait3A_258 = arith.constant 0 : i32
      %dma_wait3A_259 = arith.constant 0 : i32
      %dma_wait3A_260 = tpu.memref_slice %arg2[%dma_wait3A_258, %dma_wait3A_259] : memref<10000x128xf32, #tpu.memory_space<hbm>> -> memref<10000x128xf32, #tpu.memory_space<hbm>>
      tpu.wait_indirect_dma semaphore(%arg23 : memref<!tpu.dma_semaphore, #tpu.memory_space<semaphore_mem>>) src(%dma_wait3A_260 : memref<10000x128xf32, #tpu.memory_space<hbm>>) dst(%arg15 : memref<24x128xf32, #tpu.memory_space<vmem>>)
      %add3A_261 = arith.constant 2 : i32
      %add3A_262 = arith.addi %mul3A_212, %add3A_261 : i32
      "tpu.region"() ({
        %run_scoped3A_373 = tpu.sem_alloc : memref<!tpu.dma_semaphore, #tpu.memory_space<semaphore_mem>>
        %dma_start3A_374 = arith.constant 0 : i32
        %dma_start3A_375 = tpu.memref_slice %arg9[%add3A_262, %dma_start3A_374] : memref<416x24xi32, #tpu.memory_space<vmem>> -> memref<1x24xi32, #tpu.memory_space<vmem>>
        %dma_start3A_376 = tpu.memref_squeeze %dma_start3A_375 : memref<1x24xi32, #tpu.memory_space<vmem>> -> memref<24xi32, #tpu.memory_space<vmem>>
        %dma_start3A_377 = arith.constant 0 : i32
        %dma_start3A_378 = arith.constant 0 : i32
        %dma_start3A_379 = tpu.memref_slice %arg12[%dma_start3A_377, %dma_start3A_378] : memref<10000x128xf32, #tpu.memory_space<vmem_shared>> -> memref<10000x128xf32, #tpu.memory_space<vmem_shared>>
        tpu.enqueue_indirect_dma source(%arg15 : memref<24x128xf32, #tpu.memory_space<vmem>>) target(%dma_start3A_379 : memref<10000x128xf32, #tpu.memory_space<vmem_shared>>) offsets(%dma_start3A_376 : memref<24xi32, #tpu.memory_space<vmem>>) semaphore(%run_scoped3A_373 : memref<!tpu.dma_semaphore, #tpu.memory_space<semaphore_mem>>) {add = true}
        %dma_wait3A_380 = arith.constant 0 : i32
        %dma_wait3A_381 = tpu.memref_slice %arg9[%add3A_262, %dma_wait3A_380] : memref<416x24xi32, #tpu.memory_space<vmem>> -> memref<1x24xi32, #tpu.memory_space<vmem>>
        %dma_wait3A_382 = tpu.memref_squeeze %dma_wait3A_381 : memref<1x24xi32, #tpu.memory_space<vmem>> -> memref<24xi32, #tpu.memory_space<vmem>>
        %dma_wait3A_383 = arith.constant 0 : i32
        %dma_wait3A_384 = arith.constant 0 : i32
        %dma_wait3A_385 = tpu.memref_slice %arg12[%dma_wait3A_383, %dma_wait3A_384] : memref<10000x128xf32, #tpu.memory_space<vmem_shared>> -> memref<10000x128xf32, #tpu.memory_space<vmem_shared>>
        tpu.wait_indirect_dma semaphore(%run_scoped3A_373 : memref<!tpu.dma_semaphore, #tpu.memory_space<semaphore_mem>>) src(%arg15 : memref<24x128xf32, #tpu.memory_space<vmem>>) dst(%dma_wait3A_385 : memref<10000x128xf32, #tpu.memory_space<vmem_shared>>)
        tpu.yield
      }) : () -> ()
      %add3A_263 = arith.constant 8 : i32
      %add3A_264 = arith.addi %mul3A_212, %add3A_263 : i32
      %add3A_265 = arith.constant 2 : i32
      %add3A_266 = arith.addi %add3A_264, %add3A_265 : i32
      %dma_start3A_267 = arith.constant 0 : i32
      %dma_start3A_268 = tpu.memref_slice %arg8[%add3A_266, %dma_start3A_267] : memref<416x24xi32, #tpu.memory_space<vmem>> -> memref<1x24xi32, #tpu.memory_space<vmem>>
      %dma_start3A_269 = tpu.memref_squeeze %dma_start3A_268 : memref<1x24xi32, #tpu.memory_space<vmem>> -> memref<24xi32, #tpu.memory_space<vmem>>
      %dma_start3A_270 = arith.constant 0 : i32
      %dma_start3A_271 = arith.constant 0 : i32
      %dma_start3A_272 = tpu.memref_slice %arg2[%dma_start3A_270, %dma_start3A_271] : memref<10000x128xf32, #tpu.memory_space<hbm>> -> memref<10000x128xf32, #tpu.memory_space<hbm>>
      tpu.enqueue_indirect_dma source(%dma_start3A_272 : memref<10000x128xf32, #tpu.memory_space<hbm>>) target(%arg15 : memref<24x128xf32, #tpu.memory_space<vmem>>) offsets(%dma_start3A_269 : memref<24xi32, #tpu.memory_space<vmem>>) semaphore(%arg23 : memref<!tpu.dma_semaphore, #tpu.memory_space<semaphore_mem>>)
      %add3A_273 = arith.constant 3 : i32
      %add3A_274 = arith.addi %mul3A_212, %add3A_273 : i32
      %dma_wait3A_275 = arith.constant 0 : i32
      %dma_wait3A_276 = tpu.memref_slice %arg8[%add3A_274, %dma_wait3A_275] : memref<416x24xi32, #tpu.memory_space<vmem>> -> memref<1x24xi32, #tpu.memory_space<vmem>>
      %dma_wait3A_277 = tpu.memref_squeeze %dma_wait3A_276 : memref<1x24xi32, #tpu.memory_space<vmem>> -> memref<24xi32, #tpu.memory_space<vmem>>
      %dma_wait3A_278 = arith.constant 0 : i32
      %dma_wait3A_279 = arith.constant 0 : i32
      %dma_wait3A_280 = tpu.memref_slice %arg2[%dma_wait3A_278, %dma_wait3A_279] : memref<10000x128xf32, #tpu.memory_space<hbm>> -> memref<10000x128xf32, #tpu.memory_space<hbm>>
      tpu.wait_indirect_dma semaphore(%arg24 : memref<!tpu.dma_semaphore, #tpu.memory_space<semaphore_mem>>) src(%dma_wait3A_280 : memref<10000x128xf32, #tpu.memory_space<hbm>>) dst(%arg16 : memref<24x128xf32, #tpu.memory_space<vmem>>)
      %add3A_281 = arith.constant 3 : i32
      %add3A_282 = arith.addi %mul3A_212, %add3A_281 : i32
      "tpu.region"() ({
        %run_scoped3A_373 = tpu.sem_alloc : memref<!tpu.dma_semaphore, #tpu.memory_space<semaphore_mem>>
        %dma_start3A_374 = arith.constant 0 : i32
        %dma_start3A_375 = tpu.memref_slice %arg9[%add3A_282, %dma_start3A_374] : memref<416x24xi32, #tpu.memory_space<vmem>> -> memref<1x24xi32, #tpu.memory_space<vmem>>
        %dma_start3A_376 = tpu.memref_squeeze %dma_start3A_375 : memref<1x24xi32, #tpu.memory_space<vmem>> -> memref<24xi32, #tpu.memory_space<vmem>>
        %dma_start3A_377 = arith.constant 0 : i32
        %dma_start3A_378 = arith.constant 0 : i32
        %dma_start3A_379 = tpu.memref_slice %arg12[%dma_start3A_377, %dma_start3A_378] : memref<10000x128xf32, #tpu.memory_space<vmem_shared>> -> memref<10000x128xf32, #tpu.memory_space<vmem_shared>>
        tpu.enqueue_indirect_dma source(%arg16 : memref<24x128xf32, #tpu.memory_space<vmem>>) target(%dma_start3A_379 : memref<10000x128xf32, #tpu.memory_space<vmem_shared>>) offsets(%dma_start3A_376 : memref<24xi32, #tpu.memory_space<vmem>>) semaphore(%run_scoped3A_373 : memref<!tpu.dma_semaphore, #tpu.memory_space<semaphore_mem>>) {add = true}
        %dma_wait3A_380 = arith.constant 0 : i32
        %dma_wait3A_381 = tpu.memref_slice %arg9[%add3A_282, %dma_wait3A_380] : memref<416x24xi32, #tpu.memory_space<vmem>> -> memref<1x24xi32, #tpu.memory_space<vmem>>
        %dma_wait3A_382 = tpu.memref_squeeze %dma_wait3A_381 : memref<1x24xi32, #tpu.memory_space<vmem>> -> memref<24xi32, #tpu.memory_space<vmem>>
        %dma_wait3A_383 = arith.constant 0 : i32
        %dma_wait3A_384 = arith.constant 0 : i32
        %dma_wait3A_385 = tpu.memref_slice %arg12[%dma_wait3A_383, %dma_wait3A_384] : memref<10000x128xf32, #tpu.memory_space<vmem_shared>> -> memref<10000x128xf32, #tpu.memory_space<vmem_shared>>
        tpu.wait_indirect_dma semaphore(%run_scoped3A_373 : memref<!tpu.dma_semaphore, #tpu.memory_space<semaphore_mem>>) src(%arg16 : memref<24x128xf32, #tpu.memory_space<vmem>>) dst(%dma_wait3A_385 : memref<10000x128xf32, #tpu.memory_space<vmem_shared>>)
        tpu.yield
      }) : () -> ()
      %add3A_283 = arith.constant 8 : i32
      %add3A_284 = arith.addi %mul3A_212, %add3A_283 : i32
      %add3A_285 = arith.constant 3 : i32
      %add3A_286 = arith.addi %add3A_284, %add3A_285 : i32
      %dma_start3A_287 = arith.constant 0 : i32
      %dma_start3A_288 = tpu.memref_slice %arg8[%add3A_286, %dma_start3A_287] : memref<416x24xi32, #tpu.memory_space<vmem>> -> memref<1x24xi32, #tpu.memory_space<vmem>>
      %dma_start3A_289 = tpu.memref_squeeze %dma_start3A_288 : memref<1x24xi32, #tpu.memory_space<vmem>> -> memref<24xi32, #tpu.memory_space<vmem>>
      %dma_start3A_290 = arith.constant 0 : i32
      %dma_start3A_291 = arith.constant 0 : i32
      %dma_start3A_292 = tpu.memref_slice %arg2[%dma_start3A_290, %dma_start3A_291] : memref<10000x128xf32, #tpu.memory_space<hbm>> -> memref<10000x128xf32, #tpu.memory_space<hbm>>
      tpu.enqueue_indirect_dma source(%dma_start3A_292 : memref<10000x128xf32, #tpu.memory_space<hbm>>) target(%arg16 : memref<24x128xf32, #tpu.memory_space<vmem>>) offsets(%dma_start3A_289 : memref<24xi32, #tpu.memory_space<vmem>>) semaphore(%arg24 : memref<!tpu.dma_semaphore, #tpu.memory_space<semaphore_mem>>)
      %add3A_293 = arith.constant 4 : i32
      %add3A_294 = arith.addi %mul3A_212, %add3A_293 : i32
      %dma_wait3A_295 = arith.constant 0 : i32
      %dma_wait3A_296 = tpu.memref_slice %arg8[%add3A_294, %dma_wait3A_295] : memref<416x24xi32, #tpu.memory_space<vmem>> -> memref<1x24xi32, #tpu.memory_space<vmem>>
      %dma_wait3A_297 = tpu.memref_squeeze %dma_wait3A_296 : memref<1x24xi32, #tpu.memory_space<vmem>> -> memref<24xi32, #tpu.memory_space<vmem>>
      %dma_wait3A_298 = arith.constant 0 : i32
      %dma_wait3A_299 = arith.constant 0 : i32
      %dma_wait3A_300 = tpu.memref_slice %arg2[%dma_wait3A_298, %dma_wait3A_299] : memref<10000x128xf32, #tpu.memory_space<hbm>> -> memref<10000x128xf32, #tpu.memory_space<hbm>>
      tpu.wait_indirect_dma semaphore(%arg25 : memref<!tpu.dma_semaphore, #tpu.memory_space<semaphore_mem>>) src(%dma_wait3A_300 : memref<10000x128xf32, #tpu.memory_space<hbm>>) dst(%arg17 : memref<24x128xf32, #tpu.memory_space<vmem>>)
      %add3A_301 = arith.constant 4 : i32
      %add3A_302 = arith.addi %mul3A_212, %add3A_301 : i32
      "tpu.region"() ({
        %run_scoped3A_373 = tpu.sem_alloc : memref<!tpu.dma_semaphore, #tpu.memory_space<semaphore_mem>>
        %dma_start3A_374 = arith.constant 0 : i32
        %dma_start3A_375 = tpu.memref_slice %arg9[%add3A_302, %dma_start3A_374] : memref<416x24xi32, #tpu.memory_space<vmem>> -> memref<1x24xi32, #tpu.memory_space<vmem>>
        %dma_start3A_376 = tpu.memref_squeeze %dma_start3A_375 : memref<1x24xi32, #tpu.memory_space<vmem>> -> memref<24xi32, #tpu.memory_space<vmem>>
        %dma_start3A_377 = arith.constant 0 : i32
        %dma_start3A_378 = arith.constant 0 : i32
        %dma_start3A_379 = tpu.memref_slice %arg12[%dma_start3A_377, %dma_start3A_378] : memref<10000x128xf32, #tpu.memory_space<vmem_shared>> -> memref<10000x128xf32, #tpu.memory_space<vmem_shared>>
        tpu.enqueue_indirect_dma source(%arg17 : memref<24x128xf32, #tpu.memory_space<vmem>>) target(%dma_start3A_379 : memref<10000x128xf32, #tpu.memory_space<vmem_shared>>) offsets(%dma_start3A_376 : memref<24xi32, #tpu.memory_space<vmem>>) semaphore(%run_scoped3A_373 : memref<!tpu.dma_semaphore, #tpu.memory_space<semaphore_mem>>) {add = true}
        %dma_wait3A_380 = arith.constant 0 : i32
        %dma_wait3A_381 = tpu.memref_slice %arg9[%add3A_302, %dma_wait3A_380] : memref<416x24xi32, #tpu.memory_space<vmem>> -> memref<1x24xi32, #tpu.memory_space<vmem>>
        %dma_wait3A_382 = tpu.memref_squeeze %dma_wait3A_381 : memref<1x24xi32, #tpu.memory_space<vmem>> -> memref<24xi32, #tpu.memory_space<vmem>>
        %dma_wait3A_383 = arith.constant 0 : i32
        %dma_wait3A_384 = arith.constant 0 : i32
        %dma_wait3A_385 = tpu.memref_slice %arg12[%dma_wait3A_383, %dma_wait3A_384] : memref<10000x128xf32, #tpu.memory_space<vmem_shared>> -> memref<10000x128xf32, #tpu.memory_space<vmem_shared>>
        tpu.wait_indirect_dma semaphore(%run_scoped3A_373 : memref<!tpu.dma_semaphore, #tpu.memory_space<semaphore_mem>>) src(%arg17 : memref<24x128xf32, #tpu.memory_space<vmem>>) dst(%dma_wait3A_385 : memref<10000x128xf32, #tpu.memory_space<vmem_shared>>)
        tpu.yield
      }) : () -> ()
      %add3A_303 = arith.constant 8 : i32
      %add3A_304 = arith.addi %mul3A_212, %add3A_303 : i32
      %add3A_305 = arith.constant 4 : i32
      %add3A_306 = arith.addi %add3A_304, %add3A_305 : i32
      %dma_start3A_307 = arith.constant 0 : i32
      %dma_start3A_308 = tpu.memref_slice %arg8[%add3A_306, %dma_start3A_307] : memref<416x24xi32, #tpu.memory_space<vmem>> -> memref<1x24xi32, #tpu.memory_space<vmem>>
      %dma_start3A_309 = tpu.memref_squeeze %dma_start3A_308 : memref<1x24xi32, #tpu.memory_space<vmem>> -> memref<24xi32, #tpu.memory_space<vmem>>
      %dma_start3A_310 = arith.constant 0 : i32
      %dma_start3A_311 = arith.constant 0 : i32
      %dma_start3A_312 = tpu.memref_slice %arg2[%dma_start3A_310, %dma_start3A_311] : memref<10000x128xf32, #tpu.memory_space<hbm>> -> memref<10000x128xf32, #tpu.memory_space<hbm>>
      tpu.enqueue_indirect_dma source(%dma_start3A_312 : memref<10000x128xf32, #tpu.memory_space<hbm>>) target(%arg17 : memref<24x128xf32, #tpu.memory_space<vmem>>) offsets(%dma_start3A_309 : memref<24xi32, #tpu.memory_space<vmem>>) semaphore(%arg25 : memref<!tpu.dma_semaphore, #tpu.memory_space<semaphore_mem>>)
      %add3A_313 = arith.constant 5 : i32
      %add3A_314 = arith.addi %mul3A_212, %add3A_313 : i32
      %dma_wait3A_315 = arith.constant 0 : i32
      %dma_wait3A_316 = tpu.memref_slice %arg8[%add3A_314, %dma_wait3A_315] : memref<416x24xi32, #tpu.memory_space<vmem>> -> memref<1x24xi32, #tpu.memory_space<vmem>>
      %dma_wait3A_317 = tpu.memref_squeeze %dma_wait3A_316 : memref<1x24xi32, #tpu.memory_space<vmem>> -> memref<24xi32, #tpu.memory_space<vmem>>
      %dma_wait3A_318 = arith.constant 0 : i32
      %dma_wait3A_319 = arith.constant 0 : i32
      %dma_wait3A_320 = tpu.memref_slice %arg2[%dma_wait3A_318, %dma_wait3A_319] : memref<10000x128xf32, #tpu.memory_space<hbm>> -> memref<10000x128xf32, #tpu.memory_space<hbm>>
      tpu.wait_indirect_dma semaphore(%arg26 : memref<!tpu.dma_semaphore, #tpu.memory_space<semaphore_mem>>) src(%dma_wait3A_320 : memref<10000x128xf32, #tpu.memory_space<hbm>>) dst(%arg18 : memref<24x128xf32, #tpu.memory_space<vmem>>)
      %add3A_321 = arith.constant 5 : i32
      %add3A_322 = arith.addi %mul3A_212, %add3A_321 : i32
      "tpu.region"() ({
        %run_scoped3A_373 = tpu.sem_alloc : memref<!tpu.dma_semaphore, #tpu.memory_space<semaphore_mem>>
        %dma_start3A_374 = arith.constant 0 : i32
        %dma_start3A_375 = tpu.memref_slice %arg9[%add3A_322, %dma_start3A_374] : memref<416x24xi32, #tpu.memory_space<vmem>> -> memref<1x24xi32, #tpu.memory_space<vmem>>
        %dma_start3A_376 = tpu.memref_squeeze %dma_start3A_375 : memref<1x24xi32, #tpu.memory_space<vmem>> -> memref<24xi32, #tpu.memory_space<vmem>>
        %dma_start3A_377 = arith.constant 0 : i32
        %dma_start3A_378 = arith.constant 0 : i32
        %dma_start3A_379 = tpu.memref_slice %arg12[%dma_start3A_377, %dma_start3A_378] : memref<10000x128xf32, #tpu.memory_space<vmem_shared>> -> memref<10000x128xf32, #tpu.memory_space<vmem_shared>>
        tpu.enqueue_indirect_dma source(%arg18 : memref<24x128xf32, #tpu.memory_space<vmem>>) target(%dma_start3A_379 : memref<10000x128xf32, #tpu.memory_space<vmem_shared>>) offsets(%dma_start3A_376 : memref<24xi32, #tpu.memory_space<vmem>>) semaphore(%run_scoped3A_373 : memref<!tpu.dma_semaphore, #tpu.memory_space<semaphore_mem>>) {add = true}
        %dma_wait3A_380 = arith.constant 0 : i32
        %dma_wait3A_381 = tpu.memref_slice %arg9[%add3A_322, %dma_wait3A_380] : memref<416x24xi32, #tpu.memory_space<vmem>> -> memref<1x24xi32, #tpu.memory_space<vmem>>
        %dma_wait3A_382 = tpu.memref_squeeze %dma_wait3A_381 : memref<1x24xi32, #tpu.memory_space<vmem>> -> memref<24xi32, #tpu.memory_space<vmem>>
        %dma_wait3A_383 = arith.constant 0 : i32
        %dma_wait3A_384 = arith.constant 0 : i32
        %dma_wait3A_385 = tpu.memref_slice %arg12[%dma_wait3A_383, %dma_wait3A_384] : memref<10000x128xf32, #tpu.memory_space<vmem_shared>> -> memref<10000x128xf32, #tpu.memory_space<vmem_shared>>
        tpu.wait_indirect_dma semaphore(%run_scoped3A_373 : memref<!tpu.dma_semaphore, #tpu.memory_space<semaphore_mem>>) src(%arg18 : memref<24x128xf32, #tpu.memory_space<vmem>>) dst(%dma_wait3A_385 : memref<10000x128xf32, #tpu.memory_space<vmem_shared>>)
        tpu.yield
      }) : () -> ()
      %add3A_323 = arith.constant 8 : i32
      %add3A_324 = arith.addi %mul3A_212, %add3A_323 : i32
      %add3A_325 = arith.constant 5 : i32
      %add3A_326 = arith.addi %add3A_324, %add3A_325 : i32
      %dma_start3A_327 = arith.constant 0 : i32
      %dma_start3A_328 = tpu.memref_slice %arg8[%add3A_326, %dma_start3A_327] : memref<416x24xi32, #tpu.memory_space<vmem>> -> memref<1x24xi32, #tpu.memory_space<vmem>>
      %dma_start3A_329 = tpu.memref_squeeze %dma_start3A_328 : memref<1x24xi32, #tpu.memory_space<vmem>> -> memref<24xi32, #tpu.memory_space<vmem>>
      %dma_start3A_330 = arith.constant 0 : i32
      %dma_start3A_331 = arith.constant 0 : i32
      %dma_start3A_332 = tpu.memref_slice %arg2[%dma_start3A_330, %dma_start3A_331] : memref<10000x128xf32, #tpu.memory_space<hbm>> -> memref<10000x128xf32, #tpu.memory_space<hbm>>
      tpu.enqueue_indirect_dma source(%dma_start3A_332 : memref<10000x128xf32, #tpu.memory_space<hbm>>) target(%arg18 : memref<24x128xf32, #tpu.memory_space<vmem>>) offsets(%dma_start3A_329 : memref<24xi32, #tpu.memory_space<vmem>>) semaphore(%arg26 : memref<!tpu.dma_semaphore, #tpu.memory_space<semaphore_mem>>)
      %add3A_333 = arith.constant 6 : i32
      %add3A_334 = arith.addi %mul3A_212, %add3A_333 : i32
      %dma_wait3A_335 = arith.constant 0 : i32
      %dma_wait3A_336 = tpu.memref_slice %arg8[%add3A_334, %dma_wait3A_335] : memref<416x24xi32, #tpu.memory_space<vmem>> -> memref<1x24xi32, #tpu.memory_space<vmem>>
      %dma_wait3A_337 = tpu.memref_squeeze %dma_wait3A_336 : memref<1x24xi32, #tpu.memory_space<vmem>> -> memref<24xi32, #tpu.memory_space<vmem>>
      %dma_wait3A_338 = arith.constant 0 : i32
      %dma_wait3A_339 = arith.constant 0 : i32
      %dma_wait3A_340 = tpu.memref_slice %arg2[%dma_wait3A_338, %dma_wait3A_339] : memref<10000x128xf32, #tpu.memory_space<hbm>> -> memref<10000x128xf32, #tpu.memory_space<hbm>>
      tpu.wait_indirect_dma semaphore(%arg27 : memref<!tpu.dma_semaphore, #tpu.memory_space<semaphore_mem>>) src(%dma_wait3A_340 : memref<10000x128xf32, #tpu.memory_space<hbm>>) dst(%arg19 : memref<24x128xf32, #tpu.memory_space<vmem>>)
      %add3A_341 = arith.constant 6 : i32
      %add3A_342 = arith.addi %mul3A_212, %add3A_341 : i32
      "tpu.region"() ({
        %run_scoped3A_373 = tpu.sem_alloc : memref<!tpu.dma_semaphore, #tpu.memory_space<semaphore_mem>>
        %dma_start3A_374 = arith.constant 0 : i32
        %dma_start3A_375 = tpu.memref_slice %arg9[%add3A_342, %dma_start3A_374] : memref<416x24xi32, #tpu.memory_space<vmem>> -> memref<1x24xi32, #tpu.memory_space<vmem>>
        %dma_start3A_376 = tpu.memref_squeeze %dma_start3A_375 : memref<1x24xi32, #tpu.memory_space<vmem>> -> memref<24xi32, #tpu.memory_space<vmem>>
        %dma_start3A_377 = arith.constant 0 : i32
        %dma_start3A_378 = arith.constant 0 : i32
        %dma_start3A_379 = tpu.memref_slice %arg12[%dma_start3A_377, %dma_start3A_378] : memref<10000x128xf32, #tpu.memory_space<vmem_shared>> -> memref<10000x128xf32, #tpu.memory_space<vmem_shared>>
        tpu.enqueue_indirect_dma source(%arg19 : memref<24x128xf32, #tpu.memory_space<vmem>>) target(%dma_start3A_379 : memref<10000x128xf32, #tpu.memory_space<vmem_shared>>) offsets(%dma_start3A_376 : memref<24xi32, #tpu.memory_space<vmem>>) semaphore(%run_scoped3A_373 : memref<!tpu.dma_semaphore, #tpu.memory_space<semaphore_mem>>) {add = true}
        %dma_wait3A_380 = arith.constant 0 : i32
        %dma_wait3A_381 = tpu.memref_slice %arg9[%add3A_342, %dma_wait3A_380] : memref<416x24xi32, #tpu.memory_space<vmem>> -> memref<1x24xi32, #tpu.memory_space<vmem>>
        %dma_wait3A_382 = tpu.memref_squeeze %dma_wait3A_381 : memref<1x24xi32, #tpu.memory_space<vmem>> -> memref<24xi32, #tpu.memory_space<vmem>>
        %dma_wait3A_383 = arith.constant 0 : i32
        %dma_wait3A_384 = arith.constant 0 : i32
        %dma_wait3A_385 = tpu.memref_slice %arg12[%dma_wait3A_383, %dma_wait3A_384] : memref<10000x128xf32, #tpu.memory_space<vmem_shared>> -> memref<10000x128xf32, #tpu.memory_space<vmem_shared>>
        tpu.wait_indirect_dma semaphore(%run_scoped3A_373 : memref<!tpu.dma_semaphore, #tpu.memory_space<semaphore_mem>>) src(%arg19 : memref<24x128xf32, #tpu.memory_space<vmem>>) dst(%dma_wait3A_385 : memref<10000x128xf32, #tpu.memory_space<vmem_shared>>)
        tpu.yield
      }) : () -> ()
      %add3A_343 = arith.constant 8 : i32
      %add3A_344 = arith.addi %mul3A_212, %add3A_343 : i32
      %add3A_345 = arith.constant 6 : i32
      %add3A_346 = arith.addi %add3A_344, %add3A_345 : i32
      %dma_start3A_347 = arith.constant 0 : i32
      %dma_start3A_348 = tpu.memref_slice %arg8[%add3A_346, %dma_start3A_347] : memref<416x24xi32, #tpu.memory_space<vmem>> -> memref<1x24xi32, #tpu.memory_space<vmem>>
      %dma_start3A_349 = tpu.memref_squeeze %dma_start3A_348 : memref<1x24xi32, #tpu.memory_space<vmem>> -> memref<24xi32, #tpu.memory_space<vmem>>
      %dma_start3A_350 = arith.constant 0 : i32
      %dma_start3A_351 = arith.constant 0 : i32
      %dma_start3A_352 = tpu.memref_slice %arg2[%dma_start3A_350, %dma_start3A_351] : memref<10000x128xf32, #tpu.memory_space<hbm>> -> memref<10000x128xf32, #tpu.memory_space<hbm>>
      tpu.enqueue_indirect_dma source(%dma_start3A_352 : memref<10000x128xf32, #tpu.memory_space<hbm>>) target(%arg19 : memref<24x128xf32, #tpu.memory_space<vmem>>) offsets(%dma_start3A_349 : memref<24xi32, #tpu.memory_space<vmem>>) semaphore(%arg27 : memref<!tpu.dma_semaphore, #tpu.memory_space<semaphore_mem>>)
      %add3A_353 = arith.constant 7 : i32
      %add3A_354 = arith.addi %mul3A_212, %add3A_353 : i32
      %dma_wait3A_355 = arith.constant 0 : i32
      %dma_wait3A_356 = tpu.memref_slice %arg8[%add3A_354, %dma_wait3A_355] : memref<416x24xi32, #tpu.memory_space<vmem>> -> memref<1x24xi32, #tpu.memory_space<vmem>>
      %dma_wait3A_357 = tpu.memref_squeeze %dma_wait3A_356 : memref<1x24xi32, #tpu.memory_space<vmem>> -> memref<24xi32, #tpu.memory_space<vmem>>
      %dma_wait3A_358 = arith.constant 0 : i32
      %dma_wait3A_359 = arith.constant 0 : i32
      %dma_wait3A_360 = tpu.memref_slice %arg2[%dma_wait3A_358, %dma_wait3A_359] : memref<10000x128xf32, #tpu.memory_space<hbm>> -> memref<10000x128xf32, #tpu.memory_space<hbm>>
      tpu.wait_indirect_dma semaphore(%arg28 : memref<!tpu.dma_semaphore, #tpu.memory_space<semaphore_mem>>) src(%dma_wait3A_360 : memref<10000x128xf32, #tpu.memory_space<hbm>>) dst(%arg20 : memref<24x128xf32, #tpu.memory_space<vmem>>)
      %add3A_361 = arith.constant 7 : i32
      %add3A_362 = arith.addi %mul3A_212, %add3A_361 : i32
      "tpu.region"() ({
        %run_scoped3A_373 = tpu.sem_alloc : memref<!tpu.dma_semaphore, #tpu.memory_space<semaphore_mem>>
        %dma_start3A_374 = arith.constant 0 : i32
        %dma_start3A_375 = tpu.memref_slice %arg9[%add3A_362, %dma_start3A_374] : memref<416x24xi32, #tpu.memory_space<vmem>> -> memref<1x24xi32, #tpu.memory_space<vmem>>
        %dma_start3A_376 = tpu.memref_squeeze %dma_start3A_375 : memref<1x24xi32, #tpu.memory_space<vmem>> -> memref<24xi32, #tpu.memory_space<vmem>>
        %dma_start3A_377 = arith.constant 0 : i32
        %dma_start3A_378 = arith.constant 0 : i32
        %dma_start3A_379 = tpu.memref_slice %arg12[%dma_start3A_377, %dma_start3A_378] : memref<10000x128xf32, #tpu.memory_space<vmem_shared>> -> memref<10000x128xf32, #tpu.memory_space<vmem_shared>>
        tpu.enqueue_indirect_dma source(%arg20 : memref<24x128xf32, #tpu.memory_space<vmem>>) target(%dma_start3A_379 : memref<10000x128xf32, #tpu.memory_space<vmem_shared>>) offsets(%dma_start3A_376 : memref<24xi32, #tpu.memory_space<vmem>>) semaphore(%run_scoped3A_373 : memref<!tpu.dma_semaphore, #tpu.memory_space<semaphore_mem>>) {add = true}
        %dma_wait3A_380 = arith.constant 0 : i32
        %dma_wait3A_381 = tpu.memref_slice %arg9[%add3A_362, %dma_wait3A_380] : memref<416x24xi32, #tpu.memory_space<vmem>> -> memref<1x24xi32, #tpu.memory_space<vmem>>
        %dma_wait3A_382 = tpu.memref_squeeze %dma_wait3A_381 : memref<1x24xi32, #tpu.memory_space<vmem>> -> memref<24xi32, #tpu.memory_space<vmem>>
        %dma_wait3A_383 = arith.constant 0 : i32
        %dma_wait3A_384 = arith.constant 0 : i32
        %dma_wait3A_385 = tpu.memref_slice %arg12[%dma_wait3A_383, %dma_wait3A_384] : memref<10000x128xf32, #tpu.memory_space<vmem_shared>> -> memref<10000x128xf32, #tpu.memory_space<vmem_shared>>
        tpu.wait_indirect_dma semaphore(%run_scoped3A_373 : memref<!tpu.dma_semaphore, #tpu.memory_space<semaphore_mem>>) src(%arg20 : memref<24x128xf32, #tpu.memory_space<vmem>>) dst(%dma_wait3A_385 : memref<10000x128xf32, #tpu.memory_space<vmem_shared>>)
        tpu.yield
      }) : () -> ()
      %add3A_363 = arith.constant 8 : i32
      %add3A_364 = arith.addi %mul3A_212, %add3A_363 : i32
      %add3A_365 = arith.constant 7 : i32
      %add3A_366 = arith.addi %add3A_364, %add3A_365 : i32
      %dma_start3A_367 = arith.constant 0 : i32
      %dma_start3A_368 = tpu.memref_slice %arg8[%add3A_366, %dma_start3A_367] : memref<416x24xi32, #tpu.memory_space<vmem>> -> memref<1x24xi32, #tpu.memory_space<vmem>>
      %dma_start3A_369 = tpu.memref_squeeze %dma_start3A_368 : memref<1x24xi32, #tpu.memory_space<vmem>> -> memref<24xi32, #tpu.memory_space<vmem>>
      %dma_start3A_370 = arith.constant 0 : i32
      %dma_start3A_371 = arith.constant 0 : i32
      %dma_start3A_372 = tpu.memref_slice %arg2[%dma_start3A_370, %dma_start3A_371] : memref<10000x128xf32, #tpu.memory_space<hbm>> -> memref<10000x128xf32, #tpu.memory_space<hbm>>
      tpu.enqueue_indirect_dma source(%dma_start3A_372 : memref<10000x128xf32, #tpu.memory_space<hbm>>) target(%arg20 : memref<24x128xf32, #tpu.memory_space<vmem>>) offsets(%dma_start3A_369 : memref<24xi32, #tpu.memory_space<vmem>>) semaphore(%arg28 : memref<!tpu.dma_semaphore, #tpu.memory_space<semaphore_mem>>)
    }
    %scan3A_121 = arith.constant 51 : i32
    %dma_wait3A = arith.constant 408 : i32
    %dma_wait3A_122 = arith.constant 0 : i32
    %dma_wait3A_123 = tpu.memref_slice %arg8[%dma_wait3A, %dma_wait3A_122] : memref<416x24xi32, #tpu.memory_space<vmem>> -> memref<1x24xi32, #tpu.memory_space<vmem>>
    %dma_wait3A_124 = tpu.memref_squeeze %dma_wait3A_123 : memref<1x24xi32, #tpu.memory_space<vmem>> -> memref<24xi32, #tpu.memory_space<vmem>>
    %dma_wait3A_125 = arith.constant 0 : i32
    %dma_wait3A_126 = arith.constant 0 : i32
    %dma_wait3A_127 = tpu.memref_slice %arg2[%dma_wait3A_125, %dma_wait3A_126] : memref<10000x128xf32, #tpu.memory_space<hbm>> -> memref<10000x128xf32, #tpu.memory_space<hbm>>
    tpu.wait_indirect_dma semaphore(%arg21 : memref<!tpu.dma_semaphore, #tpu.memory_space<semaphore_mem>>) src(%dma_wait3A_127 : memref<10000x128xf32, #tpu.memory_space<hbm>>) dst(%arg13 : memref<24x128xf32, #tpu.memory_space<vmem>>)
    %run_scoped3A = arith.constant 408 : i32
    "tpu.region"() ({
      %run_scoped3A_206 = tpu.sem_alloc : memref<!tpu.dma_semaphore, #tpu.memory_space<semaphore_mem>>
      %dma_start3A_207 = arith.constant 0 : i32
      %dma_start3A_208 = tpu.memref_slice %arg9[%run_scoped3A, %dma_start3A_207] : memref<416x24xi32, #tpu.memory_space<vmem>> -> memref<1x24xi32, #tpu.memory_space<vmem>>
      %dma_start3A_209 = tpu.memref_squeeze %dma_start3A_208 : memref<1x24xi32, #tpu.memory_space<vmem>> -> memref<24xi32, #tpu.memory_space<vmem>>
      %dma_start3A_210 = arith.constant 0 : i32
      %dma_start3A_211 = arith.constant 0 : i32
      %dma_start3A_212 = tpu.memref_slice %arg12[%dma_start3A_210, %dma_start3A_211] : memref<10000x128xf32, #tpu.memory_space<vmem_shared>> -> memref<10000x128xf32, #tpu.memory_space<vmem_shared>>
      tpu.enqueue_indirect_dma source(%arg13 : memref<24x128xf32, #tpu.memory_space<vmem>>) target(%dma_start3A_212 : memref<10000x128xf32, #tpu.memory_space<vmem_shared>>) offsets(%dma_start3A_209 : memref<24xi32, #tpu.memory_space<vmem>>) semaphore(%run_scoped3A_206 : memref<!tpu.dma_semaphore, #tpu.memory_space<semaphore_mem>>) {add = true}
      %dma_wait3A_213 = arith.constant 0 : i32
      %dma_wait3A_214 = tpu.memref_slice %arg9[%run_scoped3A, %dma_wait3A_213] : memref<416x24xi32, #tpu.memory_space<vmem>> -> memref<1x24xi32, #tpu.memory_space<vmem>>
      %dma_wait3A_215 = tpu.memref_squeeze %dma_wait3A_214 : memref<1x24xi32, #tpu.memory_space<vmem>> -> memref<24xi32, #tpu.memory_space<vmem>>
      %dma_wait3A_216 = arith.constant 0 : i32
      %dma_wait3A_217 = arith.constant 0 : i32
      %dma_wait3A_218 = tpu.memref_slice %arg12[%dma_wait3A_216, %dma_wait3A_217] : memref<10000x128xf32, #tpu.memory_space<vmem_shared>> -> memref<10000x128xf32, #tpu.memory_space<vmem_shared>>
      tpu.wait_indirect_dma semaphore(%run_scoped3A_206 : memref<!tpu.dma_semaphore, #tpu.memory_space<semaphore_mem>>) src(%arg13 : memref<24x128xf32, #tpu.memory_space<vmem>>) dst(%dma_wait3A_218 : memref<10000x128xf32, #tpu.memory_space<vmem_shared>>)
      tpu.yield
    }) : () -> ()
    %dma_start3A_128 = arith.constant 0 : i32
    %dma_start3A_129 = arith.constant 0 : i32
    %dma_start3A_130 = arith.constant 0 : i32
    %dma_start3A_131 = tpu.memref_slice %arg13[%dma_start3A_129, %dma_start3A_130] : memref<24x128xf32, #tpu.memory_space<vmem>> -> memref<16x128xf32, #tpu.memory_space<vmem>>
    %dma_start3A_132 = arith.constant 0 : i32
    %dma_start3A_133 = tpu.memref_slice %arg10[%dma_start3A_128, %dma_start3A_132] : memref<1x16xi32, #tpu.memory_space<vmem>> -> memref<1x16xi32, #tpu.memory_space<vmem>>
    %dma_start3A_134 = tpu.memref_squeeze %dma_start3A_133 : memref<1x16xi32, #tpu.memory_space<vmem>> -> memref<16xi32, #tpu.memory_space<vmem>>
    %dma_start3A_135 = arith.constant 0 : i32
    %dma_start3A_136 = arith.constant 0 : i32
    %dma_start3A_137 = tpu.memref_slice %arg2[%dma_start3A_135, %dma_start3A_136] : memref<10000x128xf32, #tpu.memory_space<hbm>> -> memref<10000x128xf32, #tpu.memory_space<hbm>>
    tpu.enqueue_indirect_dma source(%dma_start3A_137 : memref<10000x128xf32, #tpu.memory_space<hbm>>) target(%dma_start3A_131 : memref<16x128xf32, #tpu.memory_space<vmem>>) offsets(%dma_start3A_134 : memref<16xi32, #tpu.memory_space<vmem>>) semaphore(%arg21 : memref<!tpu.dma_semaphore, #tpu.memory_space<semaphore_mem>>)
    %dma_wait3A_138 = arith.constant 409 : i32
    %dma_wait3A_139 = arith.constant 0 : i32
    %dma_wait3A_140 = tpu.memref_slice %arg8[%dma_wait3A_138, %dma_wait3A_139] : memref<416x24xi32, #tpu.memory_space<vmem>> -> memref<1x24xi32, #tpu.memory_space<vmem>>
    %dma_wait3A_141 = tpu.memref_squeeze %dma_wait3A_140 : memref<1x24xi32, #tpu.memory_space<vmem>> -> memref<24xi32, #tpu.memory_space<vmem>>
    %dma_wait3A_142 = arith.constant 0 : i32
    %dma_wait3A_143 = arith.constant 0 : i32
    %dma_wait3A_144 = tpu.memref_slice %arg2[%dma_wait3A_142, %dma_wait3A_143] : memref<10000x128xf32, #tpu.memory_space<hbm>> -> memref<10000x128xf32, #tpu.memory_space<hbm>>
    tpu.wait_indirect_dma semaphore(%arg22 : memref<!tpu.dma_semaphore, #tpu.memory_space<semaphore_mem>>) src(%dma_wait3A_144 : memref<10000x128xf32, #tpu.memory_space<hbm>>) dst(%arg14 : memref<24x128xf32, #tpu.memory_space<vmem>>)
    %run_scoped3A_145 = arith.constant 409 : i32
    "tpu.region"() ({
      %run_scoped3A_206 = tpu.sem_alloc : memref<!tpu.dma_semaphore, #tpu.memory_space<semaphore_mem>>
      %dma_start3A_207 = arith.constant 0 : i32
      %dma_start3A_208 = tpu.memref_slice %arg9[%run_scoped3A_145, %dma_start3A_207] : memref<416x24xi32, #tpu.memory_space<vmem>> -> memref<1x24xi32, #tpu.memory_space<vmem>>
      %dma_start3A_209 = tpu.memref_squeeze %dma_start3A_208 : memref<1x24xi32, #tpu.memory_space<vmem>> -> memref<24xi32, #tpu.memory_space<vmem>>
      %dma_start3A_210 = arith.constant 0 : i32
      %dma_start3A_211 = arith.constant 0 : i32
      %dma_start3A_212 = tpu.memref_slice %arg12[%dma_start3A_210, %dma_start3A_211] : memref<10000x128xf32, #tpu.memory_space<vmem_shared>> -> memref<10000x128xf32, #tpu.memory_space<vmem_shared>>
      tpu.enqueue_indirect_dma source(%arg14 : memref<24x128xf32, #tpu.memory_space<vmem>>) target(%dma_start3A_212 : memref<10000x128xf32, #tpu.memory_space<vmem_shared>>) offsets(%dma_start3A_209 : memref<24xi32, #tpu.memory_space<vmem>>) semaphore(%run_scoped3A_206 : memref<!tpu.dma_semaphore, #tpu.memory_space<semaphore_mem>>) {add = true}
      %dma_wait3A_213 = arith.constant 0 : i32
      %dma_wait3A_214 = tpu.memref_slice %arg9[%run_scoped3A_145, %dma_wait3A_213] : memref<416x24xi32, #tpu.memory_space<vmem>> -> memref<1x24xi32, #tpu.memory_space<vmem>>
      %dma_wait3A_215 = tpu.memref_squeeze %dma_wait3A_214 : memref<1x24xi32, #tpu.memory_space<vmem>> -> memref<24xi32, #tpu.memory_space<vmem>>
      %dma_wait3A_216 = arith.constant 0 : i32
      %dma_wait3A_217 = arith.constant 0 : i32
      %dma_wait3A_218 = tpu.memref_slice %arg12[%dma_wait3A_216, %dma_wait3A_217] : memref<10000x128xf32, #tpu.memory_space<vmem_shared>> -> memref<10000x128xf32, #tpu.memory_space<vmem_shared>>
      tpu.wait_indirect_dma semaphore(%run_scoped3A_206 : memref<!tpu.dma_semaphore, #tpu.memory_space<semaphore_mem>>) src(%arg14 : memref<24x128xf32, #tpu.memory_space<vmem>>) dst(%dma_wait3A_218 : memref<10000x128xf32, #tpu.memory_space<vmem_shared>>)
      tpu.yield
    }) : () -> ()
    %dma_wait3A_146 = arith.constant 410 : i32
    %dma_wait3A_147 = arith.constant 0 : i32
    %dma_wait3A_148 = tpu.memref_slice %arg8[%dma_wait3A_146, %dma_wait3A_147] : memref<416x24xi32, #tpu.memory_space<vmem>> -> memref<1x24xi32, #tpu.memory_space<vmem>>
    %dma_wait3A_149 = tpu.memref_squeeze %dma_wait3A_148 : memref<1x24xi32, #tpu.memory_space<vmem>> -> memref<24xi32, #tpu.memory_space<vmem>>
    %dma_wait3A_150 = arith.constant 0 : i32
    %dma_wait3A_151 = arith.constant 0 : i32
    %dma_wait3A_152 = tpu.memref_slice %arg2[%dma_wait3A_150, %dma_wait3A_151] : memref<10000x128xf32, #tpu.memory_space<hbm>> -> memref<10000x128xf32, #tpu.memory_space<hbm>>
    tpu.wait_indirect_dma semaphore(%arg23 : memref<!tpu.dma_semaphore, #tpu.memory_space<semaphore_mem>>) src(%dma_wait3A_152 : memref<10000x128xf32, #tpu.memory_space<hbm>>) dst(%arg15 : memref<24x128xf32, #tpu.memory_space<vmem>>)
    %run_scoped3A_153 = arith.constant 410 : i32
    "tpu.region"() ({
      %run_scoped3A_206 = tpu.sem_alloc : memref<!tpu.dma_semaphore, #tpu.memory_space<semaphore_mem>>
      %dma_start3A_207 = arith.constant 0 : i32
      %dma_start3A_208 = tpu.memref_slice %arg9[%run_scoped3A_153, %dma_start3A_207] : memref<416x24xi32, #tpu.memory_space<vmem>> -> memref<1x24xi32, #tpu.memory_space<vmem>>
      %dma_start3A_209 = tpu.memref_squeeze %dma_start3A_208 : memref<1x24xi32, #tpu.memory_space<vmem>> -> memref<24xi32, #tpu.memory_space<vmem>>
      %dma_start3A_210 = arith.constant 0 : i32
      %dma_start3A_211 = arith.constant 0 : i32
      %dma_start3A_212 = tpu.memref_slice %arg12[%dma_start3A_210, %dma_start3A_211] : memref<10000x128xf32, #tpu.memory_space<vmem_shared>> -> memref<10000x128xf32, #tpu.memory_space<vmem_shared>>
      tpu.enqueue_indirect_dma source(%arg15 : memref<24x128xf32, #tpu.memory_space<vmem>>) target(%dma_start3A_212 : memref<10000x128xf32, #tpu.memory_space<vmem_shared>>) offsets(%dma_start3A_209 : memref<24xi32, #tpu.memory_space<vmem>>) semaphore(%run_scoped3A_206 : memref<!tpu.dma_semaphore, #tpu.memory_space<semaphore_mem>>) {add = true}
      %dma_wait3A_213 = arith.constant 0 : i32
      %dma_wait3A_214 = tpu.memref_slice %arg9[%run_scoped3A_153, %dma_wait3A_213] : memref<416x24xi32, #tpu.memory_space<vmem>> -> memref<1x24xi32, #tpu.memory_space<vmem>>
      %dma_wait3A_215 = tpu.memref_squeeze %dma_wait3A_214 : memref<1x24xi32, #tpu.memory_space<vmem>> -> memref<24xi32, #tpu.memory_space<vmem>>
      %dma_wait3A_216 = arith.constant 0 : i32
      %dma_wait3A_217 = arith.constant 0 : i32
      %dma_wait3A_218 = tpu.memref_slice %arg12[%dma_wait3A_216, %dma_wait3A_217] : memref<10000x128xf32, #tpu.memory_space<vmem_shared>> -> memref<10000x128xf32, #tpu.memory_space<vmem_shared>>
      tpu.wait_indirect_dma semaphore(%run_scoped3A_206 : memref<!tpu.dma_semaphore, #tpu.memory_space<semaphore_mem>>) src(%arg15 : memref<24x128xf32, #tpu.memory_space<vmem>>) dst(%dma_wait3A_218 : memref<10000x128xf32, #tpu.memory_space<vmem_shared>>)
      tpu.yield
    }) : () -> ()
    %dma_wait3A_154 = arith.constant 411 : i32
    %dma_wait3A_155 = arith.constant 0 : i32
    %dma_wait3A_156 = tpu.memref_slice %arg8[%dma_wait3A_154, %dma_wait3A_155] : memref<416x24xi32, #tpu.memory_space<vmem>> -> memref<1x24xi32, #tpu.memory_space<vmem>>
    %dma_wait3A_157 = tpu.memref_squeeze %dma_wait3A_156 : memref<1x24xi32, #tpu.memory_space<vmem>> -> memref<24xi32, #tpu.memory_space<vmem>>
    %dma_wait3A_158 = arith.constant 0 : i32
    %dma_wait3A_159 = arith.constant 0 : i32
    %dma_wait3A_160 = tpu.memref_slice %arg2[%dma_wait3A_158, %dma_wait3A_159] : memref<10000x128xf32, #tpu.memory_space<hbm>> -> memref<10000x128xf32, #tpu.memory_space<hbm>>
    tpu.wait_indirect_dma semaphore(%arg24 : memref<!tpu.dma_semaphore, #tpu.memory_space<semaphore_mem>>) src(%dma_wait3A_160 : memref<10000x128xf32, #tpu.memory_space<hbm>>) dst(%arg16 : memref<24x128xf32, #tpu.memory_space<vmem>>)
    %run_scoped3A_161 = arith.constant 411 : i32
    "tpu.region"() ({
      %run_scoped3A_206 = tpu.sem_alloc : memref<!tpu.dma_semaphore, #tpu.memory_space<semaphore_mem>>
      %dma_start3A_207 = arith.constant 0 : i32
      %dma_start3A_208 = tpu.memref_slice %arg9[%run_scoped3A_161, %dma_start3A_207] : memref<416x24xi32, #tpu.memory_space<vmem>> -> memref<1x24xi32, #tpu.memory_space<vmem>>
      %dma_start3A_209 = tpu.memref_squeeze %dma_start3A_208 : memref<1x24xi32, #tpu.memory_space<vmem>> -> memref<24xi32, #tpu.memory_space<vmem>>
      %dma_start3A_210 = arith.constant 0 : i32
      %dma_start3A_211 = arith.constant 0 : i32
      %dma_start3A_212 = tpu.memref_slice %arg12[%dma_start3A_210, %dma_start3A_211] : memref<10000x128xf32, #tpu.memory_space<vmem_shared>> -> memref<10000x128xf32, #tpu.memory_space<vmem_shared>>
      tpu.enqueue_indirect_dma source(%arg16 : memref<24x128xf32, #tpu.memory_space<vmem>>) target(%dma_start3A_212 : memref<10000x128xf32, #tpu.memory_space<vmem_shared>>) offsets(%dma_start3A_209 : memref<24xi32, #tpu.memory_space<vmem>>) semaphore(%run_scoped3A_206 : memref<!tpu.dma_semaphore, #tpu.memory_space<semaphore_mem>>) {add = true}
      %dma_wait3A_213 = arith.constant 0 : i32
      %dma_wait3A_214 = tpu.memref_slice %arg9[%run_scoped3A_161, %dma_wait3A_213] : memref<416x24xi32, #tpu.memory_space<vmem>> -> memref<1x24xi32, #tpu.memory_space<vmem>>
      %dma_wait3A_215 = tpu.memref_squeeze %dma_wait3A_214 : memref<1x24xi32, #tpu.memory_space<vmem>> -> memref<24xi32, #tpu.memory_space<vmem>>
      %dma_wait3A_216 = arith.constant 0 : i32
      %dma_wait3A_217 = arith.constant 0 : i32
      %dma_wait3A_218 = tpu.memref_slice %arg12[%dma_wait3A_216, %dma_wait3A_217] : memref<10000x128xf32, #tpu.memory_space<vmem_shared>> -> memref<10000x128xf32, #tpu.memory_space<vmem_shared>>
      tpu.wait_indirect_dma semaphore(%run_scoped3A_206 : memref<!tpu.dma_semaphore, #tpu.memory_space<semaphore_mem>>) src(%arg16 : memref<24x128xf32, #tpu.memory_space<vmem>>) dst(%dma_wait3A_218 : memref<10000x128xf32, #tpu.memory_space<vmem_shared>>)
      tpu.yield
    }) : () -> ()
    %dma_wait3A_162 = arith.constant 412 : i32
    %dma_wait3A_163 = arith.constant 0 : i32
    %dma_wait3A_164 = tpu.memref_slice %arg8[%dma_wait3A_162, %dma_wait3A_163] : memref<416x24xi32, #tpu.memory_space<vmem>> -> memref<1x24xi32, #tpu.memory_space<vmem>>
    %dma_wait3A_165 = tpu.memref_squeeze %dma_wait3A_164 : memref<1x24xi32, #tpu.memory_space<vmem>> -> memref<24xi32, #tpu.memory_space<vmem>>
    %dma_wait3A_166 = arith.constant 0 : i32
    %dma_wait3A_167 = arith.constant 0 : i32
    %dma_wait3A_168 = tpu.memref_slice %arg2[%dma_wait3A_166, %dma_wait3A_167] : memref<10000x128xf32, #tpu.memory_space<hbm>> -> memref<10000x128xf32, #tpu.memory_space<hbm>>
    tpu.wait_indirect_dma semaphore(%arg25 : memref<!tpu.dma_semaphore, #tpu.memory_space<semaphore_mem>>) src(%dma_wait3A_168 : memref<10000x128xf32, #tpu.memory_space<hbm>>) dst(%arg17 : memref<24x128xf32, #tpu.memory_space<vmem>>)
    %run_scoped3A_169 = arith.constant 412 : i32
    "tpu.region"() ({
      %run_scoped3A_206 = tpu.sem_alloc : memref<!tpu.dma_semaphore, #tpu.memory_space<semaphore_mem>>
      %dma_start3A_207 = arith.constant 0 : i32
      %dma_start3A_208 = tpu.memref_slice %arg9[%run_scoped3A_169, %dma_start3A_207] : memref<416x24xi32, #tpu.memory_space<vmem>> -> memref<1x24xi32, #tpu.memory_space<vmem>>
      %dma_start3A_209 = tpu.memref_squeeze %dma_start3A_208 : memref<1x24xi32, #tpu.memory_space<vmem>> -> memref<24xi32, #tpu.memory_space<vmem>>
      %dma_start3A_210 = arith.constant 0 : i32
      %dma_start3A_211 = arith.constant 0 : i32
      %dma_start3A_212 = tpu.memref_slice %arg12[%dma_start3A_210, %dma_start3A_211] : memref<10000x128xf32, #tpu.memory_space<vmem_shared>> -> memref<10000x128xf32, #tpu.memory_space<vmem_shared>>
      tpu.enqueue_indirect_dma source(%arg17 : memref<24x128xf32, #tpu.memory_space<vmem>>) target(%dma_start3A_212 : memref<10000x128xf32, #tpu.memory_space<vmem_shared>>) offsets(%dma_start3A_209 : memref<24xi32, #tpu.memory_space<vmem>>) semaphore(%run_scoped3A_206 : memref<!tpu.dma_semaphore, #tpu.memory_space<semaphore_mem>>) {add = true}
      %dma_wait3A_213 = arith.constant 0 : i32
      %dma_wait3A_214 = tpu.memref_slice %arg9[%run_scoped3A_169, %dma_wait3A_213] : memref<416x24xi32, #tpu.memory_space<vmem>> -> memref<1x24xi32, #tpu.memory_space<vmem>>
      %dma_wait3A_215 = tpu.memref_squeeze %dma_wait3A_214 : memref<1x24xi32, #tpu.memory_space<vmem>> -> memref<24xi32, #tpu.memory_space<vmem>>
      %dma_wait3A_216 = arith.constant 0 : i32
      %dma_wait3A_217 = arith.constant 0 : i32
      %dma_wait3A_218 = tpu.memref_slice %arg12[%dma_wait3A_216, %dma_wait3A_217] : memref<10000x128xf32, #tpu.memory_space<vmem_shared>> -> memref<10000x128xf32, #tpu.memory_space<vmem_shared>>
      tpu.wait_indirect_dma semaphore(%run_scoped3A_206 : memref<!tpu.dma_semaphore, #tpu.memory_space<semaphore_mem>>) src(%arg17 : memref<24x128xf32, #tpu.memory_space<vmem>>) dst(%dma_wait3A_218 : memref<10000x128xf32, #tpu.memory_space<vmem_shared>>)
      tpu.yield
    }) : () -> ()
    %dma_wait3A_170 = arith.constant 413 : i32
    %dma_wait3A_171 = arith.constant 0 : i32
    %dma_wait3A_172 = tpu.memref_slice %arg8[%dma_wait3A_170, %dma_wait3A_171] : memref<416x24xi32, #tpu.memory_space<vmem>> -> memref<1x24xi32, #tpu.memory_space<vmem>>
    %dma_wait3A_173 = tpu.memref_squeeze %dma_wait3A_172 : memref<1x24xi32, #tpu.memory_space<vmem>> -> memref<24xi32, #tpu.memory_space<vmem>>
    %dma_wait3A_174 = arith.constant 0 : i32
    %dma_wait3A_175 = arith.constant 0 : i32
    %dma_wait3A_176 = tpu.memref_slice %arg2[%dma_wait3A_174, %dma_wait3A_175] : memref<10000x128xf32, #tpu.memory_space<hbm>> -> memref<10000x128xf32, #tpu.memory_space<hbm>>
    tpu.wait_indirect_dma semaphore(%arg26 : memref<!tpu.dma_semaphore, #tpu.memory_space<semaphore_mem>>) src(%dma_wait3A_176 : memref<10000x128xf32, #tpu.memory_space<hbm>>) dst(%arg18 : memref<24x128xf32, #tpu.memory_space<vmem>>)
    %run_scoped3A_177 = arith.constant 413 : i32
    "tpu.region"() ({
      %run_scoped3A_206 = tpu.sem_alloc : memref<!tpu.dma_semaphore, #tpu.memory_space<semaphore_mem>>
      %dma_start3A_207 = arith.constant 0 : i32
      %dma_start3A_208 = tpu.memref_slice %arg9[%run_scoped3A_177, %dma_start3A_207] : memref<416x24xi32, #tpu.memory_space<vmem>> -> memref<1x24xi32, #tpu.memory_space<vmem>>
      %dma_start3A_209 = tpu.memref_squeeze %dma_start3A_208 : memref<1x24xi32, #tpu.memory_space<vmem>> -> memref<24xi32, #tpu.memory_space<vmem>>
      %dma_start3A_210 = arith.constant 0 : i32
      %dma_start3A_211 = arith.constant 0 : i32
      %dma_start3A_212 = tpu.memref_slice %arg12[%dma_start3A_210, %dma_start3A_211] : memref<10000x128xf32, #tpu.memory_space<vmem_shared>> -> memref<10000x128xf32, #tpu.memory_space<vmem_shared>>
      tpu.enqueue_indirect_dma source(%arg18 : memref<24x128xf32, #tpu.memory_space<vmem>>) target(%dma_start3A_212 : memref<10000x128xf32, #tpu.memory_space<vmem_shared>>) offsets(%dma_start3A_209 : memref<24xi32, #tpu.memory_space<vmem>>) semaphore(%run_scoped3A_206 : memref<!tpu.dma_semaphore, #tpu.memory_space<semaphore_mem>>) {add = true}
      %dma_wait3A_213 = arith.constant 0 : i32
      %dma_wait3A_214 = tpu.memref_slice %arg9[%run_scoped3A_177, %dma_wait3A_213] : memref<416x24xi32, #tpu.memory_space<vmem>> -> memref<1x24xi32, #tpu.memory_space<vmem>>
      %dma_wait3A_215 = tpu.memref_squeeze %dma_wait3A_214 : memref<1x24xi32, #tpu.memory_space<vmem>> -> memref<24xi32, #tpu.memory_space<vmem>>
      %dma_wait3A_216 = arith.constant 0 : i32
      %dma_wait3A_217 = arith.constant 0 : i32
      %dma_wait3A_218 = tpu.memref_slice %arg12[%dma_wait3A_216, %dma_wait3A_217] : memref<10000x128xf32, #tpu.memory_space<vmem_shared>> -> memref<10000x128xf32, #tpu.memory_space<vmem_shared>>
      tpu.wait_indirect_dma semaphore(%run_scoped3A_206 : memref<!tpu.dma_semaphore, #tpu.memory_space<semaphore_mem>>) src(%arg18 : memref<24x128xf32, #tpu.memory_space<vmem>>) dst(%dma_wait3A_218 : memref<10000x128xf32, #tpu.memory_space<vmem_shared>>)
      tpu.yield
    }) : () -> ()
    %dma_wait3A_178 = arith.constant 414 : i32
    %dma_wait3A_179 = arith.constant 0 : i32
    %dma_wait3A_180 = tpu.memref_slice %arg8[%dma_wait3A_178, %dma_wait3A_179] : memref<416x24xi32, #tpu.memory_space<vmem>> -> memref<1x24xi32, #tpu.memory_space<vmem>>
    %dma_wait3A_181 = tpu.memref_squeeze %dma_wait3A_180 : memref<1x24xi32, #tpu.memory_space<vmem>> -> memref<24xi32, #tpu.memory_space<vmem>>
    %dma_wait3A_182 = arith.constant 0 : i32
    %dma_wait3A_183 = arith.constant 0 : i32
    %dma_wait3A_184 = tpu.memref_slice %arg2[%dma_wait3A_182, %dma_wait3A_183] : memref<10000x128xf32, #tpu.memory_space<hbm>> -> memref<10000x128xf32, #tpu.memory_space<hbm>>
    tpu.wait_indirect_dma semaphore(%arg27 : memref<!tpu.dma_semaphore, #tpu.memory_space<semaphore_mem>>) src(%dma_wait3A_184 : memref<10000x128xf32, #tpu.memory_space<hbm>>) dst(%arg19 : memref<24x128xf32, #tpu.memory_space<vmem>>)
    %run_scoped3A_185 = arith.constant 414 : i32
    "tpu.region"() ({
      %run_scoped3A_206 = tpu.sem_alloc : memref<!tpu.dma_semaphore, #tpu.memory_space<semaphore_mem>>
      %dma_start3A_207 = arith.constant 0 : i32
      %dma_start3A_208 = tpu.memref_slice %arg9[%run_scoped3A_185, %dma_start3A_207] : memref<416x24xi32, #tpu.memory_space<vmem>> -> memref<1x24xi32, #tpu.memory_space<vmem>>
      %dma_start3A_209 = tpu.memref_squeeze %dma_start3A_208 : memref<1x24xi32, #tpu.memory_space<vmem>> -> memref<24xi32, #tpu.memory_space<vmem>>
      %dma_start3A_210 = arith.constant 0 : i32
      %dma_start3A_211 = arith.constant 0 : i32
      %dma_start3A_212 = tpu.memref_slice %arg12[%dma_start3A_210, %dma_start3A_211] : memref<10000x128xf32, #tpu.memory_space<vmem_shared>> -> memref<10000x128xf32, #tpu.memory_space<vmem_shared>>
      tpu.enqueue_indirect_dma source(%arg19 : memref<24x128xf32, #tpu.memory_space<vmem>>) target(%dma_start3A_212 : memref<10000x128xf32, #tpu.memory_space<vmem_shared>>) offsets(%dma_start3A_209 : memref<24xi32, #tpu.memory_space<vmem>>) semaphore(%run_scoped3A_206 : memref<!tpu.dma_semaphore, #tpu.memory_space<semaphore_mem>>) {add = true}
      %dma_wait3A_213 = arith.constant 0 : i32
      %dma_wait3A_214 = tpu.memref_slice %arg9[%run_scoped3A_185, %dma_wait3A_213] : memref<416x24xi32, #tpu.memory_space<vmem>> -> memref<1x24xi32, #tpu.memory_space<vmem>>
      %dma_wait3A_215 = tpu.memref_squeeze %dma_wait3A_214 : memref<1x24xi32, #tpu.memory_space<vmem>> -> memref<24xi32, #tpu.memory_space<vmem>>
      %dma_wait3A_216 = arith.constant 0 : i32
      %dma_wait3A_217 = arith.constant 0 : i32
      %dma_wait3A_218 = tpu.memref_slice %arg12[%dma_wait3A_216, %dma_wait3A_217] : memref<10000x128xf32, #tpu.memory_space<vmem_shared>> -> memref<10000x128xf32, #tpu.memory_space<vmem_shared>>
      tpu.wait_indirect_dma semaphore(%run_scoped3A_206 : memref<!tpu.dma_semaphore, #tpu.memory_space<semaphore_mem>>) src(%arg19 : memref<24x128xf32, #tpu.memory_space<vmem>>) dst(%dma_wait3A_218 : memref<10000x128xf32, #tpu.memory_space<vmem_shared>>)
      tpu.yield
    }) : () -> ()
    %dma_wait3A_186 = arith.constant 415 : i32
    %dma_wait3A_187 = arith.constant 0 : i32
    %dma_wait3A_188 = tpu.memref_slice %arg8[%dma_wait3A_186, %dma_wait3A_187] : memref<416x24xi32, #tpu.memory_space<vmem>> -> memref<1x24xi32, #tpu.memory_space<vmem>>
    %dma_wait3A_189 = tpu.memref_squeeze %dma_wait3A_188 : memref<1x24xi32, #tpu.memory_space<vmem>> -> memref<24xi32, #tpu.memory_space<vmem>>
    %dma_wait3A_190 = arith.constant 0 : i32
    %dma_wait3A_191 = arith.constant 0 : i32
    %dma_wait3A_192 = tpu.memref_slice %arg2[%dma_wait3A_190, %dma_wait3A_191] : memref<10000x128xf32, #tpu.memory_space<hbm>> -> memref<10000x128xf32, #tpu.memory_space<hbm>>
    tpu.wait_indirect_dma semaphore(%arg28 : memref<!tpu.dma_semaphore, #tpu.memory_space<semaphore_mem>>) src(%dma_wait3A_192 : memref<10000x128xf32, #tpu.memory_space<hbm>>) dst(%arg20 : memref<24x128xf32, #tpu.memory_space<vmem>>)
    %run_scoped3A_193 = arith.constant 415 : i32
    "tpu.region"() ({
      %run_scoped3A_206 = tpu.sem_alloc : memref<!tpu.dma_semaphore, #tpu.memory_space<semaphore_mem>>
      %dma_start3A_207 = arith.constant 0 : i32
      %dma_start3A_208 = tpu.memref_slice %arg9[%run_scoped3A_193, %dma_start3A_207] : memref<416x24xi32, #tpu.memory_space<vmem>> -> memref<1x24xi32, #tpu.memory_space<vmem>>
      %dma_start3A_209 = tpu.memref_squeeze %dma_start3A_208 : memref<1x24xi32, #tpu.memory_space<vmem>> -> memref<24xi32, #tpu.memory_space<vmem>>
      %dma_start3A_210 = arith.constant 0 : i32
      %dma_start3A_211 = arith.constant 0 : i32
      %dma_start3A_212 = tpu.memref_slice %arg12[%dma_start3A_210, %dma_start3A_211] : memref<10000x128xf32, #tpu.memory_space<vmem_shared>> -> memref<10000x128xf32, #tpu.memory_space<vmem_shared>>
      tpu.enqueue_indirect_dma source(%arg20 : memref<24x128xf32, #tpu.memory_space<vmem>>) target(%dma_start3A_212 : memref<10000x128xf32, #tpu.memory_space<vmem_shared>>) offsets(%dma_start3A_209 : memref<24xi32, #tpu.memory_space<vmem>>) semaphore(%run_scoped3A_206 : memref<!tpu.dma_semaphore, #tpu.memory_space<semaphore_mem>>) {add = true}
      %dma_wait3A_213 = arith.constant 0 : i32
      %dma_wait3A_214 = tpu.memref_slice %arg9[%run_scoped3A_193, %dma_wait3A_213] : memref<416x24xi32, #tpu.memory_space<vmem>> -> memref<1x24xi32, #tpu.memory_space<vmem>>
      %dma_wait3A_215 = tpu.memref_squeeze %dma_wait3A_214 : memref<1x24xi32, #tpu.memory_space<vmem>> -> memref<24xi32, #tpu.memory_space<vmem>>
      %dma_wait3A_216 = arith.constant 0 : i32
      %dma_wait3A_217 = arith.constant 0 : i32
      %dma_wait3A_218 = tpu.memref_slice %arg12[%dma_wait3A_216, %dma_wait3A_217] : memref<10000x128xf32, #tpu.memory_space<vmem_shared>> -> memref<10000x128xf32, #tpu.memory_space<vmem_shared>>
      tpu.wait_indirect_dma semaphore(%run_scoped3A_206 : memref<!tpu.dma_semaphore, #tpu.memory_space<semaphore_mem>>) src(%arg20 : memref<24x128xf32, #tpu.memory_space<vmem>>) dst(%dma_wait3A_218 : memref<10000x128xf32, #tpu.memory_space<vmem_shared>>)
      tpu.yield
    }) : () -> ()
    %dma_wait3A_194 = arith.constant 0 : i32
    %dma_wait3A_195 = arith.constant 0 : i32
    %dma_wait3A_196 = arith.constant 0 : i32
    %dma_wait3A_197 = tpu.memref_slice %arg13[%dma_wait3A_195, %dma_wait3A_196] : memref<24x128xf32, #tpu.memory_space<vmem>> -> memref<16x128xf32, #tpu.memory_space<vmem>>
    %dma_wait3A_198 = arith.constant 0 : i32
    %dma_wait3A_199 = tpu.memref_slice %arg10[%dma_wait3A_194, %dma_wait3A_198] : memref<1x16xi32, #tpu.memory_space<vmem>> -> memref<1x16xi32, #tpu.memory_space<vmem>>
    %dma_wait3A_200 = tpu.memref_squeeze %dma_wait3A_199 : memref<1x16xi32, #tpu.memory_space<vmem>> -> memref<16xi32, #tpu.memory_space<vmem>>
    %dma_wait3A_201 = arith.constant 0 : i32
    %dma_wait3A_202 = arith.constant 0 : i32
    %dma_wait3A_203 = tpu.memref_slice %arg2[%dma_wait3A_201, %dma_wait3A_202] : memref<10000x128xf32, #tpu.memory_space<hbm>> -> memref<10000x128xf32, #tpu.memory_space<hbm>>
    tpu.wait_indirect_dma semaphore(%arg21 : memref<!tpu.dma_semaphore, #tpu.memory_space<semaphore_mem>>) src(%dma_wait3A_203 : memref<10000x128xf32, #tpu.memory_space<hbm>>) dst(%dma_wait3A_197 : memref<16x128xf32, #tpu.memory_space<vmem>>)
    %run_scoped3A_204 = arith.constant 0 : i32
    "tpu.region"() ({
      %run_scoped3A_206 = tpu.sem_alloc : memref<!tpu.dma_semaphore, #tpu.memory_space<semaphore_mem>>
      %dma_start3A_207 = arith.constant 0 : i32
      %dma_start3A_208 = arith.constant 0 : i32
      %dma_start3A_209 = tpu.memref_slice %arg13[%dma_start3A_207, %dma_start3A_208] : memref<24x128xf32, #tpu.memory_space<vmem>> -> memref<16x128xf32, #tpu.memory_space<vmem>>
      %dma_start3A_210 = arith.constant 0 : i32
      %dma_start3A_211 = tpu.memref_slice %arg11[%run_scoped3A_204, %dma_start3A_210] : memref<1x16xi32, #tpu.memory_space<vmem>> -> memref<1x16xi32, #tpu.memory_space<vmem>>
      %dma_start3A_212 = tpu.memref_squeeze %dma_start3A_211 : memref<1x16xi32, #tpu.memory_space<vmem>> -> memref<16xi32, #tpu.memory_space<vmem>>
      %dma_start3A_213 = arith.constant 0 : i32
      %dma_start3A_214 = arith.constant 0 : i32
      %dma_start3A_215 = tpu.memref_slice %arg12[%dma_start3A_213, %dma_start3A_214] : memref<10000x128xf32, #tpu.memory_space<vmem_shared>> -> memref<10000x128xf32, #tpu.memory_space<vmem_shared>>
      tpu.enqueue_indirect_dma source(%dma_start3A_209 : memref<16x128xf32, #tpu.memory_space<vmem>>) target(%dma_start3A_215 : memref<10000x128xf32, #tpu.memory_space<vmem_shared>>) offsets(%dma_start3A_212 : memref<16xi32, #tpu.memory_space<vmem>>) semaphore(%run_scoped3A_206 : memref<!tpu.dma_semaphore, #tpu.memory_space<semaphore_mem>>) {add = true}
      %dma_wait3A_216 = arith.constant 0 : i32
      %dma_wait3A_217 = arith.constant 0 : i32
      %dma_wait3A_218 = tpu.memref_slice %arg13[%dma_wait3A_216, %dma_wait3A_217] : memref<24x128xf32, #tpu.memory_space<vmem>> -> memref<16x128xf32, #tpu.memory_space<vmem>>
      %dma_wait3A_219 = arith.constant 0 : i32
      %dma_wait3A_220 = tpu.memref_slice %arg11[%run_scoped3A_204, %dma_wait3A_219] : memref<1x16xi32, #tpu.memory_space<vmem>> -> memref<1x16xi32, #tpu.memory_space<vmem>>
      %dma_wait3A_221 = tpu.memref_squeeze %dma_wait3A_220 : memref<1x16xi32, #tpu.memory_space<vmem>> -> memref<16xi32, #tpu.memory_space<vmem>>
      %dma_wait3A_222 = arith.constant 0 : i32
      %dma_wait3A_223 = arith.constant 0 : i32
      %dma_wait3A_224 = tpu.memref_slice %arg12[%dma_wait3A_222, %dma_wait3A_223] : memref<10000x128xf32, #tpu.memory_space<vmem_shared>> -> memref<10000x128xf32, #tpu.memory_space<vmem_shared>>
      tpu.wait_indirect_dma semaphore(%run_scoped3A_206 : memref<!tpu.dma_semaphore, #tpu.memory_space<semaphore_mem>>) src(%dma_wait3A_218 : memref<16x128xf32, #tpu.memory_space<vmem>>) dst(%dma_wait3A_224 : memref<10000x128xf32, #tpu.memory_space<vmem_shared>>)
      tpu.yield
    }) : () -> ()
    %barrier3A_205 = arith.constant 0 : index
    tpu.barrier barrier_id(%barrier3A_205)
    "tpu.region"() ({
      %run_scoped3A_206 = tpu.sem_alloc : memref<!tpu.dma_semaphore, #tpu.memory_space<semaphore_mem>>
      %dma_start3A_207 = arith.constant 0 : i32
      %dma_start3A_208 = arith.constant 0 : i32
      %dma_start3A_209 = tpu.memref_slice %arg7[%arg0, %dma_start3A_207, %dma_start3A_208] : memref<2x10000x128xf32, #tpu.memory_space<hbm>> -> memref<1x10000x128xf32, #tpu.memory_space<hbm>>
      %dma_start3A_210 = tpu.memref_squeeze %dma_start3A_209 : memref<1x10000x128xf32, #tpu.memory_space<hbm>> -> memref<10000x128xf32, #tpu.memory_space<hbm>>
      %dma_start3A_211 = arith.constant 0 : i32
      %dma_start3A_212 = tpu.memref_slice %dma_start3A_210[%mul3A_55, %dma_start3A_211] : memref<10000x128xf32, #tpu.memory_space<hbm>> -> memref<640x128xf32, #tpu.memory_space<hbm>>
      %dma_start3A_213 = arith.constant 0 : i32
      %dma_start3A_214 = tpu.memref_slice %arg12[%mul3A_55, %dma_start3A_213] : memref<10000x128xf32, #tpu.memory_space<vmem_shared>> -> memref<640x128xf32, #tpu.memory_space<vmem_shared>>
      tpu.enqueue_dma source(%dma_start3A_214 : memref<640x128xf32, #tpu.memory_space<vmem_shared>>) target(%dma_start3A_212 : memref<640x128xf32, #tpu.memory_space<hbm>>) target_semaphore(%run_scoped3A_206 : memref<!tpu.dma_semaphore, #tpu.memory_space<semaphore_mem>>)
      %dma_wait3A_215 = arith.constant 0 : i32
      %dma_wait3A_216 = arith.constant 0 : i32
      %dma_wait3A_217 = tpu.memref_slice %arg7[%arg0, %dma_wait3A_215, %dma_wait3A_216] : memref<2x10000x128xf32, #tpu.memory_space<hbm>> -> memref<1x10000x128xf32, #tpu.memory_space<hbm>>
      %dma_wait3A_218 = tpu.memref_squeeze %dma_wait3A_217 : memref<1x10000x128xf32, #tpu.memory_space<hbm>> -> memref<10000x128xf32, #tpu.memory_space<hbm>>
      %dma_wait3A_219 = arith.constant 0 : i32
      %dma_wait3A_220 = tpu.memref_slice %dma_wait3A_218[%mul3A_55, %dma_wait3A_219] : memref<10000x128xf32, #tpu.memory_space<hbm>> -> memref<640x128xf32, #tpu.memory_space<hbm>>
      %dma_wait3A_221 = arith.constant 0 : i32
      %dma_wait3A_222 = tpu.memref_slice %arg12[%mul3A_55, %dma_wait3A_221] : memref<10000x128xf32, #tpu.memory_space<vmem_shared>> -> memref<640x128xf32, #tpu.memory_space<vmem_shared>>
      tpu.wait_dma2 semaphore(%run_scoped3A_206 : memref<!tpu.dma_semaphore, #tpu.memory_space<semaphore_mem>>) src(%dma_wait3A_222 : memref<640x128xf32, #tpu.memory_space<vmem_shared>>) dst(%dma_wait3A_220 : memref<640x128xf32, #tpu.memory_space<hbm>>)
      tpu.yield
    }) : () -> ()
    return
  }
}

module attributes {stable_mosaic.version = 14 : i64} {
  func.func @_mm_scale_body(%arg0: i32, %arg1: memref<1000x128xf32, #tpu.memory_space<vmem>>, %arg2: memref<128x128xf32, #tpu.memory_space<vmem>>, %arg3: memref<1000x1xf32, #tpu.memory_space<vmem>>, %arg4: memref<1000x128xf32, #tpu.memory_space<vmem>>, %arg5: memref<1000x1xf32, #tpu.memory_space<vmem>>) attributes {dimension_semantics = [#tpu.dimension_semantics<arbitrary>], iteration_bounds = array<i64: 10>, scalar_prefetch = 0 : i64, scratch_operands = 0 : i64, tpu.core_type = #tpu.core_type<tc>, window_params = [{transform_indices = @transform_0, window_bounds = array<i64: 1000, 128>}, {pipeline_mode = #tpu.pipeline_mode<synchronous>, transform_indices = @transform_1, window_bounds = array<i64: 128, 128>}, {transform_indices = @transform_2, window_bounds = array<i64: 1000, 1>}, {transform_indices = @transform_3, window_bounds = array<i64: 1000, 128>}, {transform_indices = @transform_4, window_bounds = array<i64: 1000, 1>}]} {
    %get3A = arith.constant 0 : index
    %get3A_0 = arith.constant 0 : index
    %get3A_1 = vector.load %arg3[%get3A, %get3A_0] : memref<1000x1xf32, #tpu.memory_space<vmem>>, vector<1000x1xf32>
    %add3A = arith.constant 1.000000e+00 : f32
    %add3A_2 = vector.broadcast %add3A : f32 to vector<1000x1xf32>
    %add3A_3 = arith.addf %get3A_1, %add3A_2 : vector<1000x1xf32>
    %rsqrt3A = math.rsqrt %add3A_3 : vector<1000x1xf32>
    %swap3A = arith.constant 0 : index
    %swap3A_4 = arith.constant 0 : index
    %swap3A_5 = vector.load %arg5[%swap3A, %swap3A_4] : memref<1000x1xf32, #tpu.memory_space<vmem>>, vector<1000x1xf32>
    tpu.vector_store %arg5[%swap3A, %swap3A_4], %rsqrt3A {strides = array<i32>} : memref<1000x1xf32, #tpu.memory_space<vmem>>, vector<1000x1xf32>,
    %get3A_6 = arith.constant 0 : index
    %get3A_7 = arith.constant 0 : index
    %get3A_8 = vector.load %arg1[%get3A_6, %get3A_7] : memref<1000x128xf32, #tpu.memory_space<vmem>>, vector<1000x128xf32>
    %convert_element_type3A = arith.truncf %get3A_8 : vector<1000x128xf32> to vector<1000x128xbf16>
    %get3A_9 = arith.constant 0 : index
    %get3A_10 = arith.constant 0 : index
    %get3A_11 = vector.load %arg2[%get3A_9, %get3A_10] : memref<128x128xf32, #tpu.memory_space<vmem>>, vector<128x128xf32>
    %convert_element_type3A_12 = arith.truncf %get3A_11 : vector<128x128xf32> to vector<128x128xbf16>
    %dot_general3A = arith.constant dense<0.000000e+00> : vector<1000x128xf32>
    %dot_general3A_13 = tpu.matmul %convert_element_type3A, %convert_element_type3A_12, %dot_general3A {dimension_numbers = #tpu.dot_dimension_numbers<[1], [0], [0], [1], [0, 0, 1, 1], [], []>, transpose_lhs_hint = false} : vector<1000x128xbf16>, vector<128x128xbf16>, vector<1000x128xf32> -> vector<1000x128xf32>
    %mul3A = vector.broadcast %rsqrt3A : vector<1000x1xf32> to vector<1000x128xf32>
    %mul3A_14 = arith.mulf %dot_general3A_13, %mul3A : vector<1000x128xf32>
    %swap3A_15 = arith.constant 0 : index
    %swap3A_16 = arith.constant 0 : index
    %swap3A_17 = vector.load %arg4[%swap3A_15, %swap3A_16] : memref<1000x128xf32, #tpu.memory_space<vmem>>, vector<1000x128xf32>
    tpu.vector_store %arg4[%swap3A_15, %swap3A_16], %mul3A_14 {strides = array<i32>} : memref<1000x128xf32, #tpu.memory_space<vmem>>, vector<1000x128xf32>,
    return
  }
  func.func @transform_0(%arg0: i32) -> (i32, i32) {
    %c0_i32 = arith.constant 0 : i32
    %c0_i32_0 = arith.constant 0 : i32
    return %arg0, %c0_i32 : i32, i32
  }
  func.func @transform_1(%arg0: i32) -> (i32, i32) {
    %c0_i32 = arith.constant 0 : i32
    %c0_i32_0 = arith.constant 0 : i32
    %c0_i32_1 = arith.constant 0 : i32
    return %c0_i32, %c0_i32_0 : i32, i32
  }
  func.func @transform_2(%arg0: i32) -> (i32, i32) {
    %c0_i32 = arith.constant 0 : i32
    %c0_i32_0 = arith.constant 0 : i32
    return %arg0, %c0_i32 : i32, i32
  }
  func.func @transform_3(%arg0: i32) -> (i32, i32) {
    %c0_i32 = arith.constant 0 : i32
    %c0_i32_0 = arith.constant 0 : i32
    return %arg0, %c0_i32 : i32, i32
  }
  func.func @transform_4(%arg0: i32) -> (i32, i32) {
    %c0_i32 = arith.constant 0 : i32
    %c0_i32_0 = arith.constant 0 : i32
    return %arg0, %c0_i32 : i32, i32
  }
}

module attributes {stable_mosaic.version = 14 : i64} {
  func.func @_comb_body(%arg0: memref<2x10000x128xf32, #tpu.memory_space<vmem>>, %arg1: memref<10000x128xf32, #tpu.memory_space<vmem>>, %arg2: memref<10000x1xf32, #tpu.memory_space<vmem>>, %arg3: memref<1x128xf32, #tpu.memory_space<vmem>>, %arg4: memref<1x128xf32, #tpu.memory_space<vmem>>, %arg5: memref<1x128xf32, #tpu.memory_space<vmem>>, %arg6: memref<128x128xf32, #tpu.memory_space<vmem>>, %arg7: memref<10000x128xf32, #tpu.memory_space<vmem>>) attributes {dimension_semantics = [], scalar_prefetch = 0 : i64, scratch_operands = 0 : i64, tpu.core_type = #tpu.core_type<tc>} {
    %get3A = arith.constant 0 : index
    %get3A_0 = arith.constant 0 : index
    %get3A_1 = arith.constant 0 : index
    %get3A_2 = vector.load %arg0[%get3A, %get3A_0, %get3A_1] : memref<2x10000x128xf32, #tpu.memory_space<vmem>>, vector<1x10000x128xf32>
    %get3A_3 = vector.shape_cast %get3A_2 : vector<1x10000x128xf32> to vector<10000x128xf32>
    %get3A_4 = arith.constant 1 : index
    %get3A_5 = arith.constant 0 : index
    %get3A_6 = arith.constant 0 : index
    %get3A_7 = vector.load %arg0[%get3A_4, %get3A_5, %get3A_6] : memref<2x10000x128xf32, #tpu.memory_space<vmem>>, vector<1x10000x128xf32>
    %get3A_8 = vector.shape_cast %get3A_7 : vector<1x10000x128xf32> to vector<10000x128xf32>
    %add3A = arith.addf %get3A_3, %get3A_8 : vector<10000x128xf32>
    %get3A_9 = arith.constant 0 : index
    %get3A_10 = arith.constant 0 : index
    %get3A_11 = vector.load %arg1[%get3A_9, %get3A_10] : memref<10000x128xf32, #tpu.memory_space<vmem>>, vector<10000x128xf32>
    %add3A_12 = arith.addf %add3A, %get3A_11 : vector<10000x128xf32>
    %get3A_13 = arith.constant 0 : index
    %get3A_14 = arith.constant 0 : index
    %get3A_15 = vector.load %arg2[%get3A_13, %get3A_14] : memref<10000x1xf32, #tpu.memory_space<vmem>>, vector<10000x1xf32>
    %mul3A = vector.broadcast %get3A_15 : vector<10000x1xf32> to vector<10000x128xf32>
    %mul3A_16 = arith.mulf %add3A_12, %mul3A : vector<10000x128xf32>
    %get3A_17 = arith.constant 0 : index
    %get3A_18 = arith.constant 0 : index
    %get3A_19 = vector.load %arg3[%get3A_17, %get3A_18] : memref<1x128xf32, #tpu.memory_space<vmem>>, vector<1x128xf32>
    %add3A_20 = vector.broadcast %get3A_19 : vector<1x128xf32> to vector<10000x128xf32>
    %add3A_21 = arith.addf %mul3A_16, %add3A_20 : vector<10000x128xf32>
    %reduce_sum3A = arith.constant dense<0.000000e+00> : vector<128xf32>
    %reduce_sum3A_22 = vector.multi_reduction <add>, %add3A_21, %reduce_sum3A [0] : vector<10000x128xf32> to vector<128xf32>
    %broadcast_in_dim3A = vector.shape_cast %reduce_sum3A_22 : vector<128xf32> to vector<1x128xf32>
    %div3A = arith.constant 1.000000e+04 : f32
    %div3A_23 = vector.broadcast %div3A : f32 to vector<1x128xf32>
    %div3A_24 = arith.divf %broadcast_in_dim3A, %div3A_23 : vector<1x128xf32>
    %sub3A = vector.broadcast %div3A_24 : vector<1x128xf32> to vector<10000x128xf32>
    %sub3A_25 = arith.subf %add3A_21, %sub3A : vector<10000x128xf32>
    %integer_pow3A = arith.mulf %sub3A_25, %sub3A_25 : vector<10000x128xf32>
    %reduce_sum3A_26 = arith.constant dense<0.000000e+00> : vector<128xf32>
    %reduce_sum3A_27 = vector.multi_reduction <add>, %integer_pow3A, %reduce_sum3A_26 [0] : vector<10000x128xf32> to vector<128xf32>
    %broadcast_in_dim3A_28 = vector.shape_cast %reduce_sum3A_27 : vector<128xf32> to vector<1x128xf32>
    %div3A_29 = arith.constant 1.000000e+04 : f32
    %div3A_30 = vector.broadcast %div3A_29 : f32 to vector<1x128xf32>
    %div3A_31 = arith.divf %broadcast_in_dim3A_28, %div3A_30 : vector<1x128xf32>
    %sub3A_32 = vector.broadcast %div3A_24 : vector<1x128xf32> to vector<10000x128xf32>
    %sub3A_33 = arith.subf %add3A_21, %sub3A_32 : vector<10000x128xf32>
    %add3A_34 = arith.constant 9.99999974E-6 : f32
    %add3A_35 = vector.broadcast %add3A_34 : f32 to vector<1x128xf32>
    %add3A_36 = arith.addf %div3A_31, %add3A_35 : vector<1x128xf32>
    %rsqrt3A = math.rsqrt %add3A_36 : vector<1x128xf32>
    %mul3A_37 = vector.broadcast %rsqrt3A : vector<1x128xf32> to vector<10000x128xf32>
    %mul3A_38 = arith.mulf %sub3A_33, %mul3A_37 : vector<10000x128xf32>
    %get3A_39 = arith.constant 0 : index
    %get3A_40 = arith.constant 0 : index
    %get3A_41 = vector.load %arg4[%get3A_39, %get3A_40] : memref<1x128xf32, #tpu.memory_space<vmem>>, vector<1x128xf32>
    %mul3A_42 = vector.broadcast %get3A_41 : vector<1x128xf32> to vector<10000x128xf32>
    %mul3A_43 = arith.mulf %mul3A_38, %mul3A_42 : vector<10000x128xf32>
    %get3A_44 = arith.constant 0 : index
    %get3A_45 = arith.constant 0 : index
    %get3A_46 = vector.load %arg5[%get3A_44, %get3A_45] : memref<1x128xf32, #tpu.memory_space<vmem>>, vector<1x128xf32>
    %add3A_47 = vector.broadcast %get3A_46 : vector<1x128xf32> to vector<10000x128xf32>
    %add3A_48 = arith.addf %mul3A_43, %add3A_47 : vector<10000x128xf32>
    %max3A = arith.constant 0.000000e+00 : f32
    %max3A_49 = vector.broadcast %max3A : f32 to vector<10000x128xf32>
    %max3A_50 = arith.maximumf %add3A_48, %max3A_49 : vector<10000x128xf32>
    %convert_element_type3A = arith.truncf %max3A_50 : vector<10000x128xf32> to vector<10000x128xbf16>
    %get3A_51 = arith.constant 0 : index
    %get3A_52 = arith.constant 0 : index
    %get3A_53 = vector.load %arg6[%get3A_51, %get3A_52] : memref<128x128xf32, #tpu.memory_space<vmem>>, vector<128x128xf32>
    %convert_element_type3A_54 = arith.truncf %get3A_53 : vector<128x128xf32> to vector<128x128xbf16>
    %dot_general3A = arith.constant dense<0.000000e+00> : vector<10000x128xf32>
    %dot_general3A_55 = tpu.matmul %convert_element_type3A, %convert_element_type3A_54, %dot_general3A {dimension_numbers = #tpu.dot_dimension_numbers<[1], [0], [0], [1], [0, 0, 1, 1], [], []>, transpose_lhs_hint = false} : vector<10000x128xbf16>, vector<128x128xbf16>, vector<10000x128xf32> -> vector<10000x128xf32>
    %get3A_56 = arith.constant 0 : index
    %get3A_57 = arith.constant 0 : index
    %get3A_58 = vector.load %arg2[%get3A_56, %get3A_57] : memref<10000x1xf32, #tpu.memory_space<vmem>>, vector<10000x1xf32>
    %mul3A_59 = vector.broadcast %get3A_58 : vector<10000x1xf32> to vector<10000x128xf32>
    %mul3A_60 = arith.mulf %dot_general3A_55, %mul3A_59 : vector<10000x128xf32>
    %swap3A = arith.constant 0 : index
    %swap3A_61 = arith.constant 0 : index
    %swap3A_62 = vector.load %arg7[%swap3A, %swap3A_61] : memref<10000x128xf32, #tpu.memory_space<vmem>>, vector<10000x128xf32>
    tpu.vector_store %arg7[%swap3A, %swap3A_61], %mul3A_60 {strides = array<i32>} : memref<10000x128xf32, #tpu.memory_space<vmem>>, vector<10000x128xf32>,
    return
  }
}

module attributes {stable_mosaic.version = 14 : i64} {
  func.func @_fin_body(%arg0: i32, %arg1: memref<2x1000x128xf32, #tpu.memory_space<vmem>>, %arg2: memref<1000x128xf32, #tpu.memory_space<vmem>>, %arg3: memref<1000x1xf32, #tpu.memory_space<vmem>>, %arg4: memref<1x128xf32, #tpu.memory_space<vmem>>, %arg5: memref<1000x128xf32, #tpu.memory_space<vmem>>) attributes {dimension_semantics = [#tpu.dimension_semantics<arbitrary>], iteration_bounds = array<i64: 10>, scalar_prefetch = 0 : i64, scratch_operands = 0 : i64, tpu.core_type = #tpu.core_type<tc>, window_params = [{transform_indices = @transform_0, window_bounds = array<i64: 2, 1000, 128>}, {transform_indices = @transform_1, window_bounds = array<i64: 1000, 128>}, {transform_indices = @transform_2, window_bounds = array<i64: 1000, 1>}, {pipeline_mode = #tpu.pipeline_mode<synchronous>, transform_indices = @transform_3, window_bounds = array<i64: 1, 128>}, {transform_indices = @transform_4, window_bounds = array<i64: 1000, 128>}]} {
    %get3A = arith.constant 0 : index
    %get3A_0 = arith.constant 0 : index
    %get3A_1 = arith.constant 0 : index
    %get3A_2 = vector.load %arg1[%get3A, %get3A_0, %get3A_1] : memref<2x1000x128xf32, #tpu.memory_space<vmem>>, vector<1x1000x128xf32>
    %get3A_3 = vector.shape_cast %get3A_2 : vector<1x1000x128xf32> to vector<1000x128xf32>
    %get3A_4 = arith.constant 1 : index
    %get3A_5 = arith.constant 0 : index
    %get3A_6 = arith.constant 0 : index
    %get3A_7 = vector.load %arg1[%get3A_4, %get3A_5, %get3A_6] : memref<2x1000x128xf32, #tpu.memory_space<vmem>>, vector<1x1000x128xf32>
    %get3A_8 = vector.shape_cast %get3A_7 : vector<1x1000x128xf32> to vector<1000x128xf32>
    %add3A = arith.addf %get3A_3, %get3A_8 : vector<1000x128xf32>
    %get3A_9 = arith.constant 0 : index
    %get3A_10 = arith.constant 0 : index
    %get3A_11 = vector.load %arg2[%get3A_9, %get3A_10] : memref<1000x128xf32, #tpu.memory_space<vmem>>, vector<1000x128xf32>
    %add3A_12 = arith.addf %add3A, %get3A_11 : vector<1000x128xf32>
    %get3A_13 = arith.constant 0 : index
    %get3A_14 = arith.constant 0 : index
    %get3A_15 = vector.load %arg3[%get3A_13, %get3A_14] : memref<1000x1xf32, #tpu.memory_space<vmem>>, vector<1000x1xf32>
    %mul3A = vector.broadcast %get3A_15 : vector<1000x1xf32> to vector<1000x128xf32>
    %mul3A_16 = arith.mulf %add3A_12, %mul3A : vector<1000x128xf32>
    %get3A_17 = arith.constant 0 : index
    %get3A_18 = arith.constant 0 : index
    %get3A_19 = vector.load %arg4[%get3A_17, %get3A_18] : memref<1x128xf32, #tpu.memory_space<vmem>>, vector<1x128xf32>
    %add3A_20 = vector.broadcast %get3A_19 : vector<1x128xf32> to vector<1000x128xf32>
    %add3A_21 = arith.addf %mul3A_16, %add3A_20 : vector<1000x128xf32>
    %swap3A = arith.constant 0 : index
    %swap3A_22 = arith.constant 0 : index
    %swap3A_23 = vector.load %arg5[%swap3A, %swap3A_22] : memref<1000x128xf32, #tpu.memory_space<vmem>>, vector<1000x128xf32>
    tpu.vector_store %arg5[%swap3A, %swap3A_22], %add3A_21 {strides = array<i32>} : memref<1000x128xf32, #tpu.memory_space<vmem>>, vector<1000x128xf32>,
    return
  }
  func.func @transform_0(%arg0: i32) -> (i32, i32, i32) {
    %c0_i32 = arith.constant 0 : i32
    %c0_i32_0 = arith.constant 0 : i32
    %c0_i32_1 = arith.constant 0 : i32
    return %c0_i32, %arg0, %c0_i32_0 : i32, i32, i32
  }
  func.func @transform_1(%arg0: i32) -> (i32, i32) {
    %c0_i32 = arith.constant 0 : i32
    %c0_i32_0 = arith.constant 0 : i32
    return %arg0, %c0_i32 : i32, i32
  }
  func.func @transform_2(%arg0: i32) -> (i32, i32) {
    %c0_i32 = arith.constant 0 : i32
    %c0_i32_0 = arith.constant 0 : i32
    return %arg0, %c0_i32 : i32, i32
  }
  func.func @transform_3(%arg0: i32) -> (i32, i32) {
    %c0_i32 = arith.constant 0 : i32
    %c0_i32_0 = arith.constant 0 : i32
    %c0_i32_1 = arith.constant 0 : i32
    return %c0_i32, %c0_i32_0 : i32, i32
  }
  func.func @transform_4(%arg0: i32) -> (i32, i32) {
    %c0_i32 = arith.constant 0 : i32
    %c0_i32_0 = arith.constant 0 : i32
    return %arg0, %c0_i32 : i32, i32
  }
}

</mosaic_0001>

<sc_bundles>
// kernel: kernel.11.cloned.1.call-start
scs
__scs_entry_jumppad:
0x0: {  	(pc) =	sbr.rel $0x88, $3  }
0x1: {  	(tag) =	ssettag $0x0;
	lr =	simm.s32 $0x1  }
0x2: {  	[smem:$0x3F99] =	sst lr;
	_ =	strace $0xD0000000  }
0x3: {  	_ = 	snop  }
0x4: {  	_ = 	snop  }
0x5: {  	_ = 	snop  }
0x6: {  	_ = 	snop  }
0x7: {  	_ = 	snop  }
__scs_overlays_trampoline_lowered:
0x8: {  	[smem:$0x3FA8] =	sst s0  }
0x9: {  	[smem:$0x3FA9] =	sst s1  }
0xa: {  	[smem:$0x3FAA] =	sst s2  }
0xb: {  	[smem:$0x3FAB] =	sst s3  }
0xc: {  	[smem:$0x3FAC] =	sst s4  }
0xd: {  	[smem:$0x3FAD] =	sst s5  }
0xe: {  	[smem:$0x3FAE] =	sst s6  }
0xf: {  	[smem:$0x3FAF] =	sst s7  }
0x10: {  	[smem:$0x3FB0] =	sst s8  }
0x11: {  	[smem:$0x3FB1] =	sst s9;
	s0 =	simm.s32 @!p0 $0x0  }
0x12: {  	s1 =	sld [smem:$0x3F97];
	s0 =	simm.s32 @p0 $0x1  }
0x13: {  	[smem:$0x3FB2] =	sst s0;
	s0 =	simm.s32 @!p1 $0x0  }
0x14: {  	s2 =	sld [smem:$0x3F96];
	s0 =	simm.s32 @p1 $0x1  }
0x15: {  	[smem:$0x3FB3] =	sst s0;
	s0 =	simm.s32 @!p2 $0x0  }
0x16: {  	s3 =	sld [smem:$0x3FDB];
	s0 =	simm.s32 @p2 $0x1  }
0x17: {  	s4 =	simm.s32 $0x1BF5;
	[smem:$0x3FB5] =	sst s0  }
0x18: {  	s0 =	sld [smem:$0x3F98];
	_ =	swait.ge [sflag:s4], $0x0  }
0x19: {  	s7 =	sld [smem:$0x3F99]  }
0x1a: {  	s8 =	sadd.s32 $0xFFFFE003, lr  }
0x1b: {  	s9 =	sadd.s32 $0xFFFFFEF7, lr;
	s5 =	simm.s32 $0xFFFFFFFF;
	p2 =	slt.u32 s8, $0xFFFFF086  }
0x1c: {  	p1 =	slt.u32 s9, $0xF7A;
	s5 =	simm.s32 @!p2 $0x0  }
0x1d: {  	s5 =	simm.s32 @p1 $0x1;
	p0 =	seq.s32 s7, s2  }
0x1e: {  	s7 =	smul.u32 @!p0 $0xF7A, s2;
	p2 =	seq.s32 @!p0 s5, $0x0  }
0x1f: {  	s9 =	smul.u32 $0xF7A, s1;
	s8 =	simm.s32 @!p0 $0x1BF5;
	p2 =	por !p2, p0  }
0x20: {  	[sflag:s8] =	ssyncset.s32 @!p0 $0xFFFFF086;
	s6 =	sadd.s32 @!p0 s3, s7;
	s7 =	simm.s32 @!p0 $0x108  }
0x21: {  	s3 =	sadd.s32 s3, s9;
	s6 =	sadd.s32 @!p0 $0x88, s6;
	s7 =	simm.s32 @p2 $0x1082  }
0x22: {  	[simem:s7], [sflag:s8] =	dma.local @!p0 [hbm:s6], $0xF7A  }
0x23: {  	s9 =	sor.u32 $0xD0000000, s2;
	s6 =	simm.s32 $0x108;
	_ =	swait.ge @!p0 [sflag:s8], $0x0  }
0x24: {  	s3 =	sadd.s32 $0x88, s3;
	s6 =	simm.s32 @!p1 $0x1082;
	[sflag:s4] =	ssyncset.s32 $0xFFFFF086  }
0x25: {  	[simem:s6], [sflag:s4] =	dma.local [hbm:s3], $0xF7A  }
0x26: {  	[smem:$0x3F99] =	sst s1;
	(tag) =	ssettag s2;
	_ =	strace s9  }
0x27: {  	s1 =	sld [smem:$0x3FA9]  }
0x28: {  	s2 =	sld [smem:$0x3FAA]  }
0x29: {  	s4 =	sld [smem:$0x3FAC]  }
0x2a: {  	p0 =	seq.s32 s5, $0x0;
	s5 =	sld [smem:$0x3FAD]  }
0x2b: {  	s6 =	sld [smem:$0x3FAE]  }
0x2c: {  	s7 =	sld [smem:$0x3FAF]  }
0x2d: {  	s3 =	simm.s32 $0x108;
	s8 =	sld [smem:$0x3FB0]  }
0x2e: {  	s3 =	simm.s32 @!p0 $0x1082;
	s9 =	sld [smem:$0x3FB1]  }
0x2f: {  	lr =	sadd.s32 s0, s3;
	s0 =	sld [smem:$0x3FA8]  }
0x30: {  	s3 =	sld [smem:$0x3FAB]  }
0x31: {  	[smem:$0x3FB4] =	sst s10  }
0x32: {  	s10 =	sld [smem:$0x3FB2];
	_ =	sdelay $0x3  }
0x33: {  	p0 =	seq.s32 s10, $0x1;
	s10 =	sld [smem:$0x3FB4];
	_ =	sdelay $0x3  }
0x34: {  	[smem:$0x3FB4] =	sst s10  }
0x35: {  	s10 =	sld [smem:$0x3FB3];
	_ =	sdelay $0x3  }
0x36: {  	p1 =	seq.s32 s10, $0x1;
	s10 =	sld [smem:$0x3FB4];
	_ =	sdelay $0x3  }
0x37: {  	[smem:$0x3FB4] =	sst s10  }
0x38: {  	s10 =	sld [smem:$0x3FB5]  }
0x39: {  	_ = 	snop;
	(pc) =	sbr.ind lr, $3  }
0x3a: {  	_ = 	snop  }
0x3b: {  	_ = 	snop  }
0x3c: {  	p2 =	seq.s32 s10, $0x1;
	s10 =	sld [smem:$0x3FB4]  }
0x3d: {  	_ =	shalt  }
0x3e: {  	_ =	shalt  }
0x3f: {  	_ =	shalt  }
0x40: {  	_ =	shalt  }
0x41: {  	_ =	shalt  }
0x42: {  	_ =	shalt  }
0x43: {  	_ =	shalt  }
0x44: {  	_ =	shalt  }
0x45: {  	_ =	shalt  }
0x46: {  	_ =	shalt  }
0x47: {  	_ =	shalt  }
0x48: {  	_ =	shalt  }
0x49: {  	_ =	shalt  }
0x4a: {  	_ =	shalt  }
0x4b: {  	_ =	shalt  }
0x4c: {  	_ =	shalt  }
0x4d: {  	_ =	shalt  }
0x4e: {  	_ =	shalt  }
0x4f: {  	_ =	shalt  }
0x50: {  	_ =	shalt  }
0x51: {  	_ =	shalt  }
0x52: {  	_ =	shalt  }
0x53: {  	_ =	shalt  }
0x54: {  	_ =	shalt  }
0x55: {  	_ =	shalt  }
0x56: {  	_ =	shalt  }
0x57: {  	_ =	shalt  }
0x58: {  	_ =	shalt  }
0x59: {  	_ =	shalt  }
0x5a: {  	_ =	shalt  }
0x5b: {  	_ =	shalt  }
0x5c: {  	_ =	shalt  }
0x5d: {  	_ =	shalt  }
0x5e: {  	_ =	shalt  }
0x5f: {  	_ =	shalt  }
0x60: {  	_ =	shalt  }
0x61: {  	_ =	shalt  }
0x62: {  	_ =	shalt  }
0x63: {  	_ =	shalt  }
0x64: {  	_ =	shalt  }
0x65: {  	_ =	shalt  }
0x66: {  	_ =	shalt  }
0x67: {  	_ =	shalt  }
0x68: {  	_ =	shalt  }
0x69: {  	_ =	shalt  }
0x6a: {  	_ =	shalt  }
0x6b: {  	_ =	shalt  }
0x6c: {  	_ =	shalt  }
0x6d: {  	_ =	shalt  }
0x6e: {  	_ =	shalt  }
0x6f: {  	_ =	shalt  }
0x70: {  	_ =	shalt  }
0x71: {  	_ =	shalt  }
0x72: {  	_ =	shalt  }
0x73: {  	_ =	shalt  }
0x74: {  	_ =	shalt  }
0x75: {  	_ =	shalt  }
0x76: {  	_ =	shalt  }
0x77: {  	_ =	shalt  }
0x78: {  	_ =	shalt  }
0x79: {  	_ =	shalt  }
0x7a: {  	_ =	shalt  }
0x7b: {  	_ =	shalt  }
0x7c: {  	_ =	shalt  }
0x7d: {  	_ =	shalt  }
0x7e: {  	_ =	shalt  }
0x7f: {  	_ =	shalt  }
0x80: {  	_ =	shalt  }
0x81: {  	_ =	shalt  }
0x82: {  	_ =	shalt  }
0x83: {  	_ =	shalt  }
0x84: {  	_ =	shalt  }
0x85: {  	_ =	shalt  }
0x86: {  	_ =	shalt  }
0x87: {  	_ =	shalt  }
.Lfunc_end0:
.L_simem_size_0:
called_computation.1_lowered:
.L_overlay_start_0:
0x88: {  	s2 =	sld [smem:$0x3FD9]  }
0x89: {  	s3 =	sld [smem:$0x3FFE];
	_ =	sdelay $0x1  }
0x8a: {  	s1 =	srdreg.scid  }
0x8b: {  	s0 =	sand.u32 $0x1, s1  }
0x8c: {  	s17 =	sshll.u32 s0, $0xA;
	s2 =	sadd.s32 s3, s2  }
0x8d: {  	s2 =	sadd.s32 s2, s17  }
0x8e: {  	[smem:$0x3FC0] =	sst s2  }
0x8f: {  	_ = 	snop  }
0x90: {  	s2 =	sld [smem:$0x3FD0];
	(tm) =	ssettm $0x1  }
0x91: {  	s18 =	sld [smem:$0x3FFB];
	_ =	sdelay $0x3  }
0x92: {  	_ =	strace s18  }
0x93: {  	s3 =	sld [smem:$0x3FFC];
	_ =	sdelay $0x3  }
0x94: {  	_ =	strace s3  }
0x95: {  	s3 =	sld [smem:$0x3FFD];
	_ =	sdelay $0x3  }
0x96: {  	_ =	strace s3  }
0x97: {  	_ =	strace $0x8FFFFFFF  }
0x98: {  	s19 =	sld [smem:$0x3FDB];
	_ =	sdelay $0x1  }
0x99: {  	s4 =	simm.s32 $_scs_section_size  }
0x9a: {  	s5 =	simm.s32 $_size__tile_overlayer_lowered;
	s6 =	simm.s32 $_tile_overlayer_lowered  }
0x9b: {  	s22 =	simm.s32 $0x1BFF;
	s21 =	sshll.u32 s6, $0x1;
	s3 =	sadd.s32 s4, s19  }
0x9c: {  	s7 =	simm.s32 $0x0;
	s20 =	sshll.u32 s5, $0x1;
	s5 =	sadd.s32 s21, s3  }
0x9d: {  	[timem:s7], [sflag:s22] =	dma.local [hbm:s5], s20  }
0x9e: {  	_ =	swait.ge [sflag:s22], s20  }
0x9f: {  	s4 =	ssub.s32 $0x0, s20;
	[sflag:s22] =	ssyncset.done $0x0  }
0xa0: {  	[sflag:s22] =	ssyncadd.s32 s4;
	_ =	sdelay $0x1  }
0xa1: {  	s23 =	simm.s32 $0x1B8B  }
0xa2: {  	_ =	swait.ge [sflag:s23], $0x1  }
0xa3: {  	[sflag:s23] =	ssyncset.done $0x0  }
0xa4: {  	s25 =	simm.s32 $0x1B8E;
	s24 =	sld [smem:$0x3FFE];
	[sflag:s23] =	ssyncadd.s32 $0xFFFFFFFF  }
0xa5: {  	s26 =	simm.s32 $execute0_lowered;
	[smem:$0x3FD2] =	sst s25  }
0xa6: {  	s5 =	sshll.u32 s26, $0x1;
	_ =	strace $0x80000049;
	[dreg:$0x1] =	wrdreg $0xFFFFFFFF  }
0xa7: {  	s28 =	simm.s32 $_size_execute0_lowered;
	s3 =	sadd.s32 s3, s5;
	[dreg:$0x0] =	wrdreg $0x0  }
0xa8: {  	s5 =	sshll.u32 s28, $0x1;
	[dreg:$0x2] =	wrdreg s3  }
0xa9: {  	[dreg:$0x3] =	wrdreg s5  }
0xaa: {  	[dreg:$0x4] =	wrdreg $0xC0  }
0xab: {  	_ =	task [dreg:s7], $0x5FFFF  }
0xac: {  	[dreg:$0x1] =	wrdreg $0xFFFFFFFF  }
0xad: {  	[dreg:$0x0] =	wrdreg $0x60  }
0xae: {  	[dreg:$0x2] =	wrdreg s2  }
0xaf: {  	[dreg:$0x3] =	wrdreg s24  }
0xb0: {  	[dreg:$0x4] =	wrdreg $0x4E200  }
0xb1: {  	[dreg:$0x5] =	wrdreg $0x9  }
0xb2: {  	_ =	task.clear_ibuf [dreg:s7], $0x6FFFF;
	_ =	strace $0x90000049  }
0xb3: {  	s29 =	simm.s32 $0x9;
	_ =	strace $0x8000004B  }
0xb4: {  	_ =	swait.ge [sflag:s29], $0x1  }
0xb5: {  	[sflag:s29] =	ssyncadd.s32 $0xFFFFFFFF  }
0xb6: {  	_ =	strace $0x9000004B  }
0xb7: {  	_ =	sfence  }
0xb8: {  	s30 =	sld [smem:$0x0];
	_ =	sdelay $0x2  }
0xb9: {  	s31 =	sshll.u32 s1, $0xD;
	s1 =	sshrl.u32 s1, $0x2  }
0xba: {  	s3 =	sand.u32 $0x4000, s31;
	s1 =	sadd.s32 s1, s30  }
0xbb: {  	s0 =	sor.u32 s3, s0;
	s1 =	sshll.u32 s1, $0x11  }
0xbc: {  	s0 =	sor.u32 s1, s0  }
0xbd: {  	s0 =	sadd.s32 $0x8F2B, s0  }
0xbe: {  	[sflag:s0] =	ssyncadd.remote.s32 $0x1  }
0xbf: {  	_ =	sfence.sel $0xFFFF  }
0xc0: {  	[dreg:$0x0] =	wrdreg $0xFFFFFFFF;
	(pc) =	sbr.abs _section_cstart, $3  }
0xc1: {  	[dreg:$0x1] =	wrdreg $0xFFFFFFFF  }
0xc2: {  	_ =	task.clear_ibuf [dreg:s7], $0x2FFFF;
	_ =	strace $0x9FFFFFFF  }
0xc3: {  	(tm) =	ssettm $0x7FFFFFFF  }
tec
execute0_lowered:
.L_overlay_start_1:
0x0: {  	(tag) =	ssettag $0x1  }
0x1: {  	s0 =	rddreg [dreg:$0x0]  }
0x2: {  	s1 =	srdreg.scid;
	s2 =	rddreg [dreg:$0x1]  }
0x3: {  	s3 =	rddreg [dreg:$0x2];
	s10 =	stileid.u32  }
0x4: {  	s4 =	simm.s32 $0x0;
	s1 =	sand.u32 $0x1, s1;
	s9 =	smul.u32 $0x4E000, s10  }
0x5: {  	s5 =	sshll.u32 s1, $0x4;
	s7 =	smul.u32 $0x27100, s1;
	s1 =	ssub.s32 $0x2, s1  }
0x6: {  	s28 =	simm.s32 $0x5;
	s8 =	sshrl.u32 s1, $0x1;
	s18 =	sshrl.u32 s9, $0x2  }
0x7: {  	s29 =	simm.s32 $0x6;
	s1 =	ssub.s32 s1, s8;
	s8 =	sadd.s32 s18, s3  }
0x8: {  	s30 =	simm.s32 $0x7;
	[smem:$0x7FF] =	sst s4;
	s20 =	sadd.s32 $0xC00, s8  }
0x9: {  	_ =	strace $0x8000004A;
	s21 =	sadd.s32 $0x1800, s8;
	[dreg:$0x8] =	wrdreg s20  }
0xa: {  	s31 =	simm.s32 $0x8;
	s22 =	sadd.s32 $0x2400, s8;
	[dreg:$0x9] =	wrdreg s21  }
0xb: {  	s17 =	smul.u32 $0x13800, s10;
	s23 =	sadd.s32 $0x3000, s8;
	[dreg:$0xa] =	wrdreg s22  }
0xc: {  	s5 =	sor.u32 s10, s5;
	s24 =	sadd.s32 $0x3C00, s8;
	[dreg:$0xb] =	wrdreg s23  }
0xd: {  	s9 =	sadd.s32 s17, s3;
	s25 =	sadd.s32 $0x4800, s8;
	[dreg:$0xc] =	wrdreg s24  }
0xe: {  	s13 =	sshrl.u32 s17, $0x3;
	s26 =	sadd.s32 $0x5400, s8;
	[dreg:$0xd] =	wrdreg s25  }
0xf: {  	s6 =	smul.u32 $0x4E0, s5;
	s10 =	sadd.s32 $0x6C00, s8;
	[dreg:$0xe] =	wrdreg s26  }
0x10: {  	s5 =	sshll.u32 s5, $0x1;
	s11 =	sadd.s32 $0x7800, s8;
	[dreg:$0x10] =	wrdreg s10  }
0x11: {  	s5 =	sadd.s32 s5, s2;
	s12 =	sadd.s32 $0x8400, s8;
	[dreg:$0x11] =	wrdreg s11  }
0x12: {  	s14 =	sadd.s32 $0x9000, s8;
	s15 =	sadd.s32 $0x9C00, s8;
	[dreg:$0x12] =	wrdreg s12  }
0x13: {  	s17 =	sadd.s32 $0xB400, s8;
	s18 =	sadd.s32 $0xC000, s8;
	[dreg:$0x13] =	wrdreg s14  }
0x14: {  	s6 =	sadd.s32 s6, s2;
	s2 =	sadd.s32 s7, s2;
	[dreg:$0x15] =	wrdreg s15  }
0x15: {  	s19 =	sadd.s32 $0x21C00, s5;
	s5 =	sadd.s32 $0xE000, s5;
	[dreg:$0x17] =	wrdreg s17  }
0x16: {  	[dreg:$0x18] =	wrdreg s18;
	s20 =	sadd.s32 $0xD800, s8;
	s21 =	sadd.s32 $0xE400, s8  }
0x17: {  	s22 =	sadd.s32 $0xF000, s8;
	s23 =	sadd.s32 $0xFC00, s8;
	[dreg:$0x6] =	wrdreg s19  }
0x18: {  	s24 =	sadd.s32 $0x10800, s8;
	s25 =	sadd.s32 $0x11400, s8;
	[dreg:$0x7] =	wrdreg s5  }
0x19: {  	s26 =	sadd.s32 $0x12000, s8;
	s7 =	sadd.s32 $0x12C00, s8;
	[dreg:$0x1a] =	wrdreg s20  }
0x1a: {  	s10 =	smax.u32 s1, $0x1;
	s11 =	simm.s32 $0x9;
	[dreg:$0x1b] =	wrdreg s21  }
0x1b: {  	s14 =	simm.s32 $0x18;
	s15 =	simm.s32 $0x186A0;
	[dreg:$0x1c] =	wrdreg s22  }
0x1c: {  	s17 =	simm.s32 $0x19EA0;
	s18 =	simm.s32 $0x1AAA0;
	[dreg:$0x1d] =	wrdreg s23  }
0x1d: {  	s1 =	simm.s32 $0x10;
	s12 =	simm.s32 $0x0;
	[dreg:$0x1e] =	wrdreg s24  }
0x1e: {  	s16 =	sadd.s32 $0x17E00, s6;
	s6 =	sadd.s32 $0x21E00, s6;
	[dreg:$0x1f] =	wrdreg s25  }
0x1f: {  	s2 =	sadd.s32 $0x2BA00, s2;
	s19 =	sadd.s32 $0xCC00, s8;
	[smem:$0x7FD] =	sst s26  }
0x20: {  	s20 =	simm.s32 $0x1C2A0;
	s21 =	simm.s32 $0x1CEA0;
	s22 =	simm.s32 $0x1DAA0  }
0x21: {  	s23 =	simm.s32 $0x1;
	s24 =	simm.s32 $0x2;
	[dreg:$0x4] =	wrdreg s16  }
0x22: {  	s25 =	simm.s32 $0x3;
	s26 =	simm.s32 $0x4;
	[dreg:$0x5] =	wrdreg s6  }
0x23: {  	s6 =	sadd.s32 $0x6000, s8;
	s2 =	sadd.s32 s13, s2;
	[dreg:$0x19] =	wrdreg s19  }
0x24: {  	s16 =	sadd.s32 $0xA800, s8;
	s8 =	sadd.s32 $0x13800, s8;
	[dreg:$0xf] =	wrdreg s6  }
0x25: {  	s13 =	simm.s32 $0x4E00;
	s19 =	simm.s32 $0x1B6A0;
	[dreg:$0x14] =	wrdreg s2  }
0x26: {  	v0 =	vimm.f32 $0.0e+00;
	[dreg:$0x16] =	wrdreg s16;
	s6 =	simm.s32 $0x4E10;
	s16 =	simm.s32 $0x192A0  }
.LBB2_1:
0x27: {  	s2 =	rddreg [dreg:$0x4]  }
0x28: {  	[tilespmem:s4], [sflag:$0x9] =	stream.linear.gather [hbm4b:s2+s4], $0x2700, $0x38;
	[tilespmem:$0x1E6A0] =	vst v63  }
0x29: {  	_ =	swait.ge [sflag:s11], $0x2700  }
0x2a: {  	[sflag:s11] =	ssyncset.done $0x0  }
0x2b: {  	s5 =	simm.s32 $0x2700;
	s2 =	rddreg [dreg:$0x5];
	[sflag:s11] =	ssyncadd.s32 $0xFFFFD900  }
0x2c: {  	[tilespmem:s5], [sflag:$0x9] =	stream.linear.gather [hbm4b:s2+s4], $0x2700, $0x38;
	[tilespmem:$0x1E6A0] =	vst v63  }
0x2d: {  	_ =	swait.ge [sflag:s11], $0x2700  }
0x2e: {  	[sflag:s11] =	ssyncset.done $0x0  }
0x2f: {  	s5 =	rddreg [dreg:$0x6];
	[sflag:s11] =	ssyncadd.s32 $0xFFFFD900  }
0x30: {  	[tilespmem:s13], [sflag:$0x9] =	stream.linear.gather [hbm4b:s5+s4], $0x10, $0x38;
	[tilespmem:$0x1E6A0] =	vst v63  }
0x31: {  	_ =	swait.ge [sflag:s11], $0x10  }
0x32: {  	[sflag:s11] =	ssyncset.done $0x0  }
0x33: {  	s5 =	rddreg [dreg:$0x7];
	[sflag:s11] =	ssyncadd.s32 $0xFFFFFFF0  }
0x34: {  	[tilespmem:s6], [sflag:$0x9] =	stream.linear.gather [hbm4b:s5+s4], $0x10, $0x38;
	[tilespmem:$0x1E6A0] =	vst v63  }
0x35: {  	_ =	swait.ge [sflag:s11], $0x10  }
0x36: {  	[sflag:s11] =	ssyncset.done $0x0  }
0x37: {  	[sflag:s11] =	ssyncadd.s32 $0xFFFFFFF0  }
0x38: {  	[tilespmem:s15], [sflag:$0x1] =	stream.indirect.gather [hbm4b:s0+s14], $0x80, s4, s14, $0xb8;
	[tilespmem:$0x1E6A0] =	vst v63  }
0x39: {  	_ = 	snop  }
0x3a: {  	[tilespmem:s16], [sflag:$0x2] =	stream.indirect.gather [hbm4b:s0+s14], $0x80, s14, s14, $0xb8;
	[tilespmem:$0x1E6A0] =	vst v63  }
0x3b: {  	s6 =	simm.s32 $0x30  }
0x3c: {  	[tilespmem:s17], [sflag:$0x3] =	stream.indirect.gather [hbm4b:s0+s14], $0x80, s6, s14, $0xb8;
	[tilespmem:$0x1E6A0] =	vst v63  }
0x3d: {  	s13 =	simm.s32 $0x48  }
0x3e: {  	[tilespmem:s18], [sflag:$0x4] =	stream.indirect.gather [hbm4b:s0+s14], $0x80, s13, s14, $0xb8;
	[tilespmem:$0x1E6A0] =	vst v63  }
0x3f: {  	s5 =	simm.s32 $0x60  }
0x40: {  	[tilespmem:s19], [sflag:$0x5] =	stream.indirect.gather [hbm4b:s0+s14], $0x80, s5, s14, $0xb8;
	[tilespmem:$0x1E6A0] =	vst v63  }
0x41: {  	s6 =	simm.s32 $0x78  }
0x42: {  	[tilespmem:s20], [sflag:$0x6] =	stream.indirect.gather [hbm4b:s0+s14], $0x80, s6, s14, $0xb8;
	[tilespmem:$0x1E6A0] =	vst v63  }
0x43: {  	s13 =	simm.s32 $0x90  }
0x44: {  	[tilespmem:s21], [sflag:$0x7] =	stream.indirect.gather [hbm4b:s0+s14], $0x80, s13, s14, $0xb8;
	[tilespmem:$0x1E6A0] =	vst v63  }
0x45: {  	s2 =	simm.s32 $0x0;
	s13 =	simm.s32 $0x200  }
.LBB2_2:
0x46: {  	p0 =	sne.s32 s13, $0x2E00;
	[tilespmem:s2+$0x1DB10] =	vst v0  }
0x47: {  	[tilespmem:s2+$0x1DAA0] =	vst v0  }
0x48: {  	[tilespmem:s2+$0x1DAB0] =	vst v0  }
.Ltmp0:
0x49: {  	[tilespmem:s2+$0x1DAC0] =	vst v0;
	(pc) =	sbr.rel @p0 .LBB2_2-.Ltmp0, $4  }
0x4a: {  	[tilespmem:s2+$0x1DAD0] =	vst v0  }
0x4b: {  	[tilespmem:s2+$0x1DAE0] =	vst v0  }
0x4c: {  	[tilespmem:s2+$0x1DAF0] =	vst v0  }
0x4d: {  	[tilespmem:s2+$0x1DB00] =	vst v0;
	s2 =	sshra.s32 s13, $0x2;
	s13 =	sadd.s32 $0x200, s13  }
0x4e: {  	[tilespmem:s2+$0x1DB10] =	vst v0  }
0x4f: {  	[tilespmem:s2+$0x1DAA0] =	vst v0  }
0x50: {  	[tilespmem:s2+$0x1DAB0] =	vst v0  }
0x51: {  	[tilespmem:s2+$0x1DAC0] =	vst v0  }
0x52: {  	[tilespmem:s2+$0x1DAD0] =	vst v0  }
0x53: {  	[tilespmem:s2+$0x1DAE0] =	vst v0  }
0x54: {  	[tilespmem:s2+$0x1DAF0] =	vst v0  }
0x55: {  	[tilespmem:s2+$0x1DB00] =	vst v0  }
0x56: {  	[spmem:s9] =	stream.linear.scatter [tilespmem:s22], [sflag:$0x9], $0xC00, $0x38;
	[tilespmem:$0x1E6A0] =	vst v63  }
0x57: {  	_ =	swait.ge [sflag:s11], $0xC00  }
0x58: {  	[sflag:s11] =	ssyncset.done $0x0  }
0x59: {  	s13 =	rddreg [dreg:$0x8];
	[sflag:s11] =	ssyncadd.s32 $0xFFFFF400  }
0x5a: {  	[spmem:s13] =	stream.linear.scatter [tilespmem:s22], [sflag:$0x9], $0xC00, $0x38;
	[tilespmem:$0x1E6A0] =	vst v63  }
0x5b: {  	_ =	swait.ge [sflag:s11], $0xC00  }
0x5c: {  	[sflag:s11] =	ssyncset.done $0x0  }
0x5d: {  	s5 =	rddreg [dreg:$0x9];
	[sflag:s11] =	ssyncadd.s32 $0xFFFFF400  }
0x5e: {  	[spmem:s5] =	stream.linear.scatter [tilespmem:s22], [sflag:$0x9], $0xC00, $0x38;
	[tilespmem:$0x1E6A0] =	vst v63  }
0x5f: {  	_ =	swait.ge [sflag:s11], $0xC00  }
0x60: {  	[sflag:s11] =	ssyncset.done $0x0  }
0x61: {  	s6 =	rddreg [dreg:$0xa];
	[sflag:s11] =	ssyncadd.s32 $0xFFFFF400  }
0x62: {  	[spmem:s6] =	stream.linear.scatter [tilespmem:s22], [sflag:$0x9], $0xC00, $0x38;
	[tilespmem:$0x1E6A0] =	vst v63  }
0x63: {  	_ =	swait.ge [sflag:s11], $0xC00  }
0x64: {  	[sflag:s11] =	ssyncset.done $0x0  }
0x65: {  	s13 =	rddreg [dreg:$0xb];
	[sflag:s11] =	ssyncadd.s32 $0xFFFFF400  }
0x66: {  	[spmem:s13] =	stream.linear.scatter [tilespmem:s22], [sflag:$0x9], $0xC00, $0x38;
	[tilespmem:$0x1E6A0] =	vst v63  }
0x67: {  	_ =	swait.ge [sflag:s11], $0xC00  }
0x68: {  	[sflag:s11] =	ssyncset.done $0x0  }
0x69: {  	s5 =	rddreg [dreg:$0xc];
	[sflag:s11] =	ssyncadd.s32 $0xFFFFF400  }
0x6a: {  	[spmem:s5] =	stream.linear.scatter [tilespmem:s22], [sflag:$0x9], $0xC00, $0x38;
	[tilespmem:$0x1E6A0] =	vst v63  }
0x6b: {  	_ =	swait.ge [sflag:s11], $0xC00  }
0x6c: {  	[sflag:s11] =	ssyncset.done $0x0  }
0x6d: {  	s6 =	rddreg [dreg:$0xd];
	[sflag:s11] =	ssyncadd.s32 $0xFFFFF400  }
0x6e: {  	[spmem:s6] =	stream.linear.scatter [tilespmem:s22], [sflag:$0x9], $0xC00, $0x38;
	[tilespmem:$0x1E6A0] =	vst v63  }
0x6f: {  	_ =	swait.ge [sflag:s11], $0xC00  }
0x70: {  	[sflag:s11] =	ssyncset.done $0x0  }
0x71: {  	s13 =	rddreg [dreg:$0xe];
	[sflag:s11] =	ssyncadd.s32 $0xFFFFF400  }
0x72: {  	[spmem:s13] =	stream.linear.scatter [tilespmem:s22], [sflag:$0x9], $0xC00, $0x38;
	[tilespmem:$0x1E6A0] =	vst v63  }
0x73: {  	_ =	swait.ge [sflag:s11], $0xC00  }
0x74: {  	[sflag:s11] =	ssyncset.done $0x0  }
0x75: {  	s5 =	rddreg [dreg:$0xf];
	[sflag:s11] =	ssyncadd.s32 $0xFFFFF400  }
0x76: {  	[spmem:s5] =	stream.linear.scatter [tilespmem:s22], [sflag:$0x9], $0xC00, $0x38;
	[tilespmem:$0x1E6A0] =	vst v63  }
0x77: {  	_ =	swait.ge [sflag:s11], $0xC00  }
0x78: {  	[sflag:s11] =	ssyncset.done $0x0  }
0x79: {  	s6 =	rddreg [dreg:$0x10];
	[sflag:s11] =	ssyncadd.s32 $0xFFFFF400  }
0x7a: {  	[spmem:s6] =	stream.linear.scatter [tilespmem:s22], [sflag:$0x9], $0xC00, $0x38;
	[tilespmem:$0x1E6A0] =	vst v63  }
0x7b: {  	_ =	swait.ge [sflag:s11], $0xC00  }
0x7c: {  	[sflag:s11] =	ssyncset.done $0x0  }
0x7d: {  	s13 =	rddreg [dreg:$0x11];
	[sflag:s11] =	ssyncadd.s32 $0xFFFFF400  }
0x7e: {  	[spmem:s13] =	stream.linear.scatter [tilespmem:s22], [sflag:$0x9], $0xC00, $0x38;
	[tilespmem:$0x1E6A0] =	vst v63  }
0x7f: {  	_ =	swait.ge [sflag:s11], $0xC00  }
0x80: {  	[sflag:s11] =	ssyncset.done $0x0  }
0x81: {  	s5 =	rddreg [dreg:$0x12];
	[sflag:s11] =	ssyncadd.s32 $0xFFFFF400  }
0x82: {  	[spmem:s5] =	stream.linear.scatter [tilespmem:s22], [sflag:$0x9], $0xC00, $0x38;
	[tilespmem:$0x1E6A0] =	vst v63  }
0x83: {  	_ =	swait.ge [sflag:s11], $0xC00  }
0x84: {  	[sflag:s11] =	ssyncset.done $0x0  }
0x85: {  	s6 =	rddreg [dreg:$0x13];
	[sflag:s11] =	ssyncadd.s32 $0xFFFFF400  }
0x86: {  	[spmem:s6] =	stream.linear.scatter [tilespmem:s22], [sflag:$0x9], $0xC00, $0x38;
	[tilespmem:$0x1E6A0] =	vst v63  }
0x87: {  	_ =	swait.ge [sflag:s11], $0xC00  }
0x88: {  	[sflag:s11] =	ssyncset.done $0x0  }
0x89: {  	s13 =	rddreg [dreg:$0x15];
	[sflag:s11] =	ssyncadd.s32 $0xFFFFF400  }
0x8a: {  	[spmem:s13] =	stream.linear.scatter [tilespmem:s22], [sflag:$0x9], $0xC00, $0x38;
	[tilespmem:$0x1E6A0] =	vst v63  }
0x8b: {  	_ =	swait.ge [sflag:s11], $0xC00  }
0x8c: {  	[sflag:s11] =	ssyncset.done $0x0  }
0x8d: {  	s5 =	rddreg [dreg:$0x16];
	[sflag:s11] =	ssyncadd.s32 $0xFFFFF400  }
0x8e: {  	[spmem:s5] =	stream.linear.scatter [tilespmem:s22], [sflag:$0x9], $0xC00, $0x38;
	[tilespmem:$0x1E6A0] =	vst v63  }
0x8f: {  	_ =	swait.ge [sflag:s11], $0xC00  }
0x90: {  	[sflag:s11] =	ssyncset.done $0x0  }
0x91: {  	s6 =	rddreg [dreg:$0x17];
	[sflag:s11] =	ssyncadd.s32 $0xFFFFF400  }
0x92: {  	[spmem:s6] =	stream.linear.scatter [tilespmem:s22], [sflag:$0x9], $0xC00, $0x38;
	[tilespmem:$0x1E6A0] =	vst v63  }
0x93: {  	_ =	swait.ge [sflag:s11], $0xC00  }
0x94: {  	[sflag:s11] =	ssyncset.done $0x0  }
0x95: {  	s13 =	rddreg [dreg:$0x18];
	[sflag:s11] =	ssyncadd.s32 $0xFFFFF400  }
0x96: {  	[spmem:s13] =	stream.linear.scatter [tilespmem:s22], [sflag:$0x9], $0xC00, $0x38;
	[tilespmem:$0x1E6A0] =	vst v63  }
0x97: {  	_ =	swait.ge [sflag:s11], $0xC00  }
0x98: {  	[sflag:s11] =	ssyncset.done $0x0  }
0x99: {  	s5 =	rddreg [dreg:$0x19];
	[sflag:s11] =	ssyncadd.s32 $0xFFFFF400  }
0x9a: {  	[spmem:s5] =	stream.linear.scatter [tilespmem:s22], [sflag:$0x9], $0xC00, $0x38;
	[tilespmem:$0x1E6A0] =	vst v63  }
0x9b: {  	_ =	swait.ge [sflag:s11], $0xC00  }
0x9c: {  	[sflag:s11] =	ssyncset.done $0x0  }
0x9d: {  	s6 =	rddreg [dreg:$0x1a];
	[sflag:s11] =	ssyncadd.s32 $0xFFFFF400  }
0x9e: {  	[spmem:s6] =	stream.linear.scatter [tilespmem:s22], [sflag:$0x9], $0xC00, $0x38;
	[tilespmem:$0x1E6A0] =	vst v63  }
0x9f: {  	_ =	swait.ge [sflag:s11], $0xC00  }
0xa0: {  	[sflag:s11] =	ssyncset.done $0x0  }
0xa1: {  	s13 =	rddreg [dreg:$0x1b];
	[sflag:s11] =	ssyncadd.s32 $0xFFFFF400  }
0xa2: {  	[spmem:s13] =	stream.linear.scatter [tilespmem:s22], [sflag:$0x9], $0xC00, $0x38;
	[tilespmem:$0x1E6A0] =	vst v63  }
0xa3: {  	_ =	swait.ge [sflag:s11], $0xC00  }
0xa4: {  	[sflag:s11] =	ssyncset.done $0x0  }
0xa5: {  	s5 =	rddreg [dreg:$0x1c];
	[sflag:s11] =	ssyncadd.s32 $0xFFFFF400  }
0xa6: {  	[spmem:s5] =	stream.linear.scatter [tilespmem:s22], [sflag:$0x9], $0xC00, $0x38;
	[tilespmem:$0x1E6A0] =	vst v63  }
0xa7: {  	_ =	swait.ge [sflag:s11], $0xC00  }
0xa8: {  	[sflag:s11] =	ssyncset.done $0x0  }
0xa9: {  	s6 =	rddreg [dreg:$0x1d];
	[sflag:s11] =	ssyncadd.s32 $0xFFFFF400  }
0xaa: {  	[spmem:s6] =	stream.linear.scatter [tilespmem:s22], [sflag:$0x9], $0xC00, $0x38;
	[tilespmem:$0x1E6A0] =	vst v63  }
0xab: {  	_ =	swait.ge [sflag:s11], $0xC00  }
0xac: {  	[sflag:s11] =	ssyncset.done $0x0  }
0xad: {  	s13 =	rddreg [dreg:$0x1e];
	[sflag:s11] =	ssyncadd.s32 $0xFFFFF400  }
0xae: {  	[spmem:s13] =	stream.linear.scatter [tilespmem:s22], [sflag:$0x9], $0xC00, $0x38;
	[tilespmem:$0x1E6A0] =	vst v63  }
0xaf: {  	_ =	swait.ge [sflag:s11], $0xC00  }
0xb0: {  	[sflag:s11] =	ssyncset.done $0x0  }
0xb1: {  	s5 =	rddreg [dreg:$0x1f];
	[sflag:s11] =	ssyncadd.s32 $0xFFFFF400  }
0xb2: {  	[spmem:s5] =	stream.linear.scatter [tilespmem:s22], [sflag:$0x9], $0xC00, $0x38;
	[tilespmem:$0x1E6A0] =	vst v63  }
0xb3: {  	_ =	swait.ge [sflag:s11], $0xC00  }
0xb4: {  	s6 =	sld [smem:$0x7FD]  }
0xb5: {  	[sflag:s11] =	ssyncset.done $0x0  }
0xb6: {  	[sflag:s11] =	ssyncadd.s32 $0xFFFFF400  }
0xb7: {  	[spmem:s6] =	stream.linear.scatter [tilespmem:s22], [sflag:$0x9], $0xC00, $0x38;
	[tilespmem:$0x1E6A0] =	vst v63  }
0xb8: {  	_ =	swait.ge [sflag:s11], $0xC00  }
0xb9: {  	[sflag:s11] =	ssyncset.done $0x0  }
0xba: {  	[sflag:s11] =	ssyncadd.s32 $0xFFFFF400  }
0xbb: {  	[spmem:s7] =	stream.linear.scatter [tilespmem:s22], [sflag:$0x9], $0xC00, $0x38;
	[tilespmem:$0x1E6A0] =	vst v63  }
0xbc: {  	_ =	swait.ge [sflag:s11], $0xC00  }
0xbd: {  	[sflag:s11] =	ssyncset.done $0x0  }
0xbe: {  	[sflag:s11] =	ssyncadd.s32 $0xFFFFF400  }
0xbf: {  	[spmem:s8] =	stream.linear.scatter [tilespmem:s22], [sflag:$0x9], $0x800, $0x38;
	[tilespmem:$0x1E6A0] =	vst v63  }
0xc0: {  	_ =	swait.ge [sflag:s11], $0x800  }
0xc1: {  	[sflag:s11] =	ssyncset.done $0x0  }
0xc2: {  	s13 =	simm.s32 $0xA8;
	[sflag:s11] =	ssyncadd.s32 $0xFFFFF800  }
0xc3: {  	[tilespmem:s22], [sflag:$0x8] =	stream.indirect.gather [hbm4b:s0+s14], $0x80, s13, s14, $0xb8;
	[tilespmem:$0x1E6A0] =	vst v63  }
0xc4: {  	[bflag:$0x0] =	sbarrier.arrive $0xFFFF  }
0xc5: {  	_ =	swait.ge [sflag:s23], $0xC00  }
0xc6: {  	[sflag:s23] =	ssyncset.done $0x0  }
0xc7: {  	s5 =	simm.s32 $0x2700;
	[sflag:s23] =	ssyncadd.s32 $0xFFFFF400  }
0xc8: {  	[spmem:s3] =	stream.indirect.scatter.add.f32 [tilespmem:s15], [sflag:$0x9], $0x80, s5, s14, $0xb8;
	[tilespmem:$0x1E6A0] =	vst v63  }
0xc9: {  	_ =	swait.ge [sflag:s11], $0xC00  }
0xca: {  	[sflag:s11] =	ssyncset.done $0x0  }
0xcb: {  	s6 =	simm.s32 $0xC0;
	[sflag:s11] =	ssyncadd.s32 $0xFFFFF400  }
0xcc: {  	[tilespmem:s15], [sflag:$0x1] =	stream.indirect.gather [hbm4b:s0+s14], $0x80, s6, s14, $0xb8;
	[tilespmem:$0x1E6A0] =	vst v63  }
0xcd: {  	_ =	swait.ge [sflag:s24], $0xC00  }
0xce: {  	[sflag:s24] =	ssyncset.done $0x0  }
0xcf: {  	s13 =	simm.s32 $0x2718;
	[sflag:s24] =	ssyncadd.s32 $0xFFFFF400  }
0xd0: {  	[spmem:s3] =	stream.indirect.scatter.add.f32 [tilespmem:s16], [sflag:$0x9], $0x80, s13, s14, $0xb8;
	[tilespmem:$0x1E6A0] =	vst v63  }
0xd1: {  	_ =	swait.ge [sflag:s11], $0xC00  }
0xd2: {  	[sflag:s11] =	ssyncset.done $0x0  }
0xd3: {  	s5 =	simm.s32 $0xD8;
	[sflag:s11] =	ssyncadd.s32 $0xFFFFF400  }
0xd4: {  	[tilespmem:s16], [sflag:$0x2] =	stream.indirect.gather [hbm4b:s0+s14], $0x80, s5, s14, $0xb8;
	[tilespmem:$0x1E6A0] =	vst v63  }
0xd5: {  	_ =	swait.ge [sflag:s25], $0xC00  }
0xd6: {  	[sflag:s25] =	ssyncset.done $0x0  }
0xd7: {  	s6 =	simm.s32 $0x2730;
	[sflag:s25] =	ssyncadd.s32 $0xFFFFF400  }
0xd8: {  	[spmem:s3] =	stream.indirect.scatter.add.f32 [tilespmem:s17], [sflag:$0x9], $0x80, s6, s14, $0xb8;
	[tilespmem:$0x1E6A0] =	vst v63  }
0xd9: {  	_ =	swait.ge [sflag:s11], $0xC00  }
0xda: {  	[sflag:s11] =	ssyncset.done $0x0  }
0xdb: {  	s13 =	simm.s32 $0xF0;
	[sflag:s11] =	ssyncadd.s32 $0xFFFFF400  }
0xdc: {  	[tilespmem:s17], [sflag:$0x3] =	stream.indirect.gather [hbm4b:s0+s14], $0x80, s13, s14, $0xb8;
	[tilespmem:$0x1E6A0] =	vst v63  }
0xdd: {  	_ =	swait.ge [sflag:s26], $0xC00  }
0xde: {  	[sflag:s26] =	ssyncset.done $0x0  }
0xdf: {  	s5 =	simm.s32 $0x2748;
	[sflag:s26] =	ssyncadd.s32 $0xFFFFF400  }
0xe0: {  	[spmem:s3] =	stream.indirect.scatter.add.f32 [tilespmem:s18], [sflag:$0x9], $0x80, s5, s14, $0xb8;
	[tilespmem:$0x1E6A0] =	vst v63  }
0xe1: {  	_ =	swait.ge [sflag:s11], $0xC00  }
0xe2: {  	[sflag:s11] =	ssyncset.done $0x0  }
0xe3: {  	s6 =	simm.s32 $0x108;
	[sflag:s11] =	ssyncadd.s32 $0xFFFFF400  }
0xe4: {  	[tilespmem:s18], [sflag:$0x4] =	stream.indirect.gather [hbm4b:s0+s14], $0x80, s6, s14, $0xb8;
	[tilespmem:$0x1E6A0] =	vst v63  }
0xe5: {  	_ =	swait.ge [sflag:s28], $0xC00  }
0xe6: {  	[sflag:s28] =	ssyncset.done $0x0  }
0xe7: {  	s13 =	simm.s32 $0x2760;
	[sflag:s28] =	ssyncadd.s32 $0xFFFFF400  }
0xe8: {  	[spmem:s3] =	stream.indirect.scatter.add.f32 [tilespmem:s19], [sflag:$0x9], $0x80, s13, s14, $0xb8;
	[tilespmem:$0x1E6A0] =	vst v63  }
0xe9: {  	_ =	swait.ge [sflag:s11], $0xC00  }
0xea: {  	[sflag:s11] =	ssyncset.done $0x0  }
0xeb: {  	s5 =	simm.s32 $0x120;
	[sflag:s11] =	ssyncadd.s32 $0xFFFFF400  }
0xec: {  	[tilespmem:s19], [sflag:$0x5] =	stream.indirect.gather [hbm4b:s0+s14], $0x80, s5, s14, $0xb8;
	[tilespmem:$0x1E6A0] =	vst v63  }
0xed: {  	_ =	swait.ge [sflag:s29], $0xC00  }
0xee: {  	[sflag:s29] =	ssyncset.done $0x0  }
0xef: {  	s6 =	simm.s32 $0x2778;
	[sflag:s29] =	ssyncadd.s32 $0xFFFFF400  }
0xf0: {  	[spmem:s3] =	stream.indirect.scatter.add.f32 [tilespmem:s20], [sflag:$0x9], $0x80, s6, s14, $0xb8;
	[tilespmem:$0x1E6A0] =	vst v63  }
0xf1: {  	_ =	swait.ge [sflag:s11], $0xC00  }
0xf2: {  	[sflag:s11] =	ssyncset.done $0x0  }
0xf3: {  	s13 =	simm.s32 $0x138;
	[sflag:s11] =	ssyncadd.s32 $0xFFFFF400  }
0xf4: {  	[tilespmem:s20], [sflag:$0x6] =	stream.indirect.gather [hbm4b:s0+s14], $0x80, s13, s14, $0xb8;
	[tilespmem:$0x1E6A0] =	vst v63  }
0xf5: {  	_ =	swait.ge [sflag:s30], $0xC00  }
0xf6: {  	[sflag:s30] =	ssyncset.done $0x0  }
0xf7: {  	s5 =	simm.s32 $0x2790;
	[sflag:s30] =	ssyncadd.s32 $0xFFFFF400  }
0xf8: {  	[spmem:s3] =	stream.indirect.scatter.add.f32 [tilespmem:s21], [sflag:$0x9], $0x80, s5, s14, $0xb8;
	[tilespmem:$0x1E6A0] =	vst v63  }
0xf9: {  	_ =	swait.ge [sflag:s11], $0xC00  }
0xfa: {  	[sflag:s11] =	ssyncset.done $0x0  }
0xfb: {  	s6 =	simm.s32 $0x150;
	[sflag:s11] =	ssyncadd.s32 $0xFFFFF400  }
0xfc: {  	[tilespmem:s21], [sflag:$0x7] =	stream.indirect.gather [hbm4b:s0+s14], $0x80, s6, s14, $0xb8;
	[tilespmem:$0x1E6A0] =	vst v63  }
0xfd: {  	_ =	swait.ge [sflag:s31], $0xC00  }
0xfe: {  	[sflag:s31] =	ssyncset.done $0x0  }
0xff: {  	s13 =	simm.s32 $0x27A8;
	[sflag:s31] =	ssyncadd.s32 $0xFFFFF400  }
0x100: {  	[spmem:s3] =	stream.indirect.scatter.add.f32 [tilespmem:s22], [sflag:$0x9], $0x80, s13, s14, $0xb8;
	[tilespmem:$0x1E6A0] =	vst v63  }
0x101: {  	_ =	swait.ge [sflag:s11], $0xC00  }
0x102: {  	[sflag:s11] =	ssyncset.done $0x0  }
0x103: {  	s2 =	simm.s32 $0x300;
	s13 =	simm.s32 $0x168;
	[sflag:s11] =	ssyncadd.s32 $0xFFFFF400  }
.LBB2_4:
0x104: {  	[tilespmem:s22], [sflag:$0x8] =	stream.indirect.gather [hbm4b:s0+s14], $0x80, s13, s14, $0xb8;
	[tilespmem:$0x1E6A0] =	vst v63  }
0x105: {  	s13 =	smov.u32 s2  }
0x106: {  	p0 =	sne.s32 s2, $0x9600;
	s2 =	sadd.s32 $0x300, s2;
	_ =	swait.ge [sflag:s23], $0xC00  }
0x107: {  	s13 =	sshra.s32 s13, $0x2;
	[sflag:s23] =	ssyncset.done $0x0  }
0x108: {  	s5 =	sadd.s32 $0x2700, s13;
	[sflag:s23] =	ssyncadd.s32 $0xFFFFF400  }
0x109: {  	[spmem:s3] =	stream.indirect.scatter.add.f32 [tilespmem:s15], [sflag:$0x9], $0x80, s5, s14, $0xb8;
	[tilespmem:$0x1E6A0] =	vst v63  }
0x10a: {  	_ =	swait.ge [sflag:s11], $0xC00  }
0x10b: {  	[sflag:s11] =	ssyncset.done $0x0  }
0x10c: {  	s5 =	sadd.s32 $0xC0, s13;
	[sflag:s11] =	ssyncadd.s32 $0xFFFFF400  }
0x10d: {  	[tilespmem:s15], [sflag:$0x1] =	stream.indirect.gather [hbm4b:s0+s14], $0x80, s5, s14, $0xb8;
	[tilespmem:$0x1E6A0] =	vst v63  }
0x10e: {  	_ =	swait.ge [sflag:s24], $0xC00  }
0x10f: {  	[sflag:s24] =	ssyncset.done $0x0  }
0x110: {  	s5 =	sadd.s32 $0x2718, s13;
	[sflag:s24] =	ssyncadd.s32 $0xFFFFF400  }
0x111: {  	[spmem:s3] =	stream.indirect.scatter.add.f32 [tilespmem:s16], [sflag:$0x9], $0x80, s5, s14, $0xb8;
	[tilespmem:$0x1E6A0] =	vst v63  }
0x112: {  	_ =	swait.ge [sflag:s11], $0xC00  }
0x113: {  	[sflag:s11] =	ssyncset.done $0x0  }
0x114: {  	s5 =	sadd.s32 $0xD8, s13;
	[sflag:s11] =	ssyncadd.s32 $0xFFFFF400  }
0x115: {  	[tilespmem:s16], [sflag:$0x2] =	stream.indirect.gather [hbm4b:s0+s14], $0x80, s5, s14, $0xb8;
	[tilespmem:$0x1E6A0] =	vst v63  }
0x116: {  	_ =	swait.ge [sflag:s25], $0xC00  }
0x117: {  	[sflag:s25] =	ssyncset.done $0x0  }
0x118: {  	s5 =	sadd.s32 $0x2730, s13;
	[sflag:s25] =	ssyncadd.s32 $0xFFFFF400  }
0x119: {  	[spmem:s3] =	stream.indirect.scatter.add.f32 [tilespmem:s17], [sflag:$0x9], $0x80, s5, s14, $0xb8;
	[tilespmem:$0x1E6A0] =	vst v63  }
0x11a: {  	_ =	swait.ge [sflag:s11], $0xC00  }
0x11b: {  	[sflag:s11] =	ssyncset.done $0x0  }
0x11c: {  	s5 =	sadd.s32 $0xF0, s13;
	[sflag:s11] =	ssyncadd.s32 $0xFFFFF400  }
0x11d: {  	[tilespmem:s17], [sflag:$0x3] =	stream.indirect.gather [hbm4b:s0+s14], $0x80, s5, s14, $0xb8;
	[tilespmem:$0x1E6A0] =	vst v63  }
0x11e: {  	_ =	swait.ge [sflag:s26], $0xC00  }
0x11f: {  	[sflag:s26] =	ssyncset.done $0x0  }
0x120: {  	s5 =	sadd.s32 $0x2748, s13;
	[sflag:s26] =	ssyncadd.s32 $0xFFFFF400  }
0x121: {  	[spmem:s3] =	stream.indirect.scatter.add.f32 [tilespmem:s18], [sflag:$0x9], $0x80, s5, s14, $0xb8;
	[tilespmem:$0x1E6A0] =	vst v63  }
0x122: {  	_ =	swait.ge [sflag:s11], $0xC00  }
0x123: {  	[sflag:s11] =	ssyncset.done $0x0  }
0x124: {  	s5 =	sadd.s32 $0x108, s13;
	[sflag:s11] =	ssyncadd.s32 $0xFFFFF400  }
0x125: {  	[tilespmem:s18], [sflag:$0x4] =	stream.indirect.gather [hbm4b:s0+s14], $0x80, s5, s14, $0xb8;
	[tilespmem:$0x1E6A0] =	vst v63  }
0x126: {  	_ =	swait.ge [sflag:s28], $0xC00  }
0x127: {  	[sflag:s28] =	ssyncset.done $0x0  }
0x128: {  	s5 =	sadd.s32 $0x2760, s13;
	[sflag:s28] =	ssyncadd.s32 $0xFFFFF400  }
0x129: {  	[spmem:s3] =	stream.indirect.scatter.add.f32 [tilespmem:s19], [sflag:$0x9], $0x80, s5, s14, $0xb8;
	[tilespmem:$0x1E6A0] =	vst v63  }
0x12a: {  	_ =	swait.ge [sflag:s11], $0xC00  }
0x12b: {  	[sflag:s11] =	ssyncset.done $0x0  }
0x12c: {  	s5 =	sadd.s32 $0x120, s13;
	[sflag:s11] =	ssyncadd.s32 $0xFFFFF400  }
0x12d: {  	[tilespmem:s19], [sflag:$0x5] =	stream.indirect.gather [hbm4b:s0+s14], $0x80, s5, s14, $0xb8;
	[tilespmem:$0x1E6A0] =	vst v63  }
0x12e: {  	_ =	swait.ge [sflag:s29], $0xC00  }
0x12f: {  	[sflag:s29] =	ssyncset.done $0x0  }
0x130: {  	s5 =	sadd.s32 $0x2778, s13;
	[sflag:s29] =	ssyncadd.s32 $0xFFFFF400  }
0x131: {  	[spmem:s3] =	stream.indirect.scatter.add.f32 [tilespmem:s20], [sflag:$0x9], $0x80, s5, s14, $0xb8;
	[tilespmem:$0x1E6A0] =	vst v63  }
0x132: {  	_ =	swait.ge [sflag:s11], $0xC00  }
0x133: {  	[sflag:s11] =	ssyncset.done $0x0  }
0x134: {  	s5 =	sadd.s32 $0x138, s13;
	[sflag:s11] =	ssyncadd.s32 $0xFFFFF400  }
0x135: {  	[tilespmem:s20], [sflag:$0x6] =	stream.indirect.gather [hbm4b:s0+s14], $0x80, s5, s14, $0xb8;
	[tilespmem:$0x1E6A0] =	vst v63  }
0x136: {  	_ =	swait.ge [sflag:s30], $0xC00  }
0x137: {  	[sflag:s30] =	ssyncset.done $0x0  }
0x138: {  	s5 =	sadd.s32 $0x2790, s13;
	[sflag:s30] =	ssyncadd.s32 $0xFFFFF400  }
0x139: {  	[spmem:s3] =	stream.indirect.scatter.add.f32 [tilespmem:s21], [sflag:$0x9], $0x80, s5, s14, $0xb8;
	[tilespmem:$0x1E6A0] =	vst v63  }
0x13a: {  	_ =	swait.ge [sflag:s11], $0xC00  }
0x13b: {  	[sflag:s11] =	ssyncset.done $0x0  }
0x13c: {  	s5 =	sadd.s32 $0x150, s13;
	[sflag:s11] =	ssyncadd.s32 $0xFFFFF400  }
0x13d: {  	[tilespmem:s21], [sflag:$0x7] =	stream.indirect.gather [hbm4b:s0+s14], $0x80, s5, s14, $0xb8;
	[tilespmem:$0x1E6A0] =	vst v63  }
0x13e: {  	_ =	swait.ge [sflag:s31], $0xC00  }
0x13f: {  	[sflag:s31] =	ssyncset.done $0x0  }
.Ltmp1:
0x140: {  	s5 =	sadd.s32 $0x27A8, s13;
	[sflag:s31] =	ssyncadd.s32 $0xFFFFF400;
	(pc) =	sbr.rel @p0 .LBB2_4-.Ltmp1, $4  }
0x141: {  	[spmem:s3] =	stream.indirect.scatter.add.f32 [tilespmem:s22], [sflag:$0x9], $0x80, s5, s14, $0xb8;
	[tilespmem:$0x1E6A0] =	vst v63  }
0x142: {  	_ =	swait.ge [sflag:s11], $0xC00  }
0x143: {  	[sflag:s11] =	ssyncset.done $0x0  }
0x144: {  	s13 =	sadd.s32 $0x168, s13;
	[sflag:s11] =	ssyncadd.s32 $0xFFFFF400  }
0x145: {  	[tilespmem:s22], [sflag:$0x8] =	stream.indirect.gather [hbm4b:s0+s14], $0x80, s13, s14, $0xb8;
	[tilespmem:$0x1E6A0] =	vst v63  }
0x146: {  	_ =	swait.ge [sflag:s23], $0xC00  }
0x147: {  	[sflag:s23] =	ssyncset.done $0x0  }
0x148: {  	s2 =	simm.s32 $0x4D40;
	[sflag:s23] =	ssyncadd.s32 $0xFFFFF400  }
0x149: {  	[spmem:s3] =	stream.indirect.scatter.add.f32 [tilespmem:s15], [sflag:$0x9], $0x80, s2, s14, $0xb8;
	[tilespmem:$0x1E6A0] =	vst v63  }
0x14a: {  	_ =	swait.ge [sflag:s11], $0xC00  }
0x14b: {  	[sflag:s11] =	ssyncset.done $0x0  }
0x14c: {  	s5 =	simm.s32 $0x4E00;
	[sflag:s11] =	ssyncadd.s32 $0xFFFFF400  }
0x14d: {  	[tilespmem:s15], [sflag:$0x1] =	stream.indirect.gather [hbm4b:s0+s1], $0x80, s5, s1, $0xb8;
	[tilespmem:$0x1E6A0] =	vst v63  }
0x14e: {  	_ =	swait.ge [sflag:s24], $0xC00  }
0x14f: {  	[sflag:s24] =	ssyncset.done $0x0  }
0x150: {  	s6 =	simm.s32 $0x4D58;
	[sflag:s24] =	ssyncadd.s32 $0xFFFFF400  }
0x151: {  	[spmem:s3] =	stream.indirect.scatter.add.f32 [tilespmem:s16], [sflag:$0x9], $0x80, s6, s14, $0xb8;
	[tilespmem:$0x1E6A0] =	vst v63  }
0x152: {  	_ =	swait.ge [sflag:s11], $0xC00  }
0x153: {  	[sflag:s11] =	ssyncset.done $0x0  }
0x154: {  	[sflag:s11] =	ssyncadd.s32 $0xFFFFF400  }
0x155: {  	_ =	swait.ge [sflag:s25], $0xC00  }
0x156: {  	[sflag:s25] =	ssyncset.done $0x0  }
0x157: {  	s13 =	simm.s32 $0x4D70;
	[sflag:s25] =	ssyncadd.s32 $0xFFFFF400  }
0x158: {  	[spmem:s3] =	stream.indirect.scatter.add.f32 [tilespmem:s17], [sflag:$0x9], $0x80, s13, s14, $0xb8;
	[tilespmem:$0x1E6A0] =	vst v63  }
0x159: {  	_ =	swait.ge [sflag:s11], $0xC00  }
0x15a: {  	[sflag:s11] =	ssyncset.done $0x0  }
0x15b: {  	[sflag:s11] =	ssyncadd.s32 $0xFFFFF400  }
0x15c: {  	_ =	swait.ge [sflag:s26], $0xC00  }
0x15d: {  	[sflag:s26] =	ssyncset.done $0x0  }
0x15e: {  	s5 =	simm.s32 $0x4D88;
	[sflag:s26] =	ssyncadd.s32 $0xFFFFF400  }
0x15f: {  	[spmem:s3] =	stream.indirect.scatter.add.f32 [tilespmem:s18], [sflag:$0x9], $0x80, s5, s14, $0xb8;
	[tilespmem:$0x1E6A0] =	vst v63  }
0x160: {  	_ =	swait.ge [sflag:s11], $0xC00  }
0x161: {  	[sflag:s11] =	ssyncset.done $0x0  }
0x162: {  	[sflag:s11] =	ssyncadd.s32 $0xFFFFF400  }
0x163: {  	_ =	swait.ge [sflag:s28], $0xC00  }
0x164: {  	[sflag:s28] =	ssyncset.done $0x0  }
0x165: {  	s6 =	simm.s32 $0x4DA0;
	[sflag:s28] =	ssyncadd.s32 $0xFFFFF400  }
0x166: {  	[spmem:s3] =	stream.indirect.scatter.add.f32 [tilespmem:s19], [sflag:$0x9], $0x80, s6, s14, $0xb8;
	[tilespmem:$0x1E6A0] =	vst v63  }
0x167: {  	_ =	swait.ge [sflag:s11], $0xC00  }
0x168: {  	[sflag:s11] =	ssyncset.done $0x0  }
0x169: {  	[sflag:s11] =	ssyncadd.s32 $0xFFFFF400  }
0x16a: {  	_ =	swait.ge [sflag:s29], $0xC00  }
0x16b: {  	[sflag:s29] =	ssyncset.done $0x0  }
0x16c: {  	s13 =	simm.s32 $0x4DB8;
	[sflag:s29] =	ssyncadd.s32 $0xFFFFF400  }
0x16d: {  	[spmem:s3] =	stream.indirect.scatter.add.f32 [tilespmem:s20], [sflag:$0x9], $0x80, s13, s14, $0xb8;
	[tilespmem:$0x1E6A0] =	vst v63  }
0x16e: {  	_ =	swait.ge [sflag:s11], $0xC00  }
0x16f: {  	[sflag:s11] =	ssyncset.done $0x0  }
0x170: {  	[sflag:s11] =	ssyncadd.s32 $0xFFFFF400  }
0x171: {  	_ =	swait.ge [sflag:s30], $0xC00  }
0x172: {  	[sflag:s30] =	ssyncset.done $0x0  }
0x173: {  	s5 =	simm.s32 $0x4DD0;
	[sflag:s30] =	ssyncadd.s32 $0xFFFFF400  }
0x174: {  	[spmem:s3] =	stream.indirect.scatter.add.f32 [tilespmem:s21], [sflag:$0x9], $0x80, s5, s14, $0xb8;
	[tilespmem:$0x1E6A0] =	vst v63  }
0x175: {  	_ =	swait.ge [sflag:s11], $0xC00  }
0x176: {  	[sflag:s11] =	ssyncset.done $0x0  }
0x177: {  	[sflag:s11] =	ssyncadd.s32 $0xFFFFF400  }
0x178: {  	_ =	swait.ge [sflag:s31], $0xC00  }
0x179: {  	[sflag:s31] =	ssyncset.done $0x0  }
0x17a: {  	s6 =	simm.s32 $0x4DE8;
	[sflag:s31] =	ssyncadd.s32 $0xFFFFF400  }
0x17b: {  	[spmem:s3] =	stream.indirect.scatter.add.f32 [tilespmem:s22], [sflag:$0x9], $0x80, s6, s14, $0xb8;
	[tilespmem:$0x1E6A0] =	vst v63  }
0x17c: {  	_ =	swait.ge [sflag:s11], $0xC00  }
0x17d: {  	[sflag:s11] =	ssyncset.done $0x0  }
0x17e: {  	[sflag:s11] =	ssyncadd.s32 $0xFFFFF400  }
0x17f: {  	_ =	swait.ge [sflag:s23], $0x800  }
0x180: {  	[sflag:s23] =	ssyncset.done $0x0  }
0x181: {  	s6 =	simm.s32 $0x4E10;
	[sflag:s23] =	ssyncadd.s32 $0xFFFFF800  }
0x182: {  	[spmem:s3] =	stream.indirect.scatter.add.f32 [tilespmem:s15], [sflag:$0x9], $0x80, s6, s1, $0xb8;
	[tilespmem:$0x1E6A0] =	vst v63  }
0x183: {  	_ =	swait.ge [sflag:s11], $0x800  }
0x184: {  	s13 =	stileid.u32;
	[sflag:s11] =	ssyncset.done $0x0  }
0x185: {  	s12 =	sadd.s32 $0x1, s12;
	s2 =	sshll.u32 s13, $0x6;
	[sflag:s11] =	ssyncadd.s32 $0xFFFFF800  }
0x186: {  	p0 =	sne.s32 s12, s10;
	s2 =	sor.u32 $0x1C09, s2;
	[bflag:$0x0] =	sbarrier.arrive $0xFFFF  }
.Ltmp2:
0x187: {  	s5 =	sshrl.u32 s9, $0x3;
	s13 =	rddreg [dreg:$0x14];
	(pc) =	sbr.rel @p0 .LBB2_1-.Ltmp2, $4  }
0x188: {  	[hbm:s13], [sflag:s2] =	dma.local [spmem:s5], $0x2800  }
0x189: {  	_ =	swait.ge [sflag:s11], $0x2800  }
0x18a: {  	[sflag:s11] =	ssyncset.done $0x0  }
0x18b: {  	s13 =	simm.s32 $0x4E00;
	[sflag:s11] =	ssyncadd.s32 $0xFFFFD800  }
0x18c: {  	_ =	sfence.sel $0x180000  }
0x18d: {  	[bflag:$0x0] =	sbarrier.arrive $0xFFFF  }
0x18e: {  	_ =	strace $0x9000004A  }
0x18f: {  	s0 =	stileid.u32;
	[bflag:$0x2] =	sbarrier.arrive $0xFFFF  }
0x190: {  	p0 =	sne.s32 s0, $0x0;
	s0 =	rddreg [dreg:$0x3]  }
0x191: {  	s0 =	sadd.s32 @!p0 $0x100000, s0  }
0x192: {  	[sflag:s0] =	ssyncadd.tile.s32 @!p0 $0x1;
	_ =	shalt  }
.Lfunc_end2:
_tile_overlayer_lowered:
.L_overlay_start_2:
0x193: {  	(tag) =	ssettag $0x2  }
0x194: {  	s0 =	rddreg [dreg:$0x0];
	s2 =	stileid.u32  }
0x195: {  	s1 =	rddreg [dreg:$0x1];
	p0 =	sne.s32 s2, $0x0  }
0x196: {  	s3 =	rddreg [dreg:$0x2];
	[bflag:$0x3] =	sbarrier.arrive $0xFFFF;
	s2 =	simm.s32 @!p0 $0x1C09  }
0x197: {  	[timem:s3], [sflag:s2] =	dma.local @!p0 [hbm:s0], s1  }
0x198: {  	s0 =	simm.s32 @!p0 $0x9  }
0x199: {  	_ =	swait.ge @!p0 [sflag:s0], s1  }
0x19a: {  	s1 =	ssub.s32 @!p0 $0x0, s1;
	[sflag:s0] =	ssyncset.done @!p0 $0x0  }
0x19b: {  	[sflag:s0] =	ssyncadd.s32 @!p0 s1  }
0x19c: {  	[bflag:$0x3] =	sbarrier.arrive $0xFFFF  }
0x19d: {  	_ =	shalt  }

// kernel: kernel.14.cloned.1.call-start
scs
__scs_entry_jumppad:
0x0: {  	(pc) =	sbr.rel $0x88, $3  }
0x1: {  	(tag) =	ssettag $0x0;
	lr =	simm.s32 $0x1  }
0x2: {  	[smem:$0x3F99] =	sst lr;
	_ =	strace $0xD0000000  }
0x3: {  	_ = 	snop  }
0x4: {  	_ = 	snop  }
0x5: {  	_ = 	snop  }
0x6: {  	_ = 	snop  }
0x7: {  	_ = 	snop  }
__scs_overlays_trampoline_lowered:
0x8: {  	[smem:$0x3FA8] =	sst s0  }
0x9: {  	[smem:$0x3FA9] =	sst s1  }
0xa: {  	[smem:$0x3FAA] =	sst s2  }
0xb: {  	[smem:$0x3FAB] =	sst s3  }
0xc: {  	[smem:$0x3FAC] =	sst s4  }
0xd: {  	[smem:$0x3FAD] =	sst s5  }
0xe: {  	[smem:$0x3FAE] =	sst s6  }
0xf: {  	[smem:$0x3FAF] =	sst s7  }
0x10: {  	[smem:$0x3FB0] =	sst s8  }
0x11: {  	[smem:$0x3FB1] =	sst s9;
	s0 =	simm.s32 @!p0 $0x0  }
0x12: {  	s1 =	sld [smem:$0x3F97];
	s0 =	simm.s32 @p0 $0x1  }
0x13: {  	[smem:$0x3FB2] =	sst s0;
	s0 =	simm.s32 @!p1 $0x0  }
0x14: {  	s2 =	sld [smem:$0x3F96];
	s0 =	simm.s32 @p1 $0x1  }
0x15: {  	[smem:$0x3FB3] =	sst s0;
	s0 =	simm.s32 @!p2 $0x0  }
0x16: {  	s3 =	sld [smem:$0x3FDB];
	s0 =	simm.s32 @p2 $0x1  }
0x17: {  	s4 =	simm.s32 $0x1BF5;
	[smem:$0x3FB5] =	sst s0  }
0x18: {  	s0 =	sld [smem:$0x3F98];
	_ =	swait.ge [sflag:s4], $0x0  }
0x19: {  	s7 =	sld [smem:$0x3F99]  }
0x1a: {  	s8 =	sadd.s32 $0xFFFFE003, lr  }
0x1b: {  	s9 =	sadd.s32 $0xFFFFFEF7, lr;
	s5 =	simm.s32 $0xFFFFFFFF;
	p2 =	slt.u32 s8, $0xFFFFF086  }
0x1c: {  	p1 =	slt.u32 s9, $0xF7A;
	s5 =	simm.s32 @!p2 $0x0  }
0x1d: {  	s5 =	simm.s32 @p1 $0x1;
	p0 =	seq.s32 s7, s2  }
0x1e: {  	s7 =	smul.u32 @!p0 $0xF7A, s2;
	p2 =	seq.s32 @!p0 s5, $0x0  }
0x1f: {  	s9 =	smul.u32 $0xF7A, s1;
	s8 =	simm.s32 @!p0 $0x1BF5;
	p2 =	por !p2, p0  }
0x20: {  	[sflag:s8] =	ssyncset.s32 @!p0 $0xFFFFF086;
	s6 =	sadd.s32 @!p0 s3, s7;
	s7 =	simm.s32 @!p0 $0x108  }
0x21: {  	s3 =	sadd.s32 s3, s9;
	s6 =	sadd.s32 @!p0 $0x88, s6;
	s7 =	simm.s32 @p2 $0x1082  }
0x22: {  	[simem:s7], [sflag:s8] =	dma.local @!p0 [hbm:s6], $0xF7A  }
0x23: {  	s9 =	sor.u32 $0xD0000000, s2;
	s6 =	simm.s32 $0x108;
	_ =	swait.ge @!p0 [sflag:s8], $0x0  }
0x24: {  	s3 =	sadd.s32 $0x88, s3;
	s6 =	simm.s32 @!p1 $0x1082;
	[sflag:s4] =	ssyncset.s32 $0xFFFFF086  }
0x25: {  	[simem:s6], [sflag:s4] =	dma.local [hbm:s3], $0xF7A  }
0x26: {  	[smem:$0x3F99] =	sst s1;
	(tag) =	ssettag s2;
	_ =	strace s9  }
0x27: {  	s1 =	sld [smem:$0x3FA9]  }
0x28: {  	s2 =	sld [smem:$0x3FAA]  }
0x29: {  	s4 =	sld [smem:$0x3FAC]  }
0x2a: {  	p0 =	seq.s32 s5, $0x0;
	s5 =	sld [smem:$0x3FAD]  }
0x2b: {  	s6 =	sld [smem:$0x3FAE]  }
0x2c: {  	s7 =	sld [smem:$0x3FAF]  }
0x2d: {  	s3 =	simm.s32 $0x108;
	s8 =	sld [smem:$0x3FB0]  }
0x2e: {  	s3 =	simm.s32 @!p0 $0x1082;
	s9 =	sld [smem:$0x3FB1]  }
0x2f: {  	lr =	sadd.s32 s0, s3;
	s0 =	sld [smem:$0x3FA8]  }
0x30: {  	s3 =	sld [smem:$0x3FAB]  }
0x31: {  	[smem:$0x3FB4] =	sst s10  }
0x32: {  	s10 =	sld [smem:$0x3FB2];
	_ =	sdelay $0x3  }
0x33: {  	p0 =	seq.s32 s10, $0x1;
	s10 =	sld [smem:$0x3FB4];
	_ =	sdelay $0x3  }
0x34: {  	[smem:$0x3FB4] =	sst s10  }
0x35: {  	s10 =	sld [smem:$0x3FB3];
	_ =	sdelay $0x3  }
0x36: {  	p1 =	seq.s32 s10, $0x1;
	s10 =	sld [smem:$0x3FB4];
	_ =	sdelay $0x3  }
0x37: {  	[smem:$0x3FB4] =	sst s10  }
0x38: {  	s10 =	sld [smem:$0x3FB5]  }
0x39: {  	_ = 	snop;
	(pc) =	sbr.ind lr, $3  }
0x3a: {  	_ = 	snop  }
0x3b: {  	_ = 	snop  }
0x3c: {  	p2 =	seq.s32 s10, $0x1;
	s10 =	sld [smem:$0x3FB4]  }
0x3d: {  	_ =	shalt  }
0x3e: {  	_ =	shalt  }
0x3f: {  	_ =	shalt  }
0x40: {  	_ =	shalt  }
0x41: {  	_ =	shalt  }
0x42: {  	_ =	shalt  }
0x43: {  	_ =	shalt  }
0x44: {  	_ =	shalt  }
0x45: {  	_ =	shalt  }
0x46: {  	_ =	shalt  }
0x47: {  	_ =	shalt  }
0x48: {  	_ =	shalt  }
0x49: {  	_ =	shalt  }
0x4a: {  	_ =	shalt  }
0x4b: {  	_ =	shalt  }
0x4c: {  	_ =	shalt  }
0x4d: {  	_ =	shalt  }
0x4e: {  	_ =	shalt  }
0x4f: {  	_ =	shalt  }
0x50: {  	_ =	shalt  }
0x51: {  	_ =	shalt  }
0x52: {  	_ =	shalt  }
0x53: {  	_ =	shalt  }
0x54: {  	_ =	shalt  }
0x55: {  	_ =	shalt  }
0x56: {  	_ =	shalt  }
0x57: {  	_ =	shalt  }
0x58: {  	_ =	shalt  }
0x59: {  	_ =	shalt  }
0x5a: {  	_ =	shalt  }
0x5b: {  	_ =	shalt  }
0x5c: {  	_ =	shalt  }
0x5d: {  	_ =	shalt  }
0x5e: {  	_ =	shalt  }
0x5f: {  	_ =	shalt  }
0x60: {  	_ =	shalt  }
0x61: {  	_ =	shalt  }
0x62: {  	_ =	shalt  }
0x63: {  	_ =	shalt  }
0x64: {  	_ =	shalt  }
0x65: {  	_ =	shalt  }
0x66: {  	_ =	shalt  }
0x67: {  	_ =	shalt  }
0x68: {  	_ =	shalt  }
0x69: {  	_ =	shalt  }
0x6a: {  	_ =	shalt  }
0x6b: {  	_ =	shalt  }
0x6c: {  	_ =	shalt  }
0x6d: {  	_ =	shalt  }
0x6e: {  	_ =	shalt  }
0x6f: {  	_ =	shalt  }
0x70: {  	_ =	shalt  }
0x71: {  	_ =	shalt  }
0x72: {  	_ =	shalt  }
0x73: {  	_ =	shalt  }
0x74: {  	_ =	shalt  }
0x75: {  	_ =	shalt  }
0x76: {  	_ =	shalt  }
0x77: {  	_ =	shalt  }
0x78: {  	_ =	shalt  }
0x79: {  	_ =	shalt  }
0x7a: {  	_ =	shalt  }
0x7b: {  	_ =	shalt  }
0x7c: {  	_ =	shalt  }
0x7d: {  	_ =	shalt  }
0x7e: {  	_ =	shalt  }
0x7f: {  	_ =	shalt  }
0x80: {  	_ =	shalt  }
0x81: {  	_ =	shalt  }
0x82: {  	_ =	shalt  }
0x83: {  	_ =	shalt  }
0x84: {  	_ =	shalt  }
0x85: {  	_ =	shalt  }
0x86: {  	_ =	shalt  }
0x87: {  	_ =	shalt  }
.Lfunc_end0:
.L_simem_size_0:
called_computation.2_lowered:
.L_overlay_start_0:
0x88: {  	s2 =	sld [smem:$0x3FD9]  }
0x89: {  	s3 =	sld [smem:$0x3FFE];
	_ =	sdelay $0x1  }
0x8a: {  	s1 =	srdreg.scid  }
0x8b: {  	s0 =	sand.u32 $0x1, s1  }
0x8c: {  	s17 =	sshll.u32 s0, $0xA;
	s2 =	sadd.s32 s3, s2  }
0x8d: {  	s2 =	sadd.s32 s2, s17  }
0x8e: {  	[smem:$0x3FC0] =	sst s2  }
0x8f: {  	_ = 	snop  }
0x90: {  	s2 =	sld [smem:$0x3FD0];
	(tm) =	ssettm $0x1  }
0x91: {  	s18 =	sld [smem:$0x3FFB];
	_ =	sdelay $0x3  }
0x92: {  	_ =	strace s18  }
0x93: {  	s3 =	sld [smem:$0x3FFC];
	_ =	sdelay $0x3  }
0x94: {  	_ =	strace s3  }
0x95: {  	s3 =	sld [smem:$0x3FFD];
	_ =	sdelay $0x3  }
0x96: {  	_ =	strace s3  }
0x97: {  	_ =	strace $0x8FFFFFFF  }
0x98: {  	s19 =	sld [smem:$0x3FDB];
	_ =	sdelay $0x1  }
0x99: {  	s4 =	simm.s32 $_scs_section_size  }
0x9a: {  	s5 =	simm.s32 $_size__tile_overlayer_lowered;
	s6 =	simm.s32 $_tile_overlayer_lowered  }
0x9b: {  	s22 =	simm.s32 $0x1BFF;
	s21 =	sshll.u32 s6, $0x1;
	s3 =	sadd.s32 s4, s19  }
0x9c: {  	s7 =	simm.s32 $0x0;
	s20 =	sshll.u32 s5, $0x1;
	s5 =	sadd.s32 s21, s3  }
0x9d: {  	[timem:s7], [sflag:s22] =	dma.local [hbm:s5], s20  }
0x9e: {  	_ =	swait.ge [sflag:s22], s20  }
0x9f: {  	s4 =	ssub.s32 $0x0, s20;
	[sflag:s22] =	ssyncset.done $0x0  }
0xa0: {  	[sflag:s22] =	ssyncadd.s32 s4;
	_ =	sdelay $0x1  }
0xa1: {  	s23 =	simm.s32 $0x1B8B  }
0xa2: {  	_ =	swait.ge [sflag:s23], $0x1  }
0xa3: {  	[sflag:s23] =	ssyncset.done $0x0  }
0xa4: {  	s25 =	simm.s32 $0x1B8E;
	s24 =	sld [smem:$0x3FFE];
	[sflag:s23] =	ssyncadd.s32 $0xFFFFFFFF  }
0xa5: {  	s26 =	simm.s32 $execute0_lowered;
	[smem:$0x3FD2] =	sst s25  }
0xa6: {  	s5 =	sshll.u32 s26, $0x1;
	_ =	strace $0x8000004C;
	[dreg:$0x1] =	wrdreg $0xFFFFFFFF  }
0xa7: {  	s28 =	simm.s32 $_size_execute0_lowered;
	s3 =	sadd.s32 s3, s5;
	[dreg:$0x0] =	wrdreg $0x0  }
0xa8: {  	s5 =	sshll.u32 s28, $0x1;
	[dreg:$0x2] =	wrdreg s3  }
0xa9: {  	[dreg:$0x3] =	wrdreg s5  }
0xaa: {  	[dreg:$0x4] =	wrdreg $0xC0  }
0xab: {  	_ =	task [dreg:s7], $0x5FFFF  }
0xac: {  	[dreg:$0x1] =	wrdreg $0xFFFFFFFF  }
0xad: {  	[dreg:$0x0] =	wrdreg $0x60  }
0xae: {  	[dreg:$0x2] =	wrdreg s2  }
0xaf: {  	[dreg:$0x3] =	wrdreg s24  }
0xb0: {  	[dreg:$0x4] =	wrdreg $0x4E200  }
0xb1: {  	[dreg:$0x5] =	wrdreg $0x9  }
0xb2: {  	_ =	task.clear_ibuf [dreg:s7], $0x6FFFF;
	_ =	strace $0x9000004C  }
0xb3: {  	s29 =	simm.s32 $0x9;
	_ =	strace $0x8000004E  }
0xb4: {  	_ =	swait.ge [sflag:s29], $0x1  }
0xb5: {  	[sflag:s29] =	ssyncadd.s32 $0xFFFFFFFF  }
0xb6: {  	_ =	strace $0x9000004E  }
0xb7: {  	_ =	sfence  }
0xb8: {  	s30 =	sld [smem:$0x0];
	_ =	sdelay $0x2  }
0xb9: {  	s31 =	sshll.u32 s1, $0xD;
	s1 =	sshrl.u32 s1, $0x2  }
0xba: {  	s3 =	sand.u32 $0x4000, s31;
	s1 =	sadd.s32 s1, s30  }
0xbb: {  	s0 =	sor.u32 s3, s0;
	s1 =	sshll.u32 s1, $0x11  }
0xbc: {  	s0 =	sor.u32 s1, s0  }
0xbd: {  	s0 =	sadd.s32 $0x8F2B, s0  }
0xbe: {  	[sflag:s0] =	ssyncadd.remote.s32 $0x1  }
0xbf: {  	_ =	sfence.sel $0xFFFF  }
0xc0: {  	[dreg:$0x0] =	wrdreg $0xFFFFFFFF;
	(pc) =	sbr.abs _section_cstart, $3  }
0xc1: {  	[dreg:$0x1] =	wrdreg $0xFFFFFFFF  }
0xc2: {  	_ =	task.clear_ibuf [dreg:s7], $0x2FFFF;
	_ =	strace $0x9FFFFFFF  }
0xc3: {  	(tm) =	ssettm $0x7FFFFFFF  }
tec
execute0_lowered:
.L_overlay_start_1:
0x0: {  	(tag) =	ssettag $0x1  }
0x1: {  	s0 =	rddreg [dreg:$0x0]  }
0x2: {  	s1 =	srdreg.scid;
	s2 =	rddreg [dreg:$0x1]  }
0x3: {  	s3 =	rddreg [dreg:$0x2];
	s10 =	stileid.u32  }
0x4: {  	s4 =	simm.s32 $0x0;
	s1 =	sand.u32 $0x1, s1;
	s9 =	smul.u32 $0x4E000, s10  }
0x5: {  	s5 =	sshll.u32 s1, $0x4;
	s7 =	smul.u32 $0x27100, s1;
	s1 =	ssub.s32 $0x2, s1  }
0x6: {  	s28 =	simm.s32 $0x5;
	s8 =	sshrl.u32 s1, $0x1;
	s18 =	sshrl.u32 s9, $0x2  }
0x7: {  	s29 =	simm.s32 $0x6;
	s1 =	ssub.s32 s1, s8;
	s8 =	sadd.s32 s18, s3  }
0x8: {  	s30 =	simm.s32 $0x7;
	[smem:$0x7FF] =	sst s4;
	s20 =	sadd.s32 $0xC00, s8  }
0x9: {  	_ =	strace $0x8000004D;
	s21 =	sadd.s32 $0x1800, s8;
	[dreg:$0x8] =	wrdreg s20  }
0xa: {  	s31 =	simm.s32 $0x8;
	s22 =	sadd.s32 $0x2400, s8;
	[dreg:$0x9] =	wrdreg s21  }
0xb: {  	s17 =	smul.u32 $0x13800, s10;
	s23 =	sadd.s32 $0x3000, s8;
	[dreg:$0xa] =	wrdreg s22  }
0xc: {  	s5 =	sor.u32 s10, s5;
	s24 =	sadd.s32 $0x3C00, s8;
	[dreg:$0xb] =	wrdreg s23  }
0xd: {  	s9 =	sadd.s32 s17, s3;
	s25 =	sadd.s32 $0x4800, s8;
	[dreg:$0xc] =	wrdreg s24  }
0xe: {  	s13 =	sshrl.u32 s17, $0x3;
	s26 =	sadd.s32 $0x5400, s8;
	[dreg:$0xd] =	wrdreg s25  }
0xf: {  	s6 =	smul.u32 $0x4E0, s5;
	s10 =	sadd.s32 $0x6C00, s8;
	[dreg:$0xe] =	wrdreg s26  }
0x10: {  	s5 =	sshll.u32 s5, $0x1;
	s11 =	sadd.s32 $0x7800, s8;
	[dreg:$0x10] =	wrdreg s10  }
0x11: {  	s5 =	sadd.s32 s5, s2;
	s12 =	sadd.s32 $0x8400, s8;
	[dreg:$0x11] =	wrdreg s11  }
0x12: {  	s14 =	sadd.s32 $0x9000, s8;
	s15 =	sadd.s32 $0x9C00, s8;
	[dreg:$0x12] =	wrdreg s12  }
0x13: {  	s17 =	sadd.s32 $0xB400, s8;
	s18 =	sadd.s32 $0xC000, s8;
	[dreg:$0x13] =	wrdreg s14  }
0x14: {  	s6 =	sadd.s32 s6, s2;
	s2 =	sadd.s32 s7, s2;
	[dreg:$0x15] =	wrdreg s15  }
0x15: {  	s19 =	sadd.s32 $0x21C00, s5;
	s5 =	sadd.s32 $0xE000, s5;
	[dreg:$0x17] =	wrdreg s17  }
0x16: {  	[dreg:$0x18] =	wrdreg s18;
	s20 =	sadd.s32 $0xD800, s8;
	s21 =	sadd.s32 $0xE400, s8  }
0x17: {  	s22 =	sadd.s32 $0xF000, s8;
	s23 =	sadd.s32 $0xFC00, s8;
	[dreg:$0x6] =	wrdreg s19  }
0x18: {  	s24 =	sadd.s32 $0x10800, s8;
	s25 =	sadd.s32 $0x11400, s8;
	[dreg:$0x7] =	wrdreg s5  }
0x19: {  	s26 =	sadd.s32 $0x12000, s8;
	s7 =	sadd.s32 $0x12C00, s8;
	[dreg:$0x1a] =	wrdreg s20  }
0x1a: {  	s10 =	smax.u32 s1, $0x1;
	s11 =	simm.s32 $0x9;
	[dreg:$0x1b] =	wrdreg s21  }
0x1b: {  	s14 =	simm.s32 $0x18;
	s15 =	simm.s32 $0x186A0;
	[dreg:$0x1c] =	wrdreg s22  }
0x1c: {  	s17 =	simm.s32 $0x19EA0;
	s18 =	simm.s32 $0x1AAA0;
	[dreg:$0x1d] =	wrdreg s23  }
0x1d: {  	s1 =	simm.s32 $0x10;
	s12 =	simm.s32 $0x0;
	[dreg:$0x1e] =	wrdreg s24  }
0x1e: {  	s16 =	sadd.s32 $0x17E00, s6;
	s6 =	sadd.s32 $0x21E00, s6;
	[dreg:$0x1f] =	wrdreg s25  }
0x1f: {  	s2 =	sadd.s32 $0x2BA00, s2;
	s19 =	sadd.s32 $0xCC00, s8;
	[smem:$0x7FD] =	sst s26  }
0x20: {  	s20 =	simm.s32 $0x1C2A0;
	s21 =	simm.s32 $0x1CEA0;
	s22 =	simm.s32 $0x1DAA0  }
0x21: {  	s23 =	simm.s32 $0x1;
	s24 =	simm.s32 $0x2;
	[dreg:$0x4] =	wrdreg s16  }
0x22: {  	s25 =	simm.s32 $0x3;
	s26 =	simm.s32 $0x4;
	[dreg:$0x5] =	wrdreg s6  }
0x23: {  	s6 =	sadd.s32 $0x6000, s8;
	s2 =	sadd.s32 s13, s2;
	[dreg:$0x19] =	wrdreg s19  }
0x24: {  	s16 =	sadd.s32 $0xA800, s8;
	s8 =	sadd.s32 $0x13800, s8;
	[dreg:$0xf] =	wrdreg s6  }
0x25: {  	s13 =	simm.s32 $0x4E00;
	s19 =	simm.s32 $0x1B6A0;
	[dreg:$0x14] =	wrdreg s2  }
0x26: {  	v0 =	vimm.f32 $0.0e+00;
	[dreg:$0x16] =	wrdreg s16;
	s6 =	simm.s32 $0x4E10;
	s16 =	simm.s32 $0x192A0  }
.LBB2_1:
0x27: {  	s2 =	rddreg [dreg:$0x4]  }
0x28: {  	[tilespmem:s4], [sflag:$0x9] =	stream.linear.gather [hbm4b:s2+s4], $0x2700, $0x38;
	[tilespmem:$0x1E6A0] =	vst v63  }
0x29: {  	_ =	swait.ge [sflag:s11], $0x2700  }
0x2a: {  	[sflag:s11] =	ssyncset.done $0x0  }
0x2b: {  	s5 =	simm.s32 $0x2700;
	s2 =	rddreg [dreg:$0x5];
	[sflag:s11] =	ssyncadd.s32 $0xFFFFD900  }
0x2c: {  	[tilespmem:s5], [sflag:$0x9] =	stream.linear.gather [hbm4b:s2+s4], $0x2700, $0x38;
	[tilespmem:$0x1E6A0] =	vst v63  }
0x2d: {  	_ =	swait.ge [sflag:s11], $0x2700  }
0x2e: {  	[sflag:s11] =	ssyncset.done $0x0  }
0x2f: {  	s5 =	rddreg [dreg:$0x6];
	[sflag:s11] =	ssyncadd.s32 $0xFFFFD900  }
0x30: {  	[tilespmem:s13], [sflag:$0x9] =	stream.linear.gather [hbm4b:s5+s4], $0x10, $0x38;
	[tilespmem:$0x1E6A0] =	vst v63  }
0x31: {  	_ =	swait.ge [sflag:s11], $0x10  }
0x32: {  	[sflag:s11] =	ssyncset.done $0x0  }
0x33: {  	s5 =	rddreg [dreg:$0x7];
	[sflag:s11] =	ssyncadd.s32 $0xFFFFFFF0  }
0x34: {  	[tilespmem:s6], [sflag:$0x9] =	stream.linear.gather [hbm4b:s5+s4], $0x10, $0x38;
	[tilespmem:$0x1E6A0] =	vst v63  }
0x35: {  	_ =	swait.ge [sflag:s11], $0x10  }
0x36: {  	[sflag:s11] =	ssyncset.done $0x0  }
0x37: {  	[sflag:s11] =	ssyncadd.s32 $0xFFFFFFF0  }
0x38: {  	[tilespmem:s15], [sflag:$0x1] =	stream.indirect.gather [hbm4b:s0+s14], $0x80, s4, s14, $0xb8;
	[tilespmem:$0x1E6A0] =	vst v63  }
0x39: {  	_ = 	snop  }
0x3a: {  	[tilespmem:s16], [sflag:$0x2] =	stream.indirect.gather [hbm4b:s0+s14], $0x80, s14, s14, $0xb8;
	[tilespmem:$0x1E6A0] =	vst v63  }
0x3b: {  	s6 =	simm.s32 $0x30  }
0x3c: {  	[tilespmem:s17], [sflag:$0x3] =	stream.indirect.gather [hbm4b:s0+s14], $0x80, s6, s14, $0xb8;
	[tilespmem:$0x1E6A0] =	vst v63  }
0x3d: {  	s13 =	simm.s32 $0x48  }
0x3e: {  	[tilespmem:s18], [sflag:$0x4] =	stream.indirect.gather [hbm4b:s0+s14], $0x80, s13, s14, $0xb8;
	[tilespmem:$0x1E6A0] =	vst v63  }
0x3f: {  	s5 =	simm.s32 $0x60  }
0x40: {  	[tilespmem:s19], [sflag:$0x5] =	stream.indirect.gather [hbm4b:s0+s14], $0x80, s5, s14, $0xb8;
	[tilespmem:$0x1E6A0] =	vst v63  }
0x41: {  	s6 =	simm.s32 $0x78  }
0x42: {  	[tilespmem:s20], [sflag:$0x6] =	stream.indirect.gather [hbm4b:s0+s14], $0x80, s6, s14, $0xb8;
	[tilespmem:$0x1E6A0] =	vst v63  }
0x43: {  	s13 =	simm.s32 $0x90  }
0x44: {  	[tilespmem:s21], [sflag:$0x7] =	stream.indirect.gather [hbm4b:s0+s14], $0x80, s13, s14, $0xb8;
	[tilespmem:$0x1E6A0] =	vst v63  }
0x45: {  	s2 =	simm.s32 $0x0;
	s13 =	simm.s32 $0x200  }
.LBB2_2:
0x46: {  	p0 =	sne.s32 s13, $0x2E00;
	[tilespmem:s2+$0x1DB10] =	vst v0  }
0x47: {  	[tilespmem:s2+$0x1DAA0] =	vst v0  }
0x48: {  	[tilespmem:s2+$0x1DAB0] =	vst v0  }
.Ltmp0:
0x49: {  	[tilespmem:s2+$0x1DAC0] =	vst v0;
	(pc) =	sbr.rel @p0 .LBB2_2-.Ltmp0, $4  }
0x4a: {  	[tilespmem:s2+$0x1DAD0] =	vst v0  }
0x4b: {  	[tilespmem:s2+$0x1DAE0] =	vst v0  }
0x4c: {  	[tilespmem:s2+$0x1DAF0] =	vst v0  }
0x4d: {  	[tilespmem:s2+$0x1DB00] =	vst v0;
	s2 =	sshra.s32 s13, $0x2;
	s13 =	sadd.s32 $0x200, s13  }
0x4e: {  	[tilespmem:s2+$0x1DB10] =	vst v0  }
0x4f: {  	[tilespmem:s2+$0x1DAA0] =	vst v0  }
0x50: {  	[tilespmem:s2+$0x1DAB0] =	vst v0  }
0x51: {  	[tilespmem:s2+$0x1DAC0] =	vst v0  }
0x52: {  	[tilespmem:s2+$0x1DAD0] =	vst v0  }
0x53: {  	[tilespmem:s2+$0x1DAE0] =	vst v0  }
0x54: {  	[tilespmem:s2+$0x1DAF0] =	vst v0  }
0x55: {  	[tilespmem:s2+$0x1DB00] =	vst v0  }
0x56: {  	[spmem:s9] =	stream.linear.scatter [tilespmem:s22], [sflag:$0x9], $0xC00, $0x38;
	[tilespmem:$0x1E6A0] =	vst v63  }
0x57: {  	_ =	swait.ge [sflag:s11], $0xC00  }
0x58: {  	[sflag:s11] =	ssyncset.done $0x0  }
0x59: {  	s13 =	rddreg [dreg:$0x8];
	[sflag:s11] =	ssyncadd.s32 $0xFFFFF400  }
0x5a: {  	[spmem:s13] =	stream.linear.scatter [tilespmem:s22], [sflag:$0x9], $0xC00, $0x38;
	[tilespmem:$0x1E6A0] =	vst v63  }
0x5b: {  	_ =	swait.ge [sflag:s11], $0xC00  }
0x5c: {  	[sflag:s11] =	ssyncset.done $0x0  }
0x5d: {  	s5 =	rddreg [dreg:$0x9];
	[sflag:s11] =	ssyncadd.s32 $0xFFFFF400  }
0x5e: {  	[spmem:s5] =	stream.linear.scatter [tilespmem:s22], [sflag:$0x9], $0xC00, $0x38;
	[tilespmem:$0x1E6A0] =	vst v63  }
0x5f: {  	_ =	swait.ge [sflag:s11], $0xC00  }
0x60: {  	[sflag:s11] =	ssyncset.done $0x0  }
0x61: {  	s6 =	rddreg [dreg:$0xa];
	[sflag:s11] =	ssyncadd.s32 $0xFFFFF400  }
0x62: {  	[spmem:s6] =	stream.linear.scatter [tilespmem:s22], [sflag:$0x9], $0xC00, $0x38;
	[tilespmem:$0x1E6A0] =	vst v63  }
0x63: {  	_ =	swait.ge [sflag:s11], $0xC00  }
0x64: {  	[sflag:s11] =	ssyncset.done $0x0  }
0x65: {  	s13 =	rddreg [dreg:$0xb];
	[sflag:s11] =	ssyncadd.s32 $0xFFFFF400  }
0x66: {  	[spmem:s13] =	stream.linear.scatter [tilespmem:s22], [sflag:$0x9], $0xC00, $0x38;
	[tilespmem:$0x1E6A0] =	vst v63  }
0x67: {  	_ =	swait.ge [sflag:s11], $0xC00  }
0x68: {  	[sflag:s11] =	ssyncset.done $0x0  }
0x69: {  	s5 =	rddreg [dreg:$0xc];
	[sflag:s11] =	ssyncadd.s32 $0xFFFFF400  }
0x6a: {  	[spmem:s5] =	stream.linear.scatter [tilespmem:s22], [sflag:$0x9], $0xC00, $0x38;
	[tilespmem:$0x1E6A0] =	vst v63  }
0x6b: {  	_ =	swait.ge [sflag:s11], $0xC00  }
0x6c: {  	[sflag:s11] =	ssyncset.done $0x0  }
0x6d: {  	s6 =	rddreg [dreg:$0xd];
	[sflag:s11] =	ssyncadd.s32 $0xFFFFF400  }
0x6e: {  	[spmem:s6] =	stream.linear.scatter [tilespmem:s22], [sflag:$0x9], $0xC00, $0x38;
	[tilespmem:$0x1E6A0] =	vst v63  }
0x6f: {  	_ =	swait.ge [sflag:s11], $0xC00  }
0x70: {  	[sflag:s11] =	ssyncset.done $0x0  }
0x71: {  	s13 =	rddreg [dreg:$0xe];
	[sflag:s11] =	ssyncadd.s32 $0xFFFFF400  }
0x72: {  	[spmem:s13] =	stream.linear.scatter [tilespmem:s22], [sflag:$0x9], $0xC00, $0x38;
	[tilespmem:$0x1E6A0] =	vst v63  }
0x73: {  	_ =	swait.ge [sflag:s11], $0xC00  }
0x74: {  	[sflag:s11] =	ssyncset.done $0x0  }
0x75: {  	s5 =	rddreg [dreg:$0xf];
	[sflag:s11] =	ssyncadd.s32 $0xFFFFF400  }
0x76: {  	[spmem:s5] =	stream.linear.scatter [tilespmem:s22], [sflag:$0x9], $0xC00, $0x38;
	[tilespmem:$0x1E6A0] =	vst v63  }
0x77: {  	_ =	swait.ge [sflag:s11], $0xC00  }
0x78: {  	[sflag:s11] =	ssyncset.done $0x0  }
0x79: {  	s6 =	rddreg [dreg:$0x10];
	[sflag:s11] =	ssyncadd.s32 $0xFFFFF400  }
0x7a: {  	[spmem:s6] =	stream.linear.scatter [tilespmem:s22], [sflag:$0x9], $0xC00, $0x38;
	[tilespmem:$0x1E6A0] =	vst v63  }
0x7b: {  	_ =	swait.ge [sflag:s11], $0xC00  }
0x7c: {  	[sflag:s11] =	ssyncset.done $0x0  }
0x7d: {  	s13 =	rddreg [dreg:$0x11];
	[sflag:s11] =	ssyncadd.s32 $0xFFFFF400  }
0x7e: {  	[spmem:s13] =	stream.linear.scatter [tilespmem:s22], [sflag:$0x9], $0xC00, $0x38;
	[tilespmem:$0x1E6A0] =	vst v63  }
0x7f: {  	_ =	swait.ge [sflag:s11], $0xC00  }
0x80: {  	[sflag:s11] =	ssyncset.done $0x0  }
0x81: {  	s5 =	rddreg [dreg:$0x12];
	[sflag:s11] =	ssyncadd.s32 $0xFFFFF400  }
0x82: {  	[spmem:s5] =	stream.linear.scatter [tilespmem:s22], [sflag:$0x9], $0xC00, $0x38;
	[tilespmem:$0x1E6A0] =	vst v63  }
0x83: {  	_ =	swait.ge [sflag:s11], $0xC00  }
0x84: {  	[sflag:s11] =	ssyncset.done $0x0  }
0x85: {  	s6 =	rddreg [dreg:$0x13];
	[sflag:s11] =	ssyncadd.s32 $0xFFFFF400  }
0x86: {  	[spmem:s6] =	stream.linear.scatter [tilespmem:s22], [sflag:$0x9], $0xC00, $0x38;
	[tilespmem:$0x1E6A0] =	vst v63  }
0x87: {  	_ =	swait.ge [sflag:s11], $0xC00  }
0x88: {  	[sflag:s11] =	ssyncset.done $0x0  }
0x89: {  	s13 =	rddreg [dreg:$0x15];
	[sflag:s11] =	ssyncadd.s32 $0xFFFFF400  }
0x8a: {  	[spmem:s13] =	stream.linear.scatter [tilespmem:s22], [sflag:$0x9], $0xC00, $0x38;
	[tilespmem:$0x1E6A0] =	vst v63  }
0x8b: {  	_ =	swait.ge [sflag:s11], $0xC00  }
0x8c: {  	[sflag:s11] =	ssyncset.done $0x0  }
0x8d: {  	s5 =	rddreg [dreg:$0x16];
	[sflag:s11] =	ssyncadd.s32 $0xFFFFF400  }
0x8e: {  	[spmem:s5] =	stream.linear.scatter [tilespmem:s22], [sflag:$0x9], $0xC00, $0x38;
	[tilespmem:$0x1E6A0] =	vst v63  }
0x8f: {  	_ =	swait.ge [sflag:s11], $0xC00  }
0x90: {  	[sflag:s11] =	ssyncset.done $0x0  }
0x91: {  	s6 =	rddreg [dreg:$0x17];
	[sflag:s11] =	ssyncadd.s32 $0xFFFFF400  }
0x92: {  	[spmem:s6] =	stream.linear.scatter [tilespmem:s22], [sflag:$0x9], $0xC00, $0x38;
	[tilespmem:$0x1E6A0] =	vst v63  }
0x93: {  	_ =	swait.ge [sflag:s11], $0xC00  }
0x94: {  	[sflag:s11] =	ssyncset.done $0x0  }
0x95: {  	s13 =	rddreg [dreg:$0x18];
	[sflag:s11] =	ssyncadd.s32 $0xFFFFF400  }
0x96: {  	[spmem:s13] =	stream.linear.scatter [tilespmem:s22], [sflag:$0x9], $0xC00, $0x38;
	[tilespmem:$0x1E6A0] =	vst v63  }
0x97: {  	_ =	swait.ge [sflag:s11], $0xC00  }
0x98: {  	[sflag:s11] =	ssyncset.done $0x0  }
0x99: {  	s5 =	rddreg [dreg:$0x19];
	[sflag:s11] =	ssyncadd.s32 $0xFFFFF400  }
0x9a: {  	[spmem:s5] =	stream.linear.scatter [tilespmem:s22], [sflag:$0x9], $0xC00, $0x38;
	[tilespmem:$0x1E6A0] =	vst v63  }
0x9b: {  	_ =	swait.ge [sflag:s11], $0xC00  }
0x9c: {  	[sflag:s11] =	ssyncset.done $0x0  }
0x9d: {  	s6 =	rddreg [dreg:$0x1a];
	[sflag:s11] =	ssyncadd.s32 $0xFFFFF400  }
0x9e: {  	[spmem:s6] =	stream.linear.scatter [tilespmem:s22], [sflag:$0x9], $0xC00, $0x38;
	[tilespmem:$0x1E6A0] =	vst v63  }
0x9f: {  	_ =	swait.ge [sflag:s11], $0xC00  }
0xa0: {  	[sflag:s11] =	ssyncset.done $0x0  }
0xa1: {  	s13 =	rddreg [dreg:$0x1b];
	[sflag:s11] =	ssyncadd.s32 $0xFFFFF400  }
0xa2: {  	[spmem:s13] =	stream.linear.scatter [tilespmem:s22], [sflag:$0x9], $0xC00, $0x38;
	[tilespmem:$0x1E6A0] =	vst v63  }
0xa3: {  	_ =	swait.ge [sflag:s11], $0xC00  }
0xa4: {  	[sflag:s11] =	ssyncset.done $0x0  }
0xa5: {  	s5 =	rddreg [dreg:$0x1c];
	[sflag:s11] =	ssyncadd.s32 $0xFFFFF400  }
0xa6: {  	[spmem:s5] =	stream.linear.scatter [tilespmem:s22], [sflag:$0x9], $0xC00, $0x38;
	[tilespmem:$0x1E6A0] =	vst v63  }
0xa7: {  	_ =	swait.ge [sflag:s11], $0xC00  }
0xa8: {  	[sflag:s11] =	ssyncset.done $0x0  }
0xa9: {  	s6 =	rddreg [dreg:$0x1d];
	[sflag:s11] =	ssyncadd.s32 $0xFFFFF400  }
0xaa: {  	[spmem:s6] =	stream.linear.scatter [tilespmem:s22], [sflag:$0x9], $0xC00, $0x38;
	[tilespmem:$0x1E6A0] =	vst v63  }
0xab: {  	_ =	swait.ge [sflag:s11], $0xC00  }
0xac: {  	[sflag:s11] =	ssyncset.done $0x0  }
0xad: {  	s13 =	rddreg [dreg:$0x1e];
	[sflag:s11] =	ssyncadd.s32 $0xFFFFF400  }
0xae: {  	[spmem:s13] =	stream.linear.scatter [tilespmem:s22], [sflag:$0x9], $0xC00, $0x38;
	[tilespmem:$0x1E6A0] =	vst v63  }
0xaf: {  	_ =	swait.ge [sflag:s11], $0xC00  }
0xb0: {  	[sflag:s11] =	ssyncset.done $0x0  }
0xb1: {  	s5 =	rddreg [dreg:$0x1f];
	[sflag:s11] =	ssyncadd.s32 $0xFFFFF400  }
0xb2: {  	[spmem:s5] =	stream.linear.scatter [tilespmem:s22], [sflag:$0x9], $0xC00, $0x38;
	[tilespmem:$0x1E6A0] =	vst v63  }
0xb3: {  	_ =	swait.ge [sflag:s11], $0xC00  }
0xb4: {  	s6 =	sld [smem:$0x7FD]  }
0xb5: {  	[sflag:s11] =	ssyncset.done $0x0  }
0xb6: {  	[sflag:s11] =	ssyncadd.s32 $0xFFFFF400  }
0xb7: {  	[spmem:s6] =	stream.linear.scatter [tilespmem:s22], [sflag:$0x9], $0xC00, $0x38;
	[tilespmem:$0x1E6A0] =	vst v63  }
0xb8: {  	_ =	swait.ge [sflag:s11], $0xC00  }
0xb9: {  	[sflag:s11] =	ssyncset.done $0x0  }
0xba: {  	[sflag:s11] =	ssyncadd.s32 $0xFFFFF400  }
0xbb: {  	[spmem:s7] =	stream.linear.scatter [tilespmem:s22], [sflag:$0x9], $0xC00, $0x38;
	[tilespmem:$0x1E6A0] =	vst v63  }
0xbc: {  	_ =	swait.ge [sflag:s11], $0xC00  }
0xbd: {  	[sflag:s11] =	ssyncset.done $0x0  }
0xbe: {  	[sflag:s11] =	ssyncadd.s32 $0xFFFFF400  }
0xbf: {  	[spmem:s8] =	stream.linear.scatter [tilespmem:s22], [sflag:$0x9], $0x800, $0x38;
	[tilespmem:$0x1E6A0] =	vst v63  }
0xc0: {  	_ =	swait.ge [sflag:s11], $0x800  }
0xc1: {  	[sflag:s11] =	ssyncset.done $0x0  }
0xc2: {  	s13 =	simm.s32 $0xA8;
	[sflag:s11] =	ssyncadd.s32 $0xFFFFF800  }
0xc3: {  	[tilespmem:s22], [sflag:$0x8] =	stream.indirect.gather [hbm4b:s0+s14], $0x80, s13, s14, $0xb8;
	[tilespmem:$0x1E6A0] =	vst v63  }
0xc4: {  	[bflag:$0x0] =	sbarrier.arrive $0xFFFF  }
0xc5: {  	_ =	swait.ge [sflag:s23], $0xC00  }
0xc6: {  	[sflag:s23] =	ssyncset.done $0x0  }
0xc7: {  	s5 =	simm.s32 $0x2700;
	[sflag:s23] =	ssyncadd.s32 $0xFFFFF400  }
0xc8: {  	[spmem:s3] =	stream.indirect.scatter.add.f32 [tilespmem:s15], [sflag:$0x9], $0x80, s5, s14, $0xb8;
	[tilespmem:$0x1E6A0] =	vst v63  }
0xc9: {  	_ =	swait.ge [sflag:s11], $0xC00  }
0xca: {  	[sflag:s11] =	ssyncset.done $0x0  }
0xcb: {  	s6 =	simm.s32 $0xC0;
	[sflag:s11] =	ssyncadd.s32 $0xFFFFF400  }
0xcc: {  	[tilespmem:s15], [sflag:$0x1] =	stream.indirect.gather [hbm4b:s0+s14], $0x80, s6, s14, $0xb8;
	[tilespmem:$0x1E6A0] =	vst v63  }
0xcd: {  	_ =	swait.ge [sflag:s24], $0xC00  }
0xce: {  	[sflag:s24] =	ssyncset.done $0x0  }
0xcf: {  	s13 =	simm.s32 $0x2718;
	[sflag:s24] =	ssyncadd.s32 $0xFFFFF400  }
0xd0: {  	[spmem:s3] =	stream.indirect.scatter.add.f32 [tilespmem:s16], [sflag:$0x9], $0x80, s13, s14, $0xb8;
	[tilespmem:$0x1E6A0] =	vst v63  }
0xd1: {  	_ =	swait.ge [sflag:s11], $0xC00  }
0xd2: {  	[sflag:s11] =	ssyncset.done $0x0  }
0xd3: {  	s5 =	simm.s32 $0xD8;
	[sflag:s11] =	ssyncadd.s32 $0xFFFFF400  }
0xd4: {  	[tilespmem:s16], [sflag:$0x2] =	stream.indirect.gather [hbm4b:s0+s14], $0x80, s5, s14, $0xb8;
	[tilespmem:$0x1E6A0] =	vst v63  }
0xd5: {  	_ =	swait.ge [sflag:s25], $0xC00  }
0xd6: {  	[sflag:s25] =	ssyncset.done $0x0  }
0xd7: {  	s6 =	simm.s32 $0x2730;
	[sflag:s25] =	ssyncadd.s32 $0xFFFFF400  }
0xd8: {  	[spmem:s3] =	stream.indirect.scatter.add.f32 [tilespmem:s17], [sflag:$0x9], $0x80, s6, s14, $0xb8;
	[tilespmem:$0x1E6A0] =	vst v63  }
0xd9: {  	_ =	swait.ge [sflag:s11], $0xC00  }
0xda: {  	[sflag:s11] =	ssyncset.done $0x0  }
0xdb: {  	s13 =	simm.s32 $0xF0;
	[sflag:s11] =	ssyncadd.s32 $0xFFFFF400  }
0xdc: {  	[tilespmem:s17], [sflag:$0x3] =	stream.indirect.gather [hbm4b:s0+s14], $0x80, s13, s14, $0xb8;
	[tilespmem:$0x1E6A0] =	vst v63  }
0xdd: {  	_ =	swait.ge [sflag:s26], $0xC00  }
0xde: {  	[sflag:s26] =	ssyncset.done $0x0  }
0xdf: {  	s5 =	simm.s32 $0x2748;
	[sflag:s26] =	ssyncadd.s32 $0xFFFFF400  }
0xe0: {  	[spmem:s3] =	stream.indirect.scatter.add.f32 [tilespmem:s18], [sflag:$0x9], $0x80, s5, s14, $0xb8;
	[tilespmem:$0x1E6A0] =	vst v63  }
0xe1: {  	_ =	swait.ge [sflag:s11], $0xC00  }
0xe2: {  	[sflag:s11] =	ssyncset.done $0x0  }
0xe3: {  	s6 =	simm.s32 $0x108;
	[sflag:s11] =	ssyncadd.s32 $0xFFFFF400  }
0xe4: {  	[tilespmem:s18], [sflag:$0x4] =	stream.indirect.gather [hbm4b:s0+s14], $0x80, s6, s14, $0xb8;
	[tilespmem:$0x1E6A0] =	vst v63  }
0xe5: {  	_ =	swait.ge [sflag:s28], $0xC00  }
0xe6: {  	[sflag:s28] =	ssyncset.done $0x0  }
0xe7: {  	s13 =	simm.s32 $0x2760;
	[sflag:s28] =	ssyncadd.s32 $0xFFFFF400  }
0xe8: {  	[spmem:s3] =	stream.indirect.scatter.add.f32 [tilespmem:s19], [sflag:$0x9], $0x80, s13, s14, $0xb8;
	[tilespmem:$0x1E6A0] =	vst v63  }
0xe9: {  	_ =	swait.ge [sflag:s11], $0xC00  }
0xea: {  	[sflag:s11] =	ssyncset.done $0x0  }
0xeb: {  	s5 =	simm.s32 $0x120;
	[sflag:s11] =	ssyncadd.s32 $0xFFFFF400  }
0xec: {  	[tilespmem:s19], [sflag:$0x5] =	stream.indirect.gather [hbm4b:s0+s14], $0x80, s5, s14, $0xb8;
	[tilespmem:$0x1E6A0] =	vst v63  }
0xed: {  	_ =	swait.ge [sflag:s29], $0xC00  }
0xee: {  	[sflag:s29] =	ssyncset.done $0x0  }
0xef: {  	s6 =	simm.s32 $0x2778;
	[sflag:s29] =	ssyncadd.s32 $0xFFFFF400  }
0xf0: {  	[spmem:s3] =	stream.indirect.scatter.add.f32 [tilespmem:s20], [sflag:$0x9], $0x80, s6, s14, $0xb8;
	[tilespmem:$0x1E6A0] =	vst v63  }
0xf1: {  	_ =	swait.ge [sflag:s11], $0xC00  }
0xf2: {  	[sflag:s11] =	ssyncset.done $0x0  }
0xf3: {  	s13 =	simm.s32 $0x138;
	[sflag:s11] =	ssyncadd.s32 $0xFFFFF400  }
0xf4: {  	[tilespmem:s20], [sflag:$0x6] =	stream.indirect.gather [hbm4b:s0+s14], $0x80, s13, s14, $0xb8;
	[tilespmem:$0x1E6A0] =	vst v63  }
0xf5: {  	_ =	swait.ge [sflag:s30], $0xC00  }
0xf6: {  	[sflag:s30] =	ssyncset.done $0x0  }
0xf7: {  	s5 =	simm.s32 $0x2790;
	[sflag:s30] =	ssyncadd.s32 $0xFFFFF400  }
0xf8: {  	[spmem:s3] =	stream.indirect.scatter.add.f32 [tilespmem:s21], [sflag:$0x9], $0x80, s5, s14, $0xb8;
	[tilespmem:$0x1E6A0] =	vst v63  }
0xf9: {  	_ =	swait.ge [sflag:s11], $0xC00  }
0xfa: {  	[sflag:s11] =	ssyncset.done $0x0  }
0xfb: {  	s6 =	simm.s32 $0x150;
	[sflag:s11] =	ssyncadd.s32 $0xFFFFF400  }
0xfc: {  	[tilespmem:s21], [sflag:$0x7] =	stream.indirect.gather [hbm4b:s0+s14], $0x80, s6, s14, $0xb8;
	[tilespmem:$0x1E6A0] =	vst v63  }
0xfd: {  	_ =	swait.ge [sflag:s31], $0xC00  }
0xfe: {  	[sflag:s31] =	ssyncset.done $0x0  }
0xff: {  	s13 =	simm.s32 $0x27A8;
	[sflag:s31] =	ssyncadd.s32 $0xFFFFF400  }
0x100: {  	[spmem:s3] =	stream.indirect.scatter.add.f32 [tilespmem:s22], [sflag:$0x9], $0x80, s13, s14, $0xb8;
	[tilespmem:$0x1E6A0] =	vst v63  }
0x101: {  	_ =	swait.ge [sflag:s11], $0xC00  }
0x102: {  	[sflag:s11] =	ssyncset.done $0x0  }
0x103: {  	s2 =	simm.s32 $0x300;
	s13 =	simm.s32 $0x168;
	[sflag:s11] =	ssyncadd.s32 $0xFFFFF400  }
.LBB2_4:
0x104: {  	[tilespmem:s22], [sflag:$0x8] =	stream.indirect.gather [hbm4b:s0+s14], $0x80, s13, s14, $0xb8;
	[tilespmem:$0x1E6A0] =	vst v63  }
0x105: {  	s13 =	smov.u32 s2  }
0x106: {  	p0 =	sne.s32 s2, $0x9600;
	s2 =	sadd.s32 $0x300, s2;
	_ =	swait.ge [sflag:s23], $0xC00  }
0x107: {  	s13 =	sshra.s32 s13, $0x2;
	[sflag:s23] =	ssyncset.done $0x0  }
0x108: {  	s5 =	sadd.s32 $0x2700, s13;
	[sflag:s23] =	ssyncadd.s32 $0xFFFFF400  }
0x109: {  	[spmem:s3] =	stream.indirect.scatter.add.f32 [tilespmem:s15], [sflag:$0x9], $0x80, s5, s14, $0xb8;
	[tilespmem:$0x1E6A0] =	vst v63  }
0x10a: {  	_ =	swait.ge [sflag:s11], $0xC00  }
0x10b: {  	[sflag:s11] =	ssyncset.done $0x0  }
0x10c: {  	s5 =	sadd.s32 $0xC0, s13;
	[sflag:s11] =	ssyncadd.s32 $0xFFFFF400  }
0x10d: {  	[tilespmem:s15], [sflag:$0x1] =	stream.indirect.gather [hbm4b:s0+s14], $0x80, s5, s14, $0xb8;
	[tilespmem:$0x1E6A0] =	vst v63  }
0x10e: {  	_ =	swait.ge [sflag:s24], $0xC00  }
0x10f: {  	[sflag:s24] =	ssyncset.done $0x0  }
0x110: {  	s5 =	sadd.s32 $0x2718, s13;
	[sflag:s24] =	ssyncadd.s32 $0xFFFFF400  }
0x111: {  	[spmem:s3] =	stream.indirect.scatter.add.f32 [tilespmem:s16], [sflag:$0x9], $0x80, s5, s14, $0xb8;
	[tilespmem:$0x1E6A0] =	vst v63  }
0x112: {  	_ =	swait.ge [sflag:s11], $0xC00  }
0x113: {  	[sflag:s11] =	ssyncset.done $0x0  }
0x114: {  	s5 =	sadd.s32 $0xD8, s13;
	[sflag:s11] =	ssyncadd.s32 $0xFFFFF400  }
0x115: {  	[tilespmem:s16], [sflag:$0x2] =	stream.indirect.gather [hbm4b:s0+s14], $0x80, s5, s14, $0xb8;
	[tilespmem:$0x1E6A0] =	vst v63  }
0x116: {  	_ =	swait.ge [sflag:s25], $0xC00  }
0x117: {  	[sflag:s25] =	ssyncset.done $0x0  }
0x118: {  	s5 =	sadd.s32 $0x2730, s13;
	[sflag:s25] =	ssyncadd.s32 $0xFFFFF400  }
0x119: {  	[spmem:s3] =	stream.indirect.scatter.add.f32 [tilespmem:s17], [sflag:$0x9], $0x80, s5, s14, $0xb8;
	[tilespmem:$0x1E6A0] =	vst v63  }
0x11a: {  	_ =	swait.ge [sflag:s11], $0xC00  }
0x11b: {  	[sflag:s11] =	ssyncset.done $0x0  }
0x11c: {  	s5 =	sadd.s32 $0xF0, s13;
	[sflag:s11] =	ssyncadd.s32 $0xFFFFF400  }
0x11d: {  	[tilespmem:s17], [sflag:$0x3] =	stream.indirect.gather [hbm4b:s0+s14], $0x80, s5, s14, $0xb8;
	[tilespmem:$0x1E6A0] =	vst v63  }
0x11e: {  	_ =	swait.ge [sflag:s26], $0xC00  }
0x11f: {  	[sflag:s26] =	ssyncset.done $0x0  }
0x120: {  	s5 =	sadd.s32 $0x2748, s13;
	[sflag:s26] =	ssyncadd.s32 $0xFFFFF400  }
0x121: {  	[spmem:s3] =	stream.indirect.scatter.add.f32 [tilespmem:s18], [sflag:$0x9], $0x80, s5, s14, $0xb8;
	[tilespmem:$0x1E6A0] =	vst v63  }
0x122: {  	_ =	swait.ge [sflag:s11], $0xC00  }
0x123: {  	[sflag:s11] =	ssyncset.done $0x0  }
0x124: {  	s5 =	sadd.s32 $0x108, s13;
	[sflag:s11] =	ssyncadd.s32 $0xFFFFF400  }
0x125: {  	[tilespmem:s18], [sflag:$0x4] =	stream.indirect.gather [hbm4b:s0+s14], $0x80, s5, s14, $0xb8;
	[tilespmem:$0x1E6A0] =	vst v63  }
0x126: {  	_ =	swait.ge [sflag:s28], $0xC00  }
0x127: {  	[sflag:s28] =	ssyncset.done $0x0  }
0x128: {  	s5 =	sadd.s32 $0x2760, s13;
	[sflag:s28] =	ssyncadd.s32 $0xFFFFF400  }
0x129: {  	[spmem:s3] =	stream.indirect.scatter.add.f32 [tilespmem:s19], [sflag:$0x9], $0x80, s5, s14, $0xb8;
	[tilespmem:$0x1E6A0] =	vst v63  }
0x12a: {  	_ =	swait.ge [sflag:s11], $0xC00  }
0x12b: {  	[sflag:s11] =	ssyncset.done $0x0  }
0x12c: {  	s5 =	sadd.s32 $0x120, s13;
	[sflag:s11] =	ssyncadd.s32 $0xFFFFF400  }
0x12d: {  	[tilespmem:s19], [sflag:$0x5] =	stream.indirect.gather [hbm4b:s0+s14], $0x80, s5, s14, $0xb8;
	[tilespmem:$0x1E6A0] =	vst v63  }
0x12e: {  	_ =	swait.ge [sflag:s29], $0xC00  }
0x12f: {  	[sflag:s29] =	ssyncset.done $0x0  }
0x130: {  	s5 =	sadd.s32 $0x2778, s13;
	[sflag:s29] =	ssyncadd.s32 $0xFFFFF400  }
0x131: {  	[spmem:s3] =	stream.indirect.scatter.add.f32 [tilespmem:s20], [sflag:$0x9], $0x80, s5, s14, $0xb8;
	[tilespmem:$0x1E6A0] =	vst v63  }
0x132: {  	_ =	swait.ge [sflag:s11], $0xC00  }
0x133: {  	[sflag:s11] =	ssyncset.done $0x0  }
0x134: {  	s5 =	sadd.s32 $0x138, s13;
	[sflag:s11] =	ssyncadd.s32 $0xFFFFF400  }
0x135: {  	[tilespmem:s20], [sflag:$0x6] =	stream.indirect.gather [hbm4b:s0+s14], $0x80, s5, s14, $0xb8;
	[tilespmem:$0x1E6A0] =	vst v63  }
0x136: {  	_ =	swait.ge [sflag:s30], $0xC00  }
0x137: {  	[sflag:s30] =	ssyncset.done $0x0  }
0x138: {  	s5 =	sadd.s32 $0x2790, s13;
	[sflag:s30] =	ssyncadd.s32 $0xFFFFF400  }
0x139: {  	[spmem:s3] =	stream.indirect.scatter.add.f32 [tilespmem:s21], [sflag:$0x9], $0x80, s5, s14, $0xb8;
	[tilespmem:$0x1E6A0] =	vst v63  }
0x13a: {  	_ =	swait.ge [sflag:s11], $0xC00  }
0x13b: {  	[sflag:s11] =	ssyncset.done $0x0  }
0x13c: {  	s5 =	sadd.s32 $0x150, s13;
	[sflag:s11] =	ssyncadd.s32 $0xFFFFF400  }
0x13d: {  	[tilespmem:s21], [sflag:$0x7] =	stream.indirect.gather [hbm4b:s0+s14], $0x80, s5, s14, $0xb8;
	[tilespmem:$0x1E6A0] =	vst v63  }
0x13e: {  	_ =	swait.ge [sflag:s31], $0xC00  }
0x13f: {  	[sflag:s31] =	ssyncset.done $0x0  }
.Ltmp1:
0x140: {  	s5 =	sadd.s32 $0x27A8, s13;
	[sflag:s31] =	ssyncadd.s32 $0xFFFFF400;
	(pc) =	sbr.rel @p0 .LBB2_4-.Ltmp1, $4  }
0x141: {  	[spmem:s3] =	stream.indirect.scatter.add.f32 [tilespmem:s22], [sflag:$0x9], $0x80, s5, s14, $0xb8;
	[tilespmem:$0x1E6A0] =	vst v63  }
0x142: {  	_ =	swait.ge [sflag:s11], $0xC00  }
0x143: {  	[sflag:s11] =	ssyncset.done $0x0  }
0x144: {  	s13 =	sadd.s32 $0x168, s13;
	[sflag:s11] =	ssyncadd.s32 $0xFFFFF400  }
0x145: {  	[tilespmem:s22], [sflag:$0x8] =	stream.indirect.gather [hbm4b:s0+s14], $0x80, s13, s14, $0xb8;
	[tilespmem:$0x1E6A0] =	vst v63  }
0x146: {  	_ =	swait.ge [sflag:s23], $0xC00  }
0x147: {  	[sflag:s23] =	ssyncset.done $0x0  }
0x148: {  	s2 =	simm.s32 $0x4D40;
	[sflag:s23] =	ssyncadd.s32 $0xFFFFF400  }
0x149: {  	[spmem:s3] =	stream.indirect.scatter.add.f32 [tilespmem:s15], [sflag:$0x9], $0x80, s2, s14, $0xb8;
	[tilespmem:$0x1E6A0] =	vst v63  }
0x14a: {  	_ =	swait.ge [sflag:s11], $0xC00  }
0x14b: {  	[sflag:s11] =	ssyncset.done $0x0  }
0x14c: {  	s5 =	simm.s32 $0x4E00;
	[sflag:s11] =	ssyncadd.s32 $0xFFFFF400  }
0x14d: {  	[tilespmem:s15], [sflag:$0x1] =	stream.indirect.gather [hbm4b:s0+s1], $0x80, s5, s1, $0xb8;
	[tilespmem:$0x1E6A0] =	vst v63  }
0x14e: {  	_ =	swait.ge [sflag:s24], $0xC00  }
0x14f: {  	[sflag:s24] =	ssyncset.done $0x0  }
0x150: {  	s6 =	simm.s32 $0x4D58;
	[sflag:s24] =	ssyncadd.s32 $0xFFFFF400  }
0x151: {  	[spmem:s3] =	stream.indirect.scatter.add.f32 [tilespmem:s16], [sflag:$0x9], $0x80, s6, s14, $0xb8;
	[tilespmem:$0x1E6A0] =	vst v63  }
0x152: {  	_ =	swait.ge [sflag:s11], $0xC00  }
0x153: {  	[sflag:s11] =	ssyncset.done $0x0  }
0x154: {  	[sflag:s11] =	ssyncadd.s32 $0xFFFFF400  }
0x155: {  	_ =	swait.ge [sflag:s25], $0xC00  }
0x156: {  	[sflag:s25] =	ssyncset.done $0x0  }
0x157: {  	s13 =	simm.s32 $0x4D70;
	[sflag:s25] =	ssyncadd.s32 $0xFFFFF400  }
0x158: {  	[spmem:s3] =	stream.indirect.scatter.add.f32 [tilespmem:s17], [sflag:$0x9], $0x80, s13, s14, $0xb8;
	[tilespmem:$0x1E6A0] =	vst v63  }
0x159: {  	_ =	swait.ge [sflag:s11], $0xC00  }
0x15a: {  	[sflag:s11] =	ssyncset.done $0x0  }
0x15b: {  	[sflag:s11] =	ssyncadd.s32 $0xFFFFF400  }
0x15c: {  	_ =	swait.ge [sflag:s26], $0xC00  }
0x15d: {  	[sflag:s26] =	ssyncset.done $0x0  }
0x15e: {  	s5 =	simm.s32 $0x4D88;
	[sflag:s26] =	ssyncadd.s32 $0xFFFFF400  }
0x15f: {  	[spmem:s3] =	stream.indirect.scatter.add.f32 [tilespmem:s18], [sflag:$0x9], $0x80, s5, s14, $0xb8;
	[tilespmem:$0x1E6A0] =	vst v63  }
0x160: {  	_ =	swait.ge [sflag:s11], $0xC00  }
0x161: {  	[sflag:s11] =	ssyncset.done $0x0  }
0x162: {  	[sflag:s11] =	ssyncadd.s32 $0xFFFFF400  }
0x163: {  	_ =	swait.ge [sflag:s28], $0xC00  }
0x164: {  	[sflag:s28] =	ssyncset.done $0x0  }
0x165: {  	s6 =	simm.s32 $0x4DA0;
	[sflag:s28] =	ssyncadd.s32 $0xFFFFF400  }
0x166: {  	[spmem:s3] =	stream.indirect.scatter.add.f32 [tilespmem:s19], [sflag:$0x9], $0x80, s6, s14, $0xb8;
	[tilespmem:$0x1E6A0] =	vst v63  }
0x167: {  	_ =	swait.ge [sflag:s11], $0xC00  }
0x168: {  	[sflag:s11] =	ssyncset.done $0x0  }
0x169: {  	[sflag:s11] =	ssyncadd.s32 $0xFFFFF400  }
0x16a: {  	_ =	swait.ge [sflag:s29], $0xC00  }
0x16b: {  	[sflag:s29] =	ssyncset.done $0x0  }
0x16c: {  	s13 =	simm.s32 $0x4DB8;
	[sflag:s29] =	ssyncadd.s32 $0xFFFFF400  }
0x16d: {  	[spmem:s3] =	stream.indirect.scatter.add.f32 [tilespmem:s20], [sflag:$0x9], $0x80, s13, s14, $0xb8;
	[tilespmem:$0x1E6A0] =	vst v63  }
0x16e: {  	_ =	swait.ge [sflag:s11], $0xC00  }
0x16f: {  	[sflag:s11] =	ssyncset.done $0x0  }
0x170: {  	[sflag:s11] =	ssyncadd.s32 $0xFFFFF400  }
0x171: {  	_ =	swait.ge [sflag:s30], $0xC00  }
0x172: {  	[sflag:s30] =	ssyncset.done $0x0  }
0x173: {  	s5 =	simm.s32 $0x4DD0;
	[sflag:s30] =	ssyncadd.s32 $0xFFFFF400  }
0x174: {  	[spmem:s3] =	stream.indirect.scatter.add.f32 [tilespmem:s21], [sflag:$0x9], $0x80, s5, s14, $0xb8;
	[tilespmem:$0x1E6A0] =	vst v63  }
0x175: {  	_ =	swait.ge [sflag:s11], $0xC00  }
0x176: {  	[sflag:s11] =	ssyncset.done $0x0  }
0x177: {  	[sflag:s11] =	ssyncadd.s32 $0xFFFFF400  }
0x178: {  	_ =	swait.ge [sflag:s31], $0xC00  }
0x179: {  	[sflag:s31] =	ssyncset.done $0x0  }
0x17a: {  	s6 =	simm.s32 $0x4DE8;
	[sflag:s31] =	ssyncadd.s32 $0xFFFFF400  }
0x17b: {  	[spmem:s3] =	stream.indirect.scatter.add.f32 [tilespmem:s22], [sflag:$0x9], $0x80, s6, s14, $0xb8;
	[tilespmem:$0x1E6A0] =	vst v63  }
0x17c: {  	_ =	swait.ge [sflag:s11], $0xC00  }
0x17d: {  	[sflag:s11] =	ssyncset.done $0x0  }
0x17e: {  	[sflag:s11] =	ssyncadd.s32 $0xFFFFF400  }
0x17f: {  	_ =	swait.ge [sflag:s23], $0x800  }
0x180: {  	[sflag:s23] =	ssyncset.done $0x0  }
0x181: {  	s6 =	simm.s32 $0x4E10;
	[sflag:s23] =	ssyncadd.s32 $0xFFFFF800  }
0x182: {  	[spmem:s3] =	stream.indirect.scatter.add.f32 [tilespmem:s15], [sflag:$0x9], $0x80, s6, s1, $0xb8;
	[tilespmem:$0x1E6A0] =	vst v63  }
0x183: {  	_ =	swait.ge [sflag:s11], $0x800  }
0x184: {  	s13 =	stileid.u32;
	[sflag:s11] =	ssyncset.done $0x0  }
0x185: {  	s12 =	sadd.s32 $0x1, s12;
	s2 =	sshll.u32 s13, $0x6;
	[sflag:s11] =	ssyncadd.s32 $0xFFFFF800  }
0x186: {  	p0 =	sne.s32 s12, s10;
	s2 =	sor.u32 $0x1C09, s2;
	[bflag:$0x0] =	sbarrier.arrive $0xFFFF  }
.Ltmp2:
0x187: {  	s5 =	sshrl.u32 s9, $0x3;
	s13 =	rddreg [dreg:$0x14];
	(pc) =	sbr.rel @p0 .LBB2_1-.Ltmp2, $4  }
0x188: {  	[hbm:s13], [sflag:s2] =	dma.local [spmem:s5], $0x2800  }
0x189: {  	_ =	swait.ge [sflag:s11], $0x2800  }
0x18a: {  	[sflag:s11] =	ssyncset.done $0x0  }
0x18b: {  	s13 =	simm.s32 $0x4E00;
	[sflag:s11] =	ssyncadd.s32 $0xFFFFD800  }
0x18c: {  	_ =	sfence.sel $0x180000  }
0x18d: {  	[bflag:$0x0] =	sbarrier.arrive $0xFFFF  }
0x18e: {  	_ =	strace $0x9000004D  }
0x18f: {  	s0 =	stileid.u32;
	[bflag:$0x2] =	sbarrier.arrive $0xFFFF  }
0x190: {  	p0 =	sne.s32 s0, $0x0;
	s0 =	rddreg [dreg:$0x3]  }
0x191: {  	s0 =	sadd.s32 @!p0 $0x100000, s0  }
0x192: {  	[sflag:s0] =	ssyncadd.tile.s32 @!p0 $0x1;
	_ =	shalt  }
.Lfunc_end2:
_tile_overlayer_lowered:
.L_overlay_start_2:
0x193: {  	(tag) =	ssettag $0x2  }
0x194: {  	s0 =	rddreg [dreg:$0x0];
	s2 =	stileid.u32  }
0x195: {  	s1 =	rddreg [dreg:$0x1];
	p0 =	sne.s32 s2, $0x0  }
0x196: {  	s3 =	rddreg [dreg:$0x2];
	[bflag:$0x3] =	sbarrier.arrive $0xFFFF;
	s2 =	simm.s32 @!p0 $0x1C09  }
0x197: {  	[timem:s3], [sflag:s2] =	dma.local @!p0 [hbm:s0], s1  }
0x198: {  	s0 =	simm.s32 @!p0 $0x9  }
0x199: {  	_ =	swait.ge @!p0 [sflag:s0], s1  }
0x19a: {  	s1 =	ssub.s32 @!p0 $0x0, s1;
	[sflag:s0] =	ssyncset.done @!p0 $0x0  }
0x19b: {  	[sflag:s0] =	ssyncadd.s32 @!p0 s1  }
0x19c: {  	[bflag:$0x3] =	sbarrier.arrive $0xFFFF  }
0x19d: {  	_ =	shalt  }

// kernel: kernel.8.cloned.1.call-start
scs
__scs_entry_jumppad:
0x0: {  	(pc) =	sbr.rel $0x88, $3  }
0x1: {  	(tag) =	ssettag $0x0;
	lr =	simm.s32 $0x1  }
0x2: {  	[smem:$0x3F99] =	sst lr;
	_ =	strace $0xD0000000  }
0x3: {  	_ = 	snop  }
0x4: {  	_ = 	snop  }
0x5: {  	_ = 	snop  }
0x6: {  	_ = 	snop  }
0x7: {  	_ = 	snop  }
__scs_overlays_trampoline_lowered:
0x8: {  	[smem:$0x3FA8] =	sst s0  }
0x9: {  	[smem:$0x3FA9] =	sst s1  }
0xa: {  	[smem:$0x3FAA] =	sst s2  }
0xb: {  	[smem:$0x3FAB] =	sst s3  }
0xc: {  	[smem:$0x3FAC] =	sst s4  }
0xd: {  	[smem:$0x3FAD] =	sst s5  }
0xe: {  	[smem:$0x3FAE] =	sst s6  }
0xf: {  	[smem:$0x3FAF] =	sst s7  }
0x10: {  	[smem:$0x3FB0] =	sst s8  }
0x11: {  	[smem:$0x3FB1] =	sst s9;
	s0 =	simm.s32 @!p0 $0x0  }
0x12: {  	s1 =	sld [smem:$0x3F97];
	s0 =	simm.s32 @p0 $0x1  }
0x13: {  	[smem:$0x3FB2] =	sst s0;
	s0 =	simm.s32 @!p1 $0x0  }
0x14: {  	s2 =	sld [smem:$0x3F96];
	s0 =	simm.s32 @p1 $0x1  }
0x15: {  	[smem:$0x3FB3] =	sst s0;
	s0 =	simm.s32 @!p2 $0x0  }
0x16: {  	s3 =	sld [smem:$0x3FDB];
	s0 =	simm.s32 @p2 $0x1  }
0x17: {  	s4 =	simm.s32 $0x1BF5;
	[smem:$0x3FB5] =	sst s0  }
0x18: {  	s0 =	sld [smem:$0x3F98];
	_ =	swait.ge [sflag:s4], $0x0  }
0x19: {  	s7 =	sld [smem:$0x3F99]  }
0x1a: {  	s8 =	sadd.s32 $0xFFFFE003, lr  }
0x1b: {  	s9 =	sadd.s32 $0xFFFFFEF7, lr;
	s5 =	simm.s32 $0xFFFFFFFF;
	p2 =	slt.u32 s8, $0xFFFFF086  }
0x1c: {  	p1 =	slt.u32 s9, $0xF7A;
	s5 =	simm.s32 @!p2 $0x0  }
0x1d: {  	s5 =	simm.s32 @p1 $0x1;
	p0 =	seq.s32 s7, s2  }
0x1e: {  	s7 =	smul.u32 @!p0 $0xF7A, s2;
	p2 =	seq.s32 @!p0 s5, $0x0  }
0x1f: {  	s9 =	smul.u32 $0xF7A, s1;
	s8 =	simm.s32 @!p0 $0x1BF5;
	p2 =	por !p2, p0  }
0x20: {  	[sflag:s8] =	ssyncset.s32 @!p0 $0xFFFFF086;
	s6 =	sadd.s32 @!p0 s3, s7;
	s7 =	simm.s32 @!p0 $0x108  }
0x21: {  	s3 =	sadd.s32 s3, s9;
	s6 =	sadd.s32 @!p0 $0x88, s6;
	s7 =	simm.s32 @p2 $0x1082  }
0x22: {  	[simem:s7], [sflag:s8] =	dma.local @!p0 [hbm:s6], $0xF7A  }
0x23: {  	s9 =	sor.u32 $0xD0000000, s2;
	s6 =	simm.s32 $0x108;
	_ =	swait.ge @!p0 [sflag:s8], $0x0  }
0x24: {  	s3 =	sadd.s32 $0x88, s3;
	s6 =	simm.s32 @!p1 $0x1082;
	[sflag:s4] =	ssyncset.s32 $0xFFFFF086  }
0x25: {  	[simem:s6], [sflag:s4] =	dma.local [hbm:s3], $0xF7A  }
0x26: {  	[smem:$0x3F99] =	sst s1;
	(tag) =	ssettag s2;
	_ =	strace s9  }
0x27: {  	s1 =	sld [smem:$0x3FA9]  }
0x28: {  	s2 =	sld [smem:$0x3FAA]  }
0x29: {  	s4 =	sld [smem:$0x3FAC]  }
0x2a: {  	p0 =	seq.s32 s5, $0x0;
	s5 =	sld [smem:$0x3FAD]  }
0x2b: {  	s6 =	sld [smem:$0x3FAE]  }
0x2c: {  	s7 =	sld [smem:$0x3FAF]  }
0x2d: {  	s3 =	simm.s32 $0x108;
	s8 =	sld [smem:$0x3FB0]  }
0x2e: {  	s3 =	simm.s32 @!p0 $0x1082;
	s9 =	sld [smem:$0x3FB1]  }
0x2f: {  	lr =	sadd.s32 s0, s3;
	s0 =	sld [smem:$0x3FA8]  }
0x30: {  	s3 =	sld [smem:$0x3FAB]  }
0x31: {  	[smem:$0x3FB4] =	sst s10  }
0x32: {  	s10 =	sld [smem:$0x3FB2];
	_ =	sdelay $0x3  }
0x33: {  	p0 =	seq.s32 s10, $0x1;
	s10 =	sld [smem:$0x3FB4];
	_ =	sdelay $0x3  }
0x34: {  	[smem:$0x3FB4] =	sst s10  }
0x35: {  	s10 =	sld [smem:$0x3FB3];
	_ =	sdelay $0x3  }
0x36: {  	p1 =	seq.s32 s10, $0x1;
	s10 =	sld [smem:$0x3FB4];
	_ =	sdelay $0x3  }
0x37: {  	[smem:$0x3FB4] =	sst s10  }
0x38: {  	s10 =	sld [smem:$0x3FB5]  }
0x39: {  	_ = 	snop;
	(pc) =	sbr.ind lr, $3  }
0x3a: {  	_ = 	snop  }
0x3b: {  	_ = 	snop  }
0x3c: {  	p2 =	seq.s32 s10, $0x1;
	s10 =	sld [smem:$0x3FB4]  }
0x3d: {  	_ =	shalt  }
0x3e: {  	_ =	shalt  }
0x3f: {  	_ =	shalt  }
0x40: {  	_ =	shalt  }
0x41: {  	_ =	shalt  }
0x42: {  	_ =	shalt  }
0x43: {  	_ =	shalt  }
0x44: {  	_ =	shalt  }
0x45: {  	_ =	shalt  }
0x46: {  	_ =	shalt  }
0x47: {  	_ =	shalt  }
0x48: {  	_ =	shalt  }
0x49: {  	_ =	shalt  }
0x4a: {  	_ =	shalt  }
0x4b: {  	_ =	shalt  }
0x4c: {  	_ =	shalt  }
0x4d: {  	_ =	shalt  }
0x4e: {  	_ =	shalt  }
0x4f: {  	_ =	shalt  }
0x50: {  	_ =	shalt  }
0x51: {  	_ =	shalt  }
0x52: {  	_ =	shalt  }
0x53: {  	_ =	shalt  }
0x54: {  	_ =	shalt  }
0x55: {  	_ =	shalt  }
0x56: {  	_ =	shalt  }
0x57: {  	_ =	shalt  }
0x58: {  	_ =	shalt  }
0x59: {  	_ =	shalt  }
0x5a: {  	_ =	shalt  }
0x5b: {  	_ =	shalt  }
0x5c: {  	_ =	shalt  }
0x5d: {  	_ =	shalt  }
0x5e: {  	_ =	shalt  }
0x5f: {  	_ =	shalt  }
0x60: {  	_ =	shalt  }
0x61: {  	_ =	shalt  }
0x62: {  	_ =	shalt  }
0x63: {  	_ =	shalt  }
0x64: {  	_ =	shalt  }
0x65: {  	_ =	shalt  }
0x66: {  	_ =	shalt  }
0x67: {  	_ =	shalt  }
0x68: {  	_ =	shalt  }
0x69: {  	_ =	shalt  }
0x6a: {  	_ =	shalt  }
0x6b: {  	_ =	shalt  }
0x6c: {  	_ =	shalt  }
0x6d: {  	_ =	shalt  }
0x6e: {  	_ =	shalt  }
0x6f: {  	_ =	shalt  }
0x70: {  	_ =	shalt  }
0x71: {  	_ =	shalt  }
0x72: {  	_ =	shalt  }
0x73: {  	_ =	shalt  }
0x74: {  	_ =	shalt  }
0x75: {  	_ =	shalt  }
0x76: {  	_ =	shalt  }
0x77: {  	_ =	shalt  }
0x78: {  	_ =	shalt  }
0x79: {  	_ =	shalt  }
0x7a: {  	_ =	shalt  }
0x7b: {  	_ =	shalt  }
0x7c: {  	_ =	shalt  }
0x7d: {  	_ =	shalt  }
0x7e: {  	_ =	shalt  }
0x7f: {  	_ =	shalt  }
0x80: {  	_ =	shalt  }
0x81: {  	_ =	shalt  }
0x82: {  	_ =	shalt  }
0x83: {  	_ =	shalt  }
0x84: {  	_ =	shalt  }
0x85: {  	_ =	shalt  }
0x86: {  	_ =	shalt  }
0x87: {  	_ =	shalt  }
.Lfunc_end0:
.L_simem_size_0:
called_computation_lowered:
.L_overlay_start_0:
0x88: {  	s2 =	sld [smem:$0x3FD9]  }
0x89: {  	s3 =	sld [smem:$0x3FFE];
	_ =	sdelay $0x1  }
0x8a: {  	s1 =	srdreg.scid  }
0x8b: {  	s0 =	sand.u32 $0x1, s1  }
0x8c: {  	s16 =	sshll.u32 s0, $0xA;
	s2 =	sadd.s32 s3, s2  }
0x8d: {  	s2 =	sadd.s32 s2, s16  }
0x8e: {  	[smem:$0x3FC0] =	sst s2  }
0x8f: {  	_ = 	snop  }
0x90: {  	(tm) =	ssettm $0x1  }
0x91: {  	s17 =	sld [smem:$0x3FFB];
	_ =	sdelay $0x3  }
0x92: {  	_ =	strace s17  }
0x93: {  	s2 =	sld [smem:$0x3FFC];
	_ =	sdelay $0x3  }
0x94: {  	_ =	strace s2  }
0x95: {  	s2 =	sld [smem:$0x3FFD];
	_ =	sdelay $0x3  }
0x96: {  	_ =	strace s2  }
0x97: {  	_ =	strace $0x8FFFFFFF  }
0x98: {  	s18 =	sld [smem:$0x3FDB];
	_ =	sdelay $0x1  }
0x99: {  	s19 =	simm.s32 $_scs_section_size  }
0x9a: {  	s4 =	simm.s32 $_size__tile_overlayer_lowered;
	s5 =	simm.s32 $_tile_overlayer_lowered  }
0x9b: {  	s22 =	simm.s32 $0x1BFF;
	s21 =	sshll.u32 s5, $0x1;
	s2 =	sadd.s32 s19, s18  }
0x9c: {  	s6 =	simm.s32 $0x0;
	s20 =	sshll.u32 s4, $0x1;
	s4 =	sadd.s32 s21, s2  }
0x9d: {  	[timem:s6], [sflag:s22] =	dma.local [hbm:s4], s20  }
0x9e: {  	_ =	swait.ge [sflag:s22], s20  }
0x9f: {  	s3 =	ssub.s32 $0x0, s20;
	[sflag:s22] =	ssyncset.done $0x0  }
0xa0: {  	[sflag:s22] =	ssyncadd.s32 s3;
	_ =	sdelay $0x1  }
0xa1: {  	s23 =	simm.s32 $0x1B8B  }
0xa2: {  	_ =	swait.ge [sflag:s23], $0x1  }
0xa3: {  	[sflag:s23] =	ssyncset.done $0x0  }
0xa4: {  	s25 =	simm.s32 $0x1B8E;
	s24 =	sld [smem:$0x3FFE];
	[sflag:s23] =	ssyncadd.s32 $0xFFFFFFFF  }
0xa5: {  	s26 =	simm.s32 $execute0_lowered;
	[smem:$0x3FD2] =	sst s25  }
0xa6: {  	s4 =	sshll.u32 s26, $0x1;
	_ =	strace $0x80000046;
	[dreg:$0x1] =	wrdreg $0xFFFFFFFF  }
0xa7: {  	s28 =	simm.s32 $_size_execute0_lowered;
	s2 =	sadd.s32 s2, s4;
	[dreg:$0x0] =	wrdreg $0x0  }
0xa8: {  	s4 =	sshll.u32 s28, $0x1;
	[dreg:$0x2] =	wrdreg s2  }
0xa9: {  	[dreg:$0x3] =	wrdreg s4  }
0xaa: {  	[dreg:$0x4] =	wrdreg $0xC0  }
0xab: {  	_ =	task [dreg:s6], $0x5FFFF  }
0xac: {  	[dreg:$0x1] =	wrdreg $0xFFFFFFFF  }
0xad: {  	[dreg:$0x0] =	wrdreg $0x60  }
0xae: {  	[dreg:$0x2] =	wrdreg s24  }
0xaf: {  	[dreg:$0x3] =	wrdreg $0x51900  }
0xb0: {  	[dreg:$0x4] =	wrdreg $0x9  }
0xb1: {  	_ =	task.clear_ibuf [dreg:s6], $0x5FFFF;
	_ =	strace $0x90000046  }
0xb2: {  	s29 =	simm.s32 $0x9;
	_ =	strace $0x80000048  }
0xb3: {  	_ =	swait.ge [sflag:s29], $0x1  }
0xb4: {  	[sflag:s29] =	ssyncadd.s32 $0xFFFFFFFF  }
0xb5: {  	_ =	strace $0x90000048  }
0xb6: {  	_ =	sfence  }
0xb7: {  	s30 =	sld [smem:$0x0];
	_ =	sdelay $0x2  }
0xb8: {  	s31 =	sshll.u32 s1, $0xD;
	s1 =	sshrl.u32 s1, $0x2  }
0xb9: {  	s3 =	sand.u32 $0x4000, s31;
	s1 =	sadd.s32 s1, s30  }
0xba: {  	s0 =	sor.u32 s3, s0;
	s1 =	sshll.u32 s1, $0x11  }
0xbb: {  	s0 =	sor.u32 s1, s0  }
0xbc: {  	s0 =	sadd.s32 $0x8F2B, s0  }
0xbd: {  	[sflag:s0] =	ssyncadd.remote.s32 $0x1  }
0xbe: {  	_ =	sfence.sel $0xFFFF  }
0xbf: {  	[dreg:$0x0] =	wrdreg $0xFFFFFFFF;
	(pc) =	sbr.abs _section_cstart, $3  }
0xc0: {  	[dreg:$0x1] =	wrdreg $0xFFFFFFFF  }
0xc1: {  	_ =	task.clear_ibuf [dreg:s6], $0x2FFFF;
	_ =	strace $0x9FFFFFFF  }
0xc2: {  	(tm) =	ssettm $0x7FFFFFFF  }
0xc3: {  	_ =	shalt  }
tec
execute0_lowered:
.L_overlay_start_1:
0x0: {  	(tag) =	ssettag $0x1  }
0x1: {  	s0 =	srdreg.scid;
	v0 =	vimm.f32 $0.0e+00;
	v1 =	vlaneseq.u32  }
0x2: {  	s4 =	rddreg [dreg:$0x0];
	s10 =	stileid.u32;
	v2 =	vor.u32 $0x10, v1;
	v3 =	vor.u32 $0x20, v1;
	v4 =	vor.u32 $0x30, v1  }
0x3: {  	s1 =	rddreg [dreg:$0x1];
	s2 =	simm.s32 $0x0;
	s9 =	simm.s32 $0x2710;
	v5 =	vor.u32 $0x40, v1;
	v6 =	vor.u32 $0x50, v1;
	v7 =	vor.u32 $0x60, v1  }
0x4: {  	s11 =	simm.s32 $0x4F10;
	s12 =	simm.s32 $0x4F90;
	s13 =	simm.s32 $0x2F10;
	v8 =	vor.u32 $0x70, v1;
	v9 =	vor.u32 $0x80, v1;
	v10 =	vor.u32 $0x90, v1  }
0x5: {  	s14 =	simm.s32 $0x5010;
	s15 =	simm.s32 $0x3710;
	s16 =	simm.s32 $0x5090;
	v11 =	vor.u32 $0xA0, v1;
	v12 =	vor.u32 $0xB0, v1;
	v13 =	vor.u32 $0xC0, v1  }
0x6: {  	s17 =	simm.s32 $0x3F10;
	s18 =	simm.s32 $0x5110;
	s19 =	simm.s32 $0x4710;
	v14 =	vor.u32 $0xD0, v1;
	v15 =	vor.u32 $0xE0, v1;
	v16 =	vor.u32 $0xF0, v1  }
0x7: {  	s21 =	simm.s32 $0x0;
	s3 =	sand.u32 $0x1, s0;
	[smem:$0x7FF] =	sst s2;
	v17 =	vor.u32 $0x100, v1;
	v18 =	vor.u32 $0x110, v1;
	v19 =	vor.u32 $0x120, v1  }
0x8: {  	s7 =	smul.u32 $0x280, s10;
	v20 =	vor.u32 $0x130, v1;
	v21 =	vor.u32 $0x140, v1;
	v22 =	vor.u32 $0x150, v1;
	p0 =	sne.s32 s10, $0x0;
	s0 =	sshll.u32 s3, $0x4  }
0x9: {  	v23 =	vor.u32 $0x160, v1;
	v24 =	vor.u32 $0x170, v1;
	v25 =	vor.u32 $0x180, v1;
	s6 =	smul.u32 $0x500, s3;
	s3 =	ssub.s32 $0x2, s3;
	s5 =	sor.u32 s10, s0  }
0xa: {  	v26 =	vor.u32 $0x190, v1;
	v27 =	vor.u32 $0x1A0, v1;
	v28 =	vor.u32 $0x1B0, v1;
	s20 =	sshrl.u32 @!p0 s1, $0x3;
	s0 =	rddreg [dreg:$0x2];
	s5 =	smul.u32 $0x4E2, s5  }
0xb: {  	v29 =	vor.u32 $0x1C0, v1;
	v30 =	vor.u32 $0x1D0, v1;
	v31 =	vor.u32 $0x1E0, v1;
	_ =	strace $0x80000047;
	s31 =	sshrl.u32 s3, $0x1;
	s10 =	simm.s32 $0x80  }
0xc: {  	v32 =	vor.u32 $0x1F0, v1;
	v33 =	vor.u32 $0x200, v1;
	v34 =	vor.u32 $0x210, v1;
	s6 =	sadd.s32 s6, s4;
	s8 =	ssub.s32 s3, s31;
	s5 =	sadd.s32 s5, s4  }
0xd: {  	v35 =	vor.u32 $0x220, v1;
	v36 =	vor.u32 $0x230, v1;
	v37 =	vor.u32 $0x240, v1;
	s6 =	sadd.s32 $0xD600, s6;
	s4 =	sadd.s32 s7, s1;
	s3 =	sadd.s32 $0x3800, s5  }
0xe: {  	v38 =	vor.u32 $0x250, v1;
	v39 =	vor.u32 $0x260, v1;
	v40 =	vor.u32 $0x270, v1;
	s5 =	sadd.s32 $0x2710, s7;
	s7 =	smax.u32 s8, $0x1;
	s8 =	simm.s32 $0x1  }
.LBB2_1:
0xf: {  	[tilespmem:s2], [sflag:$0x1] =	stream.linear.gather [hbm4b:s3+s2], $0x2710, $0x38;
	[tilespmem:$0x5410] =	vst v63  }
0x10: {  	_ =	swait.ge [sflag:s8], $0x2710  }
0x11: {  	[sflag:s8] =	ssyncset.done $0x0  }
0x12: {  	s22 =	simm.s32 $0x40;
	s23 =	simm.s32 $0x0;
	[sflag:s8] =	ssyncadd.s32 $0xFFFFD8F0  }
.LBB2_2:
0x13: {  	p1 =	sne.s32 s22, $0x9FC0;
	[tilespmem:s23+$0x2710] =	vst v0;
	s23 =	smov.u32 s22;
	s22 =	sadd.s32 $0x40, s22  }
.Ltmp0:
0x14: {  	(pc) =	sbr.rel @p1 .LBB2_2-.Ltmp0, $2  }
0x15: {  	_ =	sdelay $0x2  }
0x16: {  	s23 =	sshra.s32 s23, $0x2  }
0x17: {  	[tilespmem:s23+$0x2710] =	vst v0  }
0x18: {  	[tilespmem:$0x4F10] =	vst v1  }
0x19: {  	[tilespmem:$0x4F20] =	vst v2  }
0x1a: {  	[tilespmem:$0x4F30] =	vst v3  }
0x1b: {  	[tilespmem:$0x4F40] =	vst v4  }
0x1c: {  	[tilespmem:$0x4F50] =	vst v5  }
0x1d: {  	[tilespmem:$0x4F60] =	vst v6  }
0x1e: {  	[tilespmem:$0x4F70] =	vst v7  }
0x1f: {  	[tilespmem:$0x4F80] =	vst v8  }
0x20: {  	[tilespmem:$0x4F90] =	vst v9  }
0x21: {  	[tilespmem:$0x4FA0] =	vst v10  }
0x22: {  	[tilespmem:$0x4FB0] =	vst v11  }
0x23: {  	[tilespmem:$0x4FC0] =	vst v12  }
0x24: {  	[tilespmem:$0x4FD0] =	vst v13  }
0x25: {  	[tilespmem:$0x4FE0] =	vst v14  }
0x26: {  	[tilespmem:$0x4FF0] =	vst v15  }
0x27: {  	[tilespmem:$0x5000] =	vst v16  }
0x28: {  	[tilespmem:$0x5010] =	vst v17  }
0x29: {  	[tilespmem:$0x5020] =	vst v18  }
0x2a: {  	[tilespmem:$0x5030] =	vst v19  }
0x2b: {  	[tilespmem:$0x5040] =	vst v20  }
0x2c: {  	[tilespmem:$0x5050] =	vst v21  }
0x2d: {  	[tilespmem:$0x5060] =	vst v22  }
0x2e: {  	[tilespmem:$0x5070] =	vst v23  }
0x2f: {  	[tilespmem:$0x5080] =	vst v24  }
0x30: {  	[tilespmem:$0x5090] =	vst v25  }
0x31: {  	[tilespmem:$0x50A0] =	vst v26  }
0x32: {  	[tilespmem:$0x50B0] =	vst v27  }
0x33: {  	[tilespmem:$0x50C0] =	vst v28  }
0x34: {  	[tilespmem:$0x50D0] =	vst v29  }
0x35: {  	[tilespmem:$0x50E0] =	vst v30  }
0x36: {  	[tilespmem:$0x50F0] =	vst v31  }
0x37: {  	[tilespmem:$0x5100] =	vst v32  }
0x38: {  	[tilespmem:$0x5110] =	vst v33  }
0x39: {  	[tilespmem:$0x5120] =	vst v34  }
0x3a: {  	[tilespmem:$0x5130] =	vst v35  }
0x3b: {  	[tilespmem:$0x5140] =	vst v36  }
0x3c: {  	[tilespmem:$0x5150] =	vst v37  }
0x3d: {  	[tilespmem:$0x5160] =	vst v38  }
0x3e: {  	[tilespmem:$0x5170] =	vst v39  }
0x3f: {  	[tilespmem:$0x5180] =	vst v40  }
0x40: {  	[spmem:s4] =	stream.linear.scatter [tilespmem:s5], [sflag:$0x1], $0x280, $0x38;
	[tilespmem:$0x5410] =	vst v63  }
0x41: {  	_ =	swait.ge [sflag:s8], $0x280  }
0x42: {  	[sflag:s8] =	ssyncset.done $0x0  }
0x43: {  	[sflag:s8] =	ssyncadd.s32 $0xFFFFFD80  }
0x44: {  	s23 =	simm.s32 $0x0;
	s22 =	simm.s32 $0x40;
	[bflag:$0x0] =	sbarrier.arrive $0xFFFF  }
.LBB2_4:
0x45: {  	p1 =	sne.s32 s22, $0x9C00;
	v41 =	vld [tilespmem:s23+$0x0];
	_ =	sdelay $0x4  }
0x46: {  	(xrf1) =	vunique.msk.u32 $0xffff, v41;
	_ =	sdelay $0xd  }
0x47: {  	_, v42, vm0 =	vpop (xrf1);
	_ =	sdelay $0x1  }
.Ltmp1:
0x48: {  	(pc) =	sbr.rel @p1 .LBB2_4-.Ltmp1, $3  }
0x49: {  	_ = 	snop  }
0x4a: {  	v42 =	vcvt.s32.f32 v42;
	_ =	sdelay $0x1  }
0x4b: {  	s23 =	sshra.s32 s22, $0x2;
	s22 =	sadd.s32 $0x40, s22;
	[tilespmem:v41+s9+$0x0] =	vst.idx.add.f32.msk vm0, v42  }
0x4c: {  	v41 =	vld [tilespmem:s23+$0x0];
	_ =	sdelay $0x4  }
0x4d: {  	(xrf1) =	vunique.msk.u32 $0xffff, v41;
	_ =	sdelay $0xd  }
0x4e: {  	_, v42, vm0 =	vpop (xrf1);
	_ =	sdelay $0x3  }
0x4f: {  	v42 =	vcvt.s32.f32 v42;
	_ =	sdelay $0x1  }
0x50: {  	[tilespmem:v41+s9+$0x0] =	vst.idx.add.f32.msk vm0, v42  }
0x51: {  	[spmem:s1] =	stream.indirect.scatter.add.f32 [tilespmem:s9], [sflag:$0x1], $0x10, s11, s10, $0xb8;
	[tilespmem:$0x5410] =	vst v63  }
0x52: {  	_ =	swait.ge [sflag:s8], $0x800  }
0x53: {  	[sflag:s8] =	ssyncset.done $0x0  }
0x54: {  	[sflag:s8] =	ssyncadd.s32 $0xFFFFF800  }
0x55: {  	[spmem:s1] =	stream.indirect.scatter.add.f32 [tilespmem:s13], [sflag:$0x1], $0x10, s12, s10, $0xb8;
	[tilespmem:$0x5410] =	vst v63  }
0x56: {  	_ =	swait.ge [sflag:s8], $0x800  }
0x57: {  	[sflag:s8] =	ssyncset.done $0x0  }
0x58: {  	[sflag:s8] =	ssyncadd.s32 $0xFFFFF800  }
0x59: {  	[spmem:s1] =	stream.indirect.scatter.add.f32 [tilespmem:s15], [sflag:$0x1], $0x10, s14, s10, $0xb8;
	[tilespmem:$0x5410] =	vst v63  }
0x5a: {  	_ =	swait.ge [sflag:s8], $0x800  }
0x5b: {  	[sflag:s8] =	ssyncset.done $0x0  }
0x5c: {  	[sflag:s8] =	ssyncadd.s32 $0xFFFFF800  }
0x5d: {  	[spmem:s1] =	stream.indirect.scatter.add.f32 [tilespmem:s17], [sflag:$0x1], $0x10, s16, s10, $0xb8;
	[tilespmem:$0x5410] =	vst v63  }
0x5e: {  	_ =	swait.ge [sflag:s8], $0x800  }
0x5f: {  	[sflag:s8] =	ssyncset.done $0x0  }
0x60: {  	[sflag:s8] =	ssyncadd.s32 $0xFFFFF800  }
0x61: {  	[spmem:s1] =	stream.indirect.scatter.add.f32 [tilespmem:s19], [sflag:$0x1], $0x10, s18, s10, $0xb8;
	[tilespmem:$0x5410] =	vst v63  }
0x62: {  	_ =	swait.ge [sflag:s8], $0x800  }
0x63: {  	[sflag:s8] =	ssyncset.done $0x0  }
0x64: {  	s21 =	sadd.s32 $0x1, s21;
	[sflag:s8] =	ssyncadd.s32 $0xFFFFF800  }
0x65: {  	s22 =	simm.s32 @!p0 $0x1C01;
	p1 =	sne.s32 s21, s7;
	[bflag:$0x0] =	sbarrier.arrive $0xFFFF  }
0x66: {  	[hbm:s6], [sflag:s22] =	dma.local @!p0 [spmem:s20], $0x500  }
.Ltmp2:
0x67: {  	_ = 	snop;
	(pc) =	sbr.rel @p1 .LBB2_1-.Ltmp2, $4  }
0x68: {  	s22 =	simm.s32 @!p0 $0x1  }
0x69: {  	_ =	swait.ge @!p0 [sflag:s22], $0x500  }
0x6a: {  	[sflag:s22] =	ssyncset.done @!p0 $0x0  }
0x6b: {  	[sflag:s22] =	ssyncadd.s32 @!p0 $0xFFFFFB00  }
0x6c: {  	_ =	sfence.sel $0x180000  }
0x6d: {  	[bflag:$0x0] =	sbarrier.arrive $0xFFFF  }
0x6e: {  	_ =	strace $0x90000047  }
0x6f: {  	s0 =	sadd.s32 @!p0 $0x100000, s0;
	[bflag:$0x2] =	sbarrier.arrive $0xFFFF  }
0x70: {  	[sflag:s0] =	ssyncadd.tile.s32 @!p0 $0x1;
	_ =	shalt  }
.Lfunc_end2:
_tile_overlayer_lowered:
.L_overlay_start_2:
0x71: {  	(tag) =	ssettag $0x2  }
0x72: {  	s0 =	rddreg [dreg:$0x0];
	s2 =	stileid.u32  }
0x73: {  	s1 =	rddreg [dreg:$0x1];
	p0 =	sne.s32 s2, $0x0  }
0x74: {  	s3 =	rddreg [dreg:$0x2];
	[bflag:$0x3] =	sbarrier.arrive $0xFFFF;
	s2 =	simm.s32 @!p0 $0x1C01  }
0x75: {  	[timem:s3], [sflag:s2] =	dma.local @!p0 [hbm:s0], s1  }
0x76: {  	s0 =	simm.s32 @!p0 $0x1  }
0x77: {  	_ =	swait.ge @!p0 [sflag:s0], s1  }
0x78: {  	s1 =	ssub.s32 @!p0 $0x0, s1;
	[sflag:s0] =	ssyncset.done @!p0 $0x0  }
0x79: {  	[sflag:s0] =	ssyncadd.s32 @!p0 s1  }
0x7a: {  	[bflag:$0x3] =	sbarrier.arrive $0xFFFF  }
0x7b: {  	_ =	shalt  }

</sc_bundles>
